<compile_context>
chip_gen: v7x
topology: tpu7x:2x2x1
jax: 0.10.2.dev20260603
libtpu: 0.0.44.dev20260713+nightly
codegen_flags: <defaults>
</compile_context>

<pallas_src>
import functools

import jax
import jax.numpy as jnp
from jax import lax
from jax.experimental import pallas as pl
from jax.experimental.pallas import tpu as pltpu
from jax.experimental.pallas import tpu_sc as plsc

B = 4096
L = 50
EMB = 300
VOCAB = 1000000
NC = 2
NS = 16
NW = NC * NS
BPW = B // NW
NRING = 4
BPG = 4
GROUPS = BPW // BPG
OFFS8 = tuple(16 * k for k in range(8))
EMBP = 304
C_LOAD_OFFS = (0, 16, 32)
C_STORE_OFFS = (256, 272, 288)


def _pool_body(idx_hbm, table_hbm, tail_hbm, out_hbm, idx_v, a0, a1, a2, a3,
               b0, b1, b2, b3, c0, c1, c2, c3, stage_v, sem0, sem1, sem2,
               sem3):
    c = lax.axis_index("c")
    s = lax.axis_index("s")
    wid = s * NC + c
    base = wid * BPW

    pltpu.sync_copy(idx_hbm.at[pl.ds(base, BPW)], idx_v)

    bufA = (a0, a1, a2, a3)
    bufB = (b0, b1, b2, b3)
    bufC = (c0, c1, c2, c3)
    sems = (sem0, sem1, sem2, sem3)

    def start(bi, p):
        il = idx_v.at[bi]
        pltpu.async_copy(table_hbm.at[il, pl.ds(0, 128)], bufA[p], sems[p])
        pltpu.async_copy(table_hbm.at[il, pl.ds(128, 128)], bufB[p], sems[p])
        pltpu.async_copy(tail_hbm.at[il], bufC[p], sems[p])

    def wait(bi, p):
        il = idx_v.at[bi]
        pltpu.make_async_copy(table_hbm.at[il, pl.ds(0, 128)], bufA[p],
                              sems[p]).wait()
        pltpu.make_async_copy(table_hbm.at[il, pl.ds(128, 128)], bufB[p],
                              sems[p]).wait()
        pltpu.make_async_copy(tail_hbm.at[il], bufC[p], sems[p]).wait()

    def accum(p, row):
        def rbody(l, accs):
            aA = tuple(x + bufA[p][l, pl.ds(off, 16)]
                       for x, off in zip(accs[0], OFFS8))
            aB = tuple(x + bufB[p][l, pl.ds(off, 16)]
                       for x, off in zip(accs[1], OFFS8))
            aC = tuple(x + bufC[p][l, pl.ds(off, 16)]
                       for x, off in zip(accs[2], C_LOAD_OFFS))
            return (aA, aB, aC)

        def zeros(n):
            return tuple(jnp.zeros((16,), jnp.float32) for _ in range(n))

        accs = lax.fori_loop(0, L, rbody, (zeros(8), zeros(8), zeros(3)))
        inv = jnp.float32(1.0 / L)
        for x, off in zip(accs[0], OFFS8):
            stage_v[row, pl.ds(off, 16)] = x * inv
        for x, off in zip(accs[1], OFFS8):
            stage_v[row, pl.ds(128 + off, 16)] = x * inv
        for x, off in zip(accs[2], C_STORE_OFFS):
            stage_v[row, pl.ds(off, 16)] = x * inv

    for pre in range(NRING - 1):
        start(pre, pre)

    def outer(grp, carry):
        for gb in range(BPG):
            p = gb % NRING
            bi = grp * BPG + gb
            nxt = bi + (NRING - 1)

            @pl.when(nxt < BPW)
            def _():
                start(nxt, (gb + NRING - 1) % NRING)

            wait(bi, p)
            accum(p, gb)
        pltpu.sync_copy(stage_v, out_hbm.at[pl.ds(base + grp * BPG, BPG)])
        return carry

    lax.fori_loop(0, GROUPS, outer, 0)


_pool = pl.kernel(
    _pool_body,
    out_type=jax.ShapeDtypeStruct((B, EMBP), jnp.float32),
    mesh=plsc.VectorSubcoreMesh(core_axis_name="c", subcore_axis_name="s"),
    scratch_types=[
        pltpu.VMEM((BPW, L), jnp.int32),
        pltpu.VMEM((L, 128), jnp.float32),
        pltpu.VMEM((L, 128), jnp.float32),
        pltpu.VMEM((L, 128), jnp.float32),
        pltpu.VMEM((L, 128), jnp.float32),
        pltpu.VMEM((L, 128), jnp.float32),
        pltpu.VMEM((L, 128), jnp.float32),
        pltpu.VMEM((L, 128), jnp.float32),
        pltpu.VMEM((L, 128), jnp.float32),
        pltpu.VMEM((L, 128), jnp.float32),
        pltpu.VMEM((L, 128), jnp.float32),
        pltpu.VMEM((L, 128), jnp.float32),
        pltpu.VMEM((L, 128), jnp.float32),
        pltpu.VMEM((BPG, EMBP), jnp.float32),
        pltpu.SemaphoreType.DMA,
        pltpu.SemaphoreType.DMA,
        pltpu.SemaphoreType.DMA,
        pltpu.SemaphoreType.DMA,
    ],
)

TAIL_R = 4000


def _tail_body(t_ref, o_ref):
    x = t_ref[...]
    o_ref[...] = jnp.concatenate(
        [x[:, 0:44], jnp.zeros((x.shape[0], 84), jnp.float32)], axis=1)


_tail = pl.pallas_call(
    _tail_body,
    grid=(VOCAB // TAIL_R,),
    in_specs=[pl.BlockSpec((TAIL_R, 128), lambda i: (i, 2))],
    out_specs=pl.BlockSpec((TAIL_R, 128), lambda i: (i, 0)),
    out_shape=jax.ShapeDtypeStruct((VOCAB, 128), jnp.float32),
)


def _mlp_body(x_ref, w1_ref, b1_ref, w2_ref, b2_ref, w3_ref, b3_ref, w4_ref,
              b4_ref, o_ref):
    x = x_ref[...]
    h = jnp.maximum(
        jnp.dot(x, w1_ref[...], preferred_element_type=jnp.float32) +
        b1_ref[...], 0.0)
    h = jnp.maximum(
        jnp.dot(h, w2_ref[...], preferred_element_type=jnp.float32) +
        b2_ref[...], 0.0)
    h = jnp.maximum(
        jnp.dot(h, w3_ref[...], preferred_element_type=jnp.float32) +
        b3_ref[...], 0.0)
    z = jnp.dot(h, w4_ref[...], preferred_element_type=jnp.float32) + \
        b4_ref[...]
    o_ref[...] = jax.nn.sigmoid(z)


_mlp = pl.pallas_call(
    _mlp_body,
    out_shape=jax.ShapeDtypeStruct((B, 1), jnp.float32),
)


@jax.jit
def kernel(inputs, table, W1, b1, W2, b2, W3, b3, W4, b4):
    idx = inputs.astype(jnp.int32)
    tail = _tail(table)
    pooled = _pool(idx, table, tail)
    w1p = jnp.pad(W1, ((0, EMBP - EMB), (0, 0)))
    return _mlp(pooled, w1p, b1.reshape(1, -1), W2, b2.reshape(1, -1), W3,
                b3.reshape(1, -1), W4, b4.reshape(1, -1))

# --- scband reference (transcript-rebuilt; emitter-appended) ---
"""Pipeline reference for scband-vanilla-classification-model-37512244363829 (READ-ONLY COPY).

The authoritative reference and input builder live on the scoring server;
editing this copy changes nothing except your own understanding.
"""

import jax, jax.numpy as jnp
import numpy as np

VOCAB = 1000000
EMB = 300
B = 4096
L = 50

def setup_inputs(seed: int = 0) -> dict:
    key = jax.random.key(seed)
    ks = jax.random.split(key, 10)
    inputs = jax.random.randint(ks[0], (B, L), 0, VOCAB, dtype=jnp.int64 if jax.config.jax_enable_x64 else jnp.int32)
    table = jax.random.normal(ks[1], (VOCAB, EMB), dtype=jnp.float32) * 0.05
    W1 = jax.random.normal(ks[2], (EMB, 128), dtype=jnp.float32) * (1.0 / np.sqrt(EMB))
    b1 = jnp.zeros((128,), dtype=jnp.float32)
    W2 = jax.random.normal(ks[3], (128, 64), dtype=jnp.float32) * (1.0 / np.sqrt(128))
    b2 = jnp.zeros((64,), dtype=jnp.float32)
    W3 = jax.random.normal(ks[4], (64, 16), dtype=jnp.float32) * (1.0 / np.sqrt(64))
    b3 = jnp.zeros((16,), dtype=jnp.float32)
    W4 = jax.random.normal(ks[5], (16, 1), dtype=jnp.float32) * (1.0 / np.sqrt(16))
    b4 = jnp.zeros((1,), dtype=jnp.float32)
    return {"inputs": inputs, "table": table, "W1": W1, "b1": b1, "W2": W2, "b2": b2, "W3": W3, "b3": b3, "W4": W4, "b4": b4}

def reference(inputs, table, W1, b1, W2, b2, W3, b3, W4, b4):
    x = jnp.take(table, inputs, axis=0)          # [B, L, EMB] embedding lookup
    x = jnp.mean(x, axis=1)                       # Lambda: reduce_mean over seq axis
    x = jax.nn.relu(x @ W1 + b1)
    x = jax.nn.relu(x @ W2 + b2)
    x = jax.nn.relu(x @ W3 + b3)
    out = jax.nn.sigmoid(x @ W4 + b4)
    return out

if __name__ == "__main__":
    import jax
    _d = setup_inputs()
    print(jax.jit(kernel)(*tuple(_d.values())))

</pallas_src>

<mosaic_0001>
#map = affine_map<(d0, d1) -> (0, 0)>
module attributes {stable_mosaic.version = 14 : i64} {
  func.func @_pool_body(%arg0: i32, %arg1: i32, %arg2: memref<4096x50xi32, #tpu.memory_space<hbm>>, %arg3: memref<1000000x300xf32, #tpu.memory_space<hbm>>, %arg4: memref<1000000x128xf32, #tpu.memory_space<hbm>>, %arg5: memref<4096x304xf32, #tpu.memory_space<hbm>>, %arg6: memref<128x50xi32, #tpu.memory_space<vmem>>, %arg7: memref<50x128xf32, #tpu.memory_space<vmem>>, %arg8: memref<50x128xf32, #tpu.memory_space<vmem>>, %arg9: memref<50x128xf32, #tpu.memory_space<vmem>>, %arg10: memref<50x128xf32, #tpu.memory_space<vmem>>, %arg11: memref<50x128xf32, #tpu.memory_space<vmem>>, %arg12: memref<50x128xf32, #tpu.memory_space<vmem>>, %arg13: memref<50x128xf32, #tpu.memory_space<vmem>>, %arg14: memref<50x128xf32, #tpu.memory_space<vmem>>, %arg15: memref<50x128xf32, #tpu.memory_space<vmem>>, %arg16: memref<50x128xf32, #tpu.memory_space<vmem>>, %arg17: memref<50x128xf32, #tpu.memory_space<vmem>>, %arg18: memref<50x128xf32, #tpu.memory_space<vmem>>, %arg19: memref<4x304xf32, #tpu.memory_space<vmem>>, %arg20: memref<!tpu.dma_semaphore, #tpu.memory_space<semaphore_mem>>, %arg21: memref<!tpu.dma_semaphore, #tpu.memory_space<semaphore_mem>>, %arg22: memref<!tpu.dma_semaphore, #tpu.memory_space<semaphore_mem>>, %arg23: memref<!tpu.dma_semaphore, #tpu.memory_space<semaphore_mem>>) attributes {dimension_semantics = [#tpu.dimension_semantics<core_parallel>, #tpu.dimension_semantics<subcore_parallel>], iteration_bounds = array<i64: 2, 16>, scalar_prefetch = 0 : i64, scratch_operands = 18 : i64, tpu.core_type = #tpu.core_type<sc_vector_subcore>, window_params = [{transform_indices = #map}, {transform_indices = #map}, {transform_indices = #map}, {transform_indices = #map}]} {
    %mul3A = arith.constant 2 : i32
    %mul3A_0 = arith.muli %arg1, %mul3A : i32
    %add3A = arith.addi %mul3A_0, %arg0 : i32
    %mul3A_1 = arith.constant 128 : i32
    %mul3A_2 = arith.muli %add3A, %mul3A_1 : i32
    "tpu.region"() ({
      %run_scoped3A = tpu.sem_alloc : memref<!tpu.dma_semaphore, #tpu.memory_space<semaphore_mem>>
      %dma_start3A_70 = arith.constant 0 : i32
      %dma_start3A_71 = tpu.memref_slice %arg2[%mul3A_2, %dma_start3A_70] : memref<4096x50xi32, #tpu.memory_space<hbm>> -> memref<128x50xi32, #tpu.memory_space<hbm>>
      %dma_start3A_72 = arith.constant 0 : i32
      %dma_start3A_73 = tpu.memref_slice %arg2[%mul3A_2, %dma_start3A_72] : memref<4096x50xi32, #tpu.memory_space<hbm>> -> memref<128x50xi32, #tpu.memory_space<hbm>>
      tpu.enqueue_dma source(%dma_start3A_73 : memref<128x50xi32, #tpu.memory_space<hbm>>) target(%arg6 : memref<128x50xi32, #tpu.memory_space<vmem>>) target_semaphore(%run_scoped3A : memref<!tpu.dma_semaphore, #tpu.memory_space<semaphore_mem>>)
      %dma_wait3A = arith.constant 0 : i32
      %dma_wait3A_74 = tpu.memref_slice %arg2[%mul3A_2, %dma_wait3A] : memref<4096x50xi32, #tpu.memory_space<hbm>> -> memref<128x50xi32, #tpu.memory_space<hbm>>
      %dma_wait3A_75 = arith.constant 0 : i32
      %dma_wait3A_76 = tpu.memref_slice %arg2[%mul3A_2, %dma_wait3A_75] : memref<4096x50xi32, #tpu.memory_space<hbm>> -> memref<128x50xi32, #tpu.memory_space<hbm>>
      tpu.wait_dma2 semaphore(%run_scoped3A : memref<!tpu.dma_semaphore, #tpu.memory_space<semaphore_mem>>) src(%dma_wait3A_76 : memref<128x50xi32, #tpu.memory_space<hbm>>) dst(%arg6 : memref<128x50xi32, #tpu.memory_space<vmem>>)
      tpu.yield
    }) : () -> ()
    %dma_start3A = arith.constant 0 : i32
    %dma_start3A_3 = arith.constant 0 : i32
    %dma_start3A_4 = tpu.memref_slice %arg6[%dma_start3A, %dma_start3A_3] : memref<128x50xi32, #tpu.memory_space<vmem>> -> memref<1x50xi32, #tpu.memory_space<vmem>>
    %dma_start3A_5 = tpu.memref_squeeze %dma_start3A_4 : memref<1x50xi32, #tpu.memory_space<vmem>> -> memref<50xi32, #tpu.memory_space<vmem>>
    %dma_start3A_6 = arith.constant 0 : i32
    %dma_start3A_7 = arith.constant 0 : i32
    %dma_start3A_8 = tpu.memref_slice %arg3[%dma_start3A_6, %dma_start3A_7] : memref<1000000x300xf32, #tpu.memory_space<hbm>> -> memref<1000000x128xf32, #tpu.memory_space<hbm>>
    tpu.enqueue_indirect_dma source(%dma_start3A_8 : memref<1000000x128xf32, #tpu.memory_space<hbm>>) target(%arg7 : memref<50x128xf32, #tpu.memory_space<vmem>>) offsets(%dma_start3A_5 : memref<50xi32, #tpu.memory_space<vmem>>) semaphore(%arg20 : memref<!tpu.dma_semaphore, #tpu.memory_space<semaphore_mem>>)
    %dma_start3A_9 = arith.constant 0 : i32
    %dma_start3A_10 = arith.constant 0 : i32
    %dma_start3A_11 = tpu.memref_slice %arg6[%dma_start3A_9, %dma_start3A_10] : memref<128x50xi32, #tpu.memory_space<vmem>> -> memref<1x50xi32, #tpu.memory_space<vmem>>
    %dma_start3A_12 = tpu.memref_squeeze %dma_start3A_11 : memref<1x50xi32, #tpu.memory_space<vmem>> -> memref<50xi32, #tpu.memory_space<vmem>>
    %dma_start3A_13 = arith.constant 0 : i32
    %dma_start3A_14 = arith.constant 128 : i32
    %dma_start3A_15 = tpu.memref_slice %arg3[%dma_start3A_13, %dma_start3A_14] : memref<1000000x300xf32, #tpu.memory_space<hbm>> -> memref<1000000x128xf32, #tpu.memory_space<hbm>>
    tpu.enqueue_indirect_dma source(%dma_start3A_15 : memref<1000000x128xf32, #tpu.memory_space<hbm>>) target(%arg11 : memref<50x128xf32, #tpu.memory_space<vmem>>) offsets(%dma_start3A_12 : memref<50xi32, #tpu.memory_space<vmem>>) semaphore(%arg20 : memref<!tpu.dma_semaphore, #tpu.memory_space<semaphore_mem>>)
    %dma_start3A_16 = arith.constant 0 : i32
    %dma_start3A_17 = arith.constant 0 : i32
    %dma_start3A_18 = tpu.memref_slice %arg6[%dma_start3A_16, %dma_start3A_17] : memref<128x50xi32, #tpu.memory_space<vmem>> -> memref<1x50xi32, #tpu.memory_space<vmem>>
    %dma_start3A_19 = tpu.memref_squeeze %dma_start3A_18 : memref<1x50xi32, #tpu.memory_space<vmem>> -> memref<50xi32, #tpu.memory_space<vmem>>
    %dma_start3A_20 = arith.constant 0 : i32
    %dma_start3A_21 = arith.constant 0 : i32
    %dma_start3A_22 = tpu.memref_slice %arg4[%dma_start3A_20, %dma_start3A_21] : memref<1000000x128xf32, #tpu.memory_space<hbm>> -> memref<1000000x128xf32, #tpu.memory_space<hbm>>
    tpu.enqueue_indirect_dma source(%dma_start3A_22 : memref<1000000x128xf32, #tpu.memory_space<hbm>>) target(%arg15 : memref<50x128xf32, #tpu.memory_space<vmem>>) offsets(%dma_start3A_19 : memref<50xi32, #tpu.memory_space<vmem>>) semaphore(%arg20 : memref<!tpu.dma_semaphore, #tpu.memory_space<semaphore_mem>>)
    %dma_start3A_23 = arith.constant 1 : i32
    %dma_start3A_24 = arith.constant 0 : i32
    %dma_start3A_25 = tpu.memref_slice %arg6[%dma_start3A_23, %dma_start3A_24] : memref<128x50xi32, #tpu.memory_space<vmem>> -> memref<1x50xi32, #tpu.memory_space<vmem>>
    %dma_start3A_26 = tpu.memref_squeeze %dma_start3A_25 : memref<1x50xi32, #tpu.memory_space<vmem>> -> memref<50xi32, #tpu.memory_space<vmem>>
    %dma_start3A_27 = arith.constant 0 : i32
    %dma_start3A_28 = arith.constant 0 : i32
    %dma_start3A_29 = tpu.memref_slice %arg3[%dma_start3A_27, %dma_start3A_28] : memref<1000000x300xf32, #tpu.memory_space<hbm>> -> memref<1000000x128xf32, #tpu.memory_space<hbm>>
    tpu.enqueue_indirect_dma source(%dma_start3A_29 : memref<1000000x128xf32, #tpu.memory_space<hbm>>) target(%arg8 : memref<50x128xf32, #tpu.memory_space<vmem>>) offsets(%dma_start3A_26 : memref<50xi32, #tpu.memory_space<vmem>>) semaphore(%arg21 : memref<!tpu.dma_semaphore, #tpu.memory_space<semaphore_mem>>)
    %dma_start3A_30 = arith.constant 1 : i32
    %dma_start3A_31 = arith.constant 0 : i32
    %dma_start3A_32 = tpu.memref_slice %arg6[%dma_start3A_30, %dma_start3A_31] : memref<128x50xi32, #tpu.memory_space<vmem>> -> memref<1x50xi32, #tpu.memory_space<vmem>>
    %dma_start3A_33 = tpu.memref_squeeze %dma_start3A_32 : memref<1x50xi32, #tpu.memory_space<vmem>> -> memref<50xi32, #tpu.memory_space<vmem>>
    %dma_start3A_34 = arith.constant 0 : i32
    %dma_start3A_35 = arith.constant 128 : i32
    %dma_start3A_36 = tpu.memref_slice %arg3[%dma_start3A_34, %dma_start3A_35] : memref<1000000x300xf32, #tpu.memory_space<hbm>> -> memref<1000000x128xf32, #tpu.memory_space<hbm>>
    tpu.enqueue_indirect_dma source(%dma_start3A_36 : memref<1000000x128xf32, #tpu.memory_space<hbm>>) target(%arg12 : memref<50x128xf32, #tpu.memory_space<vmem>>) offsets(%dma_start3A_33 : memref<50xi32, #tpu.memory_space<vmem>>) semaphore(%arg21 : memref<!tpu.dma_semaphore, #tpu.memory_space<semaphore_mem>>)
    %dma_start3A_37 = arith.constant 1 : i32
    %dma_start3A_38 = arith.constant 0 : i32
    %dma_start3A_39 = tpu.memref_slice %arg6[%dma_start3A_37, %dma_start3A_38] : memref<128x50xi32, #tpu.memory_space<vmem>> -> memref<1x50xi32, #tpu.memory_space<vmem>>
    %dma_start3A_40 = tpu.memref_squeeze %dma_start3A_39 : memref<1x50xi32, #tpu.memory_space<vmem>> -> memref<50xi32, #tpu.memory_space<vmem>>
    %dma_start3A_41 = arith.constant 0 : i32
    %dma_start3A_42 = arith.constant 0 : i32
    %dma_start3A_43 = tpu.memref_slice %arg4[%dma_start3A_41, %dma_start3A_42] : memref<1000000x128xf32, #tpu.memory_space<hbm>> -> memref<1000000x128xf32, #tpu.memory_space<hbm>>
    tpu.enqueue_indirect_dma source(%dma_start3A_43 : memref<1000000x128xf32, #tpu.memory_space<hbm>>) target(%arg16 : memref<50x128xf32, #tpu.memory_space<vmem>>) offsets(%dma_start3A_40 : memref<50xi32, #tpu.memory_space<vmem>>) semaphore(%arg21 : memref<!tpu.dma_semaphore, #tpu.memory_space<semaphore_mem>>)
    %dma_start3A_44 = arith.constant 2 : i32
    %dma_start3A_45 = arith.constant 0 : i32
    %dma_start3A_46 = tpu.memref_slice %arg6[%dma_start3A_44, %dma_start3A_45] : memref<128x50xi32, #tpu.memory_space<vmem>> -> memref<1x50xi32, #tpu.memory_space<vmem>>
    %dma_start3A_47 = tpu.memref_squeeze %dma_start3A_46 : memref<1x50xi32, #tpu.memory_space<vmem>> -> memref<50xi32, #tpu.memory_space<vmem>>
    %dma_start3A_48 = arith.constant 0 : i32
    %dma_start3A_49 = arith.constant 0 : i32
    %dma_start3A_50 = tpu.memref_slice %arg3[%dma_start3A_48, %dma_start3A_49] : memref<1000000x300xf32, #tpu.memory_space<hbm>> -> memref<1000000x128xf32, #tpu.memory_space<hbm>>
    tpu.enqueue_indirect_dma source(%dma_start3A_50 : memref<1000000x128xf32, #tpu.memory_space<hbm>>) target(%arg9 : memref<50x128xf32, #tpu.memory_space<vmem>>) offsets(%dma_start3A_47 : memref<50xi32, #tpu.memory_space<vmem>>) semaphore(%arg22 : memref<!tpu.dma_semaphore, #tpu.memory_space<semaphore_mem>>)
    %dma_start3A_51 = arith.constant 2 : i32
    %dma_start3A_52 = arith.constant 0 : i32
    %dma_start3A_53 = tpu.memref_slice %arg6[%dma_start3A_51, %dma_start3A_52] : memref<128x50xi32, #tpu.memory_space<vmem>> -> memref<1x50xi32, #tpu.memory_space<vmem>>
    %dma_start3A_54 = tpu.memref_squeeze %dma_start3A_53 : memref<1x50xi32, #tpu.memory_space<vmem>> -> memref<50xi32, #tpu.memory_space<vmem>>
    %dma_start3A_55 = arith.constant 0 : i32
    %dma_start3A_56 = arith.constant 128 : i32
    %dma_start3A_57 = tpu.memref_slice %arg3[%dma_start3A_55, %dma_start3A_56] : memref<1000000x300xf32, #tpu.memory_space<hbm>> -> memref<1000000x128xf32, #tpu.memory_space<hbm>>
    tpu.enqueue_indirect_dma source(%dma_start3A_57 : memref<1000000x128xf32, #tpu.memory_space<hbm>>) target(%arg13 : memref<50x128xf32, #tpu.memory_space<vmem>>) offsets(%dma_start3A_54 : memref<50xi32, #tpu.memory_space<vmem>>) semaphore(%arg22 : memref<!tpu.dma_semaphore, #tpu.memory_space<semaphore_mem>>)
    %dma_start3A_58 = arith.constant 2 : i32
    %dma_start3A_59 = arith.constant 0 : i32
    %dma_start3A_60 = tpu.memref_slice %arg6[%dma_start3A_58, %dma_start3A_59] : memref<128x50xi32, #tpu.memory_space<vmem>> -> memref<1x50xi32, #tpu.memory_space<vmem>>
    %dma_start3A_61 = tpu.memref_squeeze %dma_start3A_60 : memref<1x50xi32, #tpu.memory_space<vmem>> -> memref<50xi32, #tpu.memory_space<vmem>>
    %dma_start3A_62 = arith.constant 0 : i32
    %dma_start3A_63 = arith.constant 0 : i32
    %dma_start3A_64 = tpu.memref_slice %arg4[%dma_start3A_62, %dma_start3A_63] : memref<1000000x128xf32, #tpu.memory_space<hbm>> -> memref<1000000x128xf32, #tpu.memory_space<hbm>>
    tpu.enqueue_indirect_dma source(%dma_start3A_64 : memref<1000000x128xf32, #tpu.memory_space<hbm>>) target(%arg17 : memref<50x128xf32, #tpu.memory_space<vmem>>) offsets(%dma_start3A_61 : memref<50xi32, #tpu.memory_space<vmem>>) semaphore(%arg22 : memref<!tpu.dma_semaphore, #tpu.memory_space<semaphore_mem>>)
    %scan3A = arith.constant 0 : i32
    %scan3A_65 = arith.constant 0 : i32
    %scan3A_66 = arith.constant 32 : i32
    %scan3A_67 = arith.addi %scan3A_65, %scan3A_66 : i32
    %scan3A_68 = arith.constant 1 : i32
    scf.for %scan3A_70 = %scan3A_65 to %scan3A_67 step %scan3A_68  : i32 {
      %mul3A_71 = arith.constant 4 : i32
      %mul3A_72 = arith.muli %scan3A_70, %mul3A_71 : i32
      %add3A_73 = arith.constant 0 : i32
      %add3A_74 = arith.addi %mul3A_72, %add3A_73 : i32
      %add3A_75 = arith.constant 3 : i32
      %add3A_76 = arith.addi %add3A_74, %add3A_75 : i32
      %lt3A = arith.constant 128 : i32
      %lt3A_77 = arith.cmpi slt, %add3A_76, %lt3A : i32
      %convert_element_type3A = arith.extui %lt3A_77 : i1 to i32
      %cond3A = arith.constant 0 : i32
      %cond3A_78 = arith.cmpi ne, %convert_element_type3A, %cond3A : i32
      scf.if %cond3A_78 {
        %dma_start3A_1044 = arith.constant 0 : i32
        %dma_start3A_1045 = tpu.memref_slice %arg6[%add3A_76, %dma_start3A_1044] : memref<128x50xi32, #tpu.memory_space<vmem>> -> memref<1x50xi32, #tpu.memory_space<vmem>>
        %dma_start3A_1046 = tpu.memref_squeeze %dma_start3A_1045 : memref<1x50xi32, #tpu.memory_space<vmem>> -> memref<50xi32, #tpu.memory_space<vmem>>
        %dma_start3A_1047 = arith.constant 0 : i32
        %dma_start3A_1048 = arith.constant 0 : i32
        %dma_start3A_1049 = tpu.memref_slice %arg3[%dma_start3A_1047, %dma_start3A_1048] : memref<1000000x300xf32, #tpu.memory_space<hbm>> -> memref<1000000x128xf32, #tpu.memory_space<hbm>>
        tpu.enqueue_indirect_dma source(%dma_start3A_1049 : memref<1000000x128xf32, #tpu.memory_space<hbm>>) target(%arg10 : memref<50x128xf32, #tpu.memory_space<vmem>>) offsets(%dma_start3A_1046 : memref<50xi32, #tpu.memory_space<vmem>>) semaphore(%arg23 : memref<!tpu.dma_semaphore, #tpu.memory_space<semaphore_mem>>)
        %dma_start3A_1050 = arith.constant 0 : i32
        %dma_start3A_1051 = tpu.memref_slice %arg6[%add3A_76, %dma_start3A_1050] : memref<128x50xi32, #tpu.memory_space<vmem>> -> memref<1x50xi32, #tpu.memory_space<vmem>>
        %dma_start3A_1052 = tpu.memref_squeeze %dma_start3A_1051 : memref<1x50xi32, #tpu.memory_space<vmem>> -> memref<50xi32, #tpu.memory_space<vmem>>
        %dma_start3A_1053 = arith.constant 0 : i32
        %dma_start3A_1054 = arith.constant 128 : i32
        %dma_start3A_1055 = tpu.memref_slice %arg3[%dma_start3A_1053, %dma_start3A_1054] : memref<1000000x300xf32, #tpu.memory_space<hbm>> -> memref<1000000x128xf32, #tpu.memory_space<hbm>>
        tpu.enqueue_indirect_dma source(%dma_start3A_1055 : memref<1000000x128xf32, #tpu.memory_space<hbm>>) target(%arg14 : memref<50x128xf32, #tpu.memory_space<vmem>>) offsets(%dma_start3A_1052 : memref<50xi32, #tpu.memory_space<vmem>>) semaphore(%arg23 : memref<!tpu.dma_semaphore, #tpu.memory_space<semaphore_mem>>)
        %dma_start3A_1056 = arith.constant 0 : i32
        %dma_start3A_1057 = tpu.memref_slice %arg6[%add3A_76, %dma_start3A_1056] : memref<128x50xi32, #tpu.memory_space<vmem>> -> memref<1x50xi32, #tpu.memory_space<vmem>>
        %dma_start3A_1058 = tpu.memref_squeeze %dma_start3A_1057 : memref<1x50xi32, #tpu.memory_space<vmem>> -> memref<50xi32, #tpu.memory_space<vmem>>
        %dma_start3A_1059 = arith.constant 0 : i32
        %dma_start3A_1060 = arith.constant 0 : i32
        %dma_start3A_1061 = tpu.memref_slice %arg4[%dma_start3A_1059, %dma_start3A_1060] : memref<1000000x128xf32, #tpu.memory_space<hbm>> -> memref<1000000x128xf32, #tpu.memory_space<hbm>>
        tpu.enqueue_indirect_dma source(%dma_start3A_1061 : memref<1000000x128xf32, #tpu.memory_space<hbm>>) target(%arg18 : memref<50x128xf32, #tpu.memory_space<vmem>>) offsets(%dma_start3A_1058 : memref<50xi32, #tpu.memory_space<vmem>>) semaphore(%arg23 : memref<!tpu.dma_semaphore, #tpu.memory_space<semaphore_mem>>)
      } else {
      }
      %dma_wait3A = arith.constant 0 : i32
      %dma_wait3A_79 = tpu.memref_slice %arg6[%add3A_74, %dma_wait3A] : memref<128x50xi32, #tpu.memory_space<vmem>> -> memref<1x50xi32, #tpu.memory_space<vmem>>
      %dma_wait3A_80 = tpu.memref_squeeze %dma_wait3A_79 : memref<1x50xi32, #tpu.memory_space<vmem>> -> memref<50xi32, #tpu.memory_space<vmem>>
      %dma_wait3A_81 = arith.constant 0 : i32
      %dma_wait3A_82 = arith.constant 0 : i32
      %dma_wait3A_83 = tpu.memref_slice %arg3[%dma_wait3A_81, %dma_wait3A_82] : memref<1000000x300xf32, #tpu.memory_space<hbm>> -> memref<1000000x128xf32, #tpu.memory_space<hbm>>
      tpu.wait_indirect_dma semaphore(%arg20 : memref<!tpu.dma_semaphore, #tpu.memory_space<semaphore_mem>>) src(%dma_wait3A_83 : memref<1000000x128xf32, #tpu.memory_space<hbm>>) dst(%arg7 : memref<50x128xf32, #tpu.memory_space<vmem>>)
      %dma_wait3A_84 = arith.constant 0 : i32
      %dma_wait3A_85 = tpu.memref_slice %arg6[%add3A_74, %dma_wait3A_84] : memref<128x50xi32, #tpu.memory_space<vmem>> -> memref<1x50xi32, #tpu.memory_space<vmem>>
      %dma_wait3A_86 = tpu.memref_squeeze %dma_wait3A_85 : memref<1x50xi32, #tpu.memory_space<vmem>> -> memref<50xi32, #tpu.memory_space<vmem>>
      %dma_wait3A_87 = arith.constant 0 : i32
      %dma_wait3A_88 = arith.constant 128 : i32
      %dma_wait3A_89 = tpu.memref_slice %arg3[%dma_wait3A_87, %dma_wait3A_88] : memref<1000000x300xf32, #tpu.memory_space<hbm>> -> memref<1000000x128xf32, #tpu.memory_space<hbm>>
      tpu.wait_indirect_dma semaphore(%arg20 : memref<!tpu.dma_semaphore, #tpu.memory_space<semaphore_mem>>) src(%dma_wait3A_89 : memref<1000000x128xf32, #tpu.memory_space<hbm>>) dst(%arg11 : memref<50x128xf32, #tpu.memory_space<vmem>>)
      %dma_wait3A_90 = arith.constant 0 : i32
      %dma_wait3A_91 = tpu.memref_slice %arg6[%add3A_74, %dma_wait3A_90] : memref<128x50xi32, #tpu.memory_space<vmem>> -> memref<1x50xi32, #tpu.memory_space<vmem>>
      %dma_wait3A_92 = tpu.memref_squeeze %dma_wait3A_91 : memref<1x50xi32, #tpu.memory_space<vmem>> -> memref<50xi32, #tpu.memory_space<vmem>>
      %dma_wait3A_93 = arith.constant 0 : i32
      %dma_wait3A_94 = arith.constant 0 : i32
      %dma_wait3A_95 = tpu.memref_slice %arg4[%dma_wait3A_93, %dma_wait3A_94] : memref<1000000x128xf32, #tpu.memory_space<hbm>> -> memref<1000000x128xf32, #tpu.memory_space<hbm>>
      tpu.wait_indirect_dma semaphore(%arg20 : memref<!tpu.dma_semaphore, #tpu.memory_space<semaphore_mem>>) src(%dma_wait3A_95 : memref<1000000x128xf32, #tpu.memory_space<hbm>>) dst(%arg15 : memref<50x128xf32, #tpu.memory_space<vmem>>)
      %broadcast_in_dim3A = arith.constant 0.000000e+00 : f32
      %broadcast_in_dim3A_96 = vector.broadcast %broadcast_in_dim3A : f32 to vector<16xf32>
      %broadcast_in_dim3A_97 = arith.constant 0.000000e+00 : f32
      %broadcast_in_dim3A_98 = vector.broadcast %broadcast_in_dim3A_97 : f32 to vector<16xf32>
      %broadcast_in_dim3A_99 = arith.constant 0.000000e+00 : f32
      %broadcast_in_dim3A_100 = vector.broadcast %broadcast_in_dim3A_99 : f32 to vector<16xf32>
      %broadcast_in_dim3A_101 = arith.constant 0.000000e+00 : f32
      %broadcast_in_dim3A_102 = vector.broadcast %broadcast_in_dim3A_101 : f32 to vector<16xf32>
      %broadcast_in_dim3A_103 = arith.constant 0.000000e+00 : f32
      %broadcast_in_dim3A_104 = vector.broadcast %broadcast_in_dim3A_103 : f32 to vector<16xf32>
      %broadcast_in_dim3A_105 = arith.constant 0.000000e+00 : f32
      %broadcast_in_dim3A_106 = vector.broadcast %broadcast_in_dim3A_105 : f32 to vector<16xf32>
      %broadcast_in_dim3A_107 = arith.constant 0.000000e+00 : f32
      %broadcast_in_dim3A_108 = vector.broadcast %broadcast_in_dim3A_107 : f32 to vector<16xf32>
      %broadcast_in_dim3A_109 = arith.constant 0.000000e+00 : f32
      %broadcast_in_dim3A_110 = vector.broadcast %broadcast_in_dim3A_109 : f32 to vector<16xf32>
      %broadcast_in_dim3A_111 = arith.constant 0.000000e+00 : f32
      %broadcast_in_dim3A_112 = vector.broadcast %broadcast_in_dim3A_111 : f32 to vector<16xf32>
      %broadcast_in_dim3A_113 = arith.constant 0.000000e+00 : f32
      %broadcast_in_dim3A_114 = vector.broadcast %broadcast_in_dim3A_113 : f32 to vector<16xf32>
      %broadcast_in_dim3A_115 = arith.constant 0.000000e+00 : f32
      %broadcast_in_dim3A_116 = vector.broadcast %broadcast_in_dim3A_115 : f32 to vector<16xf32>
      %broadcast_in_dim3A_117 = arith.constant 0.000000e+00 : f32
      %broadcast_in_dim3A_118 = vector.broadcast %broadcast_in_dim3A_117 : f32 to vector<16xf32>
      %broadcast_in_dim3A_119 = arith.constant 0.000000e+00 : f32
      %broadcast_in_dim3A_120 = vector.broadcast %broadcast_in_dim3A_119 : f32 to vector<16xf32>
      %broadcast_in_dim3A_121 = arith.constant 0.000000e+00 : f32
      %broadcast_in_dim3A_122 = vector.broadcast %broadcast_in_dim3A_121 : f32 to vector<16xf32>
      %broadcast_in_dim3A_123 = arith.constant 0.000000e+00 : f32
      %broadcast_in_dim3A_124 = vector.broadcast %broadcast_in_dim3A_123 : f32 to vector<16xf32>
      %broadcast_in_dim3A_125 = arith.constant 0.000000e+00 : f32
      %broadcast_in_dim3A_126 = vector.broadcast %broadcast_in_dim3A_125 : f32 to vector<16xf32>
      %broadcast_in_dim3A_127 = arith.constant 0.000000e+00 : f32
      %broadcast_in_dim3A_128 = vector.broadcast %broadcast_in_dim3A_127 : f32 to vector<16xf32>
      %broadcast_in_dim3A_129 = arith.constant 0.000000e+00 : f32
      %broadcast_in_dim3A_130 = vector.broadcast %broadcast_in_dim3A_129 : f32 to vector<16xf32>
      %broadcast_in_dim3A_131 = arith.constant 0.000000e+00 : f32
      %broadcast_in_dim3A_132 = vector.broadcast %broadcast_in_dim3A_131 : f32 to vector<16xf32>
      %scan3A_133 = arith.constant 0 : i32
      %scan3A_134 = arith.constant 50 : i32
      %scan3A_135 = arith.addi %scan3A_133, %scan3A_134 : i32
      %scan3A_136 = arith.constant 1 : i32
      %scan3A_137:19 = scf.for %scan3A_1044 = %scan3A_133 to %scan3A_135 step %scan3A_136 iter_args(%scan3A_1045 = %broadcast_in_dim3A_96, %scan3A_1046 = %broadcast_in_dim3A_98, %scan3A_1047 = %broadcast_in_dim3A_100, %scan3A_1048 = %broadcast_in_dim3A_102, %scan3A_1049 = %broadcast_in_dim3A_104, %scan3A_1050 = %broadcast_in_dim3A_106, %scan3A_1051 = %broadcast_in_dim3A_108, %scan3A_1052 = %broadcast_in_dim3A_110, %scan3A_1053 = %broadcast_in_dim3A_112, %scan3A_1054 = %broadcast_in_dim3A_114, %scan3A_1055 = %broadcast_in_dim3A_116, %scan3A_1056 = %broadcast_in_dim3A_118, %scan3A_1057 = %broadcast_in_dim3A_120, %scan3A_1058 = %broadcast_in_dim3A_122, %scan3A_1059 = %broadcast_in_dim3A_124, %scan3A_1060 = %broadcast_in_dim3A_126, %scan3A_1061 = %broadcast_in_dim3A_128, %scan3A_1062 = %broadcast_in_dim3A_130, %scan3A_1063 = %broadcast_in_dim3A_132) -> (vector<16xf32>, vector<16xf32>, vector<16xf32>, vector<16xf32>, vector<16xf32>, vector<16xf32>, vector<16xf32>, vector<16xf32>, vector<16xf32>, vector<16xf32>, vector<16xf32>, vector<16xf32>, vector<16xf32>, vector<16xf32>, vector<16xf32>, vector<16xf32>, vector<16xf32>, vector<16xf32>, vector<16xf32>)  : i32 {
        %get3A = arith.index_cast %scan3A_1044 : i32 to index
        %get3A_1064 = arith.constant 0 : index
        %get3A_1065 = tpu.vector_load %arg7[%get3A, %get3A_1064] {strides = array<i32>} : memref<50x128xf32, #tpu.memory_space<vmem>>, vector<1x16xf32>,
        %get3A_1066 = vector.shape_cast %get3A_1065 : vector<1x16xf32> to vector<16xf32>
        %add3A_1067 = arith.addf %scan3A_1045, %get3A_1066 : vector<16xf32>
        %get3A_1068 = arith.index_cast %scan3A_1044 : i32 to index
        %get3A_1069 = arith.constant 16 : index
        %get3A_1070 = tpu.vector_load %arg7[%get3A_1068, %get3A_1069] {strides = array<i32>} : memref<50x128xf32, #tpu.memory_space<vmem>>, vector<1x16xf32>,
        %get3A_1071 = vector.shape_cast %get3A_1070 : vector<1x16xf32> to vector<16xf32>
        %add3A_1072 = arith.addf %scan3A_1046, %get3A_1071 : vector<16xf32>
        %get3A_1073 = arith.index_cast %scan3A_1044 : i32 to index
        %get3A_1074 = arith.constant 32 : index
        %get3A_1075 = tpu.vector_load %arg7[%get3A_1073, %get3A_1074] {strides = array<i32>} : memref<50x128xf32, #tpu.memory_space<vmem>>, vector<1x16xf32>,
        %get3A_1076 = vector.shape_cast %get3A_1075 : vector<1x16xf32> to vector<16xf32>
        %add3A_1077 = arith.addf %scan3A_1047, %get3A_1076 : vector<16xf32>
        %get3A_1078 = arith.index_cast %scan3A_1044 : i32 to index
        %get3A_1079 = arith.constant 48 : index
        %get3A_1080 = tpu.vector_load %arg7[%get3A_1078, %get3A_1079] {strides = array<i32>} : memref<50x128xf32, #tpu.memory_space<vmem>>, vector<1x16xf32>,
        %get3A_1081 = vector.shape_cast %get3A_1080 : vector<1x16xf32> to vector<16xf32>
        %add3A_1082 = arith.addf %scan3A_1048, %get3A_1081 : vector<16xf32>
        %get3A_1083 = arith.index_cast %scan3A_1044 : i32 to index
        %get3A_1084 = arith.constant 64 : index
        %get3A_1085 = tpu.vector_load %arg7[%get3A_1083, %get3A_1084] {strides = array<i32>} : memref<50x128xf32, #tpu.memory_space<vmem>>, vector<1x16xf32>,
        %get3A_1086 = vector.shape_cast %get3A_1085 : vector<1x16xf32> to vector<16xf32>
        %add3A_1087 = arith.addf %scan3A_1049, %get3A_1086 : vector<16xf32>
        %get3A_1088 = arith.index_cast %scan3A_1044 : i32 to index
        %get3A_1089 = arith.constant 80 : index
        %get3A_1090 = tpu.vector_load %arg7[%get3A_1088, %get3A_1089] {strides = array<i32>} : memref<50x128xf32, #tpu.memory_space<vmem>>, vector<1x16xf32>,
        %get3A_1091 = vector.shape_cast %get3A_1090 : vector<1x16xf32> to vector<16xf32>
        %add3A_1092 = arith.addf %scan3A_1050, %get3A_1091 : vector<16xf32>
        %get3A_1093 = arith.index_cast %scan3A_1044 : i32 to index
        %get3A_1094 = arith.constant 96 : index
        %get3A_1095 = tpu.vector_load %arg7[%get3A_1093, %get3A_1094] {strides = array<i32>} : memref<50x128xf32, #tpu.memory_space<vmem>>, vector<1x16xf32>,
        %get3A_1096 = vector.shape_cast %get3A_1095 : vector<1x16xf32> to vector<16xf32>
        %add3A_1097 = arith.addf %scan3A_1051, %get3A_1096 : vector<16xf32>
        %get3A_1098 = arith.index_cast %scan3A_1044 : i32 to index
        %get3A_1099 = arith.constant 112 : index
        %get3A_1100 = tpu.vector_load %arg7[%get3A_1098, %get3A_1099] {strides = array<i32>} : memref<50x128xf32, #tpu.memory_space<vmem>>, vector<1x16xf32>,
        %get3A_1101 = vector.shape_cast %get3A_1100 : vector<1x16xf32> to vector<16xf32>
        %add3A_1102 = arith.addf %scan3A_1052, %get3A_1101 : vector<16xf32>
        %get3A_1103 = arith.index_cast %scan3A_1044 : i32 to index
        %get3A_1104 = arith.constant 0 : index
        %get3A_1105 = tpu.vector_load %arg11[%get3A_1103, %get3A_1104] {strides = array<i32>} : memref<50x128xf32, #tpu.memory_space<vmem>>, vector<1x16xf32>,
        %get3A_1106 = vector.shape_cast %get3A_1105 : vector<1x16xf32> to vector<16xf32>
        %add3A_1107 = arith.addf %scan3A_1053, %get3A_1106 : vector<16xf32>
        %get3A_1108 = arith.index_cast %scan3A_1044 : i32 to index
        %get3A_1109 = arith.constant 16 : index
        %get3A_1110 = tpu.vector_load %arg11[%get3A_1108, %get3A_1109] {strides = array<i32>} : memref<50x128xf32, #tpu.memory_space<vmem>>, vector<1x16xf32>,
        %get3A_1111 = vector.shape_cast %get3A_1110 : vector<1x16xf32> to vector<16xf32>
        %add3A_1112 = arith.addf %scan3A_1054, %get3A_1111 : vector<16xf32>
        %get3A_1113 = arith.index_cast %scan3A_1044 : i32 to index
        %get3A_1114 = arith.constant 32 : index
        %get3A_1115 = tpu.vector_load %arg11[%get3A_1113, %get3A_1114] {strides = array<i32>} : memref<50x128xf32, #tpu.memory_space<vmem>>, vector<1x16xf32>,
        %get3A_1116 = vector.shape_cast %get3A_1115 : vector<1x16xf32> to vector<16xf32>
        %add3A_1117 = arith.addf %scan3A_1055, %get3A_1116 : vector<16xf32>
        %get3A_1118 = arith.index_cast %scan3A_1044 : i32 to index
        %get3A_1119 = arith.constant 48 : index
        %get3A_1120 = tpu.vector_load %arg11[%get3A_1118, %get3A_1119] {strides = array<i32>} : memref<50x128xf32, #tpu.memory_space<vmem>>, vector<1x16xf32>,
        %get3A_1121 = vector.shape_cast %get3A_1120 : vector<1x16xf32> to vector<16xf32>
        %add3A_1122 = arith.addf %scan3A_1056, %get3A_1121 : vector<16xf32>
        %get3A_1123 = arith.index_cast %scan3A_1044 : i32 to index
        %get3A_1124 = arith.constant 64 : index
        %get3A_1125 = tpu.vector_load %arg11[%get3A_1123, %get3A_1124] {strides = array<i32>} : memref<50x128xf32, #tpu.memory_space<vmem>>, vector<1x16xf32>,
        %get3A_1126 = vector.shape_cast %get3A_1125 : vector<1x16xf32> to vector<16xf32>
        %add3A_1127 = arith.addf %scan3A_1057, %get3A_1126 : vector<16xf32>
        %get3A_1128 = arith.index_cast %scan3A_1044 : i32 to index
        %get3A_1129 = arith.constant 80 : index
        %get3A_1130 = tpu.vector_load %arg11[%get3A_1128, %get3A_1129] {strides = array<i32>} : memref<50x128xf32, #tpu.memory_space<vmem>>, vector<1x16xf32>,
        %get3A_1131 = vector.shape_cast %get3A_1130 : vector<1x16xf32> to vector<16xf32>
        %add3A_1132 = arith.addf %scan3A_1058, %get3A_1131 : vector<16xf32>
        %get3A_1133 = arith.index_cast %scan3A_1044 : i32 to index
        %get3A_1134 = arith.constant 96 : index
        %get3A_1135 = tpu.vector_load %arg11[%get3A_1133, %get3A_1134] {strides = array<i32>} : memref<50x128xf32, #tpu.memory_space<vmem>>, vector<1x16xf32>,
        %get3A_1136 = vector.shape_cast %get3A_1135 : vector<1x16xf32> to vector<16xf32>
        %add3A_1137 = arith.addf %scan3A_1059, %get3A_1136 : vector<16xf32>
        %get3A_1138 = arith.index_cast %scan3A_1044 : i32 to index
        %get3A_1139 = arith.constant 112 : index
        %get3A_1140 = tpu.vector_load %arg11[%get3A_1138, %get3A_1139] {strides = array<i32>} : memref<50x128xf32, #tpu.memory_space<vmem>>, vector<1x16xf32>,
        %get3A_1141 = vector.shape_cast %get3A_1140 : vector<1x16xf32> to vector<16xf32>
        %add3A_1142 = arith.addf %scan3A_1060, %get3A_1141 : vector<16xf32>
        %get3A_1143 = arith.index_cast %scan3A_1044 : i32 to index
        %get3A_1144 = arith.constant 0 : index
        %get3A_1145 = tpu.vector_load %arg15[%get3A_1143, %get3A_1144] {strides = array<i32>} : memref<50x128xf32, #tpu.memory_space<vmem>>, vector<1x16xf32>,
        %get3A_1146 = vector.shape_cast %get3A_1145 : vector<1x16xf32> to vector<16xf32>
        %add3A_1147 = arith.addf %scan3A_1061, %get3A_1146 : vector<16xf32>
        %get3A_1148 = arith.index_cast %scan3A_1044 : i32 to index
        %get3A_1149 = arith.constant 16 : index
        %get3A_1150 = tpu.vector_load %arg15[%get3A_1148, %get3A_1149] {strides = array<i32>} : memref<50x128xf32, #tpu.memory_space<vmem>>, vector<1x16xf32>,
        %get3A_1151 = vector.shape_cast %get3A_1150 : vector<1x16xf32> to vector<16xf32>
        %add3A_1152 = arith.addf %scan3A_1062, %get3A_1151 : vector<16xf32>
        %get3A_1153 = arith.index_cast %scan3A_1044 : i32 to index
        %get3A_1154 = arith.constant 32 : index
        %get3A_1155 = tpu.vector_load %arg15[%get3A_1153, %get3A_1154] {strides = array<i32>} : memref<50x128xf32, #tpu.memory_space<vmem>>, vector<1x16xf32>,
        %get3A_1156 = vector.shape_cast %get3A_1155 : vector<1x16xf32> to vector<16xf32>
        %add3A_1157 = arith.addf %scan3A_1063, %get3A_1156 : vector<16xf32>
        scf.yield %add3A_1067, %add3A_1072, %add3A_1077, %add3A_1082, %add3A_1087, %add3A_1092, %add3A_1097, %add3A_1102, %add3A_1107, %add3A_1112, %add3A_1117, %add3A_1122, %add3A_1127, %add3A_1132, %add3A_1137, %add3A_1142, %add3A_1147, %add3A_1152, %add3A_1157 : vector<16xf32>, vector<16xf32>, vector<16xf32>, vector<16xf32>, vector<16xf32>, vector<16xf32>, vector<16xf32>, vector<16xf32>, vector<16xf32>, vector<16xf32>, vector<16xf32>, vector<16xf32>, vector<16xf32>, vector<16xf32>, vector<16xf32>, vector<16xf32>, vector<16xf32>, vector<16xf32>, vector<16xf32>
      }
      %scan3A_138 = arith.constant 50 : i32
      %mul3A_139 = arith.constant 2.000000e-02 : f32
      %mul3A_140 = vector.broadcast %mul3A_139 : f32 to vector<16xf32>
      %mul3A_141 = arith.mulf %scan3A_137#0, %mul3A_140 : vector<16xf32>
      %swap3A = arith.constant 0 : i32
      %swap3A_142 = arith.index_cast %swap3A : i32 to index
      %swap3A_143 = arith.constant 0 : index
      %swap3A_144 = tpu.vector_load %arg19[%swap3A_142, %swap3A_143] {strides = array<i32>} : memref<4x304xf32, #tpu.memory_space<vmem>>, vector<1x16xf32>,
      %swap3A_145 = vector.shape_cast %swap3A_144 : vector<1x16xf32> to vector<16xf32>
      %swap3A_146 = vector.shape_cast %mul3A_141 : vector<16xf32> to vector<1x16xf32>
      tpu.vector_store %arg19[%swap3A_142, %swap3A_143], %swap3A_146 {strides = array<i32>} : memref<4x304xf32, #tpu.memory_space<vmem>>, vector<1x16xf32>,
      %mul3A_147 = arith.constant 2.000000e-02 : f32
      %mul3A_148 = vector.broadcast %mul3A_147 : f32 to vector<16xf32>
      %mul3A_149 = arith.mulf %scan3A_137#1, %mul3A_148 : vector<16xf32>
      %swap3A_150 = arith.constant 0 : i32
      %swap3A_151 = arith.index_cast %swap3A_150 : i32 to index
      %swap3A_152 = arith.constant 16 : index
      %swap3A_153 = tpu.vector_load %arg19[%swap3A_151, %swap3A_152] {strides = array<i32>} : memref<4x304xf32, #tpu.memory_space<vmem>>, vector<1x16xf32>,
      %swap3A_154 = vector.shape_cast %swap3A_153 : vector<1x16xf32> to vector<16xf32>
      %swap3A_155 = vector.shape_cast %mul3A_149 : vector<16xf32> to vector<1x16xf32>
      tpu.vector_store %arg19[%swap3A_151, %swap3A_152], %swap3A_155 {strides = array<i32>} : memref<4x304xf32, #tpu.memory_space<vmem>>, vector<1x16xf32>,
      %mul3A_156 = arith.constant 2.000000e-02 : f32
      %mul3A_157 = vector.broadcast %mul3A_156 : f32 to vector<16xf32>
      %mul3A_158 = arith.mulf %scan3A_137#2, %mul3A_157 : vector<16xf32>
      %swap3A_159 = arith.constant 0 : i32
      %swap3A_160 = arith.index_cast %swap3A_159 : i32 to index
      %swap3A_161 = arith.constant 32 : index
      %swap3A_162 = tpu.vector_load %arg19[%swap3A_160, %swap3A_161] {strides = array<i32>} : memref<4x304xf32, #tpu.memory_space<vmem>>, vector<1x16xf32>,
      %swap3A_163 = vector.shape_cast %swap3A_162 : vector<1x16xf32> to vector<16xf32>
      %swap3A_164 = vector.shape_cast %mul3A_158 : vector<16xf32> to vector<1x16xf32>
      tpu.vector_store %arg19[%swap3A_160, %swap3A_161], %swap3A_164 {strides = array<i32>} : memref<4x304xf32, #tpu.memory_space<vmem>>, vector<1x16xf32>,
      %mul3A_165 = arith.constant 2.000000e-02 : f32
      %mul3A_166 = vector.broadcast %mul3A_165 : f32 to vector<16xf32>
      %mul3A_167 = arith.mulf %scan3A_137#3, %mul3A_166 : vector<16xf32>
      %swap3A_168 = arith.constant 0 : i32
      %swap3A_169 = arith.index_cast %swap3A_168 : i32 to index
      %swap3A_170 = arith.constant 48 : index
      %swap3A_171 = tpu.vector_load %arg19[%swap3A_169, %swap3A_170] {strides = array<i32>} : memref<4x304xf32, #tpu.memory_space<vmem>>, vector<1x16xf32>,
      %swap3A_172 = vector.shape_cast %swap3A_171 : vector<1x16xf32> to vector<16xf32>
      %swap3A_173 = vector.shape_cast %mul3A_167 : vector<16xf32> to vector<1x16xf32>
      tpu.vector_store %arg19[%swap3A_169, %swap3A_170], %swap3A_173 {strides = array<i32>} : memref<4x304xf32, #tpu.memory_space<vmem>>, vector<1x16xf32>,
      %mul3A_174 = arith.constant 2.000000e-02 : f32
      %mul3A_175 = vector.broadcast %mul3A_174 : f32 to vector<16xf32>
      %mul3A_176 = arith.mulf %scan3A_137#4, %mul3A_175 : vector<16xf32>
      %swap3A_177 = arith.constant 0 : i32
      %swap3A_178 = arith.index_cast %swap3A_177 : i32 to index
      %swap3A_179 = arith.constant 64 : index
      %swap3A_180 = tpu.vector_load %arg19[%swap3A_178, %swap3A_179] {strides = array<i32>} : memref<4x304xf32, #tpu.memory_space<vmem>>, vector<1x16xf32>,
      %swap3A_181 = vector.shape_cast %swap3A_180 : vector<1x16xf32> to vector<16xf32>
      %swap3A_182 = vector.shape_cast %mul3A_176 : vector<16xf32> to vector<1x16xf32>
      tpu.vector_store %arg19[%swap3A_178, %swap3A_179], %swap3A_182 {strides = array<i32>} : memref<4x304xf32, #tpu.memory_space<vmem>>, vector<1x16xf32>,
      %mul3A_183 = arith.constant 2.000000e-02 : f32
      %mul3A_184 = vector.broadcast %mul3A_183 : f32 to vector<16xf32>
      %mul3A_185 = arith.mulf %scan3A_137#5, %mul3A_184 : vector<16xf32>
      %swap3A_186 = arith.constant 0 : i32
      %swap3A_187 = arith.index_cast %swap3A_186 : i32 to index
      %swap3A_188 = arith.constant 80 : index
      %swap3A_189 = tpu.vector_load %arg19[%swap3A_187, %swap3A_188] {strides = array<i32>} : memref<4x304xf32, #tpu.memory_space<vmem>>, vector<1x16xf32>,
      %swap3A_190 = vector.shape_cast %swap3A_189 : vector<1x16xf32> to vector<16xf32>
      %swap3A_191 = vector.shape_cast %mul3A_185 : vector<16xf32> to vector<1x16xf32>
      tpu.vector_store %arg19[%swap3A_187, %swap3A_188], %swap3A_191 {strides = array<i32>} : memref<4x304xf32, #tpu.memory_space<vmem>>, vector<1x16xf32>,
      %mul3A_192 = arith.constant 2.000000e-02 : f32
      %mul3A_193 = vector.broadcast %mul3A_192 : f32 to vector<16xf32>
      %mul3A_194 = arith.mulf %scan3A_137#6, %mul3A_193 : vector<16xf32>
      %swap3A_195 = arith.constant 0 : i32
      %swap3A_196 = arith.index_cast %swap3A_195 : i32 to index
      %swap3A_197 = arith.constant 96 : index
      %swap3A_198 = tpu.vector_load %arg19[%swap3A_196, %swap3A_197] {strides = array<i32>} : memref<4x304xf32, #tpu.memory_space<vmem>>, vector<1x16xf32>,
      %swap3A_199 = vector.shape_cast %swap3A_198 : vector<1x16xf32> to vector<16xf32>
      %swap3A_200 = vector.shape_cast %mul3A_194 : vector<16xf32> to vector<1x16xf32>
      tpu.vector_store %arg19[%swap3A_196, %swap3A_197], %swap3A_200 {strides = array<i32>} : memref<4x304xf32, #tpu.memory_space<vmem>>, vector<1x16xf32>,
      %mul3A_201 = arith.constant 2.000000e-02 : f32
      %mul3A_202 = vector.broadcast %mul3A_201 : f32 to vector<16xf32>
      %mul3A_203 = arith.mulf %scan3A_137#7, %mul3A_202 : vector<16xf32>
      %swap3A_204 = arith.constant 0 : i32
      %swap3A_205 = arith.index_cast %swap3A_204 : i32 to index
      %swap3A_206 = arith.constant 112 : index
      %swap3A_207 = tpu.vector_load %arg19[%swap3A_205, %swap3A_206] {strides = array<i32>} : memref<4x304xf32, #tpu.memory_space<vmem>>, vector<1x16xf32>,
      %swap3A_208 = vector.shape_cast %swap3A_207 : vector<1x16xf32> to vector<16xf32>
      %swap3A_209 = vector.shape_cast %mul3A_203 : vector<16xf32> to vector<1x16xf32>
      tpu.vector_store %arg19[%swap3A_205, %swap3A_206], %swap3A_209 {strides = array<i32>} : memref<4x304xf32, #tpu.memory_space<vmem>>, vector<1x16xf32>,
      %mul3A_210 = arith.constant 2.000000e-02 : f32
      %mul3A_211 = vector.broadcast %mul3A_210 : f32 to vector<16xf32>
      %mul3A_212 = arith.mulf %scan3A_137#8, %mul3A_211 : vector<16xf32>
      %swap3A_213 = arith.constant 0 : i32
      %swap3A_214 = arith.index_cast %swap3A_213 : i32 to index
      %swap3A_215 = arith.constant 128 : index
      %swap3A_216 = tpu.vector_load %arg19[%swap3A_214, %swap3A_215] {strides = array<i32>} : memref<4x304xf32, #tpu.memory_space<vmem>>, vector<1x16xf32>,
      %swap3A_217 = vector.shape_cast %swap3A_216 : vector<1x16xf32> to vector<16xf32>
      %swap3A_218 = vector.shape_cast %mul3A_212 : vector<16xf32> to vector<1x16xf32>
      tpu.vector_store %arg19[%swap3A_214, %swap3A_215], %swap3A_218 {strides = array<i32>} : memref<4x304xf32, #tpu.memory_space<vmem>>, vector<1x16xf32>,
      %mul3A_219 = arith.constant 2.000000e-02 : f32
      %mul3A_220 = vector.broadcast %mul3A_219 : f32 to vector<16xf32>
      %mul3A_221 = arith.mulf %scan3A_137#9, %mul3A_220 : vector<16xf32>
      %swap3A_222 = arith.constant 0 : i32
      %swap3A_223 = arith.index_cast %swap3A_222 : i32 to index
      %swap3A_224 = arith.constant 144 : index
      %swap3A_225 = tpu.vector_load %arg19[%swap3A_223, %swap3A_224] {strides = array<i32>} : memref<4x304xf32, #tpu.memory_space<vmem>>, vector<1x16xf32>,
      %swap3A_226 = vector.shape_cast %swap3A_225 : vector<1x16xf32> to vector<16xf32>
      %swap3A_227 = vector.shape_cast %mul3A_221 : vector<16xf32> to vector<1x16xf32>
      tpu.vector_store %arg19[%swap3A_223, %swap3A_224], %swap3A_227 {strides = array<i32>} : memref<4x304xf32, #tpu.memory_space<vmem>>, vector<1x16xf32>,
      %mul3A_228 = arith.constant 2.000000e-02 : f32
      %mul3A_229 = vector.broadcast %mul3A_228 : f32 to vector<16xf32>
      %mul3A_230 = arith.mulf %scan3A_137#10, %mul3A_229 : vector<16xf32>
      %swap3A_231 = arith.constant 0 : i32
      %swap3A_232 = arith.index_cast %swap3A_231 : i32 to index
      %swap3A_233 = arith.constant 160 : index
      %swap3A_234 = tpu.vector_load %arg19[%swap3A_232, %swap3A_233] {strides = array<i32>} : memref<4x304xf32, #tpu.memory_space<vmem>>, vector<1x16xf32>,
      %swap3A_235 = vector.shape_cast %swap3A_234 : vector<1x16xf32> to vector<16xf32>
      %swap3A_236 = vector.shape_cast %mul3A_230 : vector<16xf32> to vector<1x16xf32>
      tpu.vector_store %arg19[%swap3A_232, %swap3A_233], %swap3A_236 {strides = array<i32>} : memref<4x304xf32, #tpu.memory_space<vmem>>, vector<1x16xf32>,
      %mul3A_237 = arith.constant 2.000000e-02 : f32
      %mul3A_238 = vector.broadcast %mul3A_237 : f32 to vector<16xf32>
      %mul3A_239 = arith.mulf %scan3A_137#11, %mul3A_238 : vector<16xf32>
      %swap3A_240 = arith.constant 0 : i32
      %swap3A_241 = arith.index_cast %swap3A_240 : i32 to index
      %swap3A_242 = arith.constant 176 : index
      %swap3A_243 = tpu.vector_load %arg19[%swap3A_241, %swap3A_242] {strides = array<i32>} : memref<4x304xf32, #tpu.memory_space<vmem>>, vector<1x16xf32>,
      %swap3A_244 = vector.shape_cast %swap3A_243 : vector<1x16xf32> to vector<16xf32>
      %swap3A_245 = vector.shape_cast %mul3A_239 : vector<16xf32> to vector<1x16xf32>
      tpu.vector_store %arg19[%swap3A_241, %swap3A_242], %swap3A_245 {strides = array<i32>} : memref<4x304xf32, #tpu.memory_space<vmem>>, vector<1x16xf32>,
      %mul3A_246 = arith.constant 2.000000e-02 : f32
      %mul3A_247 = vector.broadcast %mul3A_246 : f32 to vector<16xf32>
      %mul3A_248 = arith.mulf %scan3A_137#12, %mul3A_247 : vector<16xf32>
      %swap3A_249 = arith.constant 0 : i32
      %swap3A_250 = arith.index_cast %swap3A_249 : i32 to index
      %swap3A_251 = arith.constant 192 : index
      %swap3A_252 = tpu.vector_load %arg19[%swap3A_250, %swap3A_251] {strides = array<i32>} : memref<4x304xf32, #tpu.memory_space<vmem>>, vector<1x16xf32>,
      %swap3A_253 = vector.shape_cast %swap3A_252 : vector<1x16xf32> to vector<16xf32>
      %swap3A_254 = vector.shape_cast %mul3A_248 : vector<16xf32> to vector<1x16xf32>
      tpu.vector_store %arg19[%swap3A_250, %swap3A_251], %swap3A_254 {strides = array<i32>} : memref<4x304xf32, #tpu.memory_space<vmem>>, vector<1x16xf32>,
      %mul3A_255 = arith.constant 2.000000e-02 : f32
      %mul3A_256 = vector.broadcast %mul3A_255 : f32 to vector<16xf32>
      %mul3A_257 = arith.mulf %scan3A_137#13, %mul3A_256 : vector<16xf32>
      %swap3A_258 = arith.constant 0 : i32
      %swap3A_259 = arith.index_cast %swap3A_258 : i32 to index
      %swap3A_260 = arith.constant 208 : index
      %swap3A_261 = tpu.vector_load %arg19[%swap3A_259, %swap3A_260] {strides = array<i32>} : memref<4x304xf32, #tpu.memory_space<vmem>>, vector<1x16xf32>,
      %swap3A_262 = vector.shape_cast %swap3A_261 : vector<1x16xf32> to vector<16xf32>
      %swap3A_263 = vector.shape_cast %mul3A_257 : vector<16xf32> to vector<1x16xf32>
      tpu.vector_store %arg19[%swap3A_259, %swap3A_260], %swap3A_263 {strides = array<i32>} : memref<4x304xf32, #tpu.memory_space<vmem>>, vector<1x16xf32>,
      %mul3A_264 = arith.constant 2.000000e-02 : f32
      %mul3A_265 = vector.broadcast %mul3A_264 : f32 to vector<16xf32>
      %mul3A_266 = arith.mulf %scan3A_137#14, %mul3A_265 : vector<16xf32>
      %swap3A_267 = arith.constant 0 : i32
      %swap3A_268 = arith.index_cast %swap3A_267 : i32 to index
      %swap3A_269 = arith.constant 224 : index
      %swap3A_270 = tpu.vector_load %arg19[%swap3A_268, %swap3A_269] {strides = array<i32>} : memref<4x304xf32, #tpu.memory_space<vmem>>, vector<1x16xf32>,
      %swap3A_271 = vector.shape_cast %swap3A_270 : vector<1x16xf32> to vector<16xf32>
      %swap3A_272 = vector.shape_cast %mul3A_266 : vector<16xf32> to vector<1x16xf32>
      tpu.vector_store %arg19[%swap3A_268, %swap3A_269], %swap3A_272 {strides = array<i32>} : memref<4x304xf32, #tpu.memory_space<vmem>>, vector<1x16xf32>,
      %mul3A_273 = arith.constant 2.000000e-02 : f32
      %mul3A_274 = vector.broadcast %mul3A_273 : f32 to vector<16xf32>
      %mul3A_275 = arith.mulf %scan3A_137#15, %mul3A_274 : vector<16xf32>
      %swap3A_276 = arith.constant 0 : i32
      %swap3A_277 = arith.index_cast %swap3A_276 : i32 to index
      %swap3A_278 = arith.constant 240 : index
      %swap3A_279 = tpu.vector_load %arg19[%swap3A_277, %swap3A_278] {strides = array<i32>} : memref<4x304xf32, #tpu.memory_space<vmem>>, vector<1x16xf32>,
      %swap3A_280 = vector.shape_cast %swap3A_279 : vector<1x16xf32> to vector<16xf32>
      %swap3A_281 = vector.shape_cast %mul3A_275 : vector<16xf32> to vector<1x16xf32>
      tpu.vector_store %arg19[%swap3A_277, %swap3A_278], %swap3A_281 {strides = array<i32>} : memref<4x304xf32, #tpu.memory_space<vmem>>, vector<1x16xf32>,
      %mul3A_282 = arith.constant 2.000000e-02 : f32
      %mul3A_283 = vector.broadcast %mul3A_282 : f32 to vector<16xf32>
      %mul3A_284 = arith.mulf %scan3A_137#16, %mul3A_283 : vector<16xf32>
      %swap3A_285 = arith.constant 0 : i32
      %swap3A_286 = arith.index_cast %swap3A_285 : i32 to index
      %swap3A_287 = arith.constant 256 : index
      %swap3A_288 = tpu.vector_load %arg19[%swap3A_286, %swap3A_287] {strides = array<i32>} : memref<4x304xf32, #tpu.memory_space<vmem>>, vector<1x16xf32>,
      %swap3A_289 = vector.shape_cast %swap3A_288 : vector<1x16xf32> to vector<16xf32>
      %swap3A_290 = vector.shape_cast %mul3A_284 : vector<16xf32> to vector<1x16xf32>
      tpu.vector_store %arg19[%swap3A_286, %swap3A_287], %swap3A_290 {strides = array<i32>} : memref<4x304xf32, #tpu.memory_space<vmem>>, vector<1x16xf32>,
      %mul3A_291 = arith.constant 2.000000e-02 : f32
      %mul3A_292 = vector.broadcast %mul3A_291 : f32 to vector<16xf32>
      %mul3A_293 = arith.mulf %scan3A_137#17, %mul3A_292 : vector<16xf32>
      %swap3A_294 = arith.constant 0 : i32
      %swap3A_295 = arith.index_cast %swap3A_294 : i32 to index
      %swap3A_296 = arith.constant 272 : index
      %swap3A_297 = tpu.vector_load %arg19[%swap3A_295, %swap3A_296] {strides = array<i32>} : memref<4x304xf32, #tpu.memory_space<vmem>>, vector<1x16xf32>,
      %swap3A_298 = vector.shape_cast %swap3A_297 : vector<1x16xf32> to vector<16xf32>
      %swap3A_299 = vector.shape_cast %mul3A_293 : vector<16xf32> to vector<1x16xf32>
      tpu.vector_store %arg19[%swap3A_295, %swap3A_296], %swap3A_299 {strides = array<i32>} : memref<4x304xf32, #tpu.memory_space<vmem>>, vector<1x16xf32>,
      %mul3A_300 = arith.constant 2.000000e-02 : f32
      %mul3A_301 = vector.broadcast %mul3A_300 : f32 to vector<16xf32>
      %mul3A_302 = arith.mulf %scan3A_137#18, %mul3A_301 : vector<16xf32>
      %swap3A_303 = arith.constant 0 : i32
      %swap3A_304 = arith.index_cast %swap3A_303 : i32 to index
      %swap3A_305 = arith.constant 288 : index
      %swap3A_306 = tpu.vector_load %arg19[%swap3A_304, %swap3A_305] {strides = array<i32>} : memref<4x304xf32, #tpu.memory_space<vmem>>, vector<1x16xf32>,
      %swap3A_307 = vector.shape_cast %swap3A_306 : vector<1x16xf32> to vector<16xf32>
      %swap3A_308 = vector.shape_cast %mul3A_302 : vector<16xf32> to vector<1x16xf32>
      tpu.vector_store %arg19[%swap3A_304, %swap3A_305], %swap3A_308 {strides = array<i32>} : memref<4x304xf32, #tpu.memory_space<vmem>>, vector<1x16xf32>,
      %mul3A_309 = arith.constant 4 : i32
      %mul3A_310 = arith.muli %scan3A_70, %mul3A_309 : i32
      %add3A_311 = arith.constant 1 : i32
      %add3A_312 = arith.addi %mul3A_310, %add3A_311 : i32
      %add3A_313 = arith.constant 3 : i32
      %add3A_314 = arith.addi %add3A_312, %add3A_313 : i32
      %lt3A_315 = arith.constant 128 : i32
      %lt3A_316 = arith.cmpi slt, %add3A_314, %lt3A_315 : i32
      %convert_element_type3A_317 = arith.extui %lt3A_316 : i1 to i32
      %cond3A_318 = arith.constant 0 : i32
      %cond3A_319 = arith.cmpi ne, %convert_element_type3A_317, %cond3A_318 : i32
      scf.if %cond3A_319 {
        %dma_start3A_1044 = arith.constant 0 : i32
        %dma_start3A_1045 = tpu.memref_slice %arg6[%add3A_314, %dma_start3A_1044] : memref<128x50xi32, #tpu.memory_space<vmem>> -> memref<1x50xi32, #tpu.memory_space<vmem>>
        %dma_start3A_1046 = tpu.memref_squeeze %dma_start3A_1045 : memref<1x50xi32, #tpu.memory_space<vmem>> -> memref<50xi32, #tpu.memory_space<vmem>>
        %dma_start3A_1047 = arith.constant 0 : i32
        %dma_start3A_1048 = arith.constant 0 : i32
        %dma_start3A_1049 = tpu.memref_slice %arg3[%dma_start3A_1047, %dma_start3A_1048] : memref<1000000x300xf32, #tpu.memory_space<hbm>> -> memref<1000000x128xf32, #tpu.memory_space<hbm>>
        tpu.enqueue_indirect_dma source(%dma_start3A_1049 : memref<1000000x128xf32, #tpu.memory_space<hbm>>) target(%arg7 : memref<50x128xf32, #tpu.memory_space<vmem>>) offsets(%dma_start3A_1046 : memref<50xi32, #tpu.memory_space<vmem>>) semaphore(%arg20 : memref<!tpu.dma_semaphore, #tpu.memory_space<semaphore_mem>>)
        %dma_start3A_1050 = arith.constant 0 : i32
        %dma_start3A_1051 = tpu.memref_slice %arg6[%add3A_314, %dma_start3A_1050] : memref<128x50xi32, #tpu.memory_space<vmem>> -> memref<1x50xi32, #tpu.memory_space<vmem>>
        %dma_start3A_1052 = tpu.memref_squeeze %dma_start3A_1051 : memref<1x50xi32, #tpu.memory_space<vmem>> -> memref<50xi32, #tpu.memory_space<vmem>>
        %dma_start3A_1053 = arith.constant 0 : i32
        %dma_start3A_1054 = arith.constant 128 : i32
        %dma_start3A_1055 = tpu.memref_slice %arg3[%dma_start3A_1053, %dma_start3A_1054] : memref<1000000x300xf32, #tpu.memory_space<hbm>> -> memref<1000000x128xf32, #tpu.memory_space<hbm>>
        tpu.enqueue_indirect_dma source(%dma_start3A_1055 : memref<1000000x128xf32, #tpu.memory_space<hbm>>) target(%arg11 : memref<50x128xf32, #tpu.memory_space<vmem>>) offsets(%dma_start3A_1052 : memref<50xi32, #tpu.memory_space<vmem>>) semaphore(%arg20 : memref<!tpu.dma_semaphore, #tpu.memory_space<semaphore_mem>>)
        %dma_start3A_1056 = arith.constant 0 : i32
        %dma_start3A_1057 = tpu.memref_slice %arg6[%add3A_314, %dma_start3A_1056] : memref<128x50xi32, #tpu.memory_space<vmem>> -> memref<1x50xi32, #tpu.memory_space<vmem>>
        %dma_start3A_1058 = tpu.memref_squeeze %dma_start3A_1057 : memref<1x50xi32, #tpu.memory_space<vmem>> -> memref<50xi32, #tpu.memory_space<vmem>>
        %dma_start3A_1059 = arith.constant 0 : i32
        %dma_start3A_1060 = arith.constant 0 : i32
        %dma_start3A_1061 = tpu.memref_slice %arg4[%dma_start3A_1059, %dma_start3A_1060] : memref<1000000x128xf32, #tpu.memory_space<hbm>> -> memref<1000000x128xf32, #tpu.memory_space<hbm>>
        tpu.enqueue_indirect_dma source(%dma_start3A_1061 : memref<1000000x128xf32, #tpu.memory_space<hbm>>) target(%arg15 : memref<50x128xf32, #tpu.memory_space<vmem>>) offsets(%dma_start3A_1058 : memref<50xi32, #tpu.memory_space<vmem>>) semaphore(%arg20 : memref<!tpu.dma_semaphore, #tpu.memory_space<semaphore_mem>>)
      } else {
      }
      %dma_wait3A_320 = arith.constant 0 : i32
      %dma_wait3A_321 = tpu.memref_slice %arg6[%add3A_312, %dma_wait3A_320] : memref<128x50xi32, #tpu.memory_space<vmem>> -> memref<1x50xi32, #tpu.memory_space<vmem>>
      %dma_wait3A_322 = tpu.memref_squeeze %dma_wait3A_321 : memref<1x50xi32, #tpu.memory_space<vmem>> -> memref<50xi32, #tpu.memory_space<vmem>>
      %dma_wait3A_323 = arith.constant 0 : i32
      %dma_wait3A_324 = arith.constant 0 : i32
      %dma_wait3A_325 = tpu.memref_slice %arg3[%dma_wait3A_323, %dma_wait3A_324] : memref<1000000x300xf32, #tpu.memory_space<hbm>> -> memref<1000000x128xf32, #tpu.memory_space<hbm>>
      tpu.wait_indirect_dma semaphore(%arg21 : memref<!tpu.dma_semaphore, #tpu.memory_space<semaphore_mem>>) src(%dma_wait3A_325 : memref<1000000x128xf32, #tpu.memory_space<hbm>>) dst(%arg8 : memref<50x128xf32, #tpu.memory_space<vmem>>)
      %dma_wait3A_326 = arith.constant 0 : i32
      %dma_wait3A_327 = tpu.memref_slice %arg6[%add3A_312, %dma_wait3A_326] : memref<128x50xi32, #tpu.memory_space<vmem>> -> memref<1x50xi32, #tpu.memory_space<vmem>>
      %dma_wait3A_328 = tpu.memref_squeeze %dma_wait3A_327 : memref<1x50xi32, #tpu.memory_space<vmem>> -> memref<50xi32, #tpu.memory_space<vmem>>
      %dma_wait3A_329 = arith.constant 0 : i32
      %dma_wait3A_330 = arith.constant 128 : i32
      %dma_wait3A_331 = tpu.memref_slice %arg3[%dma_wait3A_329, %dma_wait3A_330] : memref<1000000x300xf32, #tpu.memory_space<hbm>> -> memref<1000000x128xf32, #tpu.memory_space<hbm>>
      tpu.wait_indirect_dma semaphore(%arg21 : memref<!tpu.dma_semaphore, #tpu.memory_space<semaphore_mem>>) src(%dma_wait3A_331 : memref<1000000x128xf32, #tpu.memory_space<hbm>>) dst(%arg12 : memref<50x128xf32, #tpu.memory_space<vmem>>)
      %dma_wait3A_332 = arith.constant 0 : i32
      %dma_wait3A_333 = tpu.memref_slice %arg6[%add3A_312, %dma_wait3A_332] : memref<128x50xi32, #tpu.memory_space<vmem>> -> memref<1x50xi32, #tpu.memory_space<vmem>>
      %dma_wait3A_334 = tpu.memref_squeeze %dma_wait3A_333 : memref<1x50xi32, #tpu.memory_space<vmem>> -> memref<50xi32, #tpu.memory_space<vmem>>
      %dma_wait3A_335 = arith.constant 0 : i32
      %dma_wait3A_336 = arith.constant 0 : i32
      %dma_wait3A_337 = tpu.memref_slice %arg4[%dma_wait3A_335, %dma_wait3A_336] : memref<1000000x128xf32, #tpu.memory_space<hbm>> -> memref<1000000x128xf32, #tpu.memory_space<hbm>>
      tpu.wait_indirect_dma semaphore(%arg21 : memref<!tpu.dma_semaphore, #tpu.memory_space<semaphore_mem>>) src(%dma_wait3A_337 : memref<1000000x128xf32, #tpu.memory_space<hbm>>) dst(%arg16 : memref<50x128xf32, #tpu.memory_space<vmem>>)
      %broadcast_in_dim3A_338 = arith.constant 0.000000e+00 : f32
      %broadcast_in_dim3A_339 = vector.broadcast %broadcast_in_dim3A_338 : f32 to vector<16xf32>
      %broadcast_in_dim3A_340 = arith.constant 0.000000e+00 : f32
      %broadcast_in_dim3A_341 = vector.broadcast %broadcast_in_dim3A_340 : f32 to vector<16xf32>
      %broadcast_in_dim3A_342 = arith.constant 0.000000e+00 : f32
      %broadcast_in_dim3A_343 = vector.broadcast %broadcast_in_dim3A_342 : f32 to vector<16xf32>
      %broadcast_in_dim3A_344 = arith.constant 0.000000e+00 : f32
      %broadcast_in_dim3A_345 = vector.broadcast %broadcast_in_dim3A_344 : f32 to vector<16xf32>
      %broadcast_in_dim3A_346 = arith.constant 0.000000e+00 : f32
      %broadcast_in_dim3A_347 = vector.broadcast %broadcast_in_dim3A_346 : f32 to vector<16xf32>
      %broadcast_in_dim3A_348 = arith.constant 0.000000e+00 : f32
      %broadcast_in_dim3A_349 = vector.broadcast %broadcast_in_dim3A_348 : f32 to vector<16xf32>
      %broadcast_in_dim3A_350 = arith.constant 0.000000e+00 : f32
      %broadcast_in_dim3A_351 = vector.broadcast %broadcast_in_dim3A_350 : f32 to vector<16xf32>
      %broadcast_in_dim3A_352 = arith.constant 0.000000e+00 : f32
      %broadcast_in_dim3A_353 = vector.broadcast %broadcast_in_dim3A_352 : f32 to vector<16xf32>
      %broadcast_in_dim3A_354 = arith.constant 0.000000e+00 : f32
      %broadcast_in_dim3A_355 = vector.broadcast %broadcast_in_dim3A_354 : f32 to vector<16xf32>
      %broadcast_in_dim3A_356 = arith.constant 0.000000e+00 : f32
      %broadcast_in_dim3A_357 = vector.broadcast %broadcast_in_dim3A_356 : f32 to vector<16xf32>
      %broadcast_in_dim3A_358 = arith.constant 0.000000e+00 : f32
      %broadcast_in_dim3A_359 = vector.broadcast %broadcast_in_dim3A_358 : f32 to vector<16xf32>
      %broadcast_in_dim3A_360 = arith.constant 0.000000e+00 : f32
      %broadcast_in_dim3A_361 = vector.broadcast %broadcast_in_dim3A_360 : f32 to vector<16xf32>
      %broadcast_in_dim3A_362 = arith.constant 0.000000e+00 : f32
      %broadcast_in_dim3A_363 = vector.broadcast %broadcast_in_dim3A_362 : f32 to vector<16xf32>
      %broadcast_in_dim3A_364 = arith.constant 0.000000e+00 : f32
      %broadcast_in_dim3A_365 = vector.broadcast %broadcast_in_dim3A_364 : f32 to vector<16xf32>
      %broadcast_in_dim3A_366 = arith.constant 0.000000e+00 : f32
      %broadcast_in_dim3A_367 = vector.broadcast %broadcast_in_dim3A_366 : f32 to vector<16xf32>
      %broadcast_in_dim3A_368 = arith.constant 0.000000e+00 : f32
      %broadcast_in_dim3A_369 = vector.broadcast %broadcast_in_dim3A_368 : f32 to vector<16xf32>
      %broadcast_in_dim3A_370 = arith.constant 0.000000e+00 : f32
      %broadcast_in_dim3A_371 = vector.broadcast %broadcast_in_dim3A_370 : f32 to vector<16xf32>
      %broadcast_in_dim3A_372 = arith.constant 0.000000e+00 : f32
      %broadcast_in_dim3A_373 = vector.broadcast %broadcast_in_dim3A_372 : f32 to vector<16xf32>
      %broadcast_in_dim3A_374 = arith.constant 0.000000e+00 : f32
      %broadcast_in_dim3A_375 = vector.broadcast %broadcast_in_dim3A_374 : f32 to vector<16xf32>
      %scan3A_376 = arith.constant 0 : i32
      %scan3A_377 = arith.constant 50 : i32
      %scan3A_378 = arith.addi %scan3A_376, %scan3A_377 : i32
      %scan3A_379 = arith.constant 1 : i32
      %scan3A_380:19 = scf.for %scan3A_1044 = %scan3A_376 to %scan3A_378 step %scan3A_379 iter_args(%scan3A_1045 = %broadcast_in_dim3A_339, %scan3A_1046 = %broadcast_in_dim3A_341, %scan3A_1047 = %broadcast_in_dim3A_343, %scan3A_1048 = %broadcast_in_dim3A_345, %scan3A_1049 = %broadcast_in_dim3A_347, %scan3A_1050 = %broadcast_in_dim3A_349, %scan3A_1051 = %broadcast_in_dim3A_351, %scan3A_1052 = %broadcast_in_dim3A_353, %scan3A_1053 = %broadcast_in_dim3A_355, %scan3A_1054 = %broadcast_in_dim3A_357, %scan3A_1055 = %broadcast_in_dim3A_359, %scan3A_1056 = %broadcast_in_dim3A_361, %scan3A_1057 = %broadcast_in_dim3A_363, %scan3A_1058 = %broadcast_in_dim3A_365, %scan3A_1059 = %broadcast_in_dim3A_367, %scan3A_1060 = %broadcast_in_dim3A_369, %scan3A_1061 = %broadcast_in_dim3A_371, %scan3A_1062 = %broadcast_in_dim3A_373, %scan3A_1063 = %broadcast_in_dim3A_375) -> (vector<16xf32>, vector<16xf32>, vector<16xf32>, vector<16xf32>, vector<16xf32>, vector<16xf32>, vector<16xf32>, vector<16xf32>, vector<16xf32>, vector<16xf32>, vector<16xf32>, vector<16xf32>, vector<16xf32>, vector<16xf32>, vector<16xf32>, vector<16xf32>, vector<16xf32>, vector<16xf32>, vector<16xf32>)  : i32 {
        %get3A = arith.index_cast %scan3A_1044 : i32 to index
        %get3A_1064 = arith.constant 0 : index
        %get3A_1065 = tpu.vector_load %arg8[%get3A, %get3A_1064] {strides = array<i32>} : memref<50x128xf32, #tpu.memory_space<vmem>>, vector<1x16xf32>,
        %get3A_1066 = vector.shape_cast %get3A_1065 : vector<1x16xf32> to vector<16xf32>
        %add3A_1067 = arith.addf %scan3A_1045, %get3A_1066 : vector<16xf32>
        %get3A_1068 = arith.index_cast %scan3A_1044 : i32 to index
        %get3A_1069 = arith.constant 16 : index
        %get3A_1070 = tpu.vector_load %arg8[%get3A_1068, %get3A_1069] {strides = array<i32>} : memref<50x128xf32, #tpu.memory_space<vmem>>, vector<1x16xf32>,
        %get3A_1071 = vector.shape_cast %get3A_1070 : vector<1x16xf32> to vector<16xf32>
        %add3A_1072 = arith.addf %scan3A_1046, %get3A_1071 : vector<16xf32>
        %get3A_1073 = arith.index_cast %scan3A_1044 : i32 to index
        %get3A_1074 = arith.constant 32 : index
        %get3A_1075 = tpu.vector_load %arg8[%get3A_1073, %get3A_1074] {strides = array<i32>} : memref<50x128xf32, #tpu.memory_space<vmem>>, vector<1x16xf32>,
        %get3A_1076 = vector.shape_cast %get3A_1075 : vector<1x16xf32> to vector<16xf32>
        %add3A_1077 = arith.addf %scan3A_1047, %get3A_1076 : vector<16xf32>
        %get3A_1078 = arith.index_cast %scan3A_1044 : i32 to index
        %get3A_1079 = arith.constant 48 : index
        %get3A_1080 = tpu.vector_load %arg8[%get3A_1078, %get3A_1079] {strides = array<i32>} : memref<50x128xf32, #tpu.memory_space<vmem>>, vector<1x16xf32>,
        %get3A_1081 = vector.shape_cast %get3A_1080 : vector<1x16xf32> to vector<16xf32>
        %add3A_1082 = arith.addf %scan3A_1048, %get3A_1081 : vector<16xf32>
        %get3A_1083 = arith.index_cast %scan3A_1044 : i32 to index
        %get3A_1084 = arith.constant 64 : index
        %get3A_1085 = tpu.vector_load %arg8[%get3A_1083, %get3A_1084] {strides = array<i32>} : memref<50x128xf32, #tpu.memory_space<vmem>>, vector<1x16xf32>,
        %get3A_1086 = vector.shape_cast %get3A_1085 : vector<1x16xf32> to vector<16xf32>
        %add3A_1087 = arith.addf %scan3A_1049, %get3A_1086 : vector<16xf32>
        %get3A_1088 = arith.index_cast %scan3A_1044 : i32 to index
        %get3A_1089 = arith.constant 80 : index
        %get3A_1090 = tpu.vector_load %arg8[%get3A_1088, %get3A_1089] {strides = array<i32>} : memref<50x128xf32, #tpu.memory_space<vmem>>, vector<1x16xf32>,
        %get3A_1091 = vector.shape_cast %get3A_1090 : vector<1x16xf32> to vector<16xf32>
        %add3A_1092 = arith.addf %scan3A_1050, %get3A_1091 : vector<16xf32>
        %get3A_1093 = arith.index_cast %scan3A_1044 : i32 to index
        %get3A_1094 = arith.constant 96 : index
        %get3A_1095 = tpu.vector_load %arg8[%get3A_1093, %get3A_1094] {strides = array<i32>} : memref<50x128xf32, #tpu.memory_space<vmem>>, vector<1x16xf32>,
        %get3A_1096 = vector.shape_cast %get3A_1095 : vector<1x16xf32> to vector<16xf32>
        %add3A_1097 = arith.addf %scan3A_1051, %get3A_1096 : vector<16xf32>
        %get3A_1098 = arith.index_cast %scan3A_1044 : i32 to index
        %get3A_1099 = arith.constant 112 : index
        %get3A_1100 = tpu.vector_load %arg8[%get3A_1098, %get3A_1099] {strides = array<i32>} : memref<50x128xf32, #tpu.memory_space<vmem>>, vector<1x16xf32>,
        %get3A_1101 = vector.shape_cast %get3A_1100 : vector<1x16xf32> to vector<16xf32>
        %add3A_1102 = arith.addf %scan3A_1052, %get3A_1101 : vector<16xf32>
        %get3A_1103 = arith.index_cast %scan3A_1044 : i32 to index
        %get3A_1104 = arith.constant 0 : index
        %get3A_1105 = tpu.vector_load %arg12[%get3A_1103, %get3A_1104] {strides = array<i32>} : memref<50x128xf32, #tpu.memory_space<vmem>>, vector<1x16xf32>,
        %get3A_1106 = vector.shape_cast %get3A_1105 : vector<1x16xf32> to vector<16xf32>
        %add3A_1107 = arith.addf %scan3A_1053, %get3A_1106 : vector<16xf32>
        %get3A_1108 = arith.index_cast %scan3A_1044 : i32 to index
        %get3A_1109 = arith.constant 16 : index
        %get3A_1110 = tpu.vector_load %arg12[%get3A_1108, %get3A_1109] {strides = array<i32>} : memref<50x128xf32, #tpu.memory_space<vmem>>, vector<1x16xf32>,
        %get3A_1111 = vector.shape_cast %get3A_1110 : vector<1x16xf32> to vector<16xf32>
        %add3A_1112 = arith.addf %scan3A_1054, %get3A_1111 : vector<16xf32>
        %get3A_1113 = arith.index_cast %scan3A_1044 : i32 to index
        %get3A_1114 = arith.constant 32 : index
        %get3A_1115 = tpu.vector_load %arg12[%get3A_1113, %get3A_1114] {strides = array<i32>} : memref<50x128xf32, #tpu.memory_space<vmem>>, vector<1x16xf32>,
        %get3A_1116 = vector.shape_cast %get3A_1115 : vector<1x16xf32> to vector<16xf32>
        %add3A_1117 = arith.addf %scan3A_1055, %get3A_1116 : vector<16xf32>
        %get3A_1118 = arith.index_cast %scan3A_1044 : i32 to index
        %get3A_1119 = arith.constant 48 : index
        %get3A_1120 = tpu.vector_load %arg12[%get3A_1118, %get3A_1119] {strides = array<i32>} : memref<50x128xf32, #tpu.memory_space<vmem>>, vector<1x16xf32>,
        %get3A_1121 = vector.shape_cast %get3A_1120 : vector<1x16xf32> to vector<16xf32>
        %add3A_1122 = arith.addf %scan3A_1056, %get3A_1121 : vector<16xf32>
        %get3A_1123 = arith.index_cast %scan3A_1044 : i32 to index
        %get3A_1124 = arith.constant 64 : index
        %get3A_1125 = tpu.vector_load %arg12[%get3A_1123, %get3A_1124] {strides = array<i32>} : memref<50x128xf32, #tpu.memory_space<vmem>>, vector<1x16xf32>,
        %get3A_1126 = vector.shape_cast %get3A_1125 : vector<1x16xf32> to vector<16xf32>
        %add3A_1127 = arith.addf %scan3A_1057, %get3A_1126 : vector<16xf32>
        %get3A_1128 = arith.index_cast %scan3A_1044 : i32 to index
        %get3A_1129 = arith.constant 80 : index
        %get3A_1130 = tpu.vector_load %arg12[%get3A_1128, %get3A_1129] {strides = array<i32>} : memref<50x128xf32, #tpu.memory_space<vmem>>, vector<1x16xf32>,
        %get3A_1131 = vector.shape_cast %get3A_1130 : vector<1x16xf32> to vector<16xf32>
        %add3A_1132 = arith.addf %scan3A_1058, %get3A_1131 : vector<16xf32>
        %get3A_1133 = arith.index_cast %scan3A_1044 : i32 to index
        %get3A_1134 = arith.constant 96 : index
        %get3A_1135 = tpu.vector_load %arg12[%get3A_1133, %get3A_1134] {strides = array<i32>} : memref<50x128xf32, #tpu.memory_space<vmem>>, vector<1x16xf32>,
        %get3A_1136 = vector.shape_cast %get3A_1135 : vector<1x16xf32> to vector<16xf32>
        %add3A_1137 = arith.addf %scan3A_1059, %get3A_1136 : vector<16xf32>
        %get3A_1138 = arith.index_cast %scan3A_1044 : i32 to index
        %get3A_1139 = arith.constant 112 : index
        %get3A_1140 = tpu.vector_load %arg12[%get3A_1138, %get3A_1139] {strides = array<i32>} : memref<50x128xf32, #tpu.memory_space<vmem>>, vector<1x16xf32>,
        %get3A_1141 = vector.shape_cast %get3A_1140 : vector<1x16xf32> to vector<16xf32>
        %add3A_1142 = arith.addf %scan3A_1060, %get3A_1141 : vector<16xf32>
        %get3A_1143 = arith.index_cast %scan3A_1044 : i32 to index
        %get3A_1144 = arith.constant 0 : index
        %get3A_1145 = tpu.vector_load %arg16[%get3A_1143, %get3A_1144] {strides = array<i32>} : memref<50x128xf32, #tpu.memory_space<vmem>>, vector<1x16xf32>,
        %get3A_1146 = vector.shape_cast %get3A_1145 : vector<1x16xf32> to vector<16xf32>
        %add3A_1147 = arith.addf %scan3A_1061, %get3A_1146 : vector<16xf32>
        %get3A_1148 = arith.index_cast %scan3A_1044 : i32 to index
        %get3A_1149 = arith.constant 16 : index
        %get3A_1150 = tpu.vector_load %arg16[%get3A_1148, %get3A_1149] {strides = array<i32>} : memref<50x128xf32, #tpu.memory_space<vmem>>, vector<1x16xf32>,
        %get3A_1151 = vector.shape_cast %get3A_1150 : vector<1x16xf32> to vector<16xf32>
        %add3A_1152 = arith.addf %scan3A_1062, %get3A_1151 : vector<16xf32>
        %get3A_1153 = arith.index_cast %scan3A_1044 : i32 to index
        %get3A_1154 = arith.constant 32 : index
        %get3A_1155 = tpu.vector_load %arg16[%get3A_1153, %get3A_1154] {strides = array<i32>} : memref<50x128xf32, #tpu.memory_space<vmem>>, vector<1x16xf32>,
        %get3A_1156 = vector.shape_cast %get3A_1155 : vector<1x16xf32> to vector<16xf32>
        %add3A_1157 = arith.addf %scan3A_1063, %get3A_1156 : vector<16xf32>
        scf.yield %add3A_1067, %add3A_1072, %add3A_1077, %add3A_1082, %add3A_1087, %add3A_1092, %add3A_1097, %add3A_1102, %add3A_1107, %add3A_1112, %add3A_1117, %add3A_1122, %add3A_1127, %add3A_1132, %add3A_1137, %add3A_1142, %add3A_1147, %add3A_1152, %add3A_1157 : vector<16xf32>, vector<16xf32>, vector<16xf32>, vector<16xf32>, vector<16xf32>, vector<16xf32>, vector<16xf32>, vector<16xf32>, vector<16xf32>, vector<16xf32>, vector<16xf32>, vector<16xf32>, vector<16xf32>, vector<16xf32>, vector<16xf32>, vector<16xf32>, vector<16xf32>, vector<16xf32>, vector<16xf32>
      }
      %scan3A_381 = arith.constant 50 : i32
      %mul3A_382 = arith.constant 2.000000e-02 : f32
      %mul3A_383 = vector.broadcast %mul3A_382 : f32 to vector<16xf32>
      %mul3A_384 = arith.mulf %scan3A_380#0, %mul3A_383 : vector<16xf32>
      %swap3A_385 = arith.constant 1 : i32
      %swap3A_386 = arith.index_cast %swap3A_385 : i32 to index
      %swap3A_387 = arith.constant 0 : index
      %swap3A_388 = tpu.vector_load %arg19[%swap3A_386, %swap3A_387] {strides = array<i32>} : memref<4x304xf32, #tpu.memory_space<vmem>>, vector<1x16xf32>,
      %swap3A_389 = vector.shape_cast %swap3A_388 : vector<1x16xf32> to vector<16xf32>
      %swap3A_390 = vector.shape_cast %mul3A_384 : vector<16xf32> to vector<1x16xf32>
      tpu.vector_store %arg19[%swap3A_386, %swap3A_387], %swap3A_390 {strides = array<i32>} : memref<4x304xf32, #tpu.memory_space<vmem>>, vector<1x16xf32>,
      %mul3A_391 = arith.constant 2.000000e-02 : f32
      %mul3A_392 = vector.broadcast %mul3A_391 : f32 to vector<16xf32>
      %mul3A_393 = arith.mulf %scan3A_380#1, %mul3A_392 : vector<16xf32>
      %swap3A_394 = arith.constant 1 : i32
      %swap3A_395 = arith.index_cast %swap3A_394 : i32 to index
      %swap3A_396 = arith.constant 16 : index
      %swap3A_397 = tpu.vector_load %arg19[%swap3A_395, %swap3A_396] {strides = array<i32>} : memref<4x304xf32, #tpu.memory_space<vmem>>, vector<1x16xf32>,
      %swap3A_398 = vector.shape_cast %swap3A_397 : vector<1x16xf32> to vector<16xf32>
      %swap3A_399 = vector.shape_cast %mul3A_393 : vector<16xf32> to vector<1x16xf32>
      tpu.vector_store %arg19[%swap3A_395, %swap3A_396], %swap3A_399 {strides = array<i32>} : memref<4x304xf32, #tpu.memory_space<vmem>>, vector<1x16xf32>,
      %mul3A_400 = arith.constant 2.000000e-02 : f32
      %mul3A_401 = vector.broadcast %mul3A_400 : f32 to vector<16xf32>
      %mul3A_402 = arith.mulf %scan3A_380#2, %mul3A_401 : vector<16xf32>
      %swap3A_403 = arith.constant 1 : i32
      %swap3A_404 = arith.index_cast %swap3A_403 : i32 to index
      %swap3A_405 = arith.constant 32 : index
      %swap3A_406 = tpu.vector_load %arg19[%swap3A_404, %swap3A_405] {strides = array<i32>} : memref<4x304xf32, #tpu.memory_space<vmem>>, vector<1x16xf32>,
      %swap3A_407 = vector.shape_cast %swap3A_406 : vector<1x16xf32> to vector<16xf32>
      %swap3A_408 = vector.shape_cast %mul3A_402 : vector<16xf32> to vector<1x16xf32>
      tpu.vector_store %arg19[%swap3A_404, %swap3A_405], %swap3A_408 {strides = array<i32>} : memref<4x304xf32, #tpu.memory_space<vmem>>, vector<1x16xf32>,
      %mul3A_409 = arith.constant 2.000000e-02 : f32
      %mul3A_410 = vector.broadcast %mul3A_409 : f32 to vector<16xf32>
      %mul3A_411 = arith.mulf %scan3A_380#3, %mul3A_410 : vector<16xf32>
      %swap3A_412 = arith.constant 1 : i32
      %swap3A_413 = arith.index_cast %swap3A_412 : i32 to index
      %swap3A_414 = arith.constant 48 : index
      %swap3A_415 = tpu.vector_load %arg19[%swap3A_413, %swap3A_414] {strides = array<i32>} : memref<4x304xf32, #tpu.memory_space<vmem>>, vector<1x16xf32>,
      %swap3A_416 = vector.shape_cast %swap3A_415 : vector<1x16xf32> to vector<16xf32>
      %swap3A_417 = vector.shape_cast %mul3A_411 : vector<16xf32> to vector<1x16xf32>
      tpu.vector_store %arg19[%swap3A_413, %swap3A_414], %swap3A_417 {strides = array<i32>} : memref<4x304xf32, #tpu.memory_space<vmem>>, vector<1x16xf32>,
      %mul3A_418 = arith.constant 2.000000e-02 : f32
      %mul3A_419 = vector.broadcast %mul3A_418 : f32 to vector<16xf32>
      %mul3A_420 = arith.mulf %scan3A_380#4, %mul3A_419 : vector<16xf32>
      %swap3A_421 = arith.constant 1 : i32
      %swap3A_422 = arith.index_cast %swap3A_421 : i32 to index
      %swap3A_423 = arith.constant 64 : index
      %swap3A_424 = tpu.vector_load %arg19[%swap3A_422, %swap3A_423] {strides = array<i32>} : memref<4x304xf32, #tpu.memory_space<vmem>>, vector<1x16xf32>,
      %swap3A_425 = vector.shape_cast %swap3A_424 : vector<1x16xf32> to vector<16xf32>
      %swap3A_426 = vector.shape_cast %mul3A_420 : vector<16xf32> to vector<1x16xf32>
      tpu.vector_store %arg19[%swap3A_422, %swap3A_423], %swap3A_426 {strides = array<i32>} : memref<4x304xf32, #tpu.memory_space<vmem>>, vector<1x16xf32>,
      %mul3A_427 = arith.constant 2.000000e-02 : f32
      %mul3A_428 = vector.broadcast %mul3A_427 : f32 to vector<16xf32>
      %mul3A_429 = arith.mulf %scan3A_380#5, %mul3A_428 : vector<16xf32>
      %swap3A_430 = arith.constant 1 : i32
      %swap3A_431 = arith.index_cast %swap3A_430 : i32 to index
      %swap3A_432 = arith.constant 80 : index
      %swap3A_433 = tpu.vector_load %arg19[%swap3A_431, %swap3A_432] {strides = array<i32>} : memref<4x304xf32, #tpu.memory_space<vmem>>, vector<1x16xf32>,
      %swap3A_434 = vector.shape_cast %swap3A_433 : vector<1x16xf32> to vector<16xf32>
      %swap3A_435 = vector.shape_cast %mul3A_429 : vector<16xf32> to vector<1x16xf32>
      tpu.vector_store %arg19[%swap3A_431, %swap3A_432], %swap3A_435 {strides = array<i32>} : memref<4x304xf32, #tpu.memory_space<vmem>>, vector<1x16xf32>,
      %mul3A_436 = arith.constant 2.000000e-02 : f32
      %mul3A_437 = vector.broadcast %mul3A_436 : f32 to vector<16xf32>
      %mul3A_438 = arith.mulf %scan3A_380#6, %mul3A_437 : vector<16xf32>
      %swap3A_439 = arith.constant 1 : i32
      %swap3A_440 = arith.index_cast %swap3A_439 : i32 to index
      %swap3A_441 = arith.constant 96 : index
      %swap3A_442 = tpu.vector_load %arg19[%swap3A_440, %swap3A_441] {strides = array<i32>} : memref<4x304xf32, #tpu.memory_space<vmem>>, vector<1x16xf32>,
      %swap3A_443 = vector.shape_cast %swap3A_442 : vector<1x16xf32> to vector<16xf32>
      %swap3A_444 = vector.shape_cast %mul3A_438 : vector<16xf32> to vector<1x16xf32>
      tpu.vector_store %arg19[%swap3A_440, %swap3A_441], %swap3A_444 {strides = array<i32>} : memref<4x304xf32, #tpu.memory_space<vmem>>, vector<1x16xf32>,
      %mul3A_445 = arith.constant 2.000000e-02 : f32
      %mul3A_446 = vector.broadcast %mul3A_445 : f32 to vector<16xf32>
      %mul3A_447 = arith.mulf %scan3A_380#7, %mul3A_446 : vector<16xf32>
      %swap3A_448 = arith.constant 1 : i32
      %swap3A_449 = arith.index_cast %swap3A_448 : i32 to index
      %swap3A_450 = arith.constant 112 : index
      %swap3A_451 = tpu.vector_load %arg19[%swap3A_449, %swap3A_450] {strides = array<i32>} : memref<4x304xf32, #tpu.memory_space<vmem>>, vector<1x16xf32>,
      %swap3A_452 = vector.shape_cast %swap3A_451 : vector<1x16xf32> to vector<16xf32>
      %swap3A_453 = vector.shape_cast %mul3A_447 : vector<16xf32> to vector<1x16xf32>
      tpu.vector_store %arg19[%swap3A_449, %swap3A_450], %swap3A_453 {strides = array<i32>} : memref<4x304xf32, #tpu.memory_space<vmem>>, vector<1x16xf32>,
      %mul3A_454 = arith.constant 2.000000e-02 : f32
      %mul3A_455 = vector.broadcast %mul3A_454 : f32 to vector<16xf32>
      %mul3A_456 = arith.mulf %scan3A_380#8, %mul3A_455 : vector<16xf32>
      %swap3A_457 = arith.constant 1 : i32
      %swap3A_458 = arith.index_cast %swap3A_457 : i32 to index
      %swap3A_459 = arith.constant 128 : index
      %swap3A_460 = tpu.vector_load %arg19[%swap3A_458, %swap3A_459] {strides = array<i32>} : memref<4x304xf32, #tpu.memory_space<vmem>>, vector<1x16xf32>,
      %swap3A_461 = vector.shape_cast %swap3A_460 : vector<1x16xf32> to vector<16xf32>
      %swap3A_462 = vector.shape_cast %mul3A_456 : vector<16xf32> to vector<1x16xf32>
      tpu.vector_store %arg19[%swap3A_458, %swap3A_459], %swap3A_462 {strides = array<i32>} : memref<4x304xf32, #tpu.memory_space<vmem>>, vector<1x16xf32>,
      %mul3A_463 = arith.constant 2.000000e-02 : f32
      %mul3A_464 = vector.broadcast %mul3A_463 : f32 to vector<16xf32>
      %mul3A_465 = arith.mulf %scan3A_380#9, %mul3A_464 : vector<16xf32>
      %swap3A_466 = arith.constant 1 : i32
      %swap3A_467 = arith.index_cast %swap3A_466 : i32 to index
      %swap3A_468 = arith.constant 144 : index
      %swap3A_469 = tpu.vector_load %arg19[%swap3A_467, %swap3A_468] {strides = array<i32>} : memref<4x304xf32, #tpu.memory_space<vmem>>, vector<1x16xf32>,
      %swap3A_470 = vector.shape_cast %swap3A_469 : vector<1x16xf32> to vector<16xf32>
      %swap3A_471 = vector.shape_cast %mul3A_465 : vector<16xf32> to vector<1x16xf32>
      tpu.vector_store %arg19[%swap3A_467, %swap3A_468], %swap3A_471 {strides = array<i32>} : memref<4x304xf32, #tpu.memory_space<vmem>>, vector<1x16xf32>,
      %mul3A_472 = arith.constant 2.000000e-02 : f32
      %mul3A_473 = vector.broadcast %mul3A_472 : f32 to vector<16xf32>
      %mul3A_474 = arith.mulf %scan3A_380#10, %mul3A_473 : vector<16xf32>
      %swap3A_475 = arith.constant 1 : i32
      %swap3A_476 = arith.index_cast %swap3A_475 : i32 to index
      %swap3A_477 = arith.constant 160 : index
      %swap3A_478 = tpu.vector_load %arg19[%swap3A_476, %swap3A_477] {strides = array<i32>} : memref<4x304xf32, #tpu.memory_space<vmem>>, vector<1x16xf32>,
      %swap3A_479 = vector.shape_cast %swap3A_478 : vector<1x16xf32> to vector<16xf32>
      %swap3A_480 = vector.shape_cast %mul3A_474 : vector<16xf32> to vector<1x16xf32>
      tpu.vector_store %arg19[%swap3A_476, %swap3A_477], %swap3A_480 {strides = array<i32>} : memref<4x304xf32, #tpu.memory_space<vmem>>, vector<1x16xf32>,
      %mul3A_481 = arith.constant 2.000000e-02 : f32
      %mul3A_482 = vector.broadcast %mul3A_481 : f32 to vector<16xf32>
      %mul3A_483 = arith.mulf %scan3A_380#11, %mul3A_482 : vector<16xf32>
      %swap3A_484 = arith.constant 1 : i32
      %swap3A_485 = arith.index_cast %swap3A_484 : i32 to index
      %swap3A_486 = arith.constant 176 : index
      %swap3A_487 = tpu.vector_load %arg19[%swap3A_485, %swap3A_486] {strides = array<i32>} : memref<4x304xf32, #tpu.memory_space<vmem>>, vector<1x16xf32>,
      %swap3A_488 = vector.shape_cast %swap3A_487 : vector<1x16xf32> to vector<16xf32>
      %swap3A_489 = vector.shape_cast %mul3A_483 : vector<16xf32> to vector<1x16xf32>
      tpu.vector_store %arg19[%swap3A_485, %swap3A_486], %swap3A_489 {strides = array<i32>} : memref<4x304xf32, #tpu.memory_space<vmem>>, vector<1x16xf32>,
      %mul3A_490 = arith.constant 2.000000e-02 : f32
      %mul3A_491 = vector.broadcast %mul3A_490 : f32 to vector<16xf32>
      %mul3A_492 = arith.mulf %scan3A_380#12, %mul3A_491 : vector<16xf32>
      %swap3A_493 = arith.constant 1 : i32
      %swap3A_494 = arith.index_cast %swap3A_493 : i32 to index
      %swap3A_495 = arith.constant 192 : index
      %swap3A_496 = tpu.vector_load %arg19[%swap3A_494, %swap3A_495] {strides = array<i32>} : memref<4x304xf32, #tpu.memory_space<vmem>>, vector<1x16xf32>,
      %swap3A_497 = vector.shape_cast %swap3A_496 : vector<1x16xf32> to vector<16xf32>
      %swap3A_498 = vector.shape_cast %mul3A_492 : vector<16xf32> to vector<1x16xf32>
      tpu.vector_store %arg19[%swap3A_494, %swap3A_495], %swap3A_498 {strides = array<i32>} : memref<4x304xf32, #tpu.memory_space<vmem>>, vector<1x16xf32>,
      %mul3A_499 = arith.constant 2.000000e-02 : f32
      %mul3A_500 = vector.broadcast %mul3A_499 : f32 to vector<16xf32>
      %mul3A_501 = arith.mulf %scan3A_380#13, %mul3A_500 : vector<16xf32>
      %swap3A_502 = arith.constant 1 : i32
      %swap3A_503 = arith.index_cast %swap3A_502 : i32 to index
      %swap3A_504 = arith.constant 208 : index
      %swap3A_505 = tpu.vector_load %arg19[%swap3A_503, %swap3A_504] {strides = array<i32>} : memref<4x304xf32, #tpu.memory_space<vmem>>, vector<1x16xf32>,
      %swap3A_506 = vector.shape_cast %swap3A_505 : vector<1x16xf32> to vector<16xf32>
      %swap3A_507 = vector.shape_cast %mul3A_501 : vector<16xf32> to vector<1x16xf32>
      tpu.vector_store %arg19[%swap3A_503, %swap3A_504], %swap3A_507 {strides = array<i32>} : memref<4x304xf32, #tpu.memory_space<vmem>>, vector<1x16xf32>,
      %mul3A_508 = arith.constant 2.000000e-02 : f32
      %mul3A_509 = vector.broadcast %mul3A_508 : f32 to vector<16xf32>
      %mul3A_510 = arith.mulf %scan3A_380#14, %mul3A_509 : vector<16xf32>
      %swap3A_511 = arith.constant 1 : i32
      %swap3A_512 = arith.index_cast %swap3A_511 : i32 to index
      %swap3A_513 = arith.constant 224 : index
      %swap3A_514 = tpu.vector_load %arg19[%swap3A_512, %swap3A_513] {strides = array<i32>} : memref<4x304xf32, #tpu.memory_space<vmem>>, vector<1x16xf32>,
      %swap3A_515 = vector.shape_cast %swap3A_514 : vector<1x16xf32> to vector<16xf32>
      %swap3A_516 = vector.shape_cast %mul3A_510 : vector<16xf32> to vector<1x16xf32>
      tpu.vector_store %arg19[%swap3A_512, %swap3A_513], %swap3A_516 {strides = array<i32>} : memref<4x304xf32, #tpu.memory_space<vmem>>, vector<1x16xf32>,
      %mul3A_517 = arith.constant 2.000000e-02 : f32
      %mul3A_518 = vector.broadcast %mul3A_517 : f32 to vector<16xf32>
      %mul3A_519 = arith.mulf %scan3A_380#15, %mul3A_518 : vector<16xf32>
      %swap3A_520 = arith.constant 1 : i32
      %swap3A_521 = arith.index_cast %swap3A_520 : i32 to index
      %swap3A_522 = arith.constant 240 : index
      %swap3A_523 = tpu.vector_load %arg19[%swap3A_521, %swap3A_522] {strides = array<i32>} : memref<4x304xf32, #tpu.memory_space<vmem>>, vector<1x16xf32>,
      %swap3A_524 = vector.shape_cast %swap3A_523 : vector<1x16xf32> to vector<16xf32>
      %swap3A_525 = vector.shape_cast %mul3A_519 : vector<16xf32> to vector<1x16xf32>
      tpu.vector_store %arg19[%swap3A_521, %swap3A_522], %swap3A_525 {strides = array<i32>} : memref<4x304xf32, #tpu.memory_space<vmem>>, vector<1x16xf32>,
      %mul3A_526 = arith.constant 2.000000e-02 : f32
      %mul3A_527 = vector.broadcast %mul3A_526 : f32 to vector<16xf32>
      %mul3A_528 = arith.mulf %scan3A_380#16, %mul3A_527 : vector<16xf32>
      %swap3A_529 = arith.constant 1 : i32
      %swap3A_530 = arith.index_cast %swap3A_529 : i32 to index
      %swap3A_531 = arith.constant 256 : index
      %swap3A_532 = tpu.vector_load %arg19[%swap3A_530, %swap3A_531] {strides = array<i32>} : memref<4x304xf32, #tpu.memory_space<vmem>>, vector<1x16xf32>,
      %swap3A_533 = vector.shape_cast %swap3A_532 : vector<1x16xf32> to vector<16xf32>
      %swap3A_534 = vector.shape_cast %mul3A_528 : vector<16xf32> to vector<1x16xf32>
      tpu.vector_store %arg19[%swap3A_530, %swap3A_531], %swap3A_534 {strides = array<i32>} : memref<4x304xf32, #tpu.memory_space<vmem>>, vector<1x16xf32>,
      %mul3A_535 = arith.constant 2.000000e-02 : f32
      %mul3A_536 = vector.broadcast %mul3A_535 : f32 to vector<16xf32>
      %mul3A_537 = arith.mulf %scan3A_380#17, %mul3A_536 : vector<16xf32>
      %swap3A_538 = arith.constant 1 : i32
      %swap3A_539 = arith.index_cast %swap3A_538 : i32 to index
      %swap3A_540 = arith.constant 272 : index
      %swap3A_541 = tpu.vector_load %arg19[%swap3A_539, %swap3A_540] {strides = array<i32>} : memref<4x304xf32, #tpu.memory_space<vmem>>, vector<1x16xf32>,
      %swap3A_542 = vector.shape_cast %swap3A_541 : vector<1x16xf32> to vector<16xf32>
      %swap3A_543 = vector.shape_cast %mul3A_537 : vector<16xf32> to vector<1x16xf32>
      tpu.vector_store %arg19[%swap3A_539, %swap3A_540], %swap3A_543 {strides = array<i32>} : memref<4x304xf32, #tpu.memory_space<vmem>>, vector<1x16xf32>,
      %mul3A_544 = arith.constant 2.000000e-02 : f32
      %mul3A_545 = vector.broadcast %mul3A_544 : f32 to vector<16xf32>
      %mul3A_546 = arith.mulf %scan3A_380#18, %mul3A_545 : vector<16xf32>
      %swap3A_547 = arith.constant 1 : i32
      %swap3A_548 = arith.index_cast %swap3A_547 : i32 to index
      %swap3A_549 = arith.constant 288 : index
      %swap3A_550 = tpu.vector_load %arg19[%swap3A_548, %swap3A_549] {strides = array<i32>} : memref<4x304xf32, #tpu.memory_space<vmem>>, vector<1x16xf32>,
      %swap3A_551 = vector.shape_cast %swap3A_550 : vector<1x16xf32> to vector<16xf32>
      %swap3A_552 = vector.shape_cast %mul3A_546 : vector<16xf32> to vector<1x16xf32>
      tpu.vector_store %arg19[%swap3A_548, %swap3A_549], %swap3A_552 {strides = array<i32>} : memref<4x304xf32, #tpu.memory_space<vmem>>, vector<1x16xf32>,
      %mul3A_553 = arith.constant 4 : i32
      %mul3A_554 = arith.muli %scan3A_70, %mul3A_553 : i32
      %add3A_555 = arith.constant 2 : i32
      %add3A_556 = arith.addi %mul3A_554, %add3A_555 : i32
      %add3A_557 = arith.constant 3 : i32
      %add3A_558 = arith.addi %add3A_556, %add3A_557 : i32
      %lt3A_559 = arith.constant 128 : i32
      %lt3A_560 = arith.cmpi slt, %add3A_558, %lt3A_559 : i32
      %convert_element_type3A_561 = arith.extui %lt3A_560 : i1 to i32
      %cond3A_562 = arith.constant 0 : i32
      %cond3A_563 = arith.cmpi ne, %convert_element_type3A_561, %cond3A_562 : i32
      scf.if %cond3A_563 {
        %dma_start3A_1044 = arith.constant 0 : i32
        %dma_start3A_1045 = tpu.memref_slice %arg6[%add3A_558, %dma_start3A_1044] : memref<128x50xi32, #tpu.memory_space<vmem>> -> memref<1x50xi32, #tpu.memory_space<vmem>>
        %dma_start3A_1046 = tpu.memref_squeeze %dma_start3A_1045 : memref<1x50xi32, #tpu.memory_space<vmem>> -> memref<50xi32, #tpu.memory_space<vmem>>
        %dma_start3A_1047 = arith.constant 0 : i32
        %dma_start3A_1048 = arith.constant 0 : i32
        %dma_start3A_1049 = tpu.memref_slice %arg3[%dma_start3A_1047, %dma_start3A_1048] : memref<1000000x300xf32, #tpu.memory_space<hbm>> -> memref<1000000x128xf32, #tpu.memory_space<hbm>>
        tpu.enqueue_indirect_dma source(%dma_start3A_1049 : memref<1000000x128xf32, #tpu.memory_space<hbm>>) target(%arg8 : memref<50x128xf32, #tpu.memory_space<vmem>>) offsets(%dma_start3A_1046 : memref<50xi32, #tpu.memory_space<vmem>>) semaphore(%arg21 : memref<!tpu.dma_semaphore, #tpu.memory_space<semaphore_mem>>)
        %dma_start3A_1050 = arith.constant 0 : i32
        %dma_start3A_1051 = tpu.memref_slice %arg6[%add3A_558, %dma_start3A_1050] : memref<128x50xi32, #tpu.memory_space<vmem>> -> memref<1x50xi32, #tpu.memory_space<vmem>>
        %dma_start3A_1052 = tpu.memref_squeeze %dma_start3A_1051 : memref<1x50xi32, #tpu.memory_space<vmem>> -> memref<50xi32, #tpu.memory_space<vmem>>
        %dma_start3A_1053 = arith.constant 0 : i32
        %dma_start3A_1054 = arith.constant 128 : i32
        %dma_start3A_1055 = tpu.memref_slice %arg3[%dma_start3A_1053, %dma_start3A_1054] : memref<1000000x300xf32, #tpu.memory_space<hbm>> -> memref<1000000x128xf32, #tpu.memory_space<hbm>>
        tpu.enqueue_indirect_dma source(%dma_start3A_1055 : memref<1000000x128xf32, #tpu.memory_space<hbm>>) target(%arg12 : memref<50x128xf32, #tpu.memory_space<vmem>>) offsets(%dma_start3A_1052 : memref<50xi32, #tpu.memory_space<vmem>>) semaphore(%arg21 : memref<!tpu.dma_semaphore, #tpu.memory_space<semaphore_mem>>)
        %dma_start3A_1056 = arith.constant 0 : i32
        %dma_start3A_1057 = tpu.memref_slice %arg6[%add3A_558, %dma_start3A_1056] : memref<128x50xi32, #tpu.memory_space<vmem>> -> memref<1x50xi32, #tpu.memory_space<vmem>>
        %dma_start3A_1058 = tpu.memref_squeeze %dma_start3A_1057 : memref<1x50xi32, #tpu.memory_space<vmem>> -> memref<50xi32, #tpu.memory_space<vmem>>
        %dma_start3A_1059 = arith.constant 0 : i32
        %dma_start3A_1060 = arith.constant 0 : i32
        %dma_start3A_1061 = tpu.memref_slice %arg4[%dma_start3A_1059, %dma_start3A_1060] : memref<1000000x128xf32, #tpu.memory_space<hbm>> -> memref<1000000x128xf32, #tpu.memory_space<hbm>>
        tpu.enqueue_indirect_dma source(%dma_start3A_1061 : memref<1000000x128xf32, #tpu.memory_space<hbm>>) target(%arg16 : memref<50x128xf32, #tpu.memory_space<vmem>>) offsets(%dma_start3A_1058 : memref<50xi32, #tpu.memory_space<vmem>>) semaphore(%arg21 : memref<!tpu.dma_semaphore, #tpu.memory_space<semaphore_mem>>)
      } else {
      }
      %dma_wait3A_564 = arith.constant 0 : i32
      %dma_wait3A_565 = tpu.memref_slice %arg6[%add3A_556, %dma_wait3A_564] : memref<128x50xi32, #tpu.memory_space<vmem>> -> memref<1x50xi32, #tpu.memory_space<vmem>>
      %dma_wait3A_566 = tpu.memref_squeeze %dma_wait3A_565 : memref<1x50xi32, #tpu.memory_space<vmem>> -> memref<50xi32, #tpu.memory_space<vmem>>
      %dma_wait3A_567 = arith.constant 0 : i32
      %dma_wait3A_568 = arith.constant 0 : i32
      %dma_wait3A_569 = tpu.memref_slice %arg3[%dma_wait3A_567, %dma_wait3A_568] : memref<1000000x300xf32, #tpu.memory_space<hbm>> -> memref<1000000x128xf32, #tpu.memory_space<hbm>>
      tpu.wait_indirect_dma semaphore(%arg22 : memref<!tpu.dma_semaphore, #tpu.memory_space<semaphore_mem>>) src(%dma_wait3A_569 : memref<1000000x128xf32, #tpu.memory_space<hbm>>) dst(%arg9 : memref<50x128xf32, #tpu.memory_space<vmem>>)
      %dma_wait3A_570 = arith.constant 0 : i32
      %dma_wait3A_571 = tpu.memref_slice %arg6[%add3A_556, %dma_wait3A_570] : memref<128x50xi32, #tpu.memory_space<vmem>> -> memref<1x50xi32, #tpu.memory_space<vmem>>
      %dma_wait3A_572 = tpu.memref_squeeze %dma_wait3A_571 : memref<1x50xi32, #tpu.memory_space<vmem>> -> memref<50xi32, #tpu.memory_space<vmem>>
      %dma_wait3A_573 = arith.constant 0 : i32
      %dma_wait3A_574 = arith.constant 128 : i32
      %dma_wait3A_575 = tpu.memref_slice %arg3[%dma_wait3A_573, %dma_wait3A_574] : memref<1000000x300xf32, #tpu.memory_space<hbm>> -> memref<1000000x128xf32, #tpu.memory_space<hbm>>
      tpu.wait_indirect_dma semaphore(%arg22 : memref<!tpu.dma_semaphore, #tpu.memory_space<semaphore_mem>>) src(%dma_wait3A_575 : memref<1000000x128xf32, #tpu.memory_space<hbm>>) dst(%arg13 : memref<50x128xf32, #tpu.memory_space<vmem>>)
      %dma_wait3A_576 = arith.constant 0 : i32
      %dma_wait3A_577 = tpu.memref_slice %arg6[%add3A_556, %dma_wait3A_576] : memref<128x50xi32, #tpu.memory_space<vmem>> -> memref<1x50xi32, #tpu.memory_space<vmem>>
      %dma_wait3A_578 = tpu.memref_squeeze %dma_wait3A_577 : memref<1x50xi32, #tpu.memory_space<vmem>> -> memref<50xi32, #tpu.memory_space<vmem>>
      %dma_wait3A_579 = arith.constant 0 : i32
      %dma_wait3A_580 = arith.constant 0 : i32
      %dma_wait3A_581 = tpu.memref_slice %arg4[%dma_wait3A_579, %dma_wait3A_580] : memref<1000000x128xf32, #tpu.memory_space<hbm>> -> memref<1000000x128xf32, #tpu.memory_space<hbm>>
      tpu.wait_indirect_dma semaphore(%arg22 : memref<!tpu.dma_semaphore, #tpu.memory_space<semaphore_mem>>) src(%dma_wait3A_581 : memref<1000000x128xf32, #tpu.memory_space<hbm>>) dst(%arg17 : memref<50x128xf32, #tpu.memory_space<vmem>>)
      %broadcast_in_dim3A_582 = arith.constant 0.000000e+00 : f32
      %broadcast_in_dim3A_583 = vector.broadcast %broadcast_in_dim3A_582 : f32 to vector<16xf32>
      %broadcast_in_dim3A_584 = arith.constant 0.000000e+00 : f32
      %broadcast_in_dim3A_585 = vector.broadcast %broadcast_in_dim3A_584 : f32 to vector<16xf32>
      %broadcast_in_dim3A_586 = arith.constant 0.000000e+00 : f32
      %broadcast_in_dim3A_587 = vector.broadcast %broadcast_in_dim3A_586 : f32 to vector<16xf32>
      %broadcast_in_dim3A_588 = arith.constant 0.000000e+00 : f32
      %broadcast_in_dim3A_589 = vector.broadcast %broadcast_in_dim3A_588 : f32 to vector<16xf32>
      %broadcast_in_dim3A_590 = arith.constant 0.000000e+00 : f32
      %broadcast_in_dim3A_591 = vector.broadcast %broadcast_in_dim3A_590 : f32 to vector<16xf32>
      %broadcast_in_dim3A_592 = arith.constant 0.000000e+00 : f32
      %broadcast_in_dim3A_593 = vector.broadcast %broadcast_in_dim3A_592 : f32 to vector<16xf32>
      %broadcast_in_dim3A_594 = arith.constant 0.000000e+00 : f32
      %broadcast_in_dim3A_595 = vector.broadcast %broadcast_in_dim3A_594 : f32 to vector<16xf32>
      %broadcast_in_dim3A_596 = arith.constant 0.000000e+00 : f32
      %broadcast_in_dim3A_597 = vector.broadcast %broadcast_in_dim3A_596 : f32 to vector<16xf32>
      %broadcast_in_dim3A_598 = arith.constant 0.000000e+00 : f32
      %broadcast_in_dim3A_599 = vector.broadcast %broadcast_in_dim3A_598 : f32 to vector<16xf32>
      %broadcast_in_dim3A_600 = arith.constant 0.000000e+00 : f32
      %broadcast_in_dim3A_601 = vector.broadcast %broadcast_in_dim3A_600 : f32 to vector<16xf32>
      %broadcast_in_dim3A_602 = arith.constant 0.000000e+00 : f32
      %broadcast_in_dim3A_603 = vector.broadcast %broadcast_in_dim3A_602 : f32 to vector<16xf32>
      %broadcast_in_dim3A_604 = arith.constant 0.000000e+00 : f32
      %broadcast_in_dim3A_605 = vector.broadcast %broadcast_in_dim3A_604 : f32 to vector<16xf32>
      %broadcast_in_dim3A_606 = arith.constant 0.000000e+00 : f32
      %broadcast_in_dim3A_607 = vector.broadcast %broadcast_in_dim3A_606 : f32 to vector<16xf32>
      %broadcast_in_dim3A_608 = arith.constant 0.000000e+00 : f32
      %broadcast_in_dim3A_609 = vector.broadcast %broadcast_in_dim3A_608 : f32 to vector<16xf32>
      %broadcast_in_dim3A_610 = arith.constant 0.000000e+00 : f32
      %broadcast_in_dim3A_611 = vector.broadcast %broadcast_in_dim3A_610 : f32 to vector<16xf32>
      %broadcast_in_dim3A_612 = arith.constant 0.000000e+00 : f32
      %broadcast_in_dim3A_613 = vector.broadcast %broadcast_in_dim3A_612 : f32 to vector<16xf32>
      %broadcast_in_dim3A_614 = arith.constant 0.000000e+00 : f32
      %broadcast_in_dim3A_615 = vector.broadcast %broadcast_in_dim3A_614 : f32 to vector<16xf32>
      %broadcast_in_dim3A_616 = arith.constant 0.000000e+00 : f32
      %broadcast_in_dim3A_617 = vector.broadcast %broadcast_in_dim3A_616 : f32 to vector<16xf32>
      %broadcast_in_dim3A_618 = arith.constant 0.000000e+00 : f32
      %broadcast_in_dim3A_619 = vector.broadcast %broadcast_in_dim3A_618 : f32 to vector<16xf32>
      %scan3A_620 = arith.constant 0 : i32
      %scan3A_621 = arith.constant 50 : i32
      %scan3A_622 = arith.addi %scan3A_620, %scan3A_621 : i32
      %scan3A_623 = arith.constant 1 : i32
      %scan3A_624:19 = scf.for %scan3A_1044 = %scan3A_620 to %scan3A_622 step %scan3A_623 iter_args(%scan3A_1045 = %broadcast_in_dim3A_583, %scan3A_1046 = %broadcast_in_dim3A_585, %scan3A_1047 = %broadcast_in_dim3A_587, %scan3A_1048 = %broadcast_in_dim3A_589, %scan3A_1049 = %broadcast_in_dim3A_591, %scan3A_1050 = %broadcast_in_dim3A_593, %scan3A_1051 = %broadcast_in_dim3A_595, %scan3A_1052 = %broadcast_in_dim3A_597, %scan3A_1053 = %broadcast_in_dim3A_599, %scan3A_1054 = %broadcast_in_dim3A_601, %scan3A_1055 = %broadcast_in_dim3A_603, %scan3A_1056 = %broadcast_in_dim3A_605, %scan3A_1057 = %broadcast_in_dim3A_607, %scan3A_1058 = %broadcast_in_dim3A_609, %scan3A_1059 = %broadcast_in_dim3A_611, %scan3A_1060 = %broadcast_in_dim3A_613, %scan3A_1061 = %broadcast_in_dim3A_615, %scan3A_1062 = %broadcast_in_dim3A_617, %scan3A_1063 = %broadcast_in_dim3A_619) -> (vector<16xf32>, vector<16xf32>, vector<16xf32>, vector<16xf32>, vector<16xf32>, vector<16xf32>, vector<16xf32>, vector<16xf32>, vector<16xf32>, vector<16xf32>, vector<16xf32>, vector<16xf32>, vector<16xf32>, vector<16xf32>, vector<16xf32>, vector<16xf32>, vector<16xf32>, vector<16xf32>, vector<16xf32>)  : i32 {
        %get3A = arith.index_cast %scan3A_1044 : i32 to index
        %get3A_1064 = arith.constant 0 : index
        %get3A_1065 = tpu.vector_load %arg9[%get3A, %get3A_1064] {strides = array<i32>} : memref<50x128xf32, #tpu.memory_space<vmem>>, vector<1x16xf32>,
        %get3A_1066 = vector.shape_cast %get3A_1065 : vector<1x16xf32> to vector<16xf32>
        %add3A_1067 = arith.addf %scan3A_1045, %get3A_1066 : vector<16xf32>
        %get3A_1068 = arith.index_cast %scan3A_1044 : i32 to index
        %get3A_1069 = arith.constant 16 : index
        %get3A_1070 = tpu.vector_load %arg9[%get3A_1068, %get3A_1069] {strides = array<i32>} : memref<50x128xf32, #tpu.memory_space<vmem>>, vector<1x16xf32>,
        %get3A_1071 = vector.shape_cast %get3A_1070 : vector<1x16xf32> to vector<16xf32>
        %add3A_1072 = arith.addf %scan3A_1046, %get3A_1071 : vector<16xf32>
        %get3A_1073 = arith.index_cast %scan3A_1044 : i32 to index
        %get3A_1074 = arith.constant 32 : index
        %get3A_1075 = tpu.vector_load %arg9[%get3A_1073, %get3A_1074] {strides = array<i32>} : memref<50x128xf32, #tpu.memory_space<vmem>>, vector<1x16xf32>,
        %get3A_1076 = vector.shape_cast %get3A_1075 : vector<1x16xf32> to vector<16xf32>
        %add3A_1077 = arith.addf %scan3A_1047, %get3A_1076 : vector<16xf32>
        %get3A_1078 = arith.index_cast %scan3A_1044 : i32 to index
        %get3A_1079 = arith.constant 48 : index
        %get3A_1080 = tpu.vector_load %arg9[%get3A_1078, %get3A_1079] {strides = array<i32>} : memref<50x128xf32, #tpu.memory_space<vmem>>, vector<1x16xf32>,
        %get3A_1081 = vector.shape_cast %get3A_1080 : vector<1x16xf32> to vector<16xf32>
        %add3A_1082 = arith.addf %scan3A_1048, %get3A_1081 : vector<16xf32>
        %get3A_1083 = arith.index_cast %scan3A_1044 : i32 to index
        %get3A_1084 = arith.constant 64 : index
        %get3A_1085 = tpu.vector_load %arg9[%get3A_1083, %get3A_1084] {strides = array<i32>} : memref<50x128xf32, #tpu.memory_space<vmem>>, vector<1x16xf32>,
        %get3A_1086 = vector.shape_cast %get3A_1085 : vector<1x16xf32> to vector<16xf32>
        %add3A_1087 = arith.addf %scan3A_1049, %get3A_1086 : vector<16xf32>
        %get3A_1088 = arith.index_cast %scan3A_1044 : i32 to index
        %get3A_1089 = arith.constant 80 : index
        %get3A_1090 = tpu.vector_load %arg9[%get3A_1088, %get3A_1089] {strides = array<i32>} : memref<50x128xf32, #tpu.memory_space<vmem>>, vector<1x16xf32>,
        %get3A_1091 = vector.shape_cast %get3A_1090 : vector<1x16xf32> to vector<16xf32>
        %add3A_1092 = arith.addf %scan3A_1050, %get3A_1091 : vector<16xf32>
        %get3A_1093 = arith.index_cast %scan3A_1044 : i32 to index
        %get3A_1094 = arith.constant 96 : index
        %get3A_1095 = tpu.vector_load %arg9[%get3A_1093, %get3A_1094] {strides = array<i32>} : memref<50x128xf32, #tpu.memory_space<vmem>>, vector<1x16xf32>,
        %get3A_1096 = vector.shape_cast %get3A_1095 : vector<1x16xf32> to vector<16xf32>
        %add3A_1097 = arith.addf %scan3A_1051, %get3A_1096 : vector<16xf32>
        %get3A_1098 = arith.index_cast %scan3A_1044 : i32 to index
        %get3A_1099 = arith.constant 112 : index
        %get3A_1100 = tpu.vector_load %arg9[%get3A_1098, %get3A_1099] {strides = array<i32>} : memref<50x128xf32, #tpu.memory_space<vmem>>, vector<1x16xf32>,
        %get3A_1101 = vector.shape_cast %get3A_1100 : vector<1x16xf32> to vector<16xf32>
        %add3A_1102 = arith.addf %scan3A_1052, %get3A_1101 : vector<16xf32>
        %get3A_1103 = arith.index_cast %scan3A_1044 : i32 to index
        %get3A_1104 = arith.constant 0 : index
        %get3A_1105 = tpu.vector_load %arg13[%get3A_1103, %get3A_1104] {strides = array<i32>} : memref<50x128xf32, #tpu.memory_space<vmem>>, vector<1x16xf32>,
        %get3A_1106 = vector.shape_cast %get3A_1105 : vector<1x16xf32> to vector<16xf32>
        %add3A_1107 = arith.addf %scan3A_1053, %get3A_1106 : vector<16xf32>
        %get3A_1108 = arith.index_cast %scan3A_1044 : i32 to index
        %get3A_1109 = arith.constant 16 : index
        %get3A_1110 = tpu.vector_load %arg13[%get3A_1108, %get3A_1109] {strides = array<i32>} : memref<50x128xf32, #tpu.memory_space<vmem>>, vector<1x16xf32>,
        %get3A_1111 = vector.shape_cast %get3A_1110 : vector<1x16xf32> to vector<16xf32>
        %add3A_1112 = arith.addf %scan3A_1054, %get3A_1111 : vector<16xf32>
        %get3A_1113 = arith.index_cast %scan3A_1044 : i32 to index
        %get3A_1114 = arith.constant 32 : index
        %get3A_1115 = tpu.vector_load %arg13[%get3A_1113, %get3A_1114] {strides = array<i32>} : memref<50x128xf32, #tpu.memory_space<vmem>>, vector<1x16xf32>,
        %get3A_1116 = vector.shape_cast %get3A_1115 : vector<1x16xf32> to vector<16xf32>
        %add3A_1117 = arith.addf %scan3A_1055, %get3A_1116 : vector<16xf32>
        %get3A_1118 = arith.index_cast %scan3A_1044 : i32 to index
        %get3A_1119 = arith.constant 48 : index
        %get3A_1120 = tpu.vector_load %arg13[%get3A_1118, %get3A_1119] {strides = array<i32>} : memref<50x128xf32, #tpu.memory_space<vmem>>, vector<1x16xf32>,
        %get3A_1121 = vector.shape_cast %get3A_1120 : vector<1x16xf32> to vector<16xf32>
        %add3A_1122 = arith.addf %scan3A_1056, %get3A_1121 : vector<16xf32>
        %get3A_1123 = arith.index_cast %scan3A_1044 : i32 to index
        %get3A_1124 = arith.constant 64 : index
        %get3A_1125 = tpu.vector_load %arg13[%get3A_1123, %get3A_1124] {strides = array<i32>} : memref<50x128xf32, #tpu.memory_space<vmem>>, vector<1x16xf32>,
        %get3A_1126 = vector.shape_cast %get3A_1125 : vector<1x16xf32> to vector<16xf32>
        %add3A_1127 = arith.addf %scan3A_1057, %get3A_1126 : vector<16xf32>
        %get3A_1128 = arith.index_cast %scan3A_1044 : i32 to index
        %get3A_1129 = arith.constant 80 : index
        %get3A_1130 = tpu.vector_load %arg13[%get3A_1128, %get3A_1129] {strides = array<i32>} : memref<50x128xf32, #tpu.memory_space<vmem>>, vector<1x16xf32>,
        %get3A_1131 = vector.shape_cast %get3A_1130 : vector<1x16xf32> to vector<16xf32>
        %add3A_1132 = arith.addf %scan3A_1058, %get3A_1131 : vector<16xf32>
        %get3A_1133 = arith.index_cast %scan3A_1044 : i32 to index
        %get3A_1134 = arith.constant 96 : index
        %get3A_1135 = tpu.vector_load %arg13[%get3A_1133, %get3A_1134] {strides = array<i32>} : memref<50x128xf32, #tpu.memory_space<vmem>>, vector<1x16xf32>,
        %get3A_1136 = vector.shape_cast %get3A_1135 : vector<1x16xf32> to vector<16xf32>
        %add3A_1137 = arith.addf %scan3A_1059, %get3A_1136 : vector<16xf32>
        %get3A_1138 = arith.index_cast %scan3A_1044 : i32 to index
        %get3A_1139 = arith.constant 112 : index
        %get3A_1140 = tpu.vector_load %arg13[%get3A_1138, %get3A_1139] {strides = array<i32>} : memref<50x128xf32, #tpu.memory_space<vmem>>, vector<1x16xf32>,
        %get3A_1141 = vector.shape_cast %get3A_1140 : vector<1x16xf32> to vector<16xf32>
        %add3A_1142 = arith.addf %scan3A_1060, %get3A_1141 : vector<16xf32>
        %get3A_1143 = arith.index_cast %scan3A_1044 : i32 to index
        %get3A_1144 = arith.constant 0 : index
        %get3A_1145 = tpu.vector_load %arg17[%get3A_1143, %get3A_1144] {strides = array<i32>} : memref<50x128xf32, #tpu.memory_space<vmem>>, vector<1x16xf32>,
        %get3A_1146 = vector.shape_cast %get3A_1145 : vector<1x16xf32> to vector<16xf32>
        %add3A_1147 = arith.addf %scan3A_1061, %get3A_1146 : vector<16xf32>
        %get3A_1148 = arith.index_cast %scan3A_1044 : i32 to index
        %get3A_1149 = arith.constant 16 : index
        %get3A_1150 = tpu.vector_load %arg17[%get3A_1148, %get3A_1149] {strides = array<i32>} : memref<50x128xf32, #tpu.memory_space<vmem>>, vector<1x16xf32>,
        %get3A_1151 = vector.shape_cast %get3A_1150 : vector<1x16xf32> to vector<16xf32>
        %add3A_1152 = arith.addf %scan3A_1062, %get3A_1151 : vector<16xf32>
        %get3A_1153 = arith.index_cast %scan3A_1044 : i32 to index
        %get3A_1154 = arith.constant 32 : index
        %get3A_1155 = tpu.vector_load %arg17[%get3A_1153, %get3A_1154] {strides = array<i32>} : memref<50x128xf32, #tpu.memory_space<vmem>>, vector<1x16xf32>,
        %get3A_1156 = vector.shape_cast %get3A_1155 : vector<1x16xf32> to vector<16xf32>
        %add3A_1157 = arith.addf %scan3A_1063, %get3A_1156 : vector<16xf32>
        scf.yield %add3A_1067, %add3A_1072, %add3A_1077, %add3A_1082, %add3A_1087, %add3A_1092, %add3A_1097, %add3A_1102, %add3A_1107, %add3A_1112, %add3A_1117, %add3A_1122, %add3A_1127, %add3A_1132, %add3A_1137, %add3A_1142, %add3A_1147, %add3A_1152, %add3A_1157 : vector<16xf32>, vector<16xf32>, vector<16xf32>, vector<16xf32>, vector<16xf32>, vector<16xf32>, vector<16xf32>, vector<16xf32>, vector<16xf32>, vector<16xf32>, vector<16xf32>, vector<16xf32>, vector<16xf32>, vector<16xf32>, vector<16xf32>, vector<16xf32>, vector<16xf32>, vector<16xf32>, vector<16xf32>
      }
      %scan3A_625 = arith.constant 50 : i32
      %mul3A_626 = arith.constant 2.000000e-02 : f32
      %mul3A_627 = vector.broadcast %mul3A_626 : f32 to vector<16xf32>
      %mul3A_628 = arith.mulf %scan3A_624#0, %mul3A_627 : vector<16xf32>
      %swap3A_629 = arith.constant 2 : i32
      %swap3A_630 = arith.index_cast %swap3A_629 : i32 to index
      %swap3A_631 = arith.constant 0 : index
      %swap3A_632 = tpu.vector_load %arg19[%swap3A_630, %swap3A_631] {strides = array<i32>} : memref<4x304xf32, #tpu.memory_space<vmem>>, vector<1x16xf32>,
      %swap3A_633 = vector.shape_cast %swap3A_632 : vector<1x16xf32> to vector<16xf32>
      %swap3A_634 = vector.shape_cast %mul3A_628 : vector<16xf32> to vector<1x16xf32>
      tpu.vector_store %arg19[%swap3A_630, %swap3A_631], %swap3A_634 {strides = array<i32>} : memref<4x304xf32, #tpu.memory_space<vmem>>, vector<1x16xf32>,
      %mul3A_635 = arith.constant 2.000000e-02 : f32
      %mul3A_636 = vector.broadcast %mul3A_635 : f32 to vector<16xf32>
      %mul3A_637 = arith.mulf %scan3A_624#1, %mul3A_636 : vector<16xf32>
      %swap3A_638 = arith.constant 2 : i32
      %swap3A_639 = arith.index_cast %swap3A_638 : i32 to index
      %swap3A_640 = arith.constant 16 : index
      %swap3A_641 = tpu.vector_load %arg19[%swap3A_639, %swap3A_640] {strides = array<i32>} : memref<4x304xf32, #tpu.memory_space<vmem>>, vector<1x16xf32>,
      %swap3A_642 = vector.shape_cast %swap3A_641 : vector<1x16xf32> to vector<16xf32>
      %swap3A_643 = vector.shape_cast %mul3A_637 : vector<16xf32> to vector<1x16xf32>
      tpu.vector_store %arg19[%swap3A_639, %swap3A_640], %swap3A_643 {strides = array<i32>} : memref<4x304xf32, #tpu.memory_space<vmem>>, vector<1x16xf32>,
      %mul3A_644 = arith.constant 2.000000e-02 : f32
      %mul3A_645 = vector.broadcast %mul3A_644 : f32 to vector<16xf32>
      %mul3A_646 = arith.mulf %scan3A_624#2, %mul3A_645 : vector<16xf32>
      %swap3A_647 = arith.constant 2 : i32
      %swap3A_648 = arith.index_cast %swap3A_647 : i32 to index
      %swap3A_649 = arith.constant 32 : index
      %swap3A_650 = tpu.vector_load %arg19[%swap3A_648, %swap3A_649] {strides = array<i32>} : memref<4x304xf32, #tpu.memory_space<vmem>>, vector<1x16xf32>,
      %swap3A_651 = vector.shape_cast %swap3A_650 : vector<1x16xf32> to vector<16xf32>
      %swap3A_652 = vector.shape_cast %mul3A_646 : vector<16xf32> to vector<1x16xf32>
      tpu.vector_store %arg19[%swap3A_648, %swap3A_649], %swap3A_652 {strides = array<i32>} : memref<4x304xf32, #tpu.memory_space<vmem>>, vector<1x16xf32>,
      %mul3A_653 = arith.constant 2.000000e-02 : f32
      %mul3A_654 = vector.broadcast %mul3A_653 : f32 to vector<16xf32>
      %mul3A_655 = arith.mulf %scan3A_624#3, %mul3A_654 : vector<16xf32>
      %swap3A_656 = arith.constant 2 : i32
      %swap3A_657 = arith.index_cast %swap3A_656 : i32 to index
      %swap3A_658 = arith.constant 48 : index
      %swap3A_659 = tpu.vector_load %arg19[%swap3A_657, %swap3A_658] {strides = array<i32>} : memref<4x304xf32, #tpu.memory_space<vmem>>, vector<1x16xf32>,
      %swap3A_660 = vector.shape_cast %swap3A_659 : vector<1x16xf32> to vector<16xf32>
      %swap3A_661 = vector.shape_cast %mul3A_655 : vector<16xf32> to vector<1x16xf32>
      tpu.vector_store %arg19[%swap3A_657, %swap3A_658], %swap3A_661 {strides = array<i32>} : memref<4x304xf32, #tpu.memory_space<vmem>>, vector<1x16xf32>,
      %mul3A_662 = arith.constant 2.000000e-02 : f32
      %mul3A_663 = vector.broadcast %mul3A_662 : f32 to vector<16xf32>
      %mul3A_664 = arith.mulf %scan3A_624#4, %mul3A_663 : vector<16xf32>
      %swap3A_665 = arith.constant 2 : i32
      %swap3A_666 = arith.index_cast %swap3A_665 : i32 to index
      %swap3A_667 = arith.constant 64 : index
      %swap3A_668 = tpu.vector_load %arg19[%swap3A_666, %swap3A_667] {strides = array<i32>} : memref<4x304xf32, #tpu.memory_space<vmem>>, vector<1x16xf32>,
      %swap3A_669 = vector.shape_cast %swap3A_668 : vector<1x16xf32> to vector<16xf32>
      %swap3A_670 = vector.shape_cast %mul3A_664 : vector<16xf32> to vector<1x16xf32>
      tpu.vector_store %arg19[%swap3A_666, %swap3A_667], %swap3A_670 {strides = array<i32>} : memref<4x304xf32, #tpu.memory_space<vmem>>, vector<1x16xf32>,
      %mul3A_671 = arith.constant 2.000000e-02 : f32
      %mul3A_672 = vector.broadcast %mul3A_671 : f32 to vector<16xf32>
      %mul3A_673 = arith.mulf %scan3A_624#5, %mul3A_672 : vector<16xf32>
      %swap3A_674 = arith.constant 2 : i32
      %swap3A_675 = arith.index_cast %swap3A_674 : i32 to index
      %swap3A_676 = arith.constant 80 : index
      %swap3A_677 = tpu.vector_load %arg19[%swap3A_675, %swap3A_676] {strides = array<i32>} : memref<4x304xf32, #tpu.memory_space<vmem>>, vector<1x16xf32>,
      %swap3A_678 = vector.shape_cast %swap3A_677 : vector<1x16xf32> to vector<16xf32>
      %swap3A_679 = vector.shape_cast %mul3A_673 : vector<16xf32> to vector<1x16xf32>
      tpu.vector_store %arg19[%swap3A_675, %swap3A_676], %swap3A_679 {strides = array<i32>} : memref<4x304xf32, #tpu.memory_space<vmem>>, vector<1x16xf32>,
      %mul3A_680 = arith.constant 2.000000e-02 : f32
      %mul3A_681 = vector.broadcast %mul3A_680 : f32 to vector<16xf32>
      %mul3A_682 = arith.mulf %scan3A_624#6, %mul3A_681 : vector<16xf32>
      %swap3A_683 = arith.constant 2 : i32
      %swap3A_684 = arith.index_cast %swap3A_683 : i32 to index
      %swap3A_685 = arith.constant 96 : index
      %swap3A_686 = tpu.vector_load %arg19[%swap3A_684, %swap3A_685] {strides = array<i32>} : memref<4x304xf32, #tpu.memory_space<vmem>>, vector<1x16xf32>,
      %swap3A_687 = vector.shape_cast %swap3A_686 : vector<1x16xf32> to vector<16xf32>
      %swap3A_688 = vector.shape_cast %mul3A_682 : vector<16xf32> to vector<1x16xf32>
      tpu.vector_store %arg19[%swap3A_684, %swap3A_685], %swap3A_688 {strides = array<i32>} : memref<4x304xf32, #tpu.memory_space<vmem>>, vector<1x16xf32>,
      %mul3A_689 = arith.constant 2.000000e-02 : f32
      %mul3A_690 = vector.broadcast %mul3A_689 : f32 to vector<16xf32>
      %mul3A_691 = arith.mulf %scan3A_624#7, %mul3A_690 : vector<16xf32>
      %swap3A_692 = arith.constant 2 : i32
      %swap3A_693 = arith.index_cast %swap3A_692 : i32 to index
      %swap3A_694 = arith.constant 112 : index
      %swap3A_695 = tpu.vector_load %arg19[%swap3A_693, %swap3A_694] {strides = array<i32>} : memref<4x304xf32, #tpu.memory_space<vmem>>, vector<1x16xf32>,
      %swap3A_696 = vector.shape_cast %swap3A_695 : vector<1x16xf32> to vector<16xf32>
      %swap3A_697 = vector.shape_cast %mul3A_691 : vector<16xf32> to vector<1x16xf32>
      tpu.vector_store %arg19[%swap3A_693, %swap3A_694], %swap3A_697 {strides = array<i32>} : memref<4x304xf32, #tpu.memory_space<vmem>>, vector<1x16xf32>,
      %mul3A_698 = arith.constant 2.000000e-02 : f32
      %mul3A_699 = vector.broadcast %mul3A_698 : f32 to vector<16xf32>
      %mul3A_700 = arith.mulf %scan3A_624#8, %mul3A_699 : vector<16xf32>
      %swap3A_701 = arith.constant 2 : i32
      %swap3A_702 = arith.index_cast %swap3A_701 : i32 to index
      %swap3A_703 = arith.constant 128 : index
      %swap3A_704 = tpu.vector_load %arg19[%swap3A_702, %swap3A_703] {strides = array<i32>} : memref<4x304xf32, #tpu.memory_space<vmem>>, vector<1x16xf32>,
      %swap3A_705 = vector.shape_cast %swap3A_704 : vector<1x16xf32> to vector<16xf32>
      %swap3A_706 = vector.shape_cast %mul3A_700 : vector<16xf32> to vector<1x16xf32>
      tpu.vector_store %arg19[%swap3A_702, %swap3A_703], %swap3A_706 {strides = array<i32>} : memref<4x304xf32, #tpu.memory_space<vmem>>, vector<1x16xf32>,
      %mul3A_707 = arith.constant 2.000000e-02 : f32
      %mul3A_708 = vector.broadcast %mul3A_707 : f32 to vector<16xf32>
      %mul3A_709 = arith.mulf %scan3A_624#9, %mul3A_708 : vector<16xf32>
      %swap3A_710 = arith.constant 2 : i32
      %swap3A_711 = arith.index_cast %swap3A_710 : i32 to index
      %swap3A_712 = arith.constant 144 : index
      %swap3A_713 = tpu.vector_load %arg19[%swap3A_711, %swap3A_712] {strides = array<i32>} : memref<4x304xf32, #tpu.memory_space<vmem>>, vector<1x16xf32>,
      %swap3A_714 = vector.shape_cast %swap3A_713 : vector<1x16xf32> to vector<16xf32>
      %swap3A_715 = vector.shape_cast %mul3A_709 : vector<16xf32> to vector<1x16xf32>
      tpu.vector_store %arg19[%swap3A_711, %swap3A_712], %swap3A_715 {strides = array<i32>} : memref<4x304xf32, #tpu.memory_space<vmem>>, vector<1x16xf32>,
      %mul3A_716 = arith.constant 2.000000e-02 : f32
      %mul3A_717 = vector.broadcast %mul3A_716 : f32 to vector<16xf32>
      %mul3A_718 = arith.mulf %scan3A_624#10, %mul3A_717 : vector<16xf32>
      %swap3A_719 = arith.constant 2 : i32
      %swap3A_720 = arith.index_cast %swap3A_719 : i32 to index
      %swap3A_721 = arith.constant 160 : index
      %swap3A_722 = tpu.vector_load %arg19[%swap3A_720, %swap3A_721] {strides = array<i32>} : memref<4x304xf32, #tpu.memory_space<vmem>>, vector<1x16xf32>,
      %swap3A_723 = vector.shape_cast %swap3A_722 : vector<1x16xf32> to vector<16xf32>
      %swap3A_724 = vector.shape_cast %mul3A_718 : vector<16xf32> to vector<1x16xf32>
      tpu.vector_store %arg19[%swap3A_720, %swap3A_721], %swap3A_724 {strides = array<i32>} : memref<4x304xf32, #tpu.memory_space<vmem>>, vector<1x16xf32>,
      %mul3A_725 = arith.constant 2.000000e-02 : f32
      %mul3A_726 = vector.broadcast %mul3A_725 : f32 to vector<16xf32>
      %mul3A_727 = arith.mulf %scan3A_624#11, %mul3A_726 : vector<16xf32>
      %swap3A_728 = arith.constant 2 : i32
      %swap3A_729 = arith.index_cast %swap3A_728 : i32 to index
      %swap3A_730 = arith.constant 176 : index
      %swap3A_731 = tpu.vector_load %arg19[%swap3A_729, %swap3A_730] {strides = array<i32>} : memref<4x304xf32, #tpu.memory_space<vmem>>, vector<1x16xf32>,
      %swap3A_732 = vector.shape_cast %swap3A_731 : vector<1x16xf32> to vector<16xf32>
      %swap3A_733 = vector.shape_cast %mul3A_727 : vector<16xf32> to vector<1x16xf32>
      tpu.vector_store %arg19[%swap3A_729, %swap3A_730], %swap3A_733 {strides = array<i32>} : memref<4x304xf32, #tpu.memory_space<vmem>>, vector<1x16xf32>,
      %mul3A_734 = arith.constant 2.000000e-02 : f32
      %mul3A_735 = vector.broadcast %mul3A_734 : f32 to vector<16xf32>
      %mul3A_736 = arith.mulf %scan3A_624#12, %mul3A_735 : vector<16xf32>
      %swap3A_737 = arith.constant 2 : i32
      %swap3A_738 = arith.index_cast %swap3A_737 : i32 to index
      %swap3A_739 = arith.constant 192 : index
      %swap3A_740 = tpu.vector_load %arg19[%swap3A_738, %swap3A_739] {strides = array<i32>} : memref<4x304xf32, #tpu.memory_space<vmem>>, vector<1x16xf32>,
      %swap3A_741 = vector.shape_cast %swap3A_740 : vector<1x16xf32> to vector<16xf32>
      %swap3A_742 = vector.shape_cast %mul3A_736 : vector<16xf32> to vector<1x16xf32>
      tpu.vector_store %arg19[%swap3A_738, %swap3A_739], %swap3A_742 {strides = array<i32>} : memref<4x304xf32, #tpu.memory_space<vmem>>, vector<1x16xf32>,
      %mul3A_743 = arith.constant 2.000000e-02 : f32
      %mul3A_744 = vector.broadcast %mul3A_743 : f32 to vector<16xf32>
      %mul3A_745 = arith.mulf %scan3A_624#13, %mul3A_744 : vector<16xf32>
      %swap3A_746 = arith.constant 2 : i32
      %swap3A_747 = arith.index_cast %swap3A_746 : i32 to index
      %swap3A_748 = arith.constant 208 : index
      %swap3A_749 = tpu.vector_load %arg19[%swap3A_747, %swap3A_748] {strides = array<i32>} : memref<4x304xf32, #tpu.memory_space<vmem>>, vector<1x16xf32>,
      %swap3A_750 = vector.shape_cast %swap3A_749 : vector<1x16xf32> to vector<16xf32>
      %swap3A_751 = vector.shape_cast %mul3A_745 : vector<16xf32> to vector<1x16xf32>
      tpu.vector_store %arg19[%swap3A_747, %swap3A_748], %swap3A_751 {strides = array<i32>} : memref<4x304xf32, #tpu.memory_space<vmem>>, vector<1x16xf32>,
      %mul3A_752 = arith.constant 2.000000e-02 : f32
      %mul3A_753 = vector.broadcast %mul3A_752 : f32 to vector<16xf32>
      %mul3A_754 = arith.mulf %scan3A_624#14, %mul3A_753 : vector<16xf32>
      %swap3A_755 = arith.constant 2 : i32
      %swap3A_756 = arith.index_cast %swap3A_755 : i32 to index
      %swap3A_757 = arith.constant 224 : index
      %swap3A_758 = tpu.vector_load %arg19[%swap3A_756, %swap3A_757] {strides = array<i32>} : memref<4x304xf32, #tpu.memory_space<vmem>>, vector<1x16xf32>,
      %swap3A_759 = vector.shape_cast %swap3A_758 : vector<1x16xf32> to vector<16xf32>
      %swap3A_760 = vector.shape_cast %mul3A_754 : vector<16xf32> to vector<1x16xf32>
      tpu.vector_store %arg19[%swap3A_756, %swap3A_757], %swap3A_760 {strides = array<i32>} : memref<4x304xf32, #tpu.memory_space<vmem>>, vector<1x16xf32>,
      %mul3A_761 = arith.constant 2.000000e-02 : f32
      %mul3A_762 = vector.broadcast %mul3A_761 : f32 to vector<16xf32>
      %mul3A_763 = arith.mulf %scan3A_624#15, %mul3A_762 : vector<16xf32>
      %swap3A_764 = arith.constant 2 : i32
      %swap3A_765 = arith.index_cast %swap3A_764 : i32 to index
      %swap3A_766 = arith.constant 240 : index
      %swap3A_767 = tpu.vector_load %arg19[%swap3A_765, %swap3A_766] {strides = array<i32>} : memref<4x304xf32, #tpu.memory_space<vmem>>, vector<1x16xf32>,
      %swap3A_768 = vector.shape_cast %swap3A_767 : vector<1x16xf32> to vector<16xf32>
      %swap3A_769 = vector.shape_cast %mul3A_763 : vector<16xf32> to vector<1x16xf32>
      tpu.vector_store %arg19[%swap3A_765, %swap3A_766], %swap3A_769 {strides = array<i32>} : memref<4x304xf32, #tpu.memory_space<vmem>>, vector<1x16xf32>,
      %mul3A_770 = arith.constant 2.000000e-02 : f32
      %mul3A_771 = vector.broadcast %mul3A_770 : f32 to vector<16xf32>
      %mul3A_772 = arith.mulf %scan3A_624#16, %mul3A_771 : vector<16xf32>
      %swap3A_773 = arith.constant 2 : i32
      %swap3A_774 = arith.index_cast %swap3A_773 : i32 to index
      %swap3A_775 = arith.constant 256 : index
      %swap3A_776 = tpu.vector_load %arg19[%swap3A_774, %swap3A_775] {strides = array<i32>} : memref<4x304xf32, #tpu.memory_space<vmem>>, vector<1x16xf32>,
      %swap3A_777 = vector.shape_cast %swap3A_776 : vector<1x16xf32> to vector<16xf32>
      %swap3A_778 = vector.shape_cast %mul3A_772 : vector<16xf32> to vector<1x16xf32>
      tpu.vector_store %arg19[%swap3A_774, %swap3A_775], %swap3A_778 {strides = array<i32>} : memref<4x304xf32, #tpu.memory_space<vmem>>, vector<1x16xf32>,
      %mul3A_779 = arith.constant 2.000000e-02 : f32
      %mul3A_780 = vector.broadcast %mul3A_779 : f32 to vector<16xf32>
      %mul3A_781 = arith.mulf %scan3A_624#17, %mul3A_780 : vector<16xf32>
      %swap3A_782 = arith.constant 2 : i32
      %swap3A_783 = arith.index_cast %swap3A_782 : i32 to index
      %swap3A_784 = arith.constant 272 : index
      %swap3A_785 = tpu.vector_load %arg19[%swap3A_783, %swap3A_784] {strides = array<i32>} : memref<4x304xf32, #tpu.memory_space<vmem>>, vector<1x16xf32>,
      %swap3A_786 = vector.shape_cast %swap3A_785 : vector<1x16xf32> to vector<16xf32>
      %swap3A_787 = vector.shape_cast %mul3A_781 : vector<16xf32> to vector<1x16xf32>
      tpu.vector_store %arg19[%swap3A_783, %swap3A_784], %swap3A_787 {strides = array<i32>} : memref<4x304xf32, #tpu.memory_space<vmem>>, vector<1x16xf32>,
      %mul3A_788 = arith.constant 2.000000e-02 : f32
      %mul3A_789 = vector.broadcast %mul3A_788 : f32 to vector<16xf32>
      %mul3A_790 = arith.mulf %scan3A_624#18, %mul3A_789 : vector<16xf32>
      %swap3A_791 = arith.constant 2 : i32
      %swap3A_792 = arith.index_cast %swap3A_791 : i32 to index
      %swap3A_793 = arith.constant 288 : index
      %swap3A_794 = tpu.vector_load %arg19[%swap3A_792, %swap3A_793] {strides = array<i32>} : memref<4x304xf32, #tpu.memory_space<vmem>>, vector<1x16xf32>,
      %swap3A_795 = vector.shape_cast %swap3A_794 : vector<1x16xf32> to vector<16xf32>
      %swap3A_796 = vector.shape_cast %mul3A_790 : vector<16xf32> to vector<1x16xf32>
      tpu.vector_store %arg19[%swap3A_792, %swap3A_793], %swap3A_796 {strides = array<i32>} : memref<4x304xf32, #tpu.memory_space<vmem>>, vector<1x16xf32>,
      %mul3A_797 = arith.constant 4 : i32
      %mul3A_798 = arith.muli %scan3A_70, %mul3A_797 : i32
      %add3A_799 = arith.constant 3 : i32
      %add3A_800 = arith.addi %mul3A_798, %add3A_799 : i32
      %add3A_801 = arith.constant 3 : i32
      %add3A_802 = arith.addi %add3A_800, %add3A_801 : i32
      %lt3A_803 = arith.constant 128 : i32
      %lt3A_804 = arith.cmpi slt, %add3A_802, %lt3A_803 : i32
      %convert_element_type3A_805 = arith.extui %lt3A_804 : i1 to i32
      %cond3A_806 = arith.constant 0 : i32
      %cond3A_807 = arith.cmpi ne, %convert_element_type3A_805, %cond3A_806 : i32
      scf.if %cond3A_807 {
        %dma_start3A_1044 = arith.constant 0 : i32
        %dma_start3A_1045 = tpu.memref_slice %arg6[%add3A_802, %dma_start3A_1044] : memref<128x50xi32, #tpu.memory_space<vmem>> -> memref<1x50xi32, #tpu.memory_space<vmem>>
        %dma_start3A_1046 = tpu.memref_squeeze %dma_start3A_1045 : memref<1x50xi32, #tpu.memory_space<vmem>> -> memref<50xi32, #tpu.memory_space<vmem>>
        %dma_start3A_1047 = arith.constant 0 : i32
        %dma_start3A_1048 = arith.constant 0 : i32
        %dma_start3A_1049 = tpu.memref_slice %arg3[%dma_start3A_1047, %dma_start3A_1048] : memref<1000000x300xf32, #tpu.memory_space<hbm>> -> memref<1000000x128xf32, #tpu.memory_space<hbm>>
        tpu.enqueue_indirect_dma source(%dma_start3A_1049 : memref<1000000x128xf32, #tpu.memory_space<hbm>>) target(%arg9 : memref<50x128xf32, #tpu.memory_space<vmem>>) offsets(%dma_start3A_1046 : memref<50xi32, #tpu.memory_space<vmem>>) semaphore(%arg22 : memref<!tpu.dma_semaphore, #tpu.memory_space<semaphore_mem>>)
        %dma_start3A_1050 = arith.constant 0 : i32
        %dma_start3A_1051 = tpu.memref_slice %arg6[%add3A_802, %dma_start3A_1050] : memref<128x50xi32, #tpu.memory_space<vmem>> -> memref<1x50xi32, #tpu.memory_space<vmem>>
        %dma_start3A_1052 = tpu.memref_squeeze %dma_start3A_1051 : memref<1x50xi32, #tpu.memory_space<vmem>> -> memref<50xi32, #tpu.memory_space<vmem>>
        %dma_start3A_1053 = arith.constant 0 : i32
        %dma_start3A_1054 = arith.constant 128 : i32
        %dma_start3A_1055 = tpu.memref_slice %arg3[%dma_start3A_1053, %dma_start3A_1054] : memref<1000000x300xf32, #tpu.memory_space<hbm>> -> memref<1000000x128xf32, #tpu.memory_space<hbm>>
        tpu.enqueue_indirect_dma source(%dma_start3A_1055 : memref<1000000x128xf32, #tpu.memory_space<hbm>>) target(%arg13 : memref<50x128xf32, #tpu.memory_space<vmem>>) offsets(%dma_start3A_1052 : memref<50xi32, #tpu.memory_space<vmem>>) semaphore(%arg22 : memref<!tpu.dma_semaphore, #tpu.memory_space<semaphore_mem>>)
        %dma_start3A_1056 = arith.constant 0 : i32
        %dma_start3A_1057 = tpu.memref_slice %arg6[%add3A_802, %dma_start3A_1056] : memref<128x50xi32, #tpu.memory_space<vmem>> -> memref<1x50xi32, #tpu.memory_space<vmem>>
        %dma_start3A_1058 = tpu.memref_squeeze %dma_start3A_1057 : memref<1x50xi32, #tpu.memory_space<vmem>> -> memref<50xi32, #tpu.memory_space<vmem>>
        %dma_start3A_1059 = arith.constant 0 : i32
        %dma_start3A_1060 = arith.constant 0 : i32
        %dma_start3A_1061 = tpu.memref_slice %arg4[%dma_start3A_1059, %dma_start3A_1060] : memref<1000000x128xf32, #tpu.memory_space<hbm>> -> memref<1000000x128xf32, #tpu.memory_space<hbm>>
        tpu.enqueue_indirect_dma source(%dma_start3A_1061 : memref<1000000x128xf32, #tpu.memory_space<hbm>>) target(%arg17 : memref<50x128xf32, #tpu.memory_space<vmem>>) offsets(%dma_start3A_1058 : memref<50xi32, #tpu.memory_space<vmem>>) semaphore(%arg22 : memref<!tpu.dma_semaphore, #tpu.memory_space<semaphore_mem>>)
      } else {
      }
      %dma_wait3A_808 = arith.constant 0 : i32
      %dma_wait3A_809 = tpu.memref_slice %arg6[%add3A_800, %dma_wait3A_808] : memref<128x50xi32, #tpu.memory_space<vmem>> -> memref<1x50xi32, #tpu.memory_space<vmem>>
      %dma_wait3A_810 = tpu.memref_squeeze %dma_wait3A_809 : memref<1x50xi32, #tpu.memory_space<vmem>> -> memref<50xi32, #tpu.memory_space<vmem>>
      %dma_wait3A_811 = arith.constant 0 : i32
      %dma_wait3A_812 = arith.constant 0 : i32
      %dma_wait3A_813 = tpu.memref_slice %arg3[%dma_wait3A_811, %dma_wait3A_812] : memref<1000000x300xf32, #tpu.memory_space<hbm>> -> memref<1000000x128xf32, #tpu.memory_space<hbm>>
      tpu.wait_indirect_dma semaphore(%arg23 : memref<!tpu.dma_semaphore, #tpu.memory_space<semaphore_mem>>) src(%dma_wait3A_813 : memref<1000000x128xf32, #tpu.memory_space<hbm>>) dst(%arg10 : memref<50x128xf32, #tpu.memory_space<vmem>>)
      %dma_wait3A_814 = arith.constant 0 : i32
      %dma_wait3A_815 = tpu.memref_slice %arg6[%add3A_800, %dma_wait3A_814] : memref<128x50xi32, #tpu.memory_space<vmem>> -> memref<1x50xi32, #tpu.memory_space<vmem>>
      %dma_wait3A_816 = tpu.memref_squeeze %dma_wait3A_815 : memref<1x50xi32, #tpu.memory_space<vmem>> -> memref<50xi32, #tpu.memory_space<vmem>>
      %dma_wait3A_817 = arith.constant 0 : i32
      %dma_wait3A_818 = arith.constant 128 : i32
      %dma_wait3A_819 = tpu.memref_slice %arg3[%dma_wait3A_817, %dma_wait3A_818] : memref<1000000x300xf32, #tpu.memory_space<hbm>> -> memref<1000000x128xf32, #tpu.memory_space<hbm>>
      tpu.wait_indirect_dma semaphore(%arg23 : memref<!tpu.dma_semaphore, #tpu.memory_space<semaphore_mem>>) src(%dma_wait3A_819 : memref<1000000x128xf32, #tpu.memory_space<hbm>>) dst(%arg14 : memref<50x128xf32, #tpu.memory_space<vmem>>)
      %dma_wait3A_820 = arith.constant 0 : i32
      %dma_wait3A_821 = tpu.memref_slice %arg6[%add3A_800, %dma_wait3A_820] : memref<128x50xi32, #tpu.memory_space<vmem>> -> memref<1x50xi32, #tpu.memory_space<vmem>>
      %dma_wait3A_822 = tpu.memref_squeeze %dma_wait3A_821 : memref<1x50xi32, #tpu.memory_space<vmem>> -> memref<50xi32, #tpu.memory_space<vmem>>
      %dma_wait3A_823 = arith.constant 0 : i32
      %dma_wait3A_824 = arith.constant 0 : i32
      %dma_wait3A_825 = tpu.memref_slice %arg4[%dma_wait3A_823, %dma_wait3A_824] : memref<1000000x128xf32, #tpu.memory_space<hbm>> -> memref<1000000x128xf32, #tpu.memory_space<hbm>>
      tpu.wait_indirect_dma semaphore(%arg23 : memref<!tpu.dma_semaphore, #tpu.memory_space<semaphore_mem>>) src(%dma_wait3A_825 : memref<1000000x128xf32, #tpu.memory_space<hbm>>) dst(%arg18 : memref<50x128xf32, #tpu.memory_space<vmem>>)
      %broadcast_in_dim3A_826 = arith.constant 0.000000e+00 : f32
      %broadcast_in_dim3A_827 = vector.broadcast %broadcast_in_dim3A_826 : f32 to vector<16xf32>
      %broadcast_in_dim3A_828 = arith.constant 0.000000e+00 : f32
      %broadcast_in_dim3A_829 = vector.broadcast %broadcast_in_dim3A_828 : f32 to vector<16xf32>
      %broadcast_in_dim3A_830 = arith.constant 0.000000e+00 : f32
      %broadcast_in_dim3A_831 = vector.broadcast %broadcast_in_dim3A_830 : f32 to vector<16xf32>
      %broadcast_in_dim3A_832 = arith.constant 0.000000e+00 : f32
      %broadcast_in_dim3A_833 = vector.broadcast %broadcast_in_dim3A_832 : f32 to vector<16xf32>
      %broadcast_in_dim3A_834 = arith.constant 0.000000e+00 : f32
      %broadcast_in_dim3A_835 = vector.broadcast %broadcast_in_dim3A_834 : f32 to vector<16xf32>
      %broadcast_in_dim3A_836 = arith.constant 0.000000e+00 : f32
      %broadcast_in_dim3A_837 = vector.broadcast %broadcast_in_dim3A_836 : f32 to vector<16xf32>
      %broadcast_in_dim3A_838 = arith.constant 0.000000e+00 : f32
      %broadcast_in_dim3A_839 = vector.broadcast %broadcast_in_dim3A_838 : f32 to vector<16xf32>
      %broadcast_in_dim3A_840 = arith.constant 0.000000e+00 : f32
      %broadcast_in_dim3A_841 = vector.broadcast %broadcast_in_dim3A_840 : f32 to vector<16xf32>
      %broadcast_in_dim3A_842 = arith.constant 0.000000e+00 : f32
      %broadcast_in_dim3A_843 = vector.broadcast %broadcast_in_dim3A_842 : f32 to vector<16xf32>
      %broadcast_in_dim3A_844 = arith.constant 0.000000e+00 : f32
      %broadcast_in_dim3A_845 = vector.broadcast %broadcast_in_dim3A_844 : f32 to vector<16xf32>
      %broadcast_in_dim3A_846 = arith.constant 0.000000e+00 : f32
      %broadcast_in_dim3A_847 = vector.broadcast %broadcast_in_dim3A_846 : f32 to vector<16xf32>
      %broadcast_in_dim3A_848 = arith.constant 0.000000e+00 : f32
      %broadcast_in_dim3A_849 = vector.broadcast %broadcast_in_dim3A_848 : f32 to vector<16xf32>
      %broadcast_in_dim3A_850 = arith.constant 0.000000e+00 : f32
      %broadcast_in_dim3A_851 = vector.broadcast %broadcast_in_dim3A_850 : f32 to vector<16xf32>
      %broadcast_in_dim3A_852 = arith.constant 0.000000e+00 : f32
      %broadcast_in_dim3A_853 = vector.broadcast %broadcast_in_dim3A_852 : f32 to vector<16xf32>
      %broadcast_in_dim3A_854 = arith.constant 0.000000e+00 : f32
      %broadcast_in_dim3A_855 = vector.broadcast %broadcast_in_dim3A_854 : f32 to vector<16xf32>
      %broadcast_in_dim3A_856 = arith.constant 0.000000e+00 : f32
      %broadcast_in_dim3A_857 = vector.broadcast %broadcast_in_dim3A_856 : f32 to vector<16xf32>
      %broadcast_in_dim3A_858 = arith.constant 0.000000e+00 : f32
      %broadcast_in_dim3A_859 = vector.broadcast %broadcast_in_dim3A_858 : f32 to vector<16xf32>
      %broadcast_in_dim3A_860 = arith.constant 0.000000e+00 : f32
      %broadcast_in_dim3A_861 = vector.broadcast %broadcast_in_dim3A_860 : f32 to vector<16xf32>
      %broadcast_in_dim3A_862 = arith.constant 0.000000e+00 : f32
      %broadcast_in_dim3A_863 = vector.broadcast %broadcast_in_dim3A_862 : f32 to vector<16xf32>
      %scan3A_864 = arith.constant 0 : i32
      %scan3A_865 = arith.constant 50 : i32
      %scan3A_866 = arith.addi %scan3A_864, %scan3A_865 : i32
      %scan3A_867 = arith.constant 1 : i32
      %scan3A_868:19 = scf.for %scan3A_1044 = %scan3A_864 to %scan3A_866 step %scan3A_867 iter_args(%scan3A_1045 = %broadcast_in_dim3A_827, %scan3A_1046 = %broadcast_in_dim3A_829, %scan3A_1047 = %broadcast_in_dim3A_831, %scan3A_1048 = %broadcast_in_dim3A_833, %scan3A_1049 = %broadcast_in_dim3A_835, %scan3A_1050 = %broadcast_in_dim3A_837, %scan3A_1051 = %broadcast_in_dim3A_839, %scan3A_1052 = %broadcast_in_dim3A_841, %scan3A_1053 = %broadcast_in_dim3A_843, %scan3A_1054 = %broadcast_in_dim3A_845, %scan3A_1055 = %broadcast_in_dim3A_847, %scan3A_1056 = %broadcast_in_dim3A_849, %scan3A_1057 = %broadcast_in_dim3A_851, %scan3A_1058 = %broadcast_in_dim3A_853, %scan3A_1059 = %broadcast_in_dim3A_855, %scan3A_1060 = %broadcast_in_dim3A_857, %scan3A_1061 = %broadcast_in_dim3A_859, %scan3A_1062 = %broadcast_in_dim3A_861, %scan3A_1063 = %broadcast_in_dim3A_863) -> (vector<16xf32>, vector<16xf32>, vector<16xf32>, vector<16xf32>, vector<16xf32>, vector<16xf32>, vector<16xf32>, vector<16xf32>, vector<16xf32>, vector<16xf32>, vector<16xf32>, vector<16xf32>, vector<16xf32>, vector<16xf32>, vector<16xf32>, vector<16xf32>, vector<16xf32>, vector<16xf32>, vector<16xf32>)  : i32 {
        %get3A = arith.index_cast %scan3A_1044 : i32 to index
        %get3A_1064 = arith.constant 0 : index
        %get3A_1065 = tpu.vector_load %arg10[%get3A, %get3A_1064] {strides = array<i32>} : memref<50x128xf32, #tpu.memory_space<vmem>>, vector<1x16xf32>,
        %get3A_1066 = vector.shape_cast %get3A_1065 : vector<1x16xf32> to vector<16xf32>
        %add3A_1067 = arith.addf %scan3A_1045, %get3A_1066 : vector<16xf32>
        %get3A_1068 = arith.index_cast %scan3A_1044 : i32 to index
        %get3A_1069 = arith.constant 16 : index
        %get3A_1070 = tpu.vector_load %arg10[%get3A_1068, %get3A_1069] {strides = array<i32>} : memref<50x128xf32, #tpu.memory_space<vmem>>, vector<1x16xf32>,
        %get3A_1071 = vector.shape_cast %get3A_1070 : vector<1x16xf32> to vector<16xf32>
        %add3A_1072 = arith.addf %scan3A_1046, %get3A_1071 : vector<16xf32>
        %get3A_1073 = arith.index_cast %scan3A_1044 : i32 to index
        %get3A_1074 = arith.constant 32 : index
        %get3A_1075 = tpu.vector_load %arg10[%get3A_1073, %get3A_1074] {strides = array<i32>} : memref<50x128xf32, #tpu.memory_space<vmem>>, vector<1x16xf32>,
        %get3A_1076 = vector.shape_cast %get3A_1075 : vector<1x16xf32> to vector<16xf32>
        %add3A_1077 = arith.addf %scan3A_1047, %get3A_1076 : vector<16xf32>
        %get3A_1078 = arith.index_cast %scan3A_1044 : i32 to index
        %get3A_1079 = arith.constant 48 : index
        %get3A_1080 = tpu.vector_load %arg10[%get3A_1078, %get3A_1079] {strides = array<i32>} : memref<50x128xf32, #tpu.memory_space<vmem>>, vector<1x16xf32>,
        %get3A_1081 = vector.shape_cast %get3A_1080 : vector<1x16xf32> to vector<16xf32>
        %add3A_1082 = arith.addf %scan3A_1048, %get3A_1081 : vector<16xf32>
        %get3A_1083 = arith.index_cast %scan3A_1044 : i32 to index
        %get3A_1084 = arith.constant 64 : index
        %get3A_1085 = tpu.vector_load %arg10[%get3A_1083, %get3A_1084] {strides = array<i32>} : memref<50x128xf32, #tpu.memory_space<vmem>>, vector<1x16xf32>,
        %get3A_1086 = vector.shape_cast %get3A_1085 : vector<1x16xf32> to vector<16xf32>
        %add3A_1087 = arith.addf %scan3A_1049, %get3A_1086 : vector<16xf32>
        %get3A_1088 = arith.index_cast %scan3A_1044 : i32 to index
        %get3A_1089 = arith.constant 80 : index
        %get3A_1090 = tpu.vector_load %arg10[%get3A_1088, %get3A_1089] {strides = array<i32>} : memref<50x128xf32, #tpu.memory_space<vmem>>, vector<1x16xf32>,
        %get3A_1091 = vector.shape_cast %get3A_1090 : vector<1x16xf32> to vector<16xf32>
        %add3A_1092 = arith.addf %scan3A_1050, %get3A_1091 : vector<16xf32>
        %get3A_1093 = arith.index_cast %scan3A_1044 : i32 to index
        %get3A_1094 = arith.constant 96 : index
        %get3A_1095 = tpu.vector_load %arg10[%get3A_1093, %get3A_1094] {strides = array<i32>} : memref<50x128xf32, #tpu.memory_space<vmem>>, vector<1x16xf32>,
        %get3A_1096 = vector.shape_cast %get3A_1095 : vector<1x16xf32> to vector<16xf32>
        %add3A_1097 = arith.addf %scan3A_1051, %get3A_1096 : vector<16xf32>
        %get3A_1098 = arith.index_cast %scan3A_1044 : i32 to index
        %get3A_1099 = arith.constant 112 : index
        %get3A_1100 = tpu.vector_load %arg10[%get3A_1098, %get3A_1099] {strides = array<i32>} : memref<50x128xf32, #tpu.memory_space<vmem>>, vector<1x16xf32>,
        %get3A_1101 = vector.shape_cast %get3A_1100 : vector<1x16xf32> to vector<16xf32>
        %add3A_1102 = arith.addf %scan3A_1052, %get3A_1101 : vector<16xf32>
        %get3A_1103 = arith.index_cast %scan3A_1044 : i32 to index
        %get3A_1104 = arith.constant 0 : index
        %get3A_1105 = tpu.vector_load %arg14[%get3A_1103, %get3A_1104] {strides = array<i32>} : memref<50x128xf32, #tpu.memory_space<vmem>>, vector<1x16xf32>,
        %get3A_1106 = vector.shape_cast %get3A_1105 : vector<1x16xf32> to vector<16xf32>
        %add3A_1107 = arith.addf %scan3A_1053, %get3A_1106 : vector<16xf32>
        %get3A_1108 = arith.index_cast %scan3A_1044 : i32 to index
        %get3A_1109 = arith.constant 16 : index
        %get3A_1110 = tpu.vector_load %arg14[%get3A_1108, %get3A_1109] {strides = array<i32>} : memref<50x128xf32, #tpu.memory_space<vmem>>, vector<1x16xf32>,
        %get3A_1111 = vector.shape_cast %get3A_1110 : vector<1x16xf32> to vector<16xf32>
        %add3A_1112 = arith.addf %scan3A_1054, %get3A_1111 : vector<16xf32>
        %get3A_1113 = arith.index_cast %scan3A_1044 : i32 to index
        %get3A_1114 = arith.constant 32 : index
        %get3A_1115 = tpu.vector_load %arg14[%get3A_1113, %get3A_1114] {strides = array<i32>} : memref<50x128xf32, #tpu.memory_space<vmem>>, vector<1x16xf32>,
        %get3A_1116 = vector.shape_cast %get3A_1115 : vector<1x16xf32> to vector<16xf32>
        %add3A_1117 = arith.addf %scan3A_1055, %get3A_1116 : vector<16xf32>
        %get3A_1118 = arith.index_cast %scan3A_1044 : i32 to index
        %get3A_1119 = arith.constant 48 : index
        %get3A_1120 = tpu.vector_load %arg14[%get3A_1118, %get3A_1119] {strides = array<i32>} : memref<50x128xf32, #tpu.memory_space<vmem>>, vector<1x16xf32>,
        %get3A_1121 = vector.shape_cast %get3A_1120 : vector<1x16xf32> to vector<16xf32>
        %add3A_1122 = arith.addf %scan3A_1056, %get3A_1121 : vector<16xf32>
        %get3A_1123 = arith.index_cast %scan3A_1044 : i32 to index
        %get3A_1124 = arith.constant 64 : index
        %get3A_1125 = tpu.vector_load %arg14[%get3A_1123, %get3A_1124] {strides = array<i32>} : memref<50x128xf32, #tpu.memory_space<vmem>>, vector<1x16xf32>,
        %get3A_1126 = vector.shape_cast %get3A_1125 : vector<1x16xf32> to vector<16xf32>
        %add3A_1127 = arith.addf %scan3A_1057, %get3A_1126 : vector<16xf32>
        %get3A_1128 = arith.index_cast %scan3A_1044 : i32 to index
        %get3A_1129 = arith.constant 80 : index
        %get3A_1130 = tpu.vector_load %arg14[%get3A_1128, %get3A_1129] {strides = array<i32>} : memref<50x128xf32, #tpu.memory_space<vmem>>, vector<1x16xf32>,
        %get3A_1131 = vector.shape_cast %get3A_1130 : vector<1x16xf32> to vector<16xf32>
        %add3A_1132 = arith.addf %scan3A_1058, %get3A_1131 : vector<16xf32>
        %get3A_1133 = arith.index_cast %scan3A_1044 : i32 to index
        %get3A_1134 = arith.constant 96 : index
        %get3A_1135 = tpu.vector_load %arg14[%get3A_1133, %get3A_1134] {strides = array<i32>} : memref<50x128xf32, #tpu.memory_space<vmem>>, vector<1x16xf32>,
        %get3A_1136 = vector.shape_cast %get3A_1135 : vector<1x16xf32> to vector<16xf32>
        %add3A_1137 = arith.addf %scan3A_1059, %get3A_1136 : vector<16xf32>
        %get3A_1138 = arith.index_cast %scan3A_1044 : i32 to index
        %get3A_1139 = arith.constant 112 : index
        %get3A_1140 = tpu.vector_load %arg14[%get3A_1138, %get3A_1139] {strides = array<i32>} : memref<50x128xf32, #tpu.memory_space<vmem>>, vector<1x16xf32>,
        %get3A_1141 = vector.shape_cast %get3A_1140 : vector<1x16xf32> to vector<16xf32>
        %add3A_1142 = arith.addf %scan3A_1060, %get3A_1141 : vector<16xf32>
        %get3A_1143 = arith.index_cast %scan3A_1044 : i32 to index
        %get3A_1144 = arith.constant 0 : index
        %get3A_1145 = tpu.vector_load %arg18[%get3A_1143, %get3A_1144] {strides = array<i32>} : memref<50x128xf32, #tpu.memory_space<vmem>>, vector<1x16xf32>,
        %get3A_1146 = vector.shape_cast %get3A_1145 : vector<1x16xf32> to vector<16xf32>
        %add3A_1147 = arith.addf %scan3A_1061, %get3A_1146 : vector<16xf32>
        %get3A_1148 = arith.index_cast %scan3A_1044 : i32 to index
        %get3A_1149 = arith.constant 16 : index
        %get3A_1150 = tpu.vector_load %arg18[%get3A_1148, %get3A_1149] {strides = array<i32>} : memref<50x128xf32, #tpu.memory_space<vmem>>, vector<1x16xf32>,
        %get3A_1151 = vector.shape_cast %get3A_1150 : vector<1x16xf32> to vector<16xf32>
        %add3A_1152 = arith.addf %scan3A_1062, %get3A_1151 : vector<16xf32>
        %get3A_1153 = arith.index_cast %scan3A_1044 : i32 to index
        %get3A_1154 = arith.constant 32 : index
        %get3A_1155 = tpu.vector_load %arg18[%get3A_1153, %get3A_1154] {strides = array<i32>} : memref<50x128xf32, #tpu.memory_space<vmem>>, vector<1x16xf32>,
        %get3A_1156 = vector.shape_cast %get3A_1155 : vector<1x16xf32> to vector<16xf32>
        %add3A_1157 = arith.addf %scan3A_1063, %get3A_1156 : vector<16xf32>
        scf.yield %add3A_1067, %add3A_1072, %add3A_1077, %add3A_1082, %add3A_1087, %add3A_1092, %add3A_1097, %add3A_1102, %add3A_1107, %add3A_1112, %add3A_1117, %add3A_1122, %add3A_1127, %add3A_1132, %add3A_1137, %add3A_1142, %add3A_1147, %add3A_1152, %add3A_1157 : vector<16xf32>, vector<16xf32>, vector<16xf32>, vector<16xf32>, vector<16xf32>, vector<16xf32>, vector<16xf32>, vector<16xf32>, vector<16xf32>, vector<16xf32>, vector<16xf32>, vector<16xf32>, vector<16xf32>, vector<16xf32>, vector<16xf32>, vector<16xf32>, vector<16xf32>, vector<16xf32>, vector<16xf32>
      }
      %scan3A_869 = arith.constant 50 : i32
      %mul3A_870 = arith.constant 2.000000e-02 : f32
      %mul3A_871 = vector.broadcast %mul3A_870 : f32 to vector<16xf32>
      %mul3A_872 = arith.mulf %scan3A_868#0, %mul3A_871 : vector<16xf32>
      %swap3A_873 = arith.constant 3 : i32
      %swap3A_874 = arith.index_cast %swap3A_873 : i32 to index
      %swap3A_875 = arith.constant 0 : index
      %swap3A_876 = tpu.vector_load %arg19[%swap3A_874, %swap3A_875] {strides = array<i32>} : memref<4x304xf32, #tpu.memory_space<vmem>>, vector<1x16xf32>,
      %swap3A_877 = vector.shape_cast %swap3A_876 : vector<1x16xf32> to vector<16xf32>
      %swap3A_878 = vector.shape_cast %mul3A_872 : vector<16xf32> to vector<1x16xf32>
      tpu.vector_store %arg19[%swap3A_874, %swap3A_875], %swap3A_878 {strides = array<i32>} : memref<4x304xf32, #tpu.memory_space<vmem>>, vector<1x16xf32>,
      %mul3A_879 = arith.constant 2.000000e-02 : f32
      %mul3A_880 = vector.broadcast %mul3A_879 : f32 to vector<16xf32>
      %mul3A_881 = arith.mulf %scan3A_868#1, %mul3A_880 : vector<16xf32>
      %swap3A_882 = arith.constant 3 : i32
      %swap3A_883 = arith.index_cast %swap3A_882 : i32 to index
      %swap3A_884 = arith.constant 16 : index
      %swap3A_885 = tpu.vector_load %arg19[%swap3A_883, %swap3A_884] {strides = array<i32>} : memref<4x304xf32, #tpu.memory_space<vmem>>, vector<1x16xf32>,
      %swap3A_886 = vector.shape_cast %swap3A_885 : vector<1x16xf32> to vector<16xf32>
      %swap3A_887 = vector.shape_cast %mul3A_881 : vector<16xf32> to vector<1x16xf32>
      tpu.vector_store %arg19[%swap3A_883, %swap3A_884], %swap3A_887 {strides = array<i32>} : memref<4x304xf32, #tpu.memory_space<vmem>>, vector<1x16xf32>,
      %mul3A_888 = arith.constant 2.000000e-02 : f32
      %mul3A_889 = vector.broadcast %mul3A_888 : f32 to vector<16xf32>
      %mul3A_890 = arith.mulf %scan3A_868#2, %mul3A_889 : vector<16xf32>
      %swap3A_891 = arith.constant 3 : i32
      %swap3A_892 = arith.index_cast %swap3A_891 : i32 to index
      %swap3A_893 = arith.constant 32 : index
      %swap3A_894 = tpu.vector_load %arg19[%swap3A_892, %swap3A_893] {strides = array<i32>} : memref<4x304xf32, #tpu.memory_space<vmem>>, vector<1x16xf32>,
      %swap3A_895 = vector.shape_cast %swap3A_894 : vector<1x16xf32> to vector<16xf32>
      %swap3A_896 = vector.shape_cast %mul3A_890 : vector<16xf32> to vector<1x16xf32>
      tpu.vector_store %arg19[%swap3A_892, %swap3A_893], %swap3A_896 {strides = array<i32>} : memref<4x304xf32, #tpu.memory_space<vmem>>, vector<1x16xf32>,
      %mul3A_897 = arith.constant 2.000000e-02 : f32
      %mul3A_898 = vector.broadcast %mul3A_897 : f32 to vector<16xf32>
      %mul3A_899 = arith.mulf %scan3A_868#3, %mul3A_898 : vector<16xf32>
      %swap3A_900 = arith.constant 3 : i32
      %swap3A_901 = arith.index_cast %swap3A_900 : i32 to index
      %swap3A_902 = arith.constant 48 : index
      %swap3A_903 = tpu.vector_load %arg19[%swap3A_901, %swap3A_902] {strides = array<i32>} : memref<4x304xf32, #tpu.memory_space<vmem>>, vector<1x16xf32>,
      %swap3A_904 = vector.shape_cast %swap3A_903 : vector<1x16xf32> to vector<16xf32>
      %swap3A_905 = vector.shape_cast %mul3A_899 : vector<16xf32> to vector<1x16xf32>
      tpu.vector_store %arg19[%swap3A_901, %swap3A_902], %swap3A_905 {strides = array<i32>} : memref<4x304xf32, #tpu.memory_space<vmem>>, vector<1x16xf32>,
      %mul3A_906 = arith.constant 2.000000e-02 : f32
      %mul3A_907 = vector.broadcast %mul3A_906 : f32 to vector<16xf32>
      %mul3A_908 = arith.mulf %scan3A_868#4, %mul3A_907 : vector<16xf32>
      %swap3A_909 = arith.constant 3 : i32
      %swap3A_910 = arith.index_cast %swap3A_909 : i32 to index
      %swap3A_911 = arith.constant 64 : index
      %swap3A_912 = tpu.vector_load %arg19[%swap3A_910, %swap3A_911] {strides = array<i32>} : memref<4x304xf32, #tpu.memory_space<vmem>>, vector<1x16xf32>,
      %swap3A_913 = vector.shape_cast %swap3A_912 : vector<1x16xf32> to vector<16xf32>
      %swap3A_914 = vector.shape_cast %mul3A_908 : vector<16xf32> to vector<1x16xf32>
      tpu.vector_store %arg19[%swap3A_910, %swap3A_911], %swap3A_914 {strides = array<i32>} : memref<4x304xf32, #tpu.memory_space<vmem>>, vector<1x16xf32>,
      %mul3A_915 = arith.constant 2.000000e-02 : f32
      %mul3A_916 = vector.broadcast %mul3A_915 : f32 to vector<16xf32>
      %mul3A_917 = arith.mulf %scan3A_868#5, %mul3A_916 : vector<16xf32>
      %swap3A_918 = arith.constant 3 : i32
      %swap3A_919 = arith.index_cast %swap3A_918 : i32 to index
      %swap3A_920 = arith.constant 80 : index
      %swap3A_921 = tpu.vector_load %arg19[%swap3A_919, %swap3A_920] {strides = array<i32>} : memref<4x304xf32, #tpu.memory_space<vmem>>, vector<1x16xf32>,
      %swap3A_922 = vector.shape_cast %swap3A_921 : vector<1x16xf32> to vector<16xf32>
      %swap3A_923 = vector.shape_cast %mul3A_917 : vector<16xf32> to vector<1x16xf32>
      tpu.vector_store %arg19[%swap3A_919, %swap3A_920], %swap3A_923 {strides = array<i32>} : memref<4x304xf32, #tpu.memory_space<vmem>>, vector<1x16xf32>,
      %mul3A_924 = arith.constant 2.000000e-02 : f32
      %mul3A_925 = vector.broadcast %mul3A_924 : f32 to vector<16xf32>
      %mul3A_926 = arith.mulf %scan3A_868#6, %mul3A_925 : vector<16xf32>
      %swap3A_927 = arith.constant 3 : i32
      %swap3A_928 = arith.index_cast %swap3A_927 : i32 to index
      %swap3A_929 = arith.constant 96 : index
      %swap3A_930 = tpu.vector_load %arg19[%swap3A_928, %swap3A_929] {strides = array<i32>} : memref<4x304xf32, #tpu.memory_space<vmem>>, vector<1x16xf32>,
      %swap3A_931 = vector.shape_cast %swap3A_930 : vector<1x16xf32> to vector<16xf32>
      %swap3A_932 = vector.shape_cast %mul3A_926 : vector<16xf32> to vector<1x16xf32>
      tpu.vector_store %arg19[%swap3A_928, %swap3A_929], %swap3A_932 {strides = array<i32>} : memref<4x304xf32, #tpu.memory_space<vmem>>, vector<1x16xf32>,
      %mul3A_933 = arith.constant 2.000000e-02 : f32
      %mul3A_934 = vector.broadcast %mul3A_933 : f32 to vector<16xf32>
      %mul3A_935 = arith.mulf %scan3A_868#7, %mul3A_934 : vector<16xf32>
      %swap3A_936 = arith.constant 3 : i32
      %swap3A_937 = arith.index_cast %swap3A_936 : i32 to index
      %swap3A_938 = arith.constant 112 : index
      %swap3A_939 = tpu.vector_load %arg19[%swap3A_937, %swap3A_938] {strides = array<i32>} : memref<4x304xf32, #tpu.memory_space<vmem>>, vector<1x16xf32>,
      %swap3A_940 = vector.shape_cast %swap3A_939 : vector<1x16xf32> to vector<16xf32>
      %swap3A_941 = vector.shape_cast %mul3A_935 : vector<16xf32> to vector<1x16xf32>
      tpu.vector_store %arg19[%swap3A_937, %swap3A_938], %swap3A_941 {strides = array<i32>} : memref<4x304xf32, #tpu.memory_space<vmem>>, vector<1x16xf32>,
      %mul3A_942 = arith.constant 2.000000e-02 : f32
      %mul3A_943 = vector.broadcast %mul3A_942 : f32 to vector<16xf32>
      %mul3A_944 = arith.mulf %scan3A_868#8, %mul3A_943 : vector<16xf32>
      %swap3A_945 = arith.constant 3 : i32
      %swap3A_946 = arith.index_cast %swap3A_945 : i32 to index
      %swap3A_947 = arith.constant 128 : index
      %swap3A_948 = tpu.vector_load %arg19[%swap3A_946, %swap3A_947] {strides = array<i32>} : memref<4x304xf32, #tpu.memory_space<vmem>>, vector<1x16xf32>,
      %swap3A_949 = vector.shape_cast %swap3A_948 : vector<1x16xf32> to vector<16xf32>
      %swap3A_950 = vector.shape_cast %mul3A_944 : vector<16xf32> to vector<1x16xf32>
      tpu.vector_store %arg19[%swap3A_946, %swap3A_947], %swap3A_950 {strides = array<i32>} : memref<4x304xf32, #tpu.memory_space<vmem>>, vector<1x16xf32>,
      %mul3A_951 = arith.constant 2.000000e-02 : f32
      %mul3A_952 = vector.broadcast %mul3A_951 : f32 to vector<16xf32>
      %mul3A_953 = arith.mulf %scan3A_868#9, %mul3A_952 : vector<16xf32>
      %swap3A_954 = arith.constant 3 : i32
      %swap3A_955 = arith.index_cast %swap3A_954 : i32 to index
      %swap3A_956 = arith.constant 144 : index
      %swap3A_957 = tpu.vector_load %arg19[%swap3A_955, %swap3A_956] {strides = array<i32>} : memref<4x304xf32, #tpu.memory_space<vmem>>, vector<1x16xf32>,
      %swap3A_958 = vector.shape_cast %swap3A_957 : vector<1x16xf32> to vector<16xf32>
      %swap3A_959 = vector.shape_cast %mul3A_953 : vector<16xf32> to vector<1x16xf32>
      tpu.vector_store %arg19[%swap3A_955, %swap3A_956], %swap3A_959 {strides = array<i32>} : memref<4x304xf32, #tpu.memory_space<vmem>>, vector<1x16xf32>,
      %mul3A_960 = arith.constant 2.000000e-02 : f32
      %mul3A_961 = vector.broadcast %mul3A_960 : f32 to vector<16xf32>
      %mul3A_962 = arith.mulf %scan3A_868#10, %mul3A_961 : vector<16xf32>
      %swap3A_963 = arith.constant 3 : i32
      %swap3A_964 = arith.index_cast %swap3A_963 : i32 to index
      %swap3A_965 = arith.constant 160 : index
      %swap3A_966 = tpu.vector_load %arg19[%swap3A_964, %swap3A_965] {strides = array<i32>} : memref<4x304xf32, #tpu.memory_space<vmem>>, vector<1x16xf32>,
      %swap3A_967 = vector.shape_cast %swap3A_966 : vector<1x16xf32> to vector<16xf32>
      %swap3A_968 = vector.shape_cast %mul3A_962 : vector<16xf32> to vector<1x16xf32>
      tpu.vector_store %arg19[%swap3A_964, %swap3A_965], %swap3A_968 {strides = array<i32>} : memref<4x304xf32, #tpu.memory_space<vmem>>, vector<1x16xf32>,
      %mul3A_969 = arith.constant 2.000000e-02 : f32
      %mul3A_970 = vector.broadcast %mul3A_969 : f32 to vector<16xf32>
      %mul3A_971 = arith.mulf %scan3A_868#11, %mul3A_970 : vector<16xf32>
      %swap3A_972 = arith.constant 3 : i32
      %swap3A_973 = arith.index_cast %swap3A_972 : i32 to index
      %swap3A_974 = arith.constant 176 : index
      %swap3A_975 = tpu.vector_load %arg19[%swap3A_973, %swap3A_974] {strides = array<i32>} : memref<4x304xf32, #tpu.memory_space<vmem>>, vector<1x16xf32>,
      %swap3A_976 = vector.shape_cast %swap3A_975 : vector<1x16xf32> to vector<16xf32>
      %swap3A_977 = vector.shape_cast %mul3A_971 : vector<16xf32> to vector<1x16xf32>
      tpu.vector_store %arg19[%swap3A_973, %swap3A_974], %swap3A_977 {strides = array<i32>} : memref<4x304xf32, #tpu.memory_space<vmem>>, vector<1x16xf32>,
      %mul3A_978 = arith.constant 2.000000e-02 : f32
      %mul3A_979 = vector.broadcast %mul3A_978 : f32 to vector<16xf32>
      %mul3A_980 = arith.mulf %scan3A_868#12, %mul3A_979 : vector<16xf32>
      %swap3A_981 = arith.constant 3 : i32
      %swap3A_982 = arith.index_cast %swap3A_981 : i32 to index
      %swap3A_983 = arith.constant 192 : index
      %swap3A_984 = tpu.vector_load %arg19[%swap3A_982, %swap3A_983] {strides = array<i32>} : memref<4x304xf32, #tpu.memory_space<vmem>>, vector<1x16xf32>,
      %swap3A_985 = vector.shape_cast %swap3A_984 : vector<1x16xf32> to vector<16xf32>
      %swap3A_986 = vector.shape_cast %mul3A_980 : vector<16xf32> to vector<1x16xf32>
      tpu.vector_store %arg19[%swap3A_982, %swap3A_983], %swap3A_986 {strides = array<i32>} : memref<4x304xf32, #tpu.memory_space<vmem>>, vector<1x16xf32>,
      %mul3A_987 = arith.constant 2.000000e-02 : f32
      %mul3A_988 = vector.broadcast %mul3A_987 : f32 to vector<16xf32>
      %mul3A_989 = arith.mulf %scan3A_868#13, %mul3A_988 : vector<16xf32>
      %swap3A_990 = arith.constant 3 : i32
      %swap3A_991 = arith.index_cast %swap3A_990 : i32 to index
      %swap3A_992 = arith.constant 208 : index
      %swap3A_993 = tpu.vector_load %arg19[%swap3A_991, %swap3A_992] {strides = array<i32>} : memref<4x304xf32, #tpu.memory_space<vmem>>, vector<1x16xf32>,
      %swap3A_994 = vector.shape_cast %swap3A_993 : vector<1x16xf32> to vector<16xf32>
      %swap3A_995 = vector.shape_cast %mul3A_989 : vector<16xf32> to vector<1x16xf32>
      tpu.vector_store %arg19[%swap3A_991, %swap3A_992], %swap3A_995 {strides = array<i32>} : memref<4x304xf32, #tpu.memory_space<vmem>>, vector<1x16xf32>,
      %mul3A_996 = arith.constant 2.000000e-02 : f32
      %mul3A_997 = vector.broadcast %mul3A_996 : f32 to vector<16xf32>
      %mul3A_998 = arith.mulf %scan3A_868#14, %mul3A_997 : vector<16xf32>
      %swap3A_999 = arith.constant 3 : i32
      %swap3A_1000 = arith.index_cast %swap3A_999 : i32 to index
      %swap3A_1001 = arith.constant 224 : index
      %swap3A_1002 = tpu.vector_load %arg19[%swap3A_1000, %swap3A_1001] {strides = array<i32>} : memref<4x304xf32, #tpu.memory_space<vmem>>, vector<1x16xf32>,
      %swap3A_1003 = vector.shape_cast %swap3A_1002 : vector<1x16xf32> to vector<16xf32>
      %swap3A_1004 = vector.shape_cast %mul3A_998 : vector<16xf32> to vector<1x16xf32>
      tpu.vector_store %arg19[%swap3A_1000, %swap3A_1001], %swap3A_1004 {strides = array<i32>} : memref<4x304xf32, #tpu.memory_space<vmem>>, vector<1x16xf32>,
      %mul3A_1005 = arith.constant 2.000000e-02 : f32
      %mul3A_1006 = vector.broadcast %mul3A_1005 : f32 to vector<16xf32>
      %mul3A_1007 = arith.mulf %scan3A_868#15, %mul3A_1006 : vector<16xf32>
      %swap3A_1008 = arith.constant 3 : i32
      %swap3A_1009 = arith.index_cast %swap3A_1008 : i32 to index
      %swap3A_1010 = arith.constant 240 : index
      %swap3A_1011 = tpu.vector_load %arg19[%swap3A_1009, %swap3A_1010] {strides = array<i32>} : memref<4x304xf32, #tpu.memory_space<vmem>>, vector<1x16xf32>,
      %swap3A_1012 = vector.shape_cast %swap3A_1011 : vector<1x16xf32> to vector<16xf32>
      %swap3A_1013 = vector.shape_cast %mul3A_1007 : vector<16xf32> to vector<1x16xf32>
      tpu.vector_store %arg19[%swap3A_1009, %swap3A_1010], %swap3A_1013 {strides = array<i32>} : memref<4x304xf32, #tpu.memory_space<vmem>>, vector<1x16xf32>,
      %mul3A_1014 = arith.constant 2.000000e-02 : f32
      %mul3A_1015 = vector.broadcast %mul3A_1014 : f32 to vector<16xf32>
      %mul3A_1016 = arith.mulf %scan3A_868#16, %mul3A_1015 : vector<16xf32>
      %swap3A_1017 = arith.constant 3 : i32
      %swap3A_1018 = arith.index_cast %swap3A_1017 : i32 to index
      %swap3A_1019 = arith.constant 256 : index
      %swap3A_1020 = tpu.vector_load %arg19[%swap3A_1018, %swap3A_1019] {strides = array<i32>} : memref<4x304xf32, #tpu.memory_space<vmem>>, vector<1x16xf32>,
      %swap3A_1021 = vector.shape_cast %swap3A_1020 : vector<1x16xf32> to vector<16xf32>
      %swap3A_1022 = vector.shape_cast %mul3A_1016 : vector<16xf32> to vector<1x16xf32>
      tpu.vector_store %arg19[%swap3A_1018, %swap3A_1019], %swap3A_1022 {strides = array<i32>} : memref<4x304xf32, #tpu.memory_space<vmem>>, vector<1x16xf32>,
      %mul3A_1023 = arith.constant 2.000000e-02 : f32
      %mul3A_1024 = vector.broadcast %mul3A_1023 : f32 to vector<16xf32>
      %mul3A_1025 = arith.mulf %scan3A_868#17, %mul3A_1024 : vector<16xf32>
      %swap3A_1026 = arith.constant 3 : i32
      %swap3A_1027 = arith.index_cast %swap3A_1026 : i32 to index
      %swap3A_1028 = arith.constant 272 : index
      %swap3A_1029 = tpu.vector_load %arg19[%swap3A_1027, %swap3A_1028] {strides = array<i32>} : memref<4x304xf32, #tpu.memory_space<vmem>>, vector<1x16xf32>,
      %swap3A_1030 = vector.shape_cast %swap3A_1029 : vector<1x16xf32> to vector<16xf32>
      %swap3A_1031 = vector.shape_cast %mul3A_1025 : vector<16xf32> to vector<1x16xf32>
      tpu.vector_store %arg19[%swap3A_1027, %swap3A_1028], %swap3A_1031 {strides = array<i32>} : memref<4x304xf32, #tpu.memory_space<vmem>>, vector<1x16xf32>,
      %mul3A_1032 = arith.constant 2.000000e-02 : f32
      %mul3A_1033 = vector.broadcast %mul3A_1032 : f32 to vector<16xf32>
      %mul3A_1034 = arith.mulf %scan3A_868#18, %mul3A_1033 : vector<16xf32>
      %swap3A_1035 = arith.constant 3 : i32
      %swap3A_1036 = arith.index_cast %swap3A_1035 : i32 to index
      %swap3A_1037 = arith.constant 288 : index
      %swap3A_1038 = tpu.vector_load %arg19[%swap3A_1036, %swap3A_1037] {strides = array<i32>} : memref<4x304xf32, #tpu.memory_space<vmem>>, vector<1x16xf32>,
      %swap3A_1039 = vector.shape_cast %swap3A_1038 : vector<1x16xf32> to vector<16xf32>
      %swap3A_1040 = vector.shape_cast %mul3A_1034 : vector<16xf32> to vector<1x16xf32>
      tpu.vector_store %arg19[%swap3A_1036, %swap3A_1037], %swap3A_1040 {strides = array<i32>} : memref<4x304xf32, #tpu.memory_space<vmem>>, vector<1x16xf32>,
      %mul3A_1041 = arith.constant 4 : i32
      %mul3A_1042 = arith.muli %scan3A_70, %mul3A_1041 : i32
      %add3A_1043 = arith.addi %mul3A_2, %mul3A_1042 : i32
      "tpu.region"() ({
        %run_scoped3A = tpu.sem_alloc : memref<!tpu.dma_semaphore, #tpu.memory_space<semaphore_mem>>
        %dma_start3A_1044 = arith.constant 0 : i32
        %dma_start3A_1045 = tpu.memref_slice %arg5[%add3A_1043, %dma_start3A_1044] : memref<4096x304xf32, #tpu.memory_space<hbm>> -> memref<4x304xf32, #tpu.memory_space<hbm>>
        %dma_start3A_1046 = arith.constant 0 : i32
        %dma_start3A_1047 = tpu.memref_slice %arg5[%add3A_1043, %dma_start3A_1046] : memref<4096x304xf32, #tpu.memory_space<hbm>> -> memref<4x304xf32, #tpu.memory_space<hbm>>
        tpu.enqueue_dma source(%arg19 : memref<4x304xf32, #tpu.memory_space<vmem>>) target(%dma_start3A_1047 : memref<4x304xf32, #tpu.memory_space<hbm>>) target_semaphore(%run_scoped3A : memref<!tpu.dma_semaphore, #tpu.memory_space<semaphore_mem>>)
        %dma_wait3A_1048 = arith.constant 0 : i32
        %dma_wait3A_1049 = tpu.memref_slice %arg5[%add3A_1043, %dma_wait3A_1048] : memref<4096x304xf32, #tpu.memory_space<hbm>> -> memref<4x304xf32, #tpu.memory_space<hbm>>
        %dma_wait3A_1050 = arith.constant 0 : i32
        %dma_wait3A_1051 = tpu.memref_slice %arg5[%add3A_1043, %dma_wait3A_1050] : memref<4096x304xf32, #tpu.memory_space<hbm>> -> memref<4x304xf32, #tpu.memory_space<hbm>>
        tpu.wait_dma2 semaphore(%run_scoped3A : memref<!tpu.dma_semaphore, #tpu.memory_space<semaphore_mem>>) src(%arg19 : memref<4x304xf32, #tpu.memory_space<vmem>>) dst(%dma_wait3A_1051 : memref<4x304xf32, #tpu.memory_space<hbm>>)
        tpu.yield
      }) : () -> ()
    }
    %scan3A_69 = arith.constant 32 : i32
    return
  }
}

module attributes {stable_mosaic.version = 14 : i64} {
  func.func @_mlp_body(%arg0: memref<4096x304xf32, #tpu.memory_space<vmem>>, %arg1: memref<304x128xf32, #tpu.memory_space<vmem>>, %arg2: memref<1x128xf32, #tpu.memory_space<vmem>>, %arg3: memref<128x64xf32, #tpu.memory_space<vmem>>, %arg4: memref<1x64xf32, #tpu.memory_space<vmem>>, %arg5: memref<64x16xf32, #tpu.memory_space<vmem>>, %arg6: memref<1x16xf32, #tpu.memory_space<vmem>>, %arg7: memref<16x1xf32, #tpu.memory_space<vmem>>, %arg8: memref<1x1xf32, #tpu.memory_space<vmem>>, %arg9: memref<4096x1xf32, #tpu.memory_space<vmem>>) attributes {dimension_semantics = [], scalar_prefetch = 0 : i64, scratch_operands = 0 : i64, tpu.core_type = #tpu.core_type<tc>} {
    %get3A = arith.constant 0 : index
    %get3A_0 = arith.constant 0 : index
    %get3A_1 = vector.load %arg0[%get3A, %get3A_0] : memref<4096x304xf32, #tpu.memory_space<vmem>>, vector<4096x304xf32>
    %get3A_2 = arith.constant 0 : index
    %get3A_3 = arith.constant 0 : index
    %get3A_4 = vector.load %arg1[%get3A_2, %get3A_3] : memref<304x128xf32, #tpu.memory_space<vmem>>, vector<304x128xf32>
    %dot_general3A = arith.constant dense<0.000000e+00> : vector<4096x128xf32>
    %dot_general3A_5 = tpu.matmul %get3A_1, %get3A_4, %dot_general3A {dimension_numbers = #tpu.dot_dimension_numbers<[1], [0], [0], [1], [0, 0, 1, 1], [], []>, transpose_lhs_hint = false} : vector<4096x304xf32>, vector<304x128xf32>, vector<4096x128xf32> -> vector<4096x128xf32>
    %get3A_6 = arith.constant 0 : index
    %get3A_7 = arith.constant 0 : index
    %get3A_8 = vector.load %arg2[%get3A_6, %get3A_7] : memref<1x128xf32, #tpu.memory_space<vmem>>, vector<1x128xf32>
    %add3A = vector.broadcast %get3A_8 : vector<1x128xf32> to vector<4096x128xf32>
    %add3A_9 = arith.addf %dot_general3A_5, %add3A : vector<4096x128xf32>
    %max3A = arith.constant 0.000000e+00 : f32
    %max3A_10 = vector.broadcast %max3A : f32 to vector<4096x128xf32>
    %max3A_11 = arith.maximumf %add3A_9, %max3A_10 : vector<4096x128xf32>
    %get3A_12 = arith.constant 0 : index
    %get3A_13 = arith.constant 0 : index
    %get3A_14 = vector.load %arg3[%get3A_12, %get3A_13] : memref<128x64xf32, #tpu.memory_space<vmem>>, vector<128x64xf32>
    %dot_general3A_15 = arith.constant dense<0.000000e+00> : vector<4096x64xf32>
    %dot_general3A_16 = tpu.matmul %max3A_11, %get3A_14, %dot_general3A_15 {dimension_numbers = #tpu.dot_dimension_numbers<[1], [0], [0], [1], [0, 0, 1, 1], [], []>, transpose_lhs_hint = false} : vector<4096x128xf32>, vector<128x64xf32>, vector<4096x64xf32> -> vector<4096x64xf32>
    %get3A_17 = arith.constant 0 : index
    %get3A_18 = arith.constant 0 : index
    %get3A_19 = vector.load %arg4[%get3A_17, %get3A_18] : memref<1x64xf32, #tpu.memory_space<vmem>>, vector<1x64xf32>
    %add3A_20 = vector.broadcast %get3A_19 : vector<1x64xf32> to vector<4096x64xf32>
    %add3A_21 = arith.addf %dot_general3A_16, %add3A_20 : vector<4096x64xf32>
    %max3A_22 = arith.constant 0.000000e+00 : f32
    %max3A_23 = vector.broadcast %max3A_22 : f32 to vector<4096x64xf32>
    %max3A_24 = arith.maximumf %add3A_21, %max3A_23 : vector<4096x64xf32>
    %get3A_25 = arith.constant 0 : index
    %get3A_26 = arith.constant 0 : index
    %get3A_27 = vector.load %arg5[%get3A_25, %get3A_26] : memref<64x16xf32, #tpu.memory_space<vmem>>, vector<64x16xf32>
    %dot_general3A_28 = arith.constant dense<0.000000e+00> : vector<4096x16xf32>
    %dot_general3A_29 = tpu.matmul %max3A_24, %get3A_27, %dot_general3A_28 {dimension_numbers = #tpu.dot_dimension_numbers<[1], [0], [0], [1], [0, 0, 1, 1], [], []>, transpose_lhs_hint = false} : vector<4096x64xf32>, vector<64x16xf32>, vector<4096x16xf32> -> vector<4096x16xf32>
    %get3A_30 = arith.constant 0 : index
    %get3A_31 = arith.constant 0 : index
    %get3A_32 = vector.load %arg6[%get3A_30, %get3A_31] : memref<1x16xf32, #tpu.memory_space<vmem>>, vector<1x16xf32>
    %add3A_33 = vector.broadcast %get3A_32 : vector<1x16xf32> to vector<4096x16xf32>
    %add3A_34 = arith.addf %dot_general3A_29, %add3A_33 : vector<4096x16xf32>
    %max3A_35 = arith.constant 0.000000e+00 : f32
    %max3A_36 = vector.broadcast %max3A_35 : f32 to vector<4096x16xf32>
    %max3A_37 = arith.maximumf %add3A_34, %max3A_36 : vector<4096x16xf32>
    %get3A_38 = arith.constant 0 : index
    %get3A_39 = arith.constant 0 : index
    %get3A_40 = vector.load %arg7[%get3A_38, %get3A_39] : memref<16x1xf32, #tpu.memory_space<vmem>>, vector<16x1xf32>
    %dot_general3A_41 = arith.constant dense<0.000000e+00> : vector<4096x1xf32>
    %dot_general3A_42 = tpu.matmul %max3A_37, %get3A_40, %dot_general3A_41 {dimension_numbers = #tpu.dot_dimension_numbers<[1], [0], [0], [1], [0, 0, 1, 1], [], []>, transpose_lhs_hint = false} : vector<4096x16xf32>, vector<16x1xf32>, vector<4096x1xf32> -> vector<4096x1xf32>
    %get3A_43 = arith.constant 0 : index
    %get3A_44 = arith.constant 0 : index
    %get3A_45 = vector.load %arg8[%get3A_43, %get3A_44] : memref<1x1xf32, #tpu.memory_space<vmem>>, vector<1x1xf32>
    %add3A_46 = vector.broadcast %get3A_45 : vector<1x1xf32> to vector<4096x1xf32>
    %add3A_47 = arith.addf %dot_general3A_42, %add3A_46 : vector<4096x1xf32>
    %logistic3A = arith.negf %add3A_47 : vector<4096x1xf32>
    %logistic3A_48 = math.exp %logistic3A : vector<4096x1xf32>
    %logistic3A_49 = arith.constant 1.000000e+00 : f32
    %logistic3A_50 = vector.broadcast %logistic3A_49 : f32 to vector<4096x1xf32>
    %logistic3A_51 = arith.addf %logistic3A_50, %logistic3A_48 : vector<4096x1xf32>
    %logistic3A_52 = arith.divf %logistic3A_50, %logistic3A_51 : vector<4096x1xf32>
    %swap3A = arith.constant 0 : index
    %swap3A_53 = arith.constant 0 : index
    %swap3A_54 = vector.load %arg9[%swap3A, %swap3A_53] : memref<4096x1xf32, #tpu.memory_space<vmem>>, vector<4096x1xf32>
    tpu.vector_store %arg9[%swap3A, %swap3A_53], %logistic3A_52 {strides = array<i32>} : memref<4096x1xf32, #tpu.memory_space<vmem>>, vector<4096x1xf32>,
    return
  }
}

module attributes {stable_mosaic.version = 14 : i64} {
  func.func @_tail_body(%arg0: i32, %arg1: memref<4000x128xf32, #tpu.memory_space<vmem>>, %arg2: memref<4000x128xf32, #tpu.memory_space<vmem>>) attributes {dimension_semantics = [#tpu.dimension_semantics<arbitrary>], iteration_bounds = array<i64: 250>, scalar_prefetch = 0 : i64, scratch_operands = 0 : i64, tpu.core_type = #tpu.core_type<tc>, window_params = [{transform_indices = @transform_0, window_bounds = array<i64: 4000, 128>}, {transform_indices = @transform_1, window_bounds = array<i64: 4000, 128>}]} {
    %get3A = arith.constant 0 : index
    %get3A_0 = arith.constant 0 : index
    %get3A_1 = vector.load %arg1[%get3A, %get3A_0] : memref<4000x128xf32, #tpu.memory_space<vmem>>, vector<4000x128xf32>
    %slice3A = vector.extract_strided_slice %get3A_1 {offsets = [0, 0], sizes = [4000, 44], strides = [1, 1]} : vector<4000x128xf32> to vector<4000x44xf32>
    %broadcast_in_dim3A = arith.constant 0.000000e+00 : f32
    %broadcast_in_dim3A_2 = vector.broadcast %broadcast_in_dim3A : f32 to vector<4000x84xf32>
    %concatenate3A = tpu.concatenate %slice3A, %broadcast_in_dim3A_2 in 1 : vector<4000x44xf32>, vector<4000x84xf32> -> vector<4000x128xf32>
    %swap3A = arith.constant 0 : index
    %swap3A_3 = arith.constant 0 : index
    %swap3A_4 = vector.load %arg2[%swap3A, %swap3A_3] : memref<4000x128xf32, #tpu.memory_space<vmem>>, vector<4000x128xf32>
    tpu.vector_store %arg2[%swap3A, %swap3A_3], %concatenate3A {strides = array<i32>} : memref<4000x128xf32, #tpu.memory_space<vmem>>, vector<4000x128xf32>,
    return
  }
  func.func @transform_0(%arg0: i32) -> (i32, i32) {
    %c2_i32 = arith.constant 2 : i32
    %c0_i32 = arith.constant 0 : i32
    return %arg0, %c2_i32 : i32, i32
  }
  func.func @transform_1(%arg0: i32) -> (i32, i32) {
    %c0_i32 = arith.constant 0 : i32
    %c0_i32_0 = arith.constant 0 : i32
    return %arg0, %c0_i32 : i32, i32
  }
}

</mosaic_0001>

<sc_bundles>
// kernel: kernel.5.cloned.1.call-start
scs
__scs_entry_jumppad:
0x0: {  	(pc) =	sbr.rel $0x88, $3  }
0x1: {  	(tag) =	ssettag $0x0;
	lr =	simm.s32 $0x1  }
0x2: {  	[smem:$0x3F97] =	sst lr;
	_ =	strace $0xD0000000  }
0x3: {  	_ = 	snop  }
0x4: {  	_ = 	snop  }
0x5: {  	_ = 	snop  }
0x6: {  	_ = 	snop  }
0x7: {  	_ = 	snop  }
__scs_overlays_trampoline_lowered:
0x8: {  	[smem:$0x3FA6] =	sst s0  }
0x9: {  	[smem:$0x3FA7] =	sst s1  }
0xa: {  	[smem:$0x3FA8] =	sst s2  }
0xb: {  	[smem:$0x3FA9] =	sst s3  }
0xc: {  	[smem:$0x3FAA] =	sst s4  }
0xd: {  	[smem:$0x3FAB] =	sst s5  }
0xe: {  	[smem:$0x3FAC] =	sst s6  }
0xf: {  	[smem:$0x3FAD] =	sst s7  }
0x10: {  	[smem:$0x3FAE] =	sst s8  }
0x11: {  	[smem:$0x3FAF] =	sst s9;
	s0 =	simm.s32 @!p0 $0x0  }
0x12: {  	s1 =	sld [smem:$0x3F95];
	s0 =	simm.s32 @p0 $0x1  }
0x13: {  	[smem:$0x3FB0] =	sst s0;
	s0 =	simm.s32 @!p1 $0x0  }
0x14: {  	s2 =	sld [smem:$0x3F94];
	s0 =	simm.s32 @p1 $0x1  }
0x15: {  	[smem:$0x3FB1] =	sst s0;
	s0 =	simm.s32 @!p2 $0x0  }
0x16: {  	s3 =	sld [smem:$0x3FDB];
	s0 =	simm.s32 @p2 $0x1  }
0x17: {  	s4 =	simm.s32 $0x1BF5;
	[smem:$0x3FB3] =	sst s0  }
0x18: {  	s0 =	sld [smem:$0x3F96];
	_ =	swait.ge [sflag:s4], $0x0  }
0x19: {  	s7 =	sld [smem:$0x3F97]  }
0x1a: {  	s8 =	sadd.s32 $0xFFFFE003, lr  }
0x1b: {  	s9 =	sadd.s32 $0xFFFFFEF7, lr;
	s5 =	simm.s32 $0xFFFFFFFF;
	p2 =	slt.u32 s8, $0xFFFFF086  }
0x1c: {  	p1 =	slt.u32 s9, $0xF7A;
	s5 =	simm.s32 @!p2 $0x0  }
0x1d: {  	s5 =	simm.s32 @p1 $0x1;
	p0 =	seq.s32 s7, s2  }
0x1e: {  	s7 =	smul.u32 @!p0 $0xF7A, s2;
	p2 =	seq.s32 @!p0 s5, $0x0  }
0x1f: {  	s9 =	smul.u32 $0xF7A, s1;
	s8 =	simm.s32 @!p0 $0x1BF5;
	p2 =	por !p2, p0  }
0x20: {  	[sflag:s8] =	ssyncset.s32 @!p0 $0xFFFFF086;
	s6 =	sadd.s32 @!p0 s3, s7;
	s7 =	simm.s32 @!p0 $0x108  }
0x21: {  	s3 =	sadd.s32 s3, s9;
	s6 =	sadd.s32 @!p0 $0x88, s6;
	s7 =	simm.s32 @p2 $0x1082  }
0x22: {  	[simem:s7], [sflag:s8] =	dma.local @!p0 [hbm:s6], $0xF7A  }
0x23: {  	s9 =	sor.u32 $0xD0000000, s2;
	s6 =	simm.s32 $0x108;
	_ =	swait.ge @!p0 [sflag:s8], $0x0  }
0x24: {  	s3 =	sadd.s32 $0x88, s3;
	s6 =	simm.s32 @!p1 $0x1082;
	[sflag:s4] =	ssyncset.s32 $0xFFFFF086  }
0x25: {  	[simem:s6], [sflag:s4] =	dma.local [hbm:s3], $0xF7A  }
0x26: {  	[smem:$0x3F97] =	sst s1;
	(tag) =	ssettag s2;
	_ =	strace s9  }
0x27: {  	s1 =	sld [smem:$0x3FA7]  }
0x28: {  	s2 =	sld [smem:$0x3FA8]  }
0x29: {  	s4 =	sld [smem:$0x3FAA]  }
0x2a: {  	p0 =	seq.s32 s5, $0x0;
	s5 =	sld [smem:$0x3FAB]  }
0x2b: {  	s6 =	sld [smem:$0x3FAC]  }
0x2c: {  	s7 =	sld [smem:$0x3FAD]  }
0x2d: {  	s3 =	simm.s32 $0x108;
	s8 =	sld [smem:$0x3FAE]  }
0x2e: {  	s3 =	simm.s32 @!p0 $0x1082;
	s9 =	sld [smem:$0x3FAF]  }
0x2f: {  	lr =	sadd.s32 s0, s3;
	s0 =	sld [smem:$0x3FA6]  }
0x30: {  	s3 =	sld [smem:$0x3FA9]  }
0x31: {  	[smem:$0x3FB2] =	sst s10  }
0x32: {  	s10 =	sld [smem:$0x3FB0];
	_ =	sdelay $0x3  }
0x33: {  	p0 =	seq.s32 s10, $0x1;
	s10 =	sld [smem:$0x3FB2];
	_ =	sdelay $0x3  }
0x34: {  	[smem:$0x3FB2] =	sst s10  }
0x35: {  	s10 =	sld [smem:$0x3FB1];
	_ =	sdelay $0x3  }
0x36: {  	p1 =	seq.s32 s10, $0x1;
	s10 =	sld [smem:$0x3FB2];
	_ =	sdelay $0x3  }
0x37: {  	[smem:$0x3FB2] =	sst s10  }
0x38: {  	s10 =	sld [smem:$0x3FB3]  }
0x39: {  	_ = 	snop;
	(pc) =	sbr.ind lr, $3  }
0x3a: {  	_ = 	snop  }
0x3b: {  	_ = 	snop  }
0x3c: {  	p2 =	seq.s32 s10, $0x1;
	s10 =	sld [smem:$0x3FB2]  }
0x3d: {  	_ =	shalt  }
0x3e: {  	_ =	shalt  }
0x3f: {  	_ =	shalt  }
0x40: {  	_ =	shalt  }
0x41: {  	_ =	shalt  }
0x42: {  	_ =	shalt  }
0x43: {  	_ =	shalt  }
0x44: {  	_ =	shalt  }
0x45: {  	_ =	shalt  }
0x46: {  	_ =	shalt  }
0x47: {  	_ =	shalt  }
0x48: {  	_ =	shalt  }
0x49: {  	_ =	shalt  }
0x4a: {  	_ =	shalt  }
0x4b: {  	_ =	shalt  }
0x4c: {  	_ =	shalt  }
0x4d: {  	_ =	shalt  }
0x4e: {  	_ =	shalt  }
0x4f: {  	_ =	shalt  }
0x50: {  	_ =	shalt  }
0x51: {  	_ =	shalt  }
0x52: {  	_ =	shalt  }
0x53: {  	_ =	shalt  }
0x54: {  	_ =	shalt  }
0x55: {  	_ =	shalt  }
0x56: {  	_ =	shalt  }
0x57: {  	_ =	shalt  }
0x58: {  	_ =	shalt  }
0x59: {  	_ =	shalt  }
0x5a: {  	_ =	shalt  }
0x5b: {  	_ =	shalt  }
0x5c: {  	_ =	shalt  }
0x5d: {  	_ =	shalt  }
0x5e: {  	_ =	shalt  }
0x5f: {  	_ =	shalt  }
0x60: {  	_ =	shalt  }
0x61: {  	_ =	shalt  }
0x62: {  	_ =	shalt  }
0x63: {  	_ =	shalt  }
0x64: {  	_ =	shalt  }
0x65: {  	_ =	shalt  }
0x66: {  	_ =	shalt  }
0x67: {  	_ =	shalt  }
0x68: {  	_ =	shalt  }
0x69: {  	_ =	shalt  }
0x6a: {  	_ =	shalt  }
0x6b: {  	_ =	shalt  }
0x6c: {  	_ =	shalt  }
0x6d: {  	_ =	shalt  }
0x6e: {  	_ =	shalt  }
0x6f: {  	_ =	shalt  }
0x70: {  	_ =	shalt  }
0x71: {  	_ =	shalt  }
0x72: {  	_ =	shalt  }
0x73: {  	_ =	shalt  }
0x74: {  	_ =	shalt  }
0x75: {  	_ =	shalt  }
0x76: {  	_ =	shalt  }
0x77: {  	_ =	shalt  }
0x78: {  	_ =	shalt  }
0x79: {  	_ =	shalt  }
0x7a: {  	_ =	shalt  }
0x7b: {  	_ =	shalt  }
0x7c: {  	_ =	shalt  }
0x7d: {  	_ =	shalt  }
0x7e: {  	_ =	shalt  }
0x7f: {  	_ =	shalt  }
0x80: {  	_ =	shalt  }
0x81: {  	_ =	shalt  }
0x82: {  	_ =	shalt  }
0x83: {  	_ =	shalt  }
0x84: {  	_ =	shalt  }
0x85: {  	_ =	shalt  }
0x86: {  	_ =	shalt  }
0x87: {  	_ =	shalt  }
.Lfunc_end0:
.L_simem_size_0:
called_computation_lowered:
.L_overlay_start_0:
0x88: {  	s2 =	sld [smem:$0x3FD9]  }
0x89: {  	s3 =	sld [smem:$0x3FFE];
	_ =	sdelay $0x1  }
0x8a: {  	s1 =	srdreg.scid  }
0x8b: {  	s0 =	sand.u32 $0x1, s1  }
0x8c: {  	s16 =	sshll.u32 s0, $0xA;
	s2 =	sadd.s32 s3, s2  }
0x8d: {  	s2 =	sadd.s32 s2, s16  }
0x8e: {  	[smem:$0x3FBE] =	sst s2  }
0x8f: {  	_ = 	snop  }
0x90: {  	(tm) =	ssettm $0x1  }
0x91: {  	s17 =	sld [smem:$0x3FFB];
	_ =	sdelay $0x3  }
0x92: {  	_ =	strace s17  }
0x93: {  	s2 =	sld [smem:$0x3FFC];
	_ =	sdelay $0x3  }
0x94: {  	_ =	strace s2  }
0x95: {  	s2 =	sld [smem:$0x3FFD];
	_ =	sdelay $0x3  }
0x96: {  	_ =	strace s2  }
0x97: {  	_ =	strace $0x8FFFFFFF  }
0x98: {  	s18 =	sld [smem:$0x3FDB];
	_ =	sdelay $0x1  }
0x99: {  	s19 =	simm.s32 $_scs_section_size  }
0x9a: {  	s4 =	simm.s32 $_size__tile_overlayer_lowered;
	s5 =	simm.s32 $_tile_overlayer_lowered  }
0x9b: {  	s22 =	simm.s32 $0x1BFF;
	s21 =	sshll.u32 s5, $0x1;
	s2 =	sadd.s32 s19, s18  }
0x9c: {  	s6 =	simm.s32 $0x0;
	s20 =	sshll.u32 s4, $0x1;
	s4 =	sadd.s32 s21, s2  }
0x9d: {  	[timem:s6], [sflag:s22] =	dma.local [hbm:s4], s20  }
0x9e: {  	_ =	swait.ge [sflag:s22], s20  }
0x9f: {  	s3 =	ssub.s32 $0x0, s20;
	[sflag:s22] =	ssyncset.done $0x0  }
0xa0: {  	[sflag:s22] =	ssyncadd.s32 s3;
	_ =	sdelay $0x1  }
0xa1: {  	s23 =	simm.s32 $0x1B8B  }
0xa2: {  	_ =	swait.ge [sflag:s23], $0x1  }
0xa3: {  	[sflag:s23] =	ssyncset.done $0x0  }
0xa4: {  	s25 =	simm.s32 $0x1B8E;
	s24 =	sld [smem:$0x3FFE];
	[sflag:s23] =	ssyncadd.s32 $0xFFFFFFFF  }
0xa5: {  	s26 =	simm.s32 $execute0_lowered;
	[smem:$0x3FD2] =	sst s25  }
0xa6: {  	s4 =	sshll.u32 s26, $0x1;
	_ =	strace $0x80000046;
	[dreg:$0x1] =	wrdreg $0xFFFFFFFF  }
0xa7: {  	s28 =	simm.s32 $_size_execute0_lowered;
	s2 =	sadd.s32 s2, s4;
	[dreg:$0x0] =	wrdreg $0x0  }
0xa8: {  	s4 =	sshll.u32 s28, $0x1;
	[dreg:$0x2] =	wrdreg s2  }
0xa9: {  	[dreg:$0x3] =	wrdreg s4  }
0xaa: {  	[dreg:$0x4] =	wrdreg $0xC0  }
0xab: {  	_ =	task [dreg:s6], $0x5FFFF  }
0xac: {  	[dreg:$0x1] =	wrdreg $0xFFFFFFFF  }
0xad: {  	[dreg:$0x0] =	wrdreg $0x60  }
0xae: {  	[dreg:$0x2] =	wrdreg s24  }
0xaf: {  	[dreg:$0x3] =	wrdreg $0x9  }
0xb0: {  	_ =	task.clear_ibuf [dreg:s6], $0x4FFFF;
	_ =	strace $0x90000046  }
0xb1: {  	s29 =	simm.s32 $0x9;
	_ =	strace $0x80000048  }
0xb2: {  	_ =	swait.ge [sflag:s29], $0x1  }
0xb3: {  	[sflag:s29] =	ssyncadd.s32 $0xFFFFFFFF  }
0xb4: {  	_ =	strace $0x90000048  }
0xb5: {  	_ =	sfence  }
0xb6: {  	s30 =	sld [smem:$0x0];
	_ =	sdelay $0x2  }
0xb7: {  	s31 =	sshll.u32 s1, $0xD;
	s1 =	sshrl.u32 s1, $0x2  }
0xb8: {  	s3 =	sand.u32 $0x4000, s31;
	s1 =	sadd.s32 s1, s30  }
0xb9: {  	s0 =	sor.u32 s3, s0;
	s1 =	sshll.u32 s1, $0x11  }
0xba: {  	s0 =	sor.u32 s1, s0  }
0xbb: {  	s0 =	sadd.s32 $0x8F2B, s0  }
0xbc: {  	[sflag:s0] =	ssyncadd.remote.s32 $0x1  }
0xbd: {  	_ =	sfence.sel $0xFFFF  }
0xbe: {  	[dreg:$0x0] =	wrdreg $0xFFFFFFFF;
	(pc) =	sbr.abs _section_cstart, $3  }
0xbf: {  	[dreg:$0x1] =	wrdreg $0xFFFFFFFF  }
0xc0: {  	_ =	task.clear_ibuf [dreg:s6], $0x2FFFF;
	_ =	strace $0x9FFFFFFF  }
0xc1: {  	(tm) =	ssettm $0x7FFFFFFF  }
tec
execute0_lowered:
.L_overlay_start_1:
0x0: {  	(tag) =	ssettag $0x1  }
0x1: {  	s0 =	rddreg [dreg:$0x0]  }
0x2: {  	s1 =	srdreg.scid;
	s3 =	stileid.u32  }
0x3: {  	s2 =	simm.s32 $0x0;
	s10 =	simm.s32 $0x5;
	s15 =	simm.s32 $0x32  }
0x4: {  	s11 =	simm.s32 $0x1;
	s16 =	simm.s32 $0x11C00;
	s17 =	simm.s32 $0x11880  }
0x5: {  	s18 =	simm.s32 $0x11A80;
	s19 =	simm.s32 $0x11B00;
	s20 =	simm.s32 $0x11A00  }
0x6: {  	s21 =	simm.s32 $0x11980;
	s22 =	simm.s32 $0x11900;
	s23 =	simm.s32 $0x11680  }
0x7: {  	s24 =	simm.s32 $0x11700;
	s25 =	simm.s32 $0x11780;
	s26 =	simm.s32 $0x400  }
0x8: {  	s28 =	simm.s32 $0x19000;
	s12 =	simm.s32 $0x0;
	s1 =	sand.u32 $0x1, s1  }
0x9: {  	v0 =	vimm.s32 $0x3;
	s3 =	sshll.u32 s3, $0x8;
	[smem:$0x7FF] =	sst s2;
	s5 =	sadd.s32 $0x2DC8200, s0  }
0xa: {  	v1 =	vimm.s32 $0x7;
	v2 =	vimm.s32 $0x0;
	v3 =	vlaneseq.u32;
	s6 =	sadd.s32 $0x3D1A600, s0;
	s4 =	sshll.u32 s1, $0x7;
	s1 =	ssub.s32 $0x2, s1  }
0xb: {  	vm0 =	vmmov $0x1;
	v4 =	vimm.s32 $0x1;
	v5 =	vimm.s32 $0x2;
	_ =	strace $0x80000047;
	s3 =	sor.u32 s4, s3;
	s8 =	sshrl.u32 s1, $0x1  }
0xc: {  	v6 =	vimm.s32 $0x4;
	v7 =	vimm.s32 $0x5;
	v8 =	vimm.s32 $0x6;
	s4 =	sshll.u32 s3, $0x4;
	s1 =	ssub.s32 s1, s8;
	s8 =	sadd.s32 $0x1680, s0  }
0xd: {  	v9 =	vimm.s32 $0x8;
	v10 =	vimm.s32 $0x9;
	v11 =	vimm.s32 $0xA;
	s7 =	sadd.s32 s4, s0;
	s4 =	sadd.s32 $0x1600, s0;
	s31 =	smax.u32 s1, $0x1  }
0xe: {  	v12 =	vimm.s32 $0xB;
	v13 =	vimm.s32 $0xC;
	v14 =	vimm.s32 $0xD;
	s0 =	simm.s32 $0x2;
	s7 =	sadd.s32 $0x3D0A600, s7;
	[dreg:$0x3] =	wrdreg s31  }
0xf: {  	v15 =	vimm.s32 $0xE;
	v16 =	vimm.s32 $0xF;
	v3 =	vmul.u32 $0x8, v3;
	s1 =	simm.s32 $0x4;
	[dreg:$0x2] =	wrdreg s7;
	s7 =	simm.s32 $0x3  }
.LBB2_1:
0x10: {  	[dreg:$0x4] =	wrdreg s12  }
0x11: {  	s9 =	rddreg [dreg:$0x2]  }
0x12: {  	[tilespmem:s2], [sflag:$0x5] =	stream.linear.gather [hbm4b:s9+s2], $0x4000, $0x38;
	[tilespmem:$0x19600] =	vst v63  }
0x13: {  	_ =	swait.ge [sflag:s10], $0x4000  }
0x14: {  	[sflag:s10] =	ssyncset.done $0x0  }
0x15: {  	[sflag:s10] =	ssyncadd.s32 $0xFFFFC000  }
0x16: {  	v17 =	vld [tilespmem:$0x0];
	_ =	sdelay $0x4  }
0x17: {  	v18 =	vshrl.u32 v17, $0x3  }
0x18: {  	v18 =	vmul.u32 $0x18, v18  }
0x19: {  	v17 =	vand.u32 $0x7, v17  }
0x1a: {  	v17 =	vor.u32 v17, v18  }
0x1b: {  	v18 =	vperm.xlane v17, v2;
	_ =	sdelay $0x1  }
0x1c: {  	v19 =	vperm.xlane v17, v4;
	v18 =	vadd.s32 v3, v18;
	_ =	sdelay $0x1  }
0x1d: {  	v20 =	vperm.xlane v17, v5;
	v19 =	vadd.s32 v3, v19;
	_ =	sdelay $0x1  }
0x1e: {  	s12 =	simm.s32 $0x4000;
	v21 =	vperm.xlane v17, v0;
	v20 =	vadd.s32 v3, v20  }
0x1f: {  	[tilespmem:s12], [sflag:$0x1] =	stream.indirect_vreg.gather [hbm4b:s4+s2], $0x80, v18, vm0, $0xb8;
	[tilespmem:$0x19600] =	vst v63  }
0x20: {  	s13 =	simm.s32 $0x4080;
	v40 =	vperm.xlane v17, v6;
	v18 =	vadd.s32 v3, v21  }
0x21: {  	[tilespmem:s13], [sflag:$0x1] =	stream.indirect_vreg.gather [hbm4b:s4+s2], $0x80, v19, vm0, $0xb8;
	[tilespmem:$0x19600] =	vst v63  }
0x22: {  	s14 =	simm.s32 $0x4100;
	v41 =	vperm.xlane v17, v7;
	v19 =	vadd.s32 v3, v40  }
0x23: {  	[tilespmem:s14], [sflag:$0x1] =	stream.indirect_vreg.gather [hbm4b:s4+s2], $0x80, v20, vm0, $0xb8;
	[tilespmem:$0x19600] =	vst v63  }
0x24: {  	s30 =	simm.s32 $0x4180;
	v43 =	vperm.xlane v17, v8;
	v42 =	vadd.s32 v3, v41  }
0x25: {  	[tilespmem:s30], [sflag:$0x1] =	stream.indirect_vreg.gather [hbm4b:s4+s2], $0x80, v18, vm0, $0xb8;
	[tilespmem:$0x19600] =	vst v63  }
0x26: {  	s31 =	simm.s32 $0x4200;
	v44 =	vperm.xlane v17, v1;
	v18 =	vadd.s32 v3, v43  }
0x27: {  	[tilespmem:s31], [sflag:$0x1] =	stream.indirect_vreg.gather [hbm4b:s4+s2], $0x80, v19, vm0, $0xb8;
	[tilespmem:$0x19600] =	vst v63  }
0x28: {  	v45 =	vperm.xlane v17, v9;
	s12 =	simm.s32 $0x4280;
	v19 =	vadd.s32 v3, v44  }
0x29: {  	[tilespmem:s12], [sflag:$0x1] =	stream.indirect_vreg.gather [hbm4b:s4+s2], $0x80, v42, vm0, $0xb8;
	[tilespmem:$0x19600] =	vst v63  }
0x2a: {  	v47 =	vperm.xlane v17, v10;
	v46 =	vadd.s32 v3, v45;
	s13 =	simm.s32 $0x4300  }
0x2b: {  	[tilespmem:s13], [sflag:$0x1] =	stream.indirect_vreg.gather [hbm4b:s4+s2], $0x80, v18, vm0, $0xb8;
	[tilespmem:$0x19600] =	vst v63  }
0x2c: {  	v48 =	vperm.xlane v17, v11;
	s14 =	simm.s32 $0x4380;
	v18 =	vadd.s32 v3, v47  }
0x2d: {  	[tilespmem:s14], [sflag:$0x1] =	stream.indirect_vreg.gather [hbm4b:s4+s2], $0x80, v19, vm0, $0xb8;
	[tilespmem:$0x19600] =	vst v63  }
0x2e: {  	v49 =	vperm.xlane v17, v12;
	s30 =	simm.s32 $0x4400;
	v19 =	vadd.s32 v3, v48  }
0x2f: {  	[tilespmem:s30], [sflag:$0x1] =	stream.indirect_vreg.gather [hbm4b:s4+s2], $0x80, v46, vm0, $0xb8;
	[tilespmem:$0x19600] =	vst v63  }
0x30: {  	v51 =	vperm.xlane v17, v13;
	v50 =	vadd.s32 v3, v49;
	s31 =	simm.s32 $0x4480  }
0x31: {  	[tilespmem:s31], [sflag:$0x1] =	stream.indirect_vreg.gather [hbm4b:s4+s2], $0x80, v18, vm0, $0xb8;
	[tilespmem:$0x19600] =	vst v63  }
0x32: {  	v52 =	vperm.xlane v17, v14;
	s12 =	simm.s32 $0x4500;
	v18 =	vadd.s32 v3, v51  }
0x33: {  	[tilespmem:s12], [sflag:$0x1] =	stream.indirect_vreg.gather [hbm4b:s4+s2], $0x80, v19, vm0, $0xb8;
	[tilespmem:$0x19600] =	vst v63  }
0x34: {  	v53 =	vperm.xlane v17, v15;
	s13 =	simm.s32 $0x4580;
	v19 =	vadd.s32 v3, v52  }
0x35: {  	[tilespmem:s13], [sflag:$0x1] =	stream.indirect_vreg.gather [hbm4b:s4+s2], $0x80, v50, vm0, $0xb8;
	[tilespmem:$0x19600] =	vst v63  }
0x36: {  	v17 =	vperm.xlane v17, v16;
	v54 =	vadd.s32 v3, v53;
	s14 =	simm.s32 $0x4600  }
0x37: {  	[tilespmem:s14], [sflag:$0x1] =	stream.indirect_vreg.gather [hbm4b:s4+s2], $0x80, v18, vm0, $0xb8;
	[tilespmem:$0x19600] =	vst v63  }
0x38: {  	v17 =	vadd.s32 v3, v17;
	s30 =	simm.s32 $0x4680  }
0x39: {  	[tilespmem:s30], [sflag:$0x1] =	stream.indirect_vreg.gather [hbm4b:s4+s2], $0x80, v19, vm0, $0xb8;
	[tilespmem:$0x19600] =	vst v63  }
0x3a: {  	s31 =	simm.s32 $0x4700  }
0x3b: {  	[tilespmem:s31], [sflag:$0x1] =	stream.indirect_vreg.gather [hbm4b:s4+s2], $0x80, v54, vm0, $0xb8;
	[tilespmem:$0x19600] =	vst v63  }
0x3c: {  	s12 =	simm.s32 $0x4780  }
0x3d: {  	[tilespmem:s12], [sflag:$0x1] =	stream.indirect_vreg.gather [hbm4b:s4+s2], $0x80, v17, vm0, $0xb8;
	[tilespmem:$0x19600] =	vst v63  }
0x3e: {  	v17 =	vld [tilespmem:$0x10];
	_ =	sdelay $0x4  }
0x3f: {  	v18 =	vshrl.u32 v17, $0x3  }
0x40: {  	v18 =	vmul.u32 $0x18, v18  }
0x41: {  	v17 =	vand.u32 $0x7, v17  }
0x42: {  	v17 =	vor.u32 v17, v18  }
0x43: {  	v18 =	vperm.xlane v17, v2;
	_ =	sdelay $0x1  }
0x44: {  	v19 =	vperm.xlane v17, v4;
	v18 =	vadd.s32 v3, v18;
	_ =	sdelay $0x1  }
0x45: {  	v55 =	vperm.xlane v17, v5;
	v19 =	vadd.s32 v3, v19;
	_ =	sdelay $0x1  }
0x46: {  	s13 =	simm.s32 $0x4800;
	v56 =	vperm.xlane v17, v0;
	v20 =	vadd.s32 v3, v55  }
0x47: {  	[tilespmem:s13], [sflag:$0x1] =	stream.indirect_vreg.gather [hbm4b:s4+s2], $0x80, v18, vm0, $0xb8;
	[tilespmem:$0x19600] =	vst v63  }
0x48: {  	s14 =	simm.s32 $0x4880;
	v57 =	vperm.xlane v17, v6;
	v18 =	vadd.s32 v3, v56  }
0x49: {  	[tilespmem:s14], [sflag:$0x1] =	stream.indirect_vreg.gather [hbm4b:s4+s2], $0x80, v19, vm0, $0xb8;
	[tilespmem:$0x19600] =	vst v63  }
0x4a: {  	s30 =	simm.s32 $0x4900;
	v58 =	vperm.xlane v17, v7;
	v19 =	vadd.s32 v3, v57  }
0x4b: {  	[tilespmem:s30], [sflag:$0x1] =	stream.indirect_vreg.gather [hbm4b:s4+s2], $0x80, v20, vm0, $0xb8;
	[tilespmem:$0x19600] =	vst v63  }
0x4c: {  	s31 =	simm.s32 $0x4980;
	v60 =	vperm.xlane v17, v8;
	v59 =	vadd.s32 v3, v58  }
0x4d: {  	[tilespmem:s31], [sflag:$0x1] =	stream.indirect_vreg.gather [hbm4b:s4+s2], $0x80, v18, vm0, $0xb8;
	[tilespmem:$0x19600] =	vst v63  }
0x4e: {  	s12 =	simm.s32 $0x4A00;
	v61 =	vperm.xlane v17, v1;
	v18 =	vadd.s32 v3, v60  }
0x4f: {  	[tilespmem:s12], [sflag:$0x1] =	stream.indirect_vreg.gather [hbm4b:s4+s2], $0x80, v19, vm0, $0xb8;
	[tilespmem:$0x19600] =	vst v63  }
0x50: {  	v62 =	vperm.xlane v17, v9;
	s13 =	simm.s32 $0x4A80;
	v19 =	vadd.s32 v3, v61  }
0x51: {  	[tilespmem:s13], [sflag:$0x1] =	stream.indirect_vreg.gather [hbm4b:s4+s2], $0x80, v59, vm0, $0xb8;
	[tilespmem:$0x19600] =	vst v63  }
0x52: {  	v24 =	vperm.xlane v17, v10;
	v63 =	vadd.s32 v3, v62;
	s14 =	simm.s32 $0x4B00  }
0x53: {  	[tilespmem:s14], [sflag:$0x1] =	stream.indirect_vreg.gather [hbm4b:s4+s2], $0x80, v18, vm0, $0xb8;
	[tilespmem:$0x19600] =	vst v63  }
0x54: {  	v25 =	vperm.xlane v17, v11;
	s30 =	simm.s32 $0x4B80;
	v18 =	vadd.s32 v3, v24  }
0x55: {  	[tilespmem:s30], [sflag:$0x1] =	stream.indirect_vreg.gather [hbm4b:s4+s2], $0x80, v19, vm0, $0xb8;
	[tilespmem:$0x19600] =	vst v63  }
0x56: {  	v26 =	vperm.xlane v17, v12;
	s31 =	simm.s32 $0x4C00;
	v19 =	vadd.s32 v3, v25  }
0x57: {  	[tilespmem:s31], [sflag:$0x1] =	stream.indirect_vreg.gather [hbm4b:s4+s2], $0x80, v63, vm0, $0xb8;
	[tilespmem:$0x19600] =	vst v63  }
0x58: {  	v28 =	vperm.xlane v17, v13;
	v27 =	vadd.s32 v3, v26;
	s12 =	simm.s32 $0x4C80  }
0x59: {  	[tilespmem:s12], [sflag:$0x1] =	stream.indirect_vreg.gather [hbm4b:s4+s2], $0x80, v18, vm0, $0xb8;
	[tilespmem:$0x19600] =	vst v63  }
0x5a: {  	v29 =	vperm.xlane v17, v14;
	s13 =	simm.s32 $0x4D00;
	v18 =	vadd.s32 v3, v28  }
0x5b: {  	[tilespmem:s13], [sflag:$0x1] =	stream.indirect_vreg.gather [hbm4b:s4+s2], $0x80, v19, vm0, $0xb8;
	[tilespmem:$0x19600] =	vst v63  }
0x5c: {  	v30 =	vperm.xlane v17, v15;
	s14 =	simm.s32 $0x4D80;
	v19 =	vadd.s32 v3, v29  }
0x5d: {  	[tilespmem:s14], [sflag:$0x1] =	stream.indirect_vreg.gather [hbm4b:s4+s2], $0x80, v27, vm0, $0xb8;
	[tilespmem:$0x19600] =	vst v63  }
0x5e: {  	v17 =	vperm.xlane v17, v16;
	v31 =	vadd.s32 v3, v30;
	s30 =	simm.s32 $0x4E00  }
0x5f: {  	[tilespmem:s30], [sflag:$0x1] =	stream.indirect_vreg.gather [hbm4b:s4+s2], $0x80, v18, vm0, $0xb8;
	[tilespmem:$0x19600] =	vst v63  }
0x60: {  	v17 =	vadd.s32 v3, v17;
	s31 =	simm.s32 $0x4E80  }
0x61: {  	[tilespmem:s31], [sflag:$0x1] =	stream.indirect_vreg.gather [hbm4b:s4+s2], $0x80, v19, vm0, $0xb8;
	[tilespmem:$0x19600] =	vst v63  }
0x62: {  	s12 =	simm.s32 $0x4F00  }
0x63: {  	[tilespmem:s12], [sflag:$0x1] =	stream.indirect_vreg.gather [hbm4b:s4+s2], $0x80, v31, vm0, $0xb8;
	[tilespmem:$0x19600] =	vst v63  }
0x64: {  	s13 =	simm.s32 $0x4F80  }
0x65: {  	[tilespmem:s13], [sflag:$0x1] =	stream.indirect_vreg.gather [hbm4b:s4+s2], $0x80, v17, vm0, $0xb8;
	[tilespmem:$0x19600] =	vst v63  }
0x66: {  	v17 =	vld [tilespmem:$0x20];
	_ =	sdelay $0x4  }
0x67: {  	v18 =	vshrl.u32 v17, $0x3  }
0x68: {  	v18 =	vmul.u32 $0x18, v18  }
0x69: {  	v17 =	vand.u32 $0x7, v17  }
0x6a: {  	v17 =	vor.u32 v17, v18  }
0x6b: {  	v18 =	vperm.xlane v17, v2;
	_ =	sdelay $0x1  }
0x6c: {  	v19 =	vperm.xlane v17, v4;
	v18 =	vadd.s32 v3, v18;
	_ =	sdelay $0x1  }
0x6d: {  	v32 =	vperm.xlane v17, v5;
	v19 =	vadd.s32 v3, v19;
	_ =	sdelay $0x1  }
0x6e: {  	s14 =	simm.s32 $0x5000;
	v33 =	vperm.xlane v17, v0;
	v20 =	vadd.s32 v3, v32  }
0x6f: {  	[tilespmem:s14], [sflag:$0x1] =	stream.indirect_vreg.gather [hbm4b:s4+s2], $0x80, v18, vm0, $0xb8;
	[tilespmem:$0x19600] =	vst v63  }
0x70: {  	s30 =	simm.s32 $0x5080;
	v34 =	vperm.xlane v17, v6;
	v18 =	vadd.s32 v3, v33  }
0x71: {  	[tilespmem:s30], [sflag:$0x1] =	stream.indirect_vreg.gather [hbm4b:s4+s2], $0x80, v19, vm0, $0xb8;
	[tilespmem:$0x19600] =	vst v63  }
0x72: {  	s31 =	simm.s32 $0x5100;
	v35 =	vperm.xlane v17, v7;
	v19 =	vadd.s32 v3, v34  }
0x73: {  	[tilespmem:s31], [sflag:$0x1] =	stream.indirect_vreg.gather [hbm4b:s4+s2], $0x80, v20, vm0, $0xb8;
	[tilespmem:$0x19600] =	vst v63  }
0x74: {  	s12 =	simm.s32 $0x5180;
	v37 =	vperm.xlane v17, v8;
	v36 =	vadd.s32 v3, v35  }
0x75: {  	[tilespmem:s12], [sflag:$0x1] =	stream.indirect_vreg.gather [hbm4b:s4+s2], $0x80, v18, vm0, $0xb8;
	[tilespmem:$0x19600] =	vst v63  }
0x76: {  	s13 =	simm.s32 $0x5200;
	v38 =	vperm.xlane v17, v1;
	v18 =	vadd.s32 v3, v37  }
0x77: {  	[tilespmem:s13], [sflag:$0x1] =	stream.indirect_vreg.gather [hbm4b:s4+s2], $0x80, v19, vm0, $0xb8;
	[tilespmem:$0x19600] =	vst v63  }
0x78: {  	v39 =	vperm.xlane v17, v9;
	s14 =	simm.s32 $0x5280;
	v19 =	vadd.s32 v3, v38  }
0x79: {  	[tilespmem:s14], [sflag:$0x1] =	stream.indirect_vreg.gather [hbm4b:s4+s2], $0x80, v36, vm0, $0xb8;
	[tilespmem:$0x19600] =	vst v63  }
0x7a: {  	v41 =	vperm.xlane v17, v10;
	v40 =	vadd.s32 v3, v39;
	s30 =	simm.s32 $0x5300  }
0x7b: {  	[tilespmem:s30], [sflag:$0x1] =	stream.indirect_vreg.gather [hbm4b:s4+s2], $0x80, v18, vm0, $0xb8;
	[tilespmem:$0x19600] =	vst v63  }
0x7c: {  	v42 =	vperm.xlane v17, v11;
	s31 =	simm.s32 $0x5380;
	v18 =	vadd.s32 v3, v41  }
0x7d: {  	[tilespmem:s31], [sflag:$0x1] =	stream.indirect_vreg.gather [hbm4b:s4+s2], $0x80, v19, vm0, $0xb8;
	[tilespmem:$0x19600] =	vst v63  }
0x7e: {  	v43 =	vperm.xlane v17, v12;
	s12 =	simm.s32 $0x5400;
	v19 =	vadd.s32 v3, v42  }
0x7f: {  	[tilespmem:s12], [sflag:$0x1] =	stream.indirect_vreg.gather [hbm4b:s4+s2], $0x80, v40, vm0, $0xb8;
	[tilespmem:$0x19600] =	vst v63  }
0x80: {  	v45 =	vperm.xlane v17, v13;
	v44 =	vadd.s32 v3, v43;
	s13 =	simm.s32 $0x5480  }
0x81: {  	[tilespmem:s13], [sflag:$0x1] =	stream.indirect_vreg.gather [hbm4b:s4+s2], $0x80, v18, vm0, $0xb8;
	[tilespmem:$0x19600] =	vst v63  }
0x82: {  	v46 =	vperm.xlane v17, v14;
	s14 =	simm.s32 $0x5500;
	v18 =	vadd.s32 v3, v45  }
0x83: {  	[tilespmem:s14], [sflag:$0x1] =	stream.indirect_vreg.gather [hbm4b:s4+s2], $0x80, v19, vm0, $0xb8;
	[tilespmem:$0x19600] =	vst v63  }
0x84: {  	v47 =	vperm.xlane v17, v15;
	s30 =	simm.s32 $0x5580;
	v19 =	vadd.s32 v3, v46  }
0x85: {  	[tilespmem:s30], [sflag:$0x1] =	stream.indirect_vreg.gather [hbm4b:s4+s2], $0x80, v44, vm0, $0xb8;
	[tilespmem:$0x19600] =	vst v63  }
0x86: {  	v17 =	vperm.xlane v17, v16;
	v48 =	vadd.s32 v3, v47;
	s31 =	simm.s32 $0x5600  }
0x87: {  	[tilespmem:s31], [sflag:$0x1] =	stream.indirect_vreg.gather [hbm4b:s4+s2], $0x80, v18, vm0, $0xb8;
	[tilespmem:$0x19600] =	vst v63  }
0x88: {  	v17 =	vadd.s32 v3, v17;
	s12 =	simm.s32 $0x5680  }
0x89: {  	[tilespmem:s12], [sflag:$0x1] =	stream.indirect_vreg.gather [hbm4b:s4+s2], $0x80, v19, vm0, $0xb8;
	[tilespmem:$0x19600] =	vst v63  }
0x8a: {  	s13 =	simm.s32 $0x5700  }
0x8b: {  	[tilespmem:s13], [sflag:$0x1] =	stream.indirect_vreg.gather [hbm4b:s4+s2], $0x80, v48, vm0, $0xb8;
	[tilespmem:$0x19600] =	vst v63  }
0x8c: {  	s14 =	simm.s32 $0x5780  }
0x8d: {  	[tilespmem:s14], [sflag:$0x1] =	stream.indirect_vreg.gather [hbm4b:s4+s2], $0x80, v17, vm0, $0xb8;
	[tilespmem:$0x19600] =	vst v63  }
0x8e: {  	v17 =	vld.msk [tilespmem:$0x30], $0x3;
	_ =	sdelay $0x4  }
0x8f: {  	v18 =	vshrl.u32 v17, $0x3  }
0x90: {  	v18 =	vmul.u32 $0x18, v18  }
0x91: {  	v17 =	vand.u32 $0x7, v17  }
0x92: {  	v17 =	vor.u32 v17, v18  }
0x93: {  	v18 =	vperm.xlane v17, v2;
	_ =	sdelay $0x1  }
0x94: {  	v17 =	vperm.xlane v17, v4;
	v18 =	vadd.s32 v3, v18;
	_ =	sdelay $0x1  }
0x95: {  	v17 =	vadd.s32 v3, v17;
	_ =	sdelay $0x1  }
0x96: {  	s30 =	simm.s32 $0x5800  }
0x97: {  	[tilespmem:s30], [sflag:$0x1] =	stream.indirect_vreg.gather [hbm4b:s4+s2], $0x80, v18, vm0, $0xb8;
	[tilespmem:$0x19600] =	vst v63  }
0x98: {  	s31 =	simm.s32 $0x5880  }
0x99: {  	[tilespmem:s31], [sflag:$0x1] =	stream.indirect_vreg.gather [hbm4b:s4+s2], $0x80, v17, vm0, $0xb8;
	[tilespmem:$0x19600] =	vst v63  }
0x9a: {  	v17 =	vld [tilespmem:$0x0];
	_ =	sdelay $0x4  }
0x9b: {  	v18 =	vshrl.u32 v17, $0x3  }
0x9c: {  	v18 =	vmul.u32 $0x18, v18  }
0x9d: {  	v17 =	vand.u32 $0x7, v17  }
0x9e: {  	v17 =	vor.u32 v17, v18  }
0x9f: {  	v18 =	vperm.xlane v17, v2;
	_ =	sdelay $0x1  }
0xa0: {  	v19 =	vperm.xlane v17, v4;
	v18 =	vadd.s32 v3, v18;
	_ =	sdelay $0x1  }
0xa1: {  	v49 =	vperm.xlane v17, v5;
	v19 =	vadd.s32 v3, v19;
	_ =	sdelay $0x1  }
0xa2: {  	s12 =	simm.s32 $0xB000;
	v50 =	vperm.xlane v17, v0;
	v20 =	vadd.s32 v3, v49  }
0xa3: {  	[tilespmem:s12], [sflag:$0x1] =	stream.indirect_vreg.gather [hbm4b:s8+s2], $0x80, v18, vm0, $0xb8;
	[tilespmem:$0x19600] =	vst v63  }
0xa4: {  	s13 =	simm.s32 $0xB080;
	v51 =	vperm.xlane v17, v6;
	v18 =	vadd.s32 v3, v50  }
0xa5: {  	[tilespmem:s13], [sflag:$0x1] =	stream.indirect_vreg.gather [hbm4b:s8+s2], $0x80, v19, vm0, $0xb8;
	[tilespmem:$0x19600] =	vst v63  }
0xa6: {  	s14 =	simm.s32 $0xB100;
	v52 =	vperm.xlane v17, v7;
	v19 =	vadd.s32 v3, v51  }
0xa7: {  	[tilespmem:s14], [sflag:$0x1] =	stream.indirect_vreg.gather [hbm4b:s8+s2], $0x80, v20, vm0, $0xb8;
	[tilespmem:$0x19600] =	vst v63  }
0xa8: {  	s30 =	simm.s32 $0xB180;
	v54 =	vperm.xlane v17, v8;
	v53 =	vadd.s32 v3, v52  }
0xa9: {  	[tilespmem:s30], [sflag:$0x1] =	stream.indirect_vreg.gather [hbm4b:s8+s2], $0x80, v18, vm0, $0xb8;
	[tilespmem:$0x19600] =	vst v63  }
0xaa: {  	s31 =	simm.s32 $0xB200;
	v55 =	vperm.xlane v17, v1;
	v18 =	vadd.s32 v3, v54  }
0xab: {  	[tilespmem:s31], [sflag:$0x1] =	stream.indirect_vreg.gather [hbm4b:s8+s2], $0x80, v19, vm0, $0xb8;
	[tilespmem:$0x19600] =	vst v63  }
0xac: {  	v56 =	vperm.xlane v17, v9;
	s12 =	simm.s32 $0xB280;
	v19 =	vadd.s32 v3, v55  }
0xad: {  	[tilespmem:s12], [sflag:$0x1] =	stream.indirect_vreg.gather [hbm4b:s8+s2], $0x80, v53, vm0, $0xb8;
	[tilespmem:$0x19600] =	vst v63  }
0xae: {  	v58 =	vperm.xlane v17, v10;
	v57 =	vadd.s32 v3, v56;
	s13 =	simm.s32 $0xB300  }
0xaf: {  	[tilespmem:s13], [sflag:$0x1] =	stream.indirect_vreg.gather [hbm4b:s8+s2], $0x80, v18, vm0, $0xb8;
	[tilespmem:$0x19600] =	vst v63  }
0xb0: {  	v59 =	vperm.xlane v17, v11;
	s14 =	simm.s32 $0xB380;
	v18 =	vadd.s32 v3, v58  }
0xb1: {  	[tilespmem:s14], [sflag:$0x1] =	stream.indirect_vreg.gather [hbm4b:s8+s2], $0x80, v19, vm0, $0xb8;
	[tilespmem:$0x19600] =	vst v63  }
0xb2: {  	v60 =	vperm.xlane v17, v12;
	s30 =	simm.s32 $0xB400;
	v19 =	vadd.s32 v3, v59  }
0xb3: {  	[tilespmem:s30], [sflag:$0x1] =	stream.indirect_vreg.gather [hbm4b:s8+s2], $0x80, v57, vm0, $0xb8;
	[tilespmem:$0x19600] =	vst v63  }
0xb4: {  	v62 =	vperm.xlane v17, v13;
	v61 =	vadd.s32 v3, v60;
	s31 =	simm.s32 $0xB480  }
0xb5: {  	[tilespmem:s31], [sflag:$0x1] =	stream.indirect_vreg.gather [hbm4b:s8+s2], $0x80, v18, vm0, $0xb8;
	[tilespmem:$0x19600] =	vst v63  }
0xb6: {  	v63 =	vperm.xlane v17, v14;
	s12 =	simm.s32 $0xB500;
	v18 =	vadd.s32 v3, v62  }
0xb7: {  	[tilespmem:s12], [sflag:$0x1] =	stream.indirect_vreg.gather [hbm4b:s8+s2], $0x80, v19, vm0, $0xb8;
	[tilespmem:$0x19600] =	vst v63  }
0xb8: {  	v24 =	vperm.xlane v17, v15;
	s13 =	simm.s32 $0xB580;
	v19 =	vadd.s32 v3, v63  }
0xb9: {  	[tilespmem:s13], [sflag:$0x1] =	stream.indirect_vreg.gather [hbm4b:s8+s2], $0x80, v61, vm0, $0xb8;
	[tilespmem:$0x19600] =	vst v63  }
0xba: {  	v17 =	vperm.xlane v17, v16;
	v25 =	vadd.s32 v3, v24;
	s14 =	simm.s32 $0xB600  }
0xbb: {  	[tilespmem:s14], [sflag:$0x1] =	stream.indirect_vreg.gather [hbm4b:s8+s2], $0x80, v18, vm0, $0xb8;
	[tilespmem:$0x19600] =	vst v63  }
0xbc: {  	v17 =	vadd.s32 v3, v17;
	s30 =	simm.s32 $0xB680  }
0xbd: {  	[tilespmem:s30], [sflag:$0x1] =	stream.indirect_vreg.gather [hbm4b:s8+s2], $0x80, v19, vm0, $0xb8;
	[tilespmem:$0x19600] =	vst v63  }
0xbe: {  	s31 =	simm.s32 $0xB700  }
0xbf: {  	[tilespmem:s31], [sflag:$0x1] =	stream.indirect_vreg.gather [hbm4b:s8+s2], $0x80, v25, vm0, $0xb8;
	[tilespmem:$0x19600] =	vst v63  }
0xc0: {  	s12 =	simm.s32 $0xB780  }
0xc1: {  	[tilespmem:s12], [sflag:$0x1] =	stream.indirect_vreg.gather [hbm4b:s8+s2], $0x80, v17, vm0, $0xb8;
	[tilespmem:$0x19600] =	vst v63  }
0xc2: {  	v17 =	vld [tilespmem:$0x10];
	_ =	sdelay $0x4  }
0xc3: {  	v18 =	vshrl.u32 v17, $0x3  }
0xc4: {  	v18 =	vmul.u32 $0x18, v18  }
0xc5: {  	v17 =	vand.u32 $0x7, v17  }
0xc6: {  	v17 =	vor.u32 v17, v18  }
0xc7: {  	v18 =	vperm.xlane v17, v2;
	_ =	sdelay $0x1  }
0xc8: {  	v19 =	vperm.xlane v17, v4;
	v18 =	vadd.s32 v3, v18;
	_ =	sdelay $0x1  }
0xc9: {  	v26 =	vperm.xlane v17, v5;
	v19 =	vadd.s32 v3, v19;
	_ =	sdelay $0x1  }
0xca: {  	s13 =	simm.s32 $0xB800;
	v27 =	vperm.xlane v17, v0;
	v20 =	vadd.s32 v3, v26  }
0xcb: {  	[tilespmem:s13], [sflag:$0x1] =	stream.indirect_vreg.gather [hbm4b:s8+s2], $0x80, v18, vm0, $0xb8;
	[tilespmem:$0x19600] =	vst v63  }
0xcc: {  	s14 =	simm.s32 $0xB880;
	v28 =	vperm.xlane v17, v6;
	v18 =	vadd.s32 v3, v27  }
0xcd: {  	[tilespmem:s14], [sflag:$0x1] =	stream.indirect_vreg.gather [hbm4b:s8+s2], $0x80, v19, vm0, $0xb8;
	[tilespmem:$0x19600] =	vst v63  }
0xce: {  	s30 =	simm.s32 $0xB900;
	v29 =	vperm.xlane v17, v7;
	v19 =	vadd.s32 v3, v28  }
0xcf: {  	[tilespmem:s30], [sflag:$0x1] =	stream.indirect_vreg.gather [hbm4b:s8+s2], $0x80, v20, vm0, $0xb8;
	[tilespmem:$0x19600] =	vst v63  }
0xd0: {  	s31 =	simm.s32 $0xB980;
	v31 =	vperm.xlane v17, v8;
	v30 =	vadd.s32 v3, v29  }
0xd1: {  	[tilespmem:s31], [sflag:$0x1] =	stream.indirect_vreg.gather [hbm4b:s8+s2], $0x80, v18, vm0, $0xb8;
	[tilespmem:$0x19600] =	vst v63  }
0xd2: {  	s12 =	simm.s32 $0xBA00;
	v32 =	vperm.xlane v17, v1;
	v18 =	vadd.s32 v3, v31  }
0xd3: {  	[tilespmem:s12], [sflag:$0x1] =	stream.indirect_vreg.gather [hbm4b:s8+s2], $0x80, v19, vm0, $0xb8;
	[tilespmem:$0x19600] =	vst v63  }
0xd4: {  	v33 =	vperm.xlane v17, v9;
	s13 =	simm.s32 $0xBA80;
	v19 =	vadd.s32 v3, v32  }
0xd5: {  	[tilespmem:s13], [sflag:$0x1] =	stream.indirect_vreg.gather [hbm4b:s8+s2], $0x80, v30, vm0, $0xb8;
	[tilespmem:$0x19600] =	vst v63  }
0xd6: {  	v35 =	vperm.xlane v17, v10;
	v34 =	vadd.s32 v3, v33;
	s14 =	simm.s32 $0xBB00  }
0xd7: {  	[tilespmem:s14], [sflag:$0x1] =	stream.indirect_vreg.gather [hbm4b:s8+s2], $0x80, v18, vm0, $0xb8;
	[tilespmem:$0x19600] =	vst v63  }
0xd8: {  	v36 =	vperm.xlane v17, v11;
	s30 =	simm.s32 $0xBB80;
	v18 =	vadd.s32 v3, v35  }
0xd9: {  	[tilespmem:s30], [sflag:$0x1] =	stream.indirect_vreg.gather [hbm4b:s8+s2], $0x80, v19, vm0, $0xb8;
	[tilespmem:$0x19600] =	vst v63  }
0xda: {  	v37 =	vperm.xlane v17, v12;
	s31 =	simm.s32 $0xBC00;
	v19 =	vadd.s32 v3, v36  }
0xdb: {  	[tilespmem:s31], [sflag:$0x1] =	stream.indirect_vreg.gather [hbm4b:s8+s2], $0x80, v34, vm0, $0xb8;
	[tilespmem:$0x19600] =	vst v63  }
0xdc: {  	v39 =	vperm.xlane v17, v13;
	v38 =	vadd.s32 v3, v37;
	s12 =	simm.s32 $0xBC80  }
0xdd: {  	[tilespmem:s12], [sflag:$0x1] =	stream.indirect_vreg.gather [hbm4b:s8+s2], $0x80, v18, vm0, $0xb8;
	[tilespmem:$0x19600] =	vst v63  }
0xde: {  	v40 =	vperm.xlane v17, v14;
	s13 =	simm.s32 $0xBD00;
	v18 =	vadd.s32 v3, v39  }
0xdf: {  	[tilespmem:s13], [sflag:$0x1] =	stream.indirect_vreg.gather [hbm4b:s8+s2], $0x80, v19, vm0, $0xb8;
	[tilespmem:$0x19600] =	vst v63  }
0xe0: {  	v41 =	vperm.xlane v17, v15;
	s14 =	simm.s32 $0xBD80;
	v19 =	vadd.s32 v3, v40  }
0xe1: {  	[tilespmem:s14], [sflag:$0x1] =	stream.indirect_vreg.gather [hbm4b:s8+s2], $0x80, v38, vm0, $0xb8;
	[tilespmem:$0x19600] =	vst v63  }
0xe2: {  	v17 =	vperm.xlane v17, v16;
	v42 =	vadd.s32 v3, v41;
	s30 =	simm.s32 $0xBE00  }
0xe3: {  	[tilespmem:s30], [sflag:$0x1] =	stream.indirect_vreg.gather [hbm4b:s8+s2], $0x80, v18, vm0, $0xb8;
	[tilespmem:$0x19600] =	vst v63  }
0xe4: {  	v17 =	vadd.s32 v3, v17;
	s31 =	simm.s32 $0xBE80  }
0xe5: {  	[tilespmem:s31], [sflag:$0x1] =	stream.indirect_vreg.gather [hbm4b:s8+s2], $0x80, v19, vm0, $0xb8;
	[tilespmem:$0x19600] =	vst v63  }
0xe6: {  	s12 =	simm.s32 $0xBF00  }
0xe7: {  	[tilespmem:s12], [sflag:$0x1] =	stream.indirect_vreg.gather [hbm4b:s8+s2], $0x80, v42, vm0, $0xb8;
	[tilespmem:$0x19600] =	vst v63  }
0xe8: {  	s13 =	simm.s32 $0xBF80  }
0xe9: {  	[tilespmem:s13], [sflag:$0x1] =	stream.indirect_vreg.gather [hbm4b:s8+s2], $0x80, v17, vm0, $0xb8;
	[tilespmem:$0x19600] =	vst v63  }
0xea: {  	v17 =	vld [tilespmem:$0x20];
	_ =	sdelay $0x4  }
0xeb: {  	v18 =	vshrl.u32 v17, $0x3  }
0xec: {  	v18 =	vmul.u32 $0x18, v18  }
0xed: {  	v17 =	vand.u32 $0x7, v17  }
0xee: {  	v17 =	vor.u32 v17, v18  }
0xef: {  	v18 =	vperm.xlane v17, v2;
	_ =	sdelay $0x1  }
0xf0: {  	v19 =	vperm.xlane v17, v4;
	v18 =	vadd.s32 v3, v18;
	_ =	sdelay $0x1  }
0xf1: {  	v43 =	vperm.xlane v17, v5;
	v19 =	vadd.s32 v3, v19;
	_ =	sdelay $0x1  }
0xf2: {  	s14 =	simm.s32 $0xC000;
	v44 =	vperm.xlane v17, v0;
	v20 =	vadd.s32 v3, v43  }
0xf3: {  	[tilespmem:s14], [sflag:$0x1] =	stream.indirect_vreg.gather [hbm4b:s8+s2], $0x80, v18, vm0, $0xb8;
	[tilespmem:$0x19600] =	vst v63  }
0xf4: {  	s30 =	simm.s32 $0xC080;
	v45 =	vperm.xlane v17, v6;
	v18 =	vadd.s32 v3, v44  }
0xf5: {  	[tilespmem:s30], [sflag:$0x1] =	stream.indirect_vreg.gather [hbm4b:s8+s2], $0x80, v19, vm0, $0xb8;
	[tilespmem:$0x19600] =	vst v63  }
0xf6: {  	s31 =	simm.s32 $0xC100;
	v46 =	vperm.xlane v17, v7;
	v19 =	vadd.s32 v3, v45  }
0xf7: {  	[tilespmem:s31], [sflag:$0x1] =	stream.indirect_vreg.gather [hbm4b:s8+s2], $0x80, v20, vm0, $0xb8;
	[tilespmem:$0x19600] =	vst v63  }
0xf8: {  	s12 =	simm.s32 $0xC180;
	v48 =	vperm.xlane v17, v8;
	v47 =	vadd.s32 v3, v46  }
0xf9: {  	[tilespmem:s12], [sflag:$0x1] =	stream.indirect_vreg.gather [hbm4b:s8+s2], $0x80, v18, vm0, $0xb8;
	[tilespmem:$0x19600] =	vst v63  }
0xfa: {  	s13 =	simm.s32 $0xC200;
	v49 =	vperm.xlane v17, v1;
	v18 =	vadd.s32 v3, v48  }
0xfb: {  	[tilespmem:s13], [sflag:$0x1] =	stream.indirect_vreg.gather [hbm4b:s8+s2], $0x80, v19, vm0, $0xb8;
	[tilespmem:$0x19600] =	vst v63  }
0xfc: {  	v50 =	vperm.xlane v17, v9;
	s14 =	simm.s32 $0xC280;
	v19 =	vadd.s32 v3, v49  }
0xfd: {  	[tilespmem:s14], [sflag:$0x1] =	stream.indirect_vreg.gather [hbm4b:s8+s2], $0x80, v47, vm0, $0xb8;
	[tilespmem:$0x19600] =	vst v63  }
0xfe: {  	v52 =	vperm.xlane v17, v10;
	v51 =	vadd.s32 v3, v50;
	s30 =	simm.s32 $0xC300  }
0xff: {  	[tilespmem:s30], [sflag:$0x1] =	stream.indirect_vreg.gather [hbm4b:s8+s2], $0x80, v18, vm0, $0xb8;
	[tilespmem:$0x19600] =	vst v63  }
0x100: {  	v53 =	vperm.xlane v17, v11;
	s31 =	simm.s32 $0xC380;
	v18 =	vadd.s32 v3, v52  }
0x101: {  	[tilespmem:s31], [sflag:$0x1] =	stream.indirect_vreg.gather [hbm4b:s8+s2], $0x80, v19, vm0, $0xb8;
	[tilespmem:$0x19600] =	vst v63  }
0x102: {  	v54 =	vperm.xlane v17, v12;
	s12 =	simm.s32 $0xC400;
	v19 =	vadd.s32 v3, v53  }
0x103: {  	[tilespmem:s12], [sflag:$0x1] =	stream.indirect_vreg.gather [hbm4b:s8+s2], $0x80, v51, vm0, $0xb8;
	[tilespmem:$0x19600] =	vst v63  }
0x104: {  	v56 =	vperm.xlane v17, v13;
	v55 =	vadd.s32 v3, v54;
	s13 =	simm.s32 $0xC480  }
0x105: {  	[tilespmem:s13], [sflag:$0x1] =	stream.indirect_vreg.gather [hbm4b:s8+s2], $0x80, v18, vm0, $0xb8;
	[tilespmem:$0x19600] =	vst v63  }
0x106: {  	v57 =	vperm.xlane v17, v14;
	s14 =	simm.s32 $0xC500;
	v18 =	vadd.s32 v3, v56  }
0x107: {  	[tilespmem:s14], [sflag:$0x1] =	stream.indirect_vreg.gather [hbm4b:s8+s2], $0x80, v19, vm0, $0xb8;
	[tilespmem:$0x19600] =	vst v63  }
0x108: {  	v58 =	vperm.xlane v17, v15;
	s30 =	simm.s32 $0xC580;
	v19 =	vadd.s32 v3, v57  }
0x109: {  	[tilespmem:s30], [sflag:$0x1] =	stream.indirect_vreg.gather [hbm4b:s8+s2], $0x80, v55, vm0, $0xb8;
	[tilespmem:$0x19600] =	vst v63  }
0x10a: {  	v17 =	vperm.xlane v17, v16;
	v59 =	vadd.s32 v3, v58;
	s31 =	simm.s32 $0xC600  }
0x10b: {  	[tilespmem:s31], [sflag:$0x1] =	stream.indirect_vreg.gather [hbm4b:s8+s2], $0x80, v18, vm0, $0xb8;
	[tilespmem:$0x19600] =	vst v63  }
0x10c: {  	v17 =	vadd.s32 v3, v17;
	s12 =	simm.s32 $0xC680  }
0x10d: {  	[tilespmem:s12], [sflag:$0x1] =	stream.indirect_vreg.gather [hbm4b:s8+s2], $0x80, v19, vm0, $0xb8;
	[tilespmem:$0x19600] =	vst v63  }
0x10e: {  	s13 =	simm.s32 $0xC700  }
0x10f: {  	[tilespmem:s13], [sflag:$0x1] =	stream.indirect_vreg.gather [hbm4b:s8+s2], $0x80, v59, vm0, $0xb8;
	[tilespmem:$0x19600] =	vst v63  }
0x110: {  	s14 =	simm.s32 $0xC780  }
0x111: {  	[tilespmem:s14], [sflag:$0x1] =	stream.indirect_vreg.gather [hbm4b:s8+s2], $0x80, v17, vm0, $0xb8;
	[tilespmem:$0x19600] =	vst v63  }
0x112: {  	v17 =	vld.msk [tilespmem:$0x30], $0x3;
	_ =	sdelay $0x4  }
0x113: {  	v18 =	vshrl.u32 v17, $0x3  }
0x114: {  	v18 =	vmul.u32 $0x18, v18  }
0x115: {  	v17 =	vand.u32 $0x7, v17  }
0x116: {  	v17 =	vor.u32 v17, v18  }
0x117: {  	v18 =	vperm.xlane v17, v2;
	_ =	sdelay $0x1  }
0x118: {  	v17 =	vperm.xlane v17, v4;
	v18 =	vadd.s32 v3, v18;
	_ =	sdelay $0x1  }
0x119: {  	v17 =	vadd.s32 v3, v17;
	_ =	sdelay $0x1  }
0x11a: {  	s30 =	simm.s32 $0xC800  }
0x11b: {  	[tilespmem:s30], [sflag:$0x1] =	stream.indirect_vreg.gather [hbm4b:s8+s2], $0x80, v18, vm0, $0xb8;
	[tilespmem:$0x19600] =	vst v63  }
0x11c: {  	s31 =	simm.s32 $0xC880  }
0x11d: {  	[tilespmem:s31], [sflag:$0x1] =	stream.indirect_vreg.gather [hbm4b:s8+s2], $0x80, v17, vm0, $0xb8;
	[tilespmem:$0x19600] =	vst v63  }
0x11e: {  	s12 =	simm.s32 $0x12000  }
0x11f: {  	[tilespmem:s12], [sflag:$0x1] =	stream.indirect.gather [hbm4b:s5+s15], $0x80, s2, s15, $0xb8;
	[tilespmem:$0x19600] =	vst v63  }
0x120: {  	v17 =	vld [tilespmem:$0x80];
	_ =	sdelay $0x4  }
0x121: {  	v18 =	vshrl.u32 v17, $0x3  }
0x122: {  	v18 =	vmul.u32 $0x18, v18  }
0x123: {  	v17 =	vand.u32 $0x7, v17  }
0x124: {  	v17 =	vor.u32 v17, v18  }
0x125: {  	v18 =	vperm.xlane v17, v2;
	_ =	sdelay $0x1  }
0x126: {  	v19 =	vperm.xlane v17, v4;
	v18 =	vadd.s32 v3, v18;
	_ =	sdelay $0x1  }
0x127: {  	v60 =	vperm.xlane v17, v5;
	v19 =	vadd.s32 v3, v19;
	_ =	sdelay $0x1  }
0x128: {  	s13 =	simm.s32 $0x5C00;
	v61 =	vperm.xlane v17, v0;
	v20 =	vadd.s32 v3, v60  }
0x129: {  	[tilespmem:s13], [sflag:$0x2] =	stream.indirect_vreg.gather [hbm4b:s4+s2], $0x80, v18, vm0, $0xb8;
	[tilespmem:$0x19600] =	vst v63  }
0x12a: {  	s14 =	simm.s32 $0x5C80;
	v62 =	vperm.xlane v17, v6;
	v18 =	vadd.s32 v3, v61  }
0x12b: {  	[tilespmem:s14], [sflag:$0x2] =	stream.indirect_vreg.gather [hbm4b:s4+s2], $0x80, v19, vm0, $0xb8;
	[tilespmem:$0x19600] =	vst v63  }
0x12c: {  	s30 =	simm.s32 $0x5D00;
	v63 =	vperm.xlane v17, v7;
	v19 =	vadd.s32 v3, v62  }
0x12d: {  	[tilespmem:s30], [sflag:$0x2] =	stream.indirect_vreg.gather [hbm4b:s4+s2], $0x80, v20, vm0, $0xb8;
	[tilespmem:$0x19600] =	vst v63  }
0x12e: {  	s31 =	simm.s32 $0x5D80;
	v25 =	vperm.xlane v17, v8;
	v24 =	vadd.s32 v3, v63  }
0x12f: {  	[tilespmem:s31], [sflag:$0x2] =	stream.indirect_vreg.gather [hbm4b:s4+s2], $0x80, v18, vm0, $0xb8;
	[tilespmem:$0x19600] =	vst v63  }
0x130: {  	s12 =	simm.s32 $0x5E00;
	v26 =	vperm.xlane v17, v1;
	v18 =	vadd.s32 v3, v25  }
0x131: {  	[tilespmem:s12], [sflag:$0x2] =	stream.indirect_vreg.gather [hbm4b:s4+s2], $0x80, v19, vm0, $0xb8;
	[tilespmem:$0x19600] =	vst v63  }
0x132: {  	v27 =	vperm.xlane v17, v9;
	s13 =	simm.s32 $0x5E80;
	v19 =	vadd.s32 v3, v26  }
0x133: {  	[tilespmem:s13], [sflag:$0x2] =	stream.indirect_vreg.gather [hbm4b:s4+s2], $0x80, v24, vm0, $0xb8;
	[tilespmem:$0x19600] =	vst v63  }
0x134: {  	v29 =	vperm.xlane v17, v10;
	v28 =	vadd.s32 v3, v27;
	s14 =	simm.s32 $0x5F00  }
0x135: {  	[tilespmem:s14], [sflag:$0x2] =	stream.indirect_vreg.gather [hbm4b:s4+s2], $0x80, v18, vm0, $0xb8;
	[tilespmem:$0x19600] =	vst v63  }
0x136: {  	v30 =	vperm.xlane v17, v11;
	s30 =	simm.s32 $0x5F80;
	v18 =	vadd.s32 v3, v29  }
0x137: {  	[tilespmem:s30], [sflag:$0x2] =	stream.indirect_vreg.gather [hbm4b:s4+s2], $0x80, v19, vm0, $0xb8;
	[tilespmem:$0x19600] =	vst v63  }
0x138: {  	v31 =	vperm.xlane v17, v12;
	s31 =	simm.s32 $0x6000;
	v19 =	vadd.s32 v3, v30  }
0x139: {  	[tilespmem:s31], [sflag:$0x2] =	stream.indirect_vreg.gather [hbm4b:s4+s2], $0x80, v28, vm0, $0xb8;
	[tilespmem:$0x19600] =	vst v63  }
0x13a: {  	v33 =	vperm.xlane v17, v13;
	v32 =	vadd.s32 v3, v31;
	s12 =	simm.s32 $0x6080  }
0x13b: {  	[tilespmem:s12], [sflag:$0x2] =	stream.indirect_vreg.gather [hbm4b:s4+s2], $0x80, v18, vm0, $0xb8;
	[tilespmem:$0x19600] =	vst v63  }
0x13c: {  	v34 =	vperm.xlane v17, v14;
	s13 =	simm.s32 $0x6100;
	v18 =	vadd.s32 v3, v33  }
0x13d: {  	[tilespmem:s13], [sflag:$0x2] =	stream.indirect_vreg.gather [hbm4b:s4+s2], $0x80, v19, vm0, $0xb8;
	[tilespmem:$0x19600] =	vst v63  }
0x13e: {  	v35 =	vperm.xlane v17, v15;
	s14 =	simm.s32 $0x6180;
	v19 =	vadd.s32 v3, v34  }
0x13f: {  	[tilespmem:s14], [sflag:$0x2] =	stream.indirect_vreg.gather [hbm4b:s4+s2], $0x80, v32, vm0, $0xb8;
	[tilespmem:$0x19600] =	vst v63  }
0x140: {  	v17 =	vperm.xlane v17, v16;
	v36 =	vadd.s32 v3, v35;
	s30 =	simm.s32 $0x6200  }
0x141: {  	[tilespmem:s30], [sflag:$0x2] =	stream.indirect_vreg.gather [hbm4b:s4+s2], $0x80, v18, vm0, $0xb8;
	[tilespmem:$0x19600] =	vst v63  }
0x142: {  	v17 =	vadd.s32 v3, v17;
	s31 =	simm.s32 $0x6280  }
0x143: {  	[tilespmem:s31], [sflag:$0x2] =	stream.indirect_vreg.gather [hbm4b:s4+s2], $0x80, v19, vm0, $0xb8;
	[tilespmem:$0x19600] =	vst v63  }
0x144: {  	s12 =	simm.s32 $0x6300  }
0x145: {  	[tilespmem:s12], [sflag:$0x2] =	stream.indirect_vreg.gather [hbm4b:s4+s2], $0x80, v36, vm0, $0xb8;
	[tilespmem:$0x19600] =	vst v63  }
0x146: {  	s13 =	simm.s32 $0x6380  }
0x147: {  	[tilespmem:s13], [sflag:$0x2] =	stream.indirect_vreg.gather [hbm4b:s4+s2], $0x80, v17, vm0, $0xb8;
	[tilespmem:$0x19600] =	vst v63  }
0x148: {  	v17 =	vld [tilespmem:$0x90];
	_ =	sdelay $0x4  }
0x149: {  	v18 =	vshrl.u32 v17, $0x3  }
0x14a: {  	v18 =	vmul.u32 $0x18, v18  }
0x14b: {  	v17 =	vand.u32 $0x7, v17  }
0x14c: {  	v17 =	vor.u32 v17, v18  }
0x14d: {  	v18 =	vperm.xlane v17, v2;
	_ =	sdelay $0x1  }
0x14e: {  	v19 =	vperm.xlane v17, v4;
	v18 =	vadd.s32 v3, v18;
	_ =	sdelay $0x1  }
0x14f: {  	v37 =	vperm.xlane v17, v5;
	v19 =	vadd.s32 v3, v19;
	_ =	sdelay $0x1  }
0x150: {  	s14 =	simm.s32 $0x6400;
	v38 =	vperm.xlane v17, v0;
	v20 =	vadd.s32 v3, v37  }
0x151: {  	[tilespmem:s14], [sflag:$0x2] =	stream.indirect_vreg.gather [hbm4b:s4+s2], $0x80, v18, vm0, $0xb8;
	[tilespmem:$0x19600] =	vst v63  }
0x152: {  	s30 =	simm.s32 $0x6480;
	v39 =	vperm.xlane v17, v6;
	v18 =	vadd.s32 v3, v38  }
0x153: {  	[tilespmem:s30], [sflag:$0x2] =	stream.indirect_vreg.gather [hbm4b:s4+s2], $0x80, v19, vm0, $0xb8;
	[tilespmem:$0x19600] =	vst v63  }
0x154: {  	s31 =	simm.s32 $0x6500;
	v40 =	vperm.xlane v17, v7;
	v19 =	vadd.s32 v3, v39  }
0x155: {  	[tilespmem:s31], [sflag:$0x2] =	stream.indirect_vreg.gather [hbm4b:s4+s2], $0x80, v20, vm0, $0xb8;
	[tilespmem:$0x19600] =	vst v63  }
0x156: {  	s12 =	simm.s32 $0x6580;
	v42 =	vperm.xlane v17, v8;
	v41 =	vadd.s32 v3, v40  }
0x157: {  	[tilespmem:s12], [sflag:$0x2] =	stream.indirect_vreg.gather [hbm4b:s4+s2], $0x80, v18, vm0, $0xb8;
	[tilespmem:$0x19600] =	vst v63  }
0x158: {  	s13 =	simm.s32 $0x6600;
	v43 =	vperm.xlane v17, v1;
	v18 =	vadd.s32 v3, v42  }
0x159: {  	[tilespmem:s13], [sflag:$0x2] =	stream.indirect_vreg.gather [hbm4b:s4+s2], $0x80, v19, vm0, $0xb8;
	[tilespmem:$0x19600] =	vst v63  }
0x15a: {  	v44 =	vperm.xlane v17, v9;
	s14 =	simm.s32 $0x6680;
	v19 =	vadd.s32 v3, v43  }
0x15b: {  	[tilespmem:s14], [sflag:$0x2] =	stream.indirect_vreg.gather [hbm4b:s4+s2], $0x80, v41, vm0, $0xb8;
	[tilespmem:$0x19600] =	vst v63  }
0x15c: {  	v46 =	vperm.xlane v17, v10;
	v45 =	vadd.s32 v3, v44;
	s30 =	simm.s32 $0x6700  }
0x15d: {  	[tilespmem:s30], [sflag:$0x2] =	stream.indirect_vreg.gather [hbm4b:s4+s2], $0x80, v18, vm0, $0xb8;
	[tilespmem:$0x19600] =	vst v63  }
0x15e: {  	v47 =	vperm.xlane v17, v11;
	s31 =	simm.s32 $0x6780;
	v18 =	vadd.s32 v3, v46  }
0x15f: {  	[tilespmem:s31], [sflag:$0x2] =	stream.indirect_vreg.gather [hbm4b:s4+s2], $0x80, v19, vm0, $0xb8;
	[tilespmem:$0x19600] =	vst v63  }
0x160: {  	v48 =	vperm.xlane v17, v12;
	s12 =	simm.s32 $0x6800;
	v19 =	vadd.s32 v3, v47  }
0x161: {  	[tilespmem:s12], [sflag:$0x2] =	stream.indirect_vreg.gather [hbm4b:s4+s2], $0x80, v45, vm0, $0xb8;
	[tilespmem:$0x19600] =	vst v63  }
0x162: {  	v50 =	vperm.xlane v17, v13;
	v49 =	vadd.s32 v3, v48;
	s13 =	simm.s32 $0x6880  }
0x163: {  	[tilespmem:s13], [sflag:$0x2] =	stream.indirect_vreg.gather [hbm4b:s4+s2], $0x80, v18, vm0, $0xb8;
	[tilespmem:$0x19600] =	vst v63  }
0x164: {  	v51 =	vperm.xlane v17, v14;
	s14 =	simm.s32 $0x6900;
	v18 =	vadd.s32 v3, v50  }
0x165: {  	[tilespmem:s14], [sflag:$0x2] =	stream.indirect_vreg.gather [hbm4b:s4+s2], $0x80, v19, vm0, $0xb8;
	[tilespmem:$0x19600] =	vst v63  }
0x166: {  	v52 =	vperm.xlane v17, v15;
	s30 =	simm.s32 $0x6980;
	v19 =	vadd.s32 v3, v51  }
0x167: {  	[tilespmem:s30], [sflag:$0x2] =	stream.indirect_vreg.gather [hbm4b:s4+s2], $0x80, v49, vm0, $0xb8;
	[tilespmem:$0x19600] =	vst v63  }
0x168: {  	v17 =	vperm.xlane v17, v16;
	v53 =	vadd.s32 v3, v52;
	s31 =	simm.s32 $0x6A00  }
0x169: {  	[tilespmem:s31], [sflag:$0x2] =	stream.indirect_vreg.gather [hbm4b:s4+s2], $0x80, v18, vm0, $0xb8;
	[tilespmem:$0x19600] =	vst v63  }
0x16a: {  	v17 =	vadd.s32 v3, v17;
	s12 =	simm.s32 $0x6A80  }
0x16b: {  	[tilespmem:s12], [sflag:$0x2] =	stream.indirect_vreg.gather [hbm4b:s4+s2], $0x80, v19, vm0, $0xb8;
	[tilespmem:$0x19600] =	vst v63  }
0x16c: {  	s13 =	simm.s32 $0x6B00  }
0x16d: {  	[tilespmem:s13], [sflag:$0x2] =	stream.indirect_vreg.gather [hbm4b:s4+s2], $0x80, v53, vm0, $0xb8;
	[tilespmem:$0x19600] =	vst v63  }
0x16e: {  	s14 =	simm.s32 $0x6B80  }
0x16f: {  	[tilespmem:s14], [sflag:$0x2] =	stream.indirect_vreg.gather [hbm4b:s4+s2], $0x80, v17, vm0, $0xb8;
	[tilespmem:$0x19600] =	vst v63  }
0x170: {  	v17 =	vld [tilespmem:$0xA0];
	_ =	sdelay $0x4  }
0x171: {  	v18 =	vshrl.u32 v17, $0x3  }
0x172: {  	v18 =	vmul.u32 $0x18, v18  }
0x173: {  	v17 =	vand.u32 $0x7, v17  }
0x174: {  	v17 =	vor.u32 v17, v18  }
0x175: {  	v18 =	vperm.xlane v17, v2;
	_ =	sdelay $0x1  }
0x176: {  	v19 =	vperm.xlane v17, v4;
	v18 =	vadd.s32 v3, v18;
	_ =	sdelay $0x1  }
0x177: {  	v54 =	vperm.xlane v17, v5;
	v19 =	vadd.s32 v3, v19;
	_ =	sdelay $0x1  }
0x178: {  	s30 =	simm.s32 $0x6C00;
	v55 =	vperm.xlane v17, v0;
	v20 =	vadd.s32 v3, v54  }
0x179: {  	[tilespmem:s30], [sflag:$0x2] =	stream.indirect_vreg.gather [hbm4b:s4+s2], $0x80, v18, vm0, $0xb8;
	[tilespmem:$0x19600] =	vst v63  }
0x17a: {  	s31 =	simm.s32 $0x6C80;
	v56 =	vperm.xlane v17, v6;
	v18 =	vadd.s32 v3, v55  }
0x17b: {  	[tilespmem:s31], [sflag:$0x2] =	stream.indirect_vreg.gather [hbm4b:s4+s2], $0x80, v19, vm0, $0xb8;
	[tilespmem:$0x19600] =	vst v63  }
0x17c: {  	s12 =	simm.s32 $0x6D00;
	v57 =	vperm.xlane v17, v7;
	v19 =	vadd.s32 v3, v56  }
0x17d: {  	[tilespmem:s12], [sflag:$0x2] =	stream.indirect_vreg.gather [hbm4b:s4+s2], $0x80, v20, vm0, $0xb8;
	[tilespmem:$0x19600] =	vst v63  }
0x17e: {  	s13 =	simm.s32 $0x6D80;
	v59 =	vperm.xlane v17, v8;
	v58 =	vadd.s32 v3, v57  }
0x17f: {  	[tilespmem:s13], [sflag:$0x2] =	stream.indirect_vreg.gather [hbm4b:s4+s2], $0x80, v18, vm0, $0xb8;
	[tilespmem:$0x19600] =	vst v63  }
0x180: {  	s14 =	simm.s32 $0x6E00;
	v60 =	vperm.xlane v17, v1;
	v18 =	vadd.s32 v3, v59  }
0x181: {  	[tilespmem:s14], [sflag:$0x2] =	stream.indirect_vreg.gather [hbm4b:s4+s2], $0x80, v19, vm0, $0xb8;
	[tilespmem:$0x19600] =	vst v63  }
0x182: {  	v61 =	vperm.xlane v17, v9;
	s30 =	simm.s32 $0x6E80;
	v19 =	vadd.s32 v3, v60  }
0x183: {  	[tilespmem:s30], [sflag:$0x2] =	stream.indirect_vreg.gather [hbm4b:s4+s2], $0x80, v58, vm0, $0xb8;
	[tilespmem:$0x19600] =	vst v63  }
0x184: {  	v63 =	vperm.xlane v17, v10;
	v62 =	vadd.s32 v3, v61;
	s31 =	simm.s32 $0x6F00  }
0x185: {  	[tilespmem:s31], [sflag:$0x2] =	stream.indirect_vreg.gather [hbm4b:s4+s2], $0x80, v18, vm0, $0xb8;
	[tilespmem:$0x19600] =	vst v63  }
0x186: {  	v24 =	vperm.xlane v17, v11;
	s12 =	simm.s32 $0x6F80;
	v18 =	vadd.s32 v3, v63  }
0x187: {  	[tilespmem:s12], [sflag:$0x2] =	stream.indirect_vreg.gather [hbm4b:s4+s2], $0x80, v19, vm0, $0xb8;
	[tilespmem:$0x19600] =	vst v63  }
0x188: {  	v25 =	vperm.xlane v17, v12;
	s13 =	simm.s32 $0x7000;
	v19 =	vadd.s32 v3, v24  }
0x189: {  	[tilespmem:s13], [sflag:$0x2] =	stream.indirect_vreg.gather [hbm4b:s4+s2], $0x80, v62, vm0, $0xb8;
	[tilespmem:$0x19600] =	vst v63  }
0x18a: {  	v27 =	vperm.xlane v17, v13;
	v26 =	vadd.s32 v3, v25;
	s14 =	simm.s32 $0x7080  }
0x18b: {  	[tilespmem:s14], [sflag:$0x2] =	stream.indirect_vreg.gather [hbm4b:s4+s2], $0x80, v18, vm0, $0xb8;
	[tilespmem:$0x19600] =	vst v63  }
0x18c: {  	v28 =	vperm.xlane v17, v14;
	s30 =	simm.s32 $0x7100;
	v18 =	vadd.s32 v3, v27  }
0x18d: {  	[tilespmem:s30], [sflag:$0x2] =	stream.indirect_vreg.gather [hbm4b:s4+s2], $0x80, v19, vm0, $0xb8;
	[tilespmem:$0x19600] =	vst v63  }
0x18e: {  	v29 =	vperm.xlane v17, v15;
	s31 =	simm.s32 $0x7180;
	v19 =	vadd.s32 v3, v28  }
0x18f: {  	[tilespmem:s31], [sflag:$0x2] =	stream.indirect_vreg.gather [hbm4b:s4+s2], $0x80, v26, vm0, $0xb8;
	[tilespmem:$0x19600] =	vst v63  }
0x190: {  	v17 =	vperm.xlane v17, v16;
	v30 =	vadd.s32 v3, v29;
	s12 =	simm.s32 $0x7200  }
0x191: {  	[tilespmem:s12], [sflag:$0x2] =	stream.indirect_vreg.gather [hbm4b:s4+s2], $0x80, v18, vm0, $0xb8;
	[tilespmem:$0x19600] =	vst v63  }
0x192: {  	v17 =	vadd.s32 v3, v17;
	s13 =	simm.s32 $0x7280  }
0x193: {  	[tilespmem:s13], [sflag:$0x2] =	stream.indirect_vreg.gather [hbm4b:s4+s2], $0x80, v19, vm0, $0xb8;
	[tilespmem:$0x19600] =	vst v63  }
0x194: {  	s14 =	simm.s32 $0x7300  }
0x195: {  	[tilespmem:s14], [sflag:$0x2] =	stream.indirect_vreg.gather [hbm4b:s4+s2], $0x80, v30, vm0, $0xb8;
	[tilespmem:$0x19600] =	vst v63  }
0x196: {  	s30 =	simm.s32 $0x7380  }
0x197: {  	[tilespmem:s30], [sflag:$0x2] =	stream.indirect_vreg.gather [hbm4b:s4+s2], $0x80, v17, vm0, $0xb8;
	[tilespmem:$0x19600] =	vst v63  }
0x198: {  	v17 =	vld.msk [tilespmem:$0xB0], $0x3;
	_ =	sdelay $0x4  }
0x199: {  	v18 =	vshrl.u32 v17, $0x3  }
0x19a: {  	v18 =	vmul.u32 $0x18, v18  }
0x19b: {  	v17 =	vand.u32 $0x7, v17  }
0x19c: {  	v17 =	vor.u32 v17, v18  }
0x19d: {  	v18 =	vperm.xlane v17, v2;
	_ =	sdelay $0x1  }
0x19e: {  	v17 =	vperm.xlane v17, v4;
	v18 =	vadd.s32 v3, v18;
	_ =	sdelay $0x1  }
0x19f: {  	v17 =	vadd.s32 v3, v17;
	_ =	sdelay $0x1  }
0x1a0: {  	s31 =	simm.s32 $0x7400  }
0x1a1: {  	[tilespmem:s31], [sflag:$0x2] =	stream.indirect_vreg.gather [hbm4b:s4+s2], $0x80, v18, vm0, $0xb8;
	[tilespmem:$0x19600] =	vst v63  }
0x1a2: {  	s12 =	simm.s32 $0x7480  }
0x1a3: {  	[tilespmem:s12], [sflag:$0x2] =	stream.indirect_vreg.gather [hbm4b:s4+s2], $0x80, v17, vm0, $0xb8;
	[tilespmem:$0x19600] =	vst v63  }
0x1a4: {  	v17 =	vld [tilespmem:$0x80];
	_ =	sdelay $0x4  }
0x1a5: {  	v18 =	vshrl.u32 v17, $0x3  }
0x1a6: {  	v18 =	vmul.u32 $0x18, v18  }
0x1a7: {  	v17 =	vand.u32 $0x7, v17  }
0x1a8: {  	v17 =	vor.u32 v17, v18  }
0x1a9: {  	v18 =	vperm.xlane v17, v2;
	_ =	sdelay $0x1  }
0x1aa: {  	v19 =	vperm.xlane v17, v4;
	v18 =	vadd.s32 v3, v18;
	_ =	sdelay $0x1  }
0x1ab: {  	v31 =	vperm.xlane v17, v5;
	v19 =	vadd.s32 v3, v19;
	_ =	sdelay $0x1  }
0x1ac: {  	s13 =	simm.s32 $0xCC00;
	v32 =	vperm.xlane v17, v0;
	v20 =	vadd.s32 v3, v31  }
0x1ad: {  	[tilespmem:s13], [sflag:$0x2] =	stream.indirect_vreg.gather [hbm4b:s8+s2], $0x80, v18, vm0, $0xb8;
	[tilespmem:$0x19600] =	vst v63  }
0x1ae: {  	s14 =	simm.s32 $0xCC80;
	v33 =	vperm.xlane v17, v6;
	v18 =	vadd.s32 v3, v32  }
0x1af: {  	[tilespmem:s14], [sflag:$0x2] =	stream.indirect_vreg.gather [hbm4b:s8+s2], $0x80, v19, vm0, $0xb8;
	[tilespmem:$0x19600] =	vst v63  }
0x1b0: {  	s30 =	simm.s32 $0xCD00;
	v34 =	vperm.xlane v17, v7;
	v19 =	vadd.s32 v3, v33  }
0x1b1: {  	[tilespmem:s30], [sflag:$0x2] =	stream.indirect_vreg.gather [hbm4b:s8+s2], $0x80, v20, vm0, $0xb8;
	[tilespmem:$0x19600] =	vst v63  }
0x1b2: {  	s31 =	simm.s32 $0xCD80;
	v36 =	vperm.xlane v17, v8;
	v35 =	vadd.s32 v3, v34  }
0x1b3: {  	[tilespmem:s31], [sflag:$0x2] =	stream.indirect_vreg.gather [hbm4b:s8+s2], $0x80, v18, vm0, $0xb8;
	[tilespmem:$0x19600] =	vst v63  }
0x1b4: {  	s12 =	simm.s32 $0xCE00;
	v37 =	vperm.xlane v17, v1;
	v18 =	vadd.s32 v3, v36  }
0x1b5: {  	[tilespmem:s12], [sflag:$0x2] =	stream.indirect_vreg.gather [hbm4b:s8+s2], $0x80, v19, vm0, $0xb8;
	[tilespmem:$0x19600] =	vst v63  }
0x1b6: {  	v38 =	vperm.xlane v17, v9;
	s13 =	simm.s32 $0xCE80;
	v19 =	vadd.s32 v3, v37  }
0x1b7: {  	[tilespmem:s13], [sflag:$0x2] =	stream.indirect_vreg.gather [hbm4b:s8+s2], $0x80, v35, vm0, $0xb8;
	[tilespmem:$0x19600] =	vst v63  }
0x1b8: {  	v40 =	vperm.xlane v17, v10;
	v39 =	vadd.s32 v3, v38;
	s14 =	simm.s32 $0xCF00  }
0x1b9: {  	[tilespmem:s14], [sflag:$0x2] =	stream.indirect_vreg.gather [hbm4b:s8+s2], $0x80, v18, vm0, $0xb8;
	[tilespmem:$0x19600] =	vst v63  }
0x1ba: {  	v41 =	vperm.xlane v17, v11;
	s30 =	simm.s32 $0xCF80;
	v18 =	vadd.s32 v3, v40  }
0x1bb: {  	[tilespmem:s30], [sflag:$0x2] =	stream.indirect_vreg.gather [hbm4b:s8+s2], $0x80, v19, vm0, $0xb8;
	[tilespmem:$0x19600] =	vst v63  }
0x1bc: {  	v42 =	vperm.xlane v17, v12;
	s31 =	simm.s32 $0xD000;
	v19 =	vadd.s32 v3, v41  }
0x1bd: {  	[tilespmem:s31], [sflag:$0x2] =	stream.indirect_vreg.gather [hbm4b:s8+s2], $0x80, v39, vm0, $0xb8;
	[tilespmem:$0x19600] =	vst v63  }
0x1be: {  	v44 =	vperm.xlane v17, v13;
	v43 =	vadd.s32 v3, v42;
	s12 =	simm.s32 $0xD080  }
0x1bf: {  	[tilespmem:s12], [sflag:$0x2] =	stream.indirect_vreg.gather [hbm4b:s8+s2], $0x80, v18, vm0, $0xb8;
	[tilespmem:$0x19600] =	vst v63  }
0x1c0: {  	v45 =	vperm.xlane v17, v14;
	s13 =	simm.s32 $0xD100;
	v18 =	vadd.s32 v3, v44  }
0x1c1: {  	[tilespmem:s13], [sflag:$0x2] =	stream.indirect_vreg.gather [hbm4b:s8+s2], $0x80, v19, vm0, $0xb8;
	[tilespmem:$0x19600] =	vst v63  }
0x1c2: {  	v46 =	vperm.xlane v17, v15;
	s14 =	simm.s32 $0xD180;
	v19 =	vadd.s32 v3, v45  }
0x1c3: {  	[tilespmem:s14], [sflag:$0x2] =	stream.indirect_vreg.gather [hbm4b:s8+s2], $0x80, v43, vm0, $0xb8;
	[tilespmem:$0x19600] =	vst v63  }
0x1c4: {  	v17 =	vperm.xlane v17, v16;
	v47 =	vadd.s32 v3, v46;
	s30 =	simm.s32 $0xD200  }
0x1c5: {  	[tilespmem:s30], [sflag:$0x2] =	stream.indirect_vreg.gather [hbm4b:s8+s2], $0x80, v18, vm0, $0xb8;
	[tilespmem:$0x19600] =	vst v63  }
0x1c6: {  	v17 =	vadd.s32 v3, v17;
	s31 =	simm.s32 $0xD280  }
0x1c7: {  	[tilespmem:s31], [sflag:$0x2] =	stream.indirect_vreg.gather [hbm4b:s8+s2], $0x80, v19, vm0, $0xb8;
	[tilespmem:$0x19600] =	vst v63  }
0x1c8: {  	s12 =	simm.s32 $0xD300  }
0x1c9: {  	[tilespmem:s12], [sflag:$0x2] =	stream.indirect_vreg.gather [hbm4b:s8+s2], $0x80, v47, vm0, $0xb8;
	[tilespmem:$0x19600] =	vst v63  }
0x1ca: {  	s13 =	simm.s32 $0xD380  }
0x1cb: {  	[tilespmem:s13], [sflag:$0x2] =	stream.indirect_vreg.gather [hbm4b:s8+s2], $0x80, v17, vm0, $0xb8;
	[tilespmem:$0x19600] =	vst v63  }
0x1cc: {  	v17 =	vld [tilespmem:$0x90];
	_ =	sdelay $0x4  }
0x1cd: {  	v18 =	vshrl.u32 v17, $0x3  }
0x1ce: {  	v18 =	vmul.u32 $0x18, v18  }
0x1cf: {  	v17 =	vand.u32 $0x7, v17  }
0x1d0: {  	v17 =	vor.u32 v17, v18  }
0x1d1: {  	v18 =	vperm.xlane v17, v2;
	_ =	sdelay $0x1  }
0x1d2: {  	v19 =	vperm.xlane v17, v4;
	v18 =	vadd.s32 v3, v18;
	_ =	sdelay $0x1  }
0x1d3: {  	v48 =	vperm.xlane v17, v5;
	v19 =	vadd.s32 v3, v19;
	_ =	sdelay $0x1  }
0x1d4: {  	s14 =	simm.s32 $0xD400;
	v49 =	vperm.xlane v17, v0;
	v20 =	vadd.s32 v3, v48  }
0x1d5: {  	[tilespmem:s14], [sflag:$0x2] =	stream.indirect_vreg.gather [hbm4b:s8+s2], $0x80, v18, vm0, $0xb8;
	[tilespmem:$0x19600] =	vst v63  }
0x1d6: {  	s30 =	simm.s32 $0xD480;
	v50 =	vperm.xlane v17, v6;
	v18 =	vadd.s32 v3, v49  }
0x1d7: {  	[tilespmem:s30], [sflag:$0x2] =	stream.indirect_vreg.gather [hbm4b:s8+s2], $0x80, v19, vm0, $0xb8;
	[tilespmem:$0x19600] =	vst v63  }
0x1d8: {  	s31 =	simm.s32 $0xD500;
	v51 =	vperm.xlane v17, v7;
	v19 =	vadd.s32 v3, v50  }
0x1d9: {  	[tilespmem:s31], [sflag:$0x2] =	stream.indirect_vreg.gather [hbm4b:s8+s2], $0x80, v20, vm0, $0xb8;
	[tilespmem:$0x19600] =	vst v63  }
0x1da: {  	s12 =	simm.s32 $0xD580;
	v53 =	vperm.xlane v17, v8;
	v52 =	vadd.s32 v3, v51  }
0x1db: {  	[tilespmem:s12], [sflag:$0x2] =	stream.indirect_vreg.gather [hbm4b:s8+s2], $0x80, v18, vm0, $0xb8;
	[tilespmem:$0x19600] =	vst v63  }
0x1dc: {  	s13 =	simm.s32 $0xD600;
	v54 =	vperm.xlane v17, v1;
	v18 =	vadd.s32 v3, v53  }
0x1dd: {  	[tilespmem:s13], [sflag:$0x2] =	stream.indirect_vreg.gather [hbm4b:s8+s2], $0x80, v19, vm0, $0xb8;
	[tilespmem:$0x19600] =	vst v63  }
0x1de: {  	v55 =	vperm.xlane v17, v9;
	s14 =	simm.s32 $0xD680;
	v19 =	vadd.s32 v3, v54  }
0x1df: {  	[tilespmem:s14], [sflag:$0x2] =	stream.indirect_vreg.gather [hbm4b:s8+s2], $0x80, v52, vm0, $0xb8;
	[tilespmem:$0x19600] =	vst v63  }
0x1e0: {  	v57 =	vperm.xlane v17, v10;
	v56 =	vadd.s32 v3, v55;
	s30 =	simm.s32 $0xD700  }
0x1e1: {  	[tilespmem:s30], [sflag:$0x2] =	stream.indirect_vreg.gather [hbm4b:s8+s2], $0x80, v18, vm0, $0xb8;
	[tilespmem:$0x19600] =	vst v63  }
0x1e2: {  	v58 =	vperm.xlane v17, v11;
	s31 =	simm.s32 $0xD780;
	v18 =	vadd.s32 v3, v57  }
0x1e3: {  	[tilespmem:s31], [sflag:$0x2] =	stream.indirect_vreg.gather [hbm4b:s8+s2], $0x80, v19, vm0, $0xb8;
	[tilespmem:$0x19600] =	vst v63  }
0x1e4: {  	v59 =	vperm.xlane v17, v12;
	s12 =	simm.s32 $0xD800;
	v19 =	vadd.s32 v3, v58  }
0x1e5: {  	[tilespmem:s12], [sflag:$0x2] =	stream.indirect_vreg.gather [hbm4b:s8+s2], $0x80, v56, vm0, $0xb8;
	[tilespmem:$0x19600] =	vst v63  }
0x1e6: {  	v61 =	vperm.xlane v17, v13;
	v60 =	vadd.s32 v3, v59;
	s13 =	simm.s32 $0xD880  }
0x1e7: {  	[tilespmem:s13], [sflag:$0x2] =	stream.indirect_vreg.gather [hbm4b:s8+s2], $0x80, v18, vm0, $0xb8;
	[tilespmem:$0x19600] =	vst v63  }
0x1e8: {  	v62 =	vperm.xlane v17, v14;
	s14 =	simm.s32 $0xD900;
	v18 =	vadd.s32 v3, v61  }
0x1e9: {  	[tilespmem:s14], [sflag:$0x2] =	stream.indirect_vreg.gather [hbm4b:s8+s2], $0x80, v19, vm0, $0xb8;
	[tilespmem:$0x19600] =	vst v63  }
0x1ea: {  	v63 =	vperm.xlane v17, v15;
	s30 =	simm.s32 $0xD980;
	v19 =	vadd.s32 v3, v62  }
0x1eb: {  	[tilespmem:s30], [sflag:$0x2] =	stream.indirect_vreg.gather [hbm4b:s8+s2], $0x80, v60, vm0, $0xb8;
	[tilespmem:$0x19600] =	vst v63  }
0x1ec: {  	v17 =	vperm.xlane v17, v16;
	v24 =	vadd.s32 v3, v63;
	s31 =	simm.s32 $0xDA00  }
0x1ed: {  	[tilespmem:s31], [sflag:$0x2] =	stream.indirect_vreg.gather [hbm4b:s8+s2], $0x80, v18, vm0, $0xb8;
	[tilespmem:$0x19600] =	vst v63  }
0x1ee: {  	v17 =	vadd.s32 v3, v17;
	s12 =	simm.s32 $0xDA80  }
0x1ef: {  	[tilespmem:s12], [sflag:$0x2] =	stream.indirect_vreg.gather [hbm4b:s8+s2], $0x80, v19, vm0, $0xb8;
	[tilespmem:$0x19600] =	vst v63  }
0x1f0: {  	s13 =	simm.s32 $0xDB00  }
0x1f1: {  	[tilespmem:s13], [sflag:$0x2] =	stream.indirect_vreg.gather [hbm4b:s8+s2], $0x80, v24, vm0, $0xb8;
	[tilespmem:$0x19600] =	vst v63  }
0x1f2: {  	s14 =	simm.s32 $0xDB80  }
0x1f3: {  	[tilespmem:s14], [sflag:$0x2] =	stream.indirect_vreg.gather [hbm4b:s8+s2], $0x80, v17, vm0, $0xb8;
	[tilespmem:$0x19600] =	vst v63  }
0x1f4: {  	v17 =	vld [tilespmem:$0xA0];
	_ =	sdelay $0x4  }
0x1f5: {  	v18 =	vshrl.u32 v17, $0x3  }
0x1f6: {  	v18 =	vmul.u32 $0x18, v18  }
0x1f7: {  	v17 =	vand.u32 $0x7, v17  }
0x1f8: {  	v17 =	vor.u32 v17, v18  }
0x1f9: {  	v18 =	vperm.xlane v17, v2;
	_ =	sdelay $0x1  }
0x1fa: {  	v19 =	vperm.xlane v17, v4;
	v18 =	vadd.s32 v3, v18;
	_ =	sdelay $0x1  }
0x1fb: {  	v25 =	vperm.xlane v17, v5;
	v19 =	vadd.s32 v3, v19;
	_ =	sdelay $0x1  }
0x1fc: {  	s30 =	simm.s32 $0xDC00;
	v26 =	vperm.xlane v17, v0;
	v20 =	vadd.s32 v3, v25  }
0x1fd: {  	[tilespmem:s30], [sflag:$0x2] =	stream.indirect_vreg.gather [hbm4b:s8+s2], $0x80, v18, vm0, $0xb8;
	[tilespmem:$0x19600] =	vst v63  }
0x1fe: {  	s31 =	simm.s32 $0xDC80;
	v27 =	vperm.xlane v17, v6;
	v18 =	vadd.s32 v3, v26  }
0x1ff: {  	[tilespmem:s31], [sflag:$0x2] =	stream.indirect_vreg.gather [hbm4b:s8+s2], $0x80, v19, vm0, $0xb8;
	[tilespmem:$0x19600] =	vst v63  }
0x200: {  	s12 =	simm.s32 $0xDD00;
	v28 =	vperm.xlane v17, v7;
	v19 =	vadd.s32 v3, v27  }
0x201: {  	[tilespmem:s12], [sflag:$0x2] =	stream.indirect_vreg.gather [hbm4b:s8+s2], $0x80, v20, vm0, $0xb8;
	[tilespmem:$0x19600] =	vst v63  }
0x202: {  	s13 =	simm.s32 $0xDD80;
	v30 =	vperm.xlane v17, v8;
	v29 =	vadd.s32 v3, v28  }
0x203: {  	[tilespmem:s13], [sflag:$0x2] =	stream.indirect_vreg.gather [hbm4b:s8+s2], $0x80, v18, vm0, $0xb8;
	[tilespmem:$0x19600] =	vst v63  }
0x204: {  	s14 =	simm.s32 $0xDE00;
	v31 =	vperm.xlane v17, v1;
	v18 =	vadd.s32 v3, v30  }
0x205: {  	[tilespmem:s14], [sflag:$0x2] =	stream.indirect_vreg.gather [hbm4b:s8+s2], $0x80, v19, vm0, $0xb8;
	[tilespmem:$0x19600] =	vst v63  }
0x206: {  	v32 =	vperm.xlane v17, v9;
	s30 =	simm.s32 $0xDE80;
	v19 =	vadd.s32 v3, v31  }
0x207: {  	[tilespmem:s30], [sflag:$0x2] =	stream.indirect_vreg.gather [hbm4b:s8+s2], $0x80, v29, vm0, $0xb8;
	[tilespmem:$0x19600] =	vst v63  }
0x208: {  	v34 =	vperm.xlane v17, v10;
	v33 =	vadd.s32 v3, v32;
	s31 =	simm.s32 $0xDF00  }
0x209: {  	[tilespmem:s31], [sflag:$0x2] =	stream.indirect_vreg.gather [hbm4b:s8+s2], $0x80, v18, vm0, $0xb8;
	[tilespmem:$0x19600] =	vst v63  }
0x20a: {  	v35 =	vperm.xlane v17, v11;
	s12 =	simm.s32 $0xDF80;
	v18 =	vadd.s32 v3, v34  }
0x20b: {  	[tilespmem:s12], [sflag:$0x2] =	stream.indirect_vreg.gather [hbm4b:s8+s2], $0x80, v19, vm0, $0xb8;
	[tilespmem:$0x19600] =	vst v63  }
0x20c: {  	v36 =	vperm.xlane v17, v12;
	s13 =	simm.s32 $0xE000;
	v19 =	vadd.s32 v3, v35  }
0x20d: {  	[tilespmem:s13], [sflag:$0x2] =	stream.indirect_vreg.gather [hbm4b:s8+s2], $0x80, v33, vm0, $0xb8;
	[tilespmem:$0x19600] =	vst v63  }
0x20e: {  	v38 =	vperm.xlane v17, v13;
	v37 =	vadd.s32 v3, v36;
	s14 =	simm.s32 $0xE080  }
0x20f: {  	[tilespmem:s14], [sflag:$0x2] =	stream.indirect_vreg.gather [hbm4b:s8+s2], $0x80, v18, vm0, $0xb8;
	[tilespmem:$0x19600] =	vst v63  }
0x210: {  	v39 =	vperm.xlane v17, v14;
	s30 =	simm.s32 $0xE100;
	v18 =	vadd.s32 v3, v38  }
0x211: {  	[tilespmem:s30], [sflag:$0x2] =	stream.indirect_vreg.gather [hbm4b:s8+s2], $0x80, v19, vm0, $0xb8;
	[tilespmem:$0x19600] =	vst v63  }
0x212: {  	v40 =	vperm.xlane v17, v15;
	s31 =	simm.s32 $0xE180;
	v19 =	vadd.s32 v3, v39  }
0x213: {  	[tilespmem:s31], [sflag:$0x2] =	stream.indirect_vreg.gather [hbm4b:s8+s2], $0x80, v37, vm0, $0xb8;
	[tilespmem:$0x19600] =	vst v63  }
0x214: {  	v17 =	vperm.xlane v17, v16;
	v41 =	vadd.s32 v3, v40;
	s12 =	simm.s32 $0xE200  }
0x215: {  	[tilespmem:s12], [sflag:$0x2] =	stream.indirect_vreg.gather [hbm4b:s8+s2], $0x80, v18, vm0, $0xb8;
	[tilespmem:$0x19600] =	vst v63  }
0x216: {  	v17 =	vadd.s32 v3, v17;
	s13 =	simm.s32 $0xE280  }
0x217: {  	[tilespmem:s13], [sflag:$0x2] =	stream.indirect_vreg.gather [hbm4b:s8+s2], $0x80, v19, vm0, $0xb8;
	[tilespmem:$0x19600] =	vst v63  }
0x218: {  	s14 =	simm.s32 $0xE300  }
0x219: {  	[tilespmem:s14], [sflag:$0x2] =	stream.indirect_vreg.gather [hbm4b:s8+s2], $0x80, v41, vm0, $0xb8;
	[tilespmem:$0x19600] =	vst v63  }
0x21a: {  	s30 =	simm.s32 $0xE380  }
0x21b: {  	[tilespmem:s30], [sflag:$0x2] =	stream.indirect_vreg.gather [hbm4b:s8+s2], $0x80, v17, vm0, $0xb8;
	[tilespmem:$0x19600] =	vst v63  }
0x21c: {  	v17 =	vld.msk [tilespmem:$0xB0], $0x3;
	_ =	sdelay $0x4  }
0x21d: {  	v18 =	vshrl.u32 v17, $0x3  }
0x21e: {  	v18 =	vmul.u32 $0x18, v18  }
0x21f: {  	v17 =	vand.u32 $0x7, v17  }
0x220: {  	v17 =	vor.u32 v17, v18  }
0x221: {  	v18 =	vperm.xlane v17, v2;
	_ =	sdelay $0x1  }
0x222: {  	v17 =	vperm.xlane v17, v4;
	v18 =	vadd.s32 v3, v18;
	_ =	sdelay $0x1  }
0x223: {  	v17 =	vadd.s32 v3, v17;
	_ =	sdelay $0x1  }
0x224: {  	s31 =	simm.s32 $0xE400  }
0x225: {  	[tilespmem:s31], [sflag:$0x2] =	stream.indirect_vreg.gather [hbm4b:s8+s2], $0x80, v18, vm0, $0xb8;
	[tilespmem:$0x19600] =	vst v63  }
0x226: {  	s12 =	simm.s32 $0xE480  }
0x227: {  	[tilespmem:s12], [sflag:$0x2] =	stream.indirect_vreg.gather [hbm4b:s8+s2], $0x80, v17, vm0, $0xb8;
	[tilespmem:$0x19600] =	vst v63  }
0x228: {  	s13 =	simm.s32 $0x80;
	s14 =	simm.s32 $0x13C00  }
0x229: {  	[tilespmem:s14], [sflag:$0x2] =	stream.indirect.gather [hbm4b:s5+s15], $0x80, s13, s15, $0xb8;
	[tilespmem:$0x19600] =	vst v63  }
0x22a: {  	v17 =	vld [tilespmem:$0x100];
	_ =	sdelay $0x4  }
0x22b: {  	v18 =	vshrl.u32 v17, $0x3  }
0x22c: {  	v18 =	vmul.u32 $0x18, v18  }
0x22d: {  	v17 =	vand.u32 $0x7, v17  }
0x22e: {  	v17 =	vor.u32 v17, v18  }
0x22f: {  	v18 =	vperm.xlane v17, v2;
	_ =	sdelay $0x1  }
0x230: {  	v19 =	vperm.xlane v17, v4;
	v18 =	vadd.s32 v3, v18;
	_ =	sdelay $0x1  }
0x231: {  	v42 =	vperm.xlane v17, v5;
	v19 =	vadd.s32 v3, v19;
	_ =	sdelay $0x1  }
0x232: {  	s30 =	simm.s32 $0x7800;
	v43 =	vperm.xlane v17, v0;
	v20 =	vadd.s32 v3, v42  }
0x233: {  	[tilespmem:s30], [sflag:$0x3] =	stream.indirect_vreg.gather [hbm4b:s4+s2], $0x80, v18, vm0, $0xb8;
	[tilespmem:$0x19600] =	vst v63  }
0x234: {  	s31 =	simm.s32 $0x7880;
	v44 =	vperm.xlane v17, v6;
	v18 =	vadd.s32 v3, v43  }
0x235: {  	[tilespmem:s31], [sflag:$0x3] =	stream.indirect_vreg.gather [hbm4b:s4+s2], $0x80, v19, vm0, $0xb8;
	[tilespmem:$0x19600] =	vst v63  }
0x236: {  	s12 =	simm.s32 $0x7900;
	v45 =	vperm.xlane v17, v7;
	v19 =	vadd.s32 v3, v44  }
0x237: {  	[tilespmem:s12], [sflag:$0x3] =	stream.indirect_vreg.gather [hbm4b:s4+s2], $0x80, v20, vm0, $0xb8;
	[tilespmem:$0x19600] =	vst v63  }
0x238: {  	s13 =	simm.s32 $0x7980;
	v47 =	vperm.xlane v17, v8;
	v46 =	vadd.s32 v3, v45  }
0x239: {  	[tilespmem:s13], [sflag:$0x3] =	stream.indirect_vreg.gather [hbm4b:s4+s2], $0x80, v18, vm0, $0xb8;
	[tilespmem:$0x19600] =	vst v63  }
0x23a: {  	s14 =	simm.s32 $0x7A00;
	v48 =	vperm.xlane v17, v1;
	v18 =	vadd.s32 v3, v47  }
0x23b: {  	[tilespmem:s14], [sflag:$0x3] =	stream.indirect_vreg.gather [hbm4b:s4+s2], $0x80, v19, vm0, $0xb8;
	[tilespmem:$0x19600] =	vst v63  }
0x23c: {  	v49 =	vperm.xlane v17, v9;
	s30 =	simm.s32 $0x7A80;
	v19 =	vadd.s32 v3, v48  }
0x23d: {  	[tilespmem:s30], [sflag:$0x3] =	stream.indirect_vreg.gather [hbm4b:s4+s2], $0x80, v46, vm0, $0xb8;
	[tilespmem:$0x19600] =	vst v63  }
0x23e: {  	v51 =	vperm.xlane v17, v10;
	v50 =	vadd.s32 v3, v49;
	s31 =	simm.s32 $0x7B00  }
0x23f: {  	[tilespmem:s31], [sflag:$0x3] =	stream.indirect_vreg.gather [hbm4b:s4+s2], $0x80, v18, vm0, $0xb8;
	[tilespmem:$0x19600] =	vst v63  }
0x240: {  	v52 =	vperm.xlane v17, v11;
	s12 =	simm.s32 $0x7B80;
	v18 =	vadd.s32 v3, v51  }
0x241: {  	[tilespmem:s12], [sflag:$0x3] =	stream.indirect_vreg.gather [hbm4b:s4+s2], $0x80, v19, vm0, $0xb8;
	[tilespmem:$0x19600] =	vst v63  }
0x242: {  	v53 =	vperm.xlane v17, v12;
	s13 =	simm.s32 $0x7C00;
	v19 =	vadd.s32 v3, v52  }
0x243: {  	[tilespmem:s13], [sflag:$0x3] =	stream.indirect_vreg.gather [hbm4b:s4+s2], $0x80, v50, vm0, $0xb8;
	[tilespmem:$0x19600] =	vst v63  }
0x244: {  	v55 =	vperm.xlane v17, v13;
	v54 =	vadd.s32 v3, v53;
	s14 =	simm.s32 $0x7C80  }
0x245: {  	[tilespmem:s14], [sflag:$0x3] =	stream.indirect_vreg.gather [hbm4b:s4+s2], $0x80, v18, vm0, $0xb8;
	[tilespmem:$0x19600] =	vst v63  }
0x246: {  	v56 =	vperm.xlane v17, v14;
	s30 =	simm.s32 $0x7D00;
	v18 =	vadd.s32 v3, v55  }
0x247: {  	[tilespmem:s30], [sflag:$0x3] =	stream.indirect_vreg.gather [hbm4b:s4+s2], $0x80, v19, vm0, $0xb8;
	[tilespmem:$0x19600] =	vst v63  }
0x248: {  	v57 =	vperm.xlane v17, v15;
	s31 =	simm.s32 $0x7D80;
	v19 =	vadd.s32 v3, v56  }
0x249: {  	[tilespmem:s31], [sflag:$0x3] =	stream.indirect_vreg.gather [hbm4b:s4+s2], $0x80, v54, vm0, $0xb8;
	[tilespmem:$0x19600] =	vst v63  }
0x24a: {  	v17 =	vperm.xlane v17, v16;
	v58 =	vadd.s32 v3, v57;
	s12 =	simm.s32 $0x7E00  }
0x24b: {  	[tilespmem:s12], [sflag:$0x3] =	stream.indirect_vreg.gather [hbm4b:s4+s2], $0x80, v18, vm0, $0xb8;
	[tilespmem:$0x19600] =	vst v63  }
0x24c: {  	v17 =	vadd.s32 v3, v17;
	s13 =	simm.s32 $0x7E80  }
0x24d: {  	[tilespmem:s13], [sflag:$0x3] =	stream.indirect_vreg.gather [hbm4b:s4+s2], $0x80, v19, vm0, $0xb8;
	[tilespmem:$0x19600] =	vst v63  }
0x24e: {  	s14 =	simm.s32 $0x7F00  }
0x24f: {  	[tilespmem:s14], [sflag:$0x3] =	stream.indirect_vreg.gather [hbm4b:s4+s2], $0x80, v58, vm0, $0xb8;
	[tilespmem:$0x19600] =	vst v63  }
0x250: {  	s30 =	simm.s32 $0x7F80  }
0x251: {  	[tilespmem:s30], [sflag:$0x3] =	stream.indirect_vreg.gather [hbm4b:s4+s2], $0x80, v17, vm0, $0xb8;
	[tilespmem:$0x19600] =	vst v63  }
0x252: {  	v17 =	vld [tilespmem:$0x110];
	_ =	sdelay $0x4  }
0x253: {  	v18 =	vshrl.u32 v17, $0x3  }
0x254: {  	v18 =	vmul.u32 $0x18, v18  }
0x255: {  	v17 =	vand.u32 $0x7, v17  }
0x256: {  	v17 =	vor.u32 v17, v18  }
0x257: {  	v18 =	vperm.xlane v17, v2;
	_ =	sdelay $0x1  }
0x258: {  	v19 =	vperm.xlane v17, v4;
	v18 =	vadd.s32 v3, v18;
	_ =	sdelay $0x1  }
0x259: {  	v59 =	vperm.xlane v17, v5;
	v19 =	vadd.s32 v3, v19;
	_ =	sdelay $0x1  }
0x25a: {  	s31 =	simm.s32 $0x8000;
	v60 =	vperm.xlane v17, v0;
	v20 =	vadd.s32 v3, v59  }
0x25b: {  	[tilespmem:s31], [sflag:$0x3] =	stream.indirect_vreg.gather [hbm4b:s4+s2], $0x80, v18, vm0, $0xb8;
	[tilespmem:$0x19600] =	vst v63  }
0x25c: {  	s12 =	simm.s32 $0x8080;
	v61 =	vperm.xlane v17, v6;
	v18 =	vadd.s32 v3, v60  }
0x25d: {  	[tilespmem:s12], [sflag:$0x3] =	stream.indirect_vreg.gather [hbm4b:s4+s2], $0x80, v19, vm0, $0xb8;
	[tilespmem:$0x19600] =	vst v63  }
0x25e: {  	s13 =	simm.s32 $0x8100;
	v62 =	vperm.xlane v17, v7;
	v19 =	vadd.s32 v3, v61  }
0x25f: {  	[tilespmem:s13], [sflag:$0x3] =	stream.indirect_vreg.gather [hbm4b:s4+s2], $0x80, v20, vm0, $0xb8;
	[tilespmem:$0x19600] =	vst v63  }
0x260: {  	s14 =	simm.s32 $0x8180;
	v24 =	vperm.xlane v17, v8;
	v63 =	vadd.s32 v3, v62  }
0x261: {  	[tilespmem:s14], [sflag:$0x3] =	stream.indirect_vreg.gather [hbm4b:s4+s2], $0x80, v18, vm0, $0xb8;
	[tilespmem:$0x19600] =	vst v63  }
0x262: {  	s30 =	simm.s32 $0x8200;
	v25 =	vperm.xlane v17, v1;
	v18 =	vadd.s32 v3, v24  }
0x263: {  	[tilespmem:s30], [sflag:$0x3] =	stream.indirect_vreg.gather [hbm4b:s4+s2], $0x80, v19, vm0, $0xb8;
	[tilespmem:$0x19600] =	vst v63  }
0x264: {  	v26 =	vperm.xlane v17, v9;
	s31 =	simm.s32 $0x8280;
	v19 =	vadd.s32 v3, v25  }
0x265: {  	[tilespmem:s31], [sflag:$0x3] =	stream.indirect_vreg.gather [hbm4b:s4+s2], $0x80, v63, vm0, $0xb8;
	[tilespmem:$0x19600] =	vst v63  }
0x266: {  	v28 =	vperm.xlane v17, v10;
	v27 =	vadd.s32 v3, v26;
	s12 =	simm.s32 $0x8300  }
0x267: {  	[tilespmem:s12], [sflag:$0x3] =	stream.indirect_vreg.gather [hbm4b:s4+s2], $0x80, v18, vm0, $0xb8;
	[tilespmem:$0x19600] =	vst v63  }
0x268: {  	v29 =	vperm.xlane v17, v11;
	s13 =	simm.s32 $0x8380;
	v18 =	vadd.s32 v3, v28  }
0x269: {  	[tilespmem:s13], [sflag:$0x3] =	stream.indirect_vreg.gather [hbm4b:s4+s2], $0x80, v19, vm0, $0xb8;
	[tilespmem:$0x19600] =	vst v63  }
0x26a: {  	v30 =	vperm.xlane v17, v12;
	s14 =	simm.s32 $0x8400;
	v19 =	vadd.s32 v3, v29  }
0x26b: {  	[tilespmem:s14], [sflag:$0x3] =	stream.indirect_vreg.gather [hbm4b:s4+s2], $0x80, v27, vm0, $0xb8;
	[tilespmem:$0x19600] =	vst v63  }
0x26c: {  	v32 =	vperm.xlane v17, v13;
	v31 =	vadd.s32 v3, v30;
	s30 =	simm.s32 $0x8480  }
0x26d: {  	[tilespmem:s30], [sflag:$0x3] =	stream.indirect_vreg.gather [hbm4b:s4+s2], $0x80, v18, vm0, $0xb8;
	[tilespmem:$0x19600] =	vst v63  }
0x26e: {  	v33 =	vperm.xlane v17, v14;
	s31 =	simm.s32 $0x8500;
	v18 =	vadd.s32 v3, v32  }
0x26f: {  	[tilespmem:s31], [sflag:$0x3] =	stream.indirect_vreg.gather [hbm4b:s4+s2], $0x80, v19, vm0, $0xb8;
	[tilespmem:$0x19600] =	vst v63  }
0x270: {  	v34 =	vperm.xlane v17, v15;
	s12 =	simm.s32 $0x8580;
	v19 =	vadd.s32 v3, v33  }
0x271: {  	[tilespmem:s12], [sflag:$0x3] =	stream.indirect_vreg.gather [hbm4b:s4+s2], $0x80, v31, vm0, $0xb8;
	[tilespmem:$0x19600] =	vst v63  }
0x272: {  	v17 =	vperm.xlane v17, v16;
	v35 =	vadd.s32 v3, v34;
	s13 =	simm.s32 $0x8600  }
0x273: {  	[tilespmem:s13], [sflag:$0x3] =	stream.indirect_vreg.gather [hbm4b:s4+s2], $0x80, v18, vm0, $0xb8;
	[tilespmem:$0x19600] =	vst v63  }
0x274: {  	v17 =	vadd.s32 v3, v17;
	s14 =	simm.s32 $0x8680  }
0x275: {  	[tilespmem:s14], [sflag:$0x3] =	stream.indirect_vreg.gather [hbm4b:s4+s2], $0x80, v19, vm0, $0xb8;
	[tilespmem:$0x19600] =	vst v63  }
0x276: {  	s30 =	simm.s32 $0x8700  }
0x277: {  	[tilespmem:s30], [sflag:$0x3] =	stream.indirect_vreg.gather [hbm4b:s4+s2], $0x80, v35, vm0, $0xb8;
	[tilespmem:$0x19600] =	vst v63  }
0x278: {  	s31 =	simm.s32 $0x8780  }
0x279: {  	[tilespmem:s31], [sflag:$0x3] =	stream.indirect_vreg.gather [hbm4b:s4+s2], $0x80, v17, vm0, $0xb8;
	[tilespmem:$0x19600] =	vst v63  }
0x27a: {  	v17 =	vld [tilespmem:$0x120];
	_ =	sdelay $0x4  }
0x27b: {  	v18 =	vshrl.u32 v17, $0x3  }
0x27c: {  	v18 =	vmul.u32 $0x18, v18  }
0x27d: {  	v17 =	vand.u32 $0x7, v17  }
0x27e: {  	v17 =	vor.u32 v17, v18  }
0x27f: {  	v18 =	vperm.xlane v17, v2;
	_ =	sdelay $0x1  }
0x280: {  	v19 =	vperm.xlane v17, v4;
	v18 =	vadd.s32 v3, v18;
	_ =	sdelay $0x1  }
0x281: {  	v36 =	vperm.xlane v17, v5;
	v19 =	vadd.s32 v3, v19;
	_ =	sdelay $0x1  }
0x282: {  	s12 =	simm.s32 $0x8800;
	v37 =	vperm.xlane v17, v0;
	v20 =	vadd.s32 v3, v36  }
0x283: {  	[tilespmem:s12], [sflag:$0x3] =	stream.indirect_vreg.gather [hbm4b:s4+s2], $0x80, v18, vm0, $0xb8;
	[tilespmem:$0x19600] =	vst v63  }
0x284: {  	s13 =	simm.s32 $0x8880;
	v38 =	vperm.xlane v17, v6;
	v18 =	vadd.s32 v3, v37  }
0x285: {  	[tilespmem:s13], [sflag:$0x3] =	stream.indirect_vreg.gather [hbm4b:s4+s2], $0x80, v19, vm0, $0xb8;
	[tilespmem:$0x19600] =	vst v63  }
0x286: {  	s14 =	simm.s32 $0x8900;
	v39 =	vperm.xlane v17, v7;
	v19 =	vadd.s32 v3, v38  }
0x287: {  	[tilespmem:s14], [sflag:$0x3] =	stream.indirect_vreg.gather [hbm4b:s4+s2], $0x80, v20, vm0, $0xb8;
	[tilespmem:$0x19600] =	vst v63  }
0x288: {  	s30 =	simm.s32 $0x8980;
	v41 =	vperm.xlane v17, v8;
	v40 =	vadd.s32 v3, v39  }
0x289: {  	[tilespmem:s30], [sflag:$0x3] =	stream.indirect_vreg.gather [hbm4b:s4+s2], $0x80, v18, vm0, $0xb8;
	[tilespmem:$0x19600] =	vst v63  }
0x28a: {  	s31 =	simm.s32 $0x8A00;
	v42 =	vperm.xlane v17, v1;
	v18 =	vadd.s32 v3, v41  }
0x28b: {  	[tilespmem:s31], [sflag:$0x3] =	stream.indirect_vreg.gather [hbm4b:s4+s2], $0x80, v19, vm0, $0xb8;
	[tilespmem:$0x19600] =	vst v63  }
0x28c: {  	v43 =	vperm.xlane v17, v9;
	s12 =	simm.s32 $0x8A80;
	v19 =	vadd.s32 v3, v42  }
0x28d: {  	[tilespmem:s12], [sflag:$0x3] =	stream.indirect_vreg.gather [hbm4b:s4+s2], $0x80, v40, vm0, $0xb8;
	[tilespmem:$0x19600] =	vst v63  }
0x28e: {  	v45 =	vperm.xlane v17, v10;
	v44 =	vadd.s32 v3, v43;
	s13 =	simm.s32 $0x8B00  }
0x28f: {  	[tilespmem:s13], [sflag:$0x3] =	stream.indirect_vreg.gather [hbm4b:s4+s2], $0x80, v18, vm0, $0xb8;
	[tilespmem:$0x19600] =	vst v63  }
0x290: {  	v46 =	vperm.xlane v17, v11;
	s14 =	simm.s32 $0x8B80;
	v18 =	vadd.s32 v3, v45  }
0x291: {  	[tilespmem:s14], [sflag:$0x3] =	stream.indirect_vreg.gather [hbm4b:s4+s2], $0x80, v19, vm0, $0xb8;
	[tilespmem:$0x19600] =	vst v63  }
0x292: {  	v47 =	vperm.xlane v17, v12;
	s30 =	simm.s32 $0x8C00;
	v19 =	vadd.s32 v3, v46  }
0x293: {  	[tilespmem:s30], [sflag:$0x3] =	stream.indirect_vreg.gather [hbm4b:s4+s2], $0x80, v44, vm0, $0xb8;
	[tilespmem:$0x19600] =	vst v63  }
0x294: {  	v49 =	vperm.xlane v17, v13;
	v48 =	vadd.s32 v3, v47;
	s31 =	simm.s32 $0x8C80  }
0x295: {  	[tilespmem:s31], [sflag:$0x3] =	stream.indirect_vreg.gather [hbm4b:s4+s2], $0x80, v18, vm0, $0xb8;
	[tilespmem:$0x19600] =	vst v63  }
0x296: {  	v50 =	vperm.xlane v17, v14;
	s12 =	simm.s32 $0x8D00;
	v18 =	vadd.s32 v3, v49  }
0x297: {  	[tilespmem:s12], [sflag:$0x3] =	stream.indirect_vreg.gather [hbm4b:s4+s2], $0x80, v19, vm0, $0xb8;
	[tilespmem:$0x19600] =	vst v63  }
0x298: {  	v51 =	vperm.xlane v17, v15;
	s13 =	simm.s32 $0x8D80;
	v19 =	vadd.s32 v3, v50  }
0x299: {  	[tilespmem:s13], [sflag:$0x3] =	stream.indirect_vreg.gather [hbm4b:s4+s2], $0x80, v48, vm0, $0xb8;
	[tilespmem:$0x19600] =	vst v63  }
0x29a: {  	v17 =	vperm.xlane v17, v16;
	v52 =	vadd.s32 v3, v51;
	s14 =	simm.s32 $0x8E00  }
0x29b: {  	[tilespmem:s14], [sflag:$0x3] =	stream.indirect_vreg.gather [hbm4b:s4+s2], $0x80, v18, vm0, $0xb8;
	[tilespmem:$0x19600] =	vst v63  }
0x29c: {  	v17 =	vadd.s32 v3, v17;
	s30 =	simm.s32 $0x8E80  }
0x29d: {  	[tilespmem:s30], [sflag:$0x3] =	stream.indirect_vreg.gather [hbm4b:s4+s2], $0x80, v19, vm0, $0xb8;
	[tilespmem:$0x19600] =	vst v63  }
0x29e: {  	s31 =	simm.s32 $0x8F00  }
0x29f: {  	[tilespmem:s31], [sflag:$0x3] =	stream.indirect_vreg.gather [hbm4b:s4+s2], $0x80, v52, vm0, $0xb8;
	[tilespmem:$0x19600] =	vst v63  }
0x2a0: {  	s12 =	simm.s32 $0x8F80  }
0x2a1: {  	[tilespmem:s12], [sflag:$0x3] =	stream.indirect_vreg.gather [hbm4b:s4+s2], $0x80, v17, vm0, $0xb8;
	[tilespmem:$0x19600] =	vst v63  }
0x2a2: {  	v17 =	vld.msk [tilespmem:$0x130], $0x3;
	_ =	sdelay $0x4  }
0x2a3: {  	v18 =	vshrl.u32 v17, $0x3  }
0x2a4: {  	v18 =	vmul.u32 $0x18, v18  }
0x2a5: {  	v17 =	vand.u32 $0x7, v17  }
0x2a6: {  	v17 =	vor.u32 v17, v18  }
0x2a7: {  	v18 =	vperm.xlane v17, v2;
	_ =	sdelay $0x1  }
0x2a8: {  	v17 =	vperm.xlane v17, v4;
	v18 =	vadd.s32 v3, v18;
	_ =	sdelay $0x1  }
0x2a9: {  	v17 =	vadd.s32 v3, v17;
	_ =	sdelay $0x1  }
0x2aa: {  	s13 =	simm.s32 $0x9000  }
0x2ab: {  	[tilespmem:s13], [sflag:$0x3] =	stream.indirect_vreg.gather [hbm4b:s4+s2], $0x80, v18, vm0, $0xb8;
	[tilespmem:$0x19600] =	vst v63  }
0x2ac: {  	s14 =	simm.s32 $0x9080  }
0x2ad: {  	[tilespmem:s14], [sflag:$0x3] =	stream.indirect_vreg.gather [hbm4b:s4+s2], $0x80, v17, vm0, $0xb8;
	[tilespmem:$0x19600] =	vst v63  }
0x2ae: {  	v17 =	vld [tilespmem:$0x100];
	_ =	sdelay $0x4  }
0x2af: {  	v18 =	vshrl.u32 v17, $0x3  }
0x2b0: {  	v18 =	vmul.u32 $0x18, v18  }
0x2b1: {  	v17 =	vand.u32 $0x7, v17  }
0x2b2: {  	v17 =	vor.u32 v17, v18  }
0x2b3: {  	v18 =	vperm.xlane v17, v2;
	_ =	sdelay $0x1  }
0x2b4: {  	v19 =	vperm.xlane v17, v4;
	v18 =	vadd.s32 v3, v18;
	_ =	sdelay $0x1  }
0x2b5: {  	v53 =	vperm.xlane v17, v5;
	v19 =	vadd.s32 v3, v19;
	_ =	sdelay $0x1  }
0x2b6: {  	s30 =	simm.s32 $0xE800;
	v54 =	vperm.xlane v17, v0;
	v20 =	vadd.s32 v3, v53  }
0x2b7: {  	[tilespmem:s30], [sflag:$0x3] =	stream.indirect_vreg.gather [hbm4b:s8+s2], $0x80, v18, vm0, $0xb8;
	[tilespmem:$0x19600] =	vst v63  }
0x2b8: {  	s31 =	simm.s32 $0xE880;
	v55 =	vperm.xlane v17, v6;
	v18 =	vadd.s32 v3, v54  }
0x2b9: {  	[tilespmem:s31], [sflag:$0x3] =	stream.indirect_vreg.gather [hbm4b:s8+s2], $0x80, v19, vm0, $0xb8;
	[tilespmem:$0x19600] =	vst v63  }
0x2ba: {  	s12 =	simm.s32 $0xE900;
	v56 =	vperm.xlane v17, v7;
	v19 =	vadd.s32 v3, v55  }
0x2bb: {  	[tilespmem:s12], [sflag:$0x3] =	stream.indirect_vreg.gather [hbm4b:s8+s2], $0x80, v20, vm0, $0xb8;
	[tilespmem:$0x19600] =	vst v63  }
0x2bc: {  	s13 =	simm.s32 $0xE980;
	v58 =	vperm.xlane v17, v8;
	v57 =	vadd.s32 v3, v56  }
0x2bd: {  	[tilespmem:s13], [sflag:$0x3] =	stream.indirect_vreg.gather [hbm4b:s8+s2], $0x80, v18, vm0, $0xb8;
	[tilespmem:$0x19600] =	vst v63  }
0x2be: {  	s14 =	simm.s32 $0xEA00;
	v59 =	vperm.xlane v17, v1;
	v18 =	vadd.s32 v3, v58  }
0x2bf: {  	[tilespmem:s14], [sflag:$0x3] =	stream.indirect_vreg.gather [hbm4b:s8+s2], $0x80, v19, vm0, $0xb8;
	[tilespmem:$0x19600] =	vst v63  }
0x2c0: {  	v60 =	vperm.xlane v17, v9;
	s30 =	simm.s32 $0xEA80;
	v19 =	vadd.s32 v3, v59  }
0x2c1: {  	[tilespmem:s30], [sflag:$0x3] =	stream.indirect_vreg.gather [hbm4b:s8+s2], $0x80, v57, vm0, $0xb8;
	[tilespmem:$0x19600] =	vst v63  }
0x2c2: {  	v62 =	vperm.xlane v17, v10;
	v61 =	vadd.s32 v3, v60;
	s31 =	simm.s32 $0xEB00  }
0x2c3: {  	[tilespmem:s31], [sflag:$0x3] =	stream.indirect_vreg.gather [hbm4b:s8+s2], $0x80, v18, vm0, $0xb8;
	[tilespmem:$0x19600] =	vst v63  }
0x2c4: {  	v63 =	vperm.xlane v17, v11;
	s12 =	simm.s32 $0xEB80;
	v18 =	vadd.s32 v3, v62  }
0x2c5: {  	[tilespmem:s12], [sflag:$0x3] =	stream.indirect_vreg.gather [hbm4b:s8+s2], $0x80, v19, vm0, $0xb8;
	[tilespmem:$0x19600] =	vst v63  }
0x2c6: {  	v24 =	vperm.xlane v17, v12;
	s13 =	simm.s32 $0xEC00;
	v19 =	vadd.s32 v3, v63  }
0x2c7: {  	[tilespmem:s13], [sflag:$0x3] =	stream.indirect_vreg.gather [hbm4b:s8+s2], $0x80, v61, vm0, $0xb8;
	[tilespmem:$0x19600] =	vst v63  }
0x2c8: {  	v26 =	vperm.xlane v17, v13;
	v25 =	vadd.s32 v3, v24;
	s14 =	simm.s32 $0xEC80  }
0x2c9: {  	[tilespmem:s14], [sflag:$0x3] =	stream.indirect_vreg.gather [hbm4b:s8+s2], $0x80, v18, vm0, $0xb8;
	[tilespmem:$0x19600] =	vst v63  }
0x2ca: {  	v27 =	vperm.xlane v17, v14;
	s30 =	simm.s32 $0xED00;
	v18 =	vadd.s32 v3, v26  }
0x2cb: {  	[tilespmem:s30], [sflag:$0x3] =	stream.indirect_vreg.gather [hbm4b:s8+s2], $0x80, v19, vm0, $0xb8;
	[tilespmem:$0x19600] =	vst v63  }
0x2cc: {  	v28 =	vperm.xlane v17, v15;
	s31 =	simm.s32 $0xED80;
	v19 =	vadd.s32 v3, v27  }
0x2cd: {  	[tilespmem:s31], [sflag:$0x3] =	stream.indirect_vreg.gather [hbm4b:s8+s2], $0x80, v25, vm0, $0xb8;
	[tilespmem:$0x19600] =	vst v63  }
0x2ce: {  	v17 =	vperm.xlane v17, v16;
	v29 =	vadd.s32 v3, v28;
	s12 =	simm.s32 $0xEE00  }
0x2cf: {  	[tilespmem:s12], [sflag:$0x3] =	stream.indirect_vreg.gather [hbm4b:s8+s2], $0x80, v18, vm0, $0xb8;
	[tilespmem:$0x19600] =	vst v63  }
0x2d0: {  	v17 =	vadd.s32 v3, v17;
	s13 =	simm.s32 $0xEE80  }
0x2d1: {  	[tilespmem:s13], [sflag:$0x3] =	stream.indirect_vreg.gather [hbm4b:s8+s2], $0x80, v19, vm0, $0xb8;
	[tilespmem:$0x19600] =	vst v63  }
0x2d2: {  	s14 =	simm.s32 $0xEF00  }
0x2d3: {  	[tilespmem:s14], [sflag:$0x3] =	stream.indirect_vreg.gather [hbm4b:s8+s2], $0x80, v29, vm0, $0xb8;
	[tilespmem:$0x19600] =	vst v63  }
0x2d4: {  	s30 =	simm.s32 $0xEF80  }
0x2d5: {  	[tilespmem:s30], [sflag:$0x3] =	stream.indirect_vreg.gather [hbm4b:s8+s2], $0x80, v17, vm0, $0xb8;
	[tilespmem:$0x19600] =	vst v63  }
0x2d6: {  	v17 =	vld [tilespmem:$0x110];
	_ =	sdelay $0x4  }
0x2d7: {  	v18 =	vshrl.u32 v17, $0x3  }
0x2d8: {  	v18 =	vmul.u32 $0x18, v18  }
0x2d9: {  	v17 =	vand.u32 $0x7, v17  }
0x2da: {  	v17 =	vor.u32 v17, v18  }
0x2db: {  	v18 =	vperm.xlane v17, v2;
	_ =	sdelay $0x1  }
0x2dc: {  	v19 =	vperm.xlane v17, v4;
	v18 =	vadd.s32 v3, v18;
	_ =	sdelay $0x1  }
0x2dd: {  	v30 =	vperm.xlane v17, v5;
	v19 =	vadd.s32 v3, v19;
	_ =	sdelay $0x1  }
0x2de: {  	s31 =	simm.s32 $0xF000;
	v31 =	vperm.xlane v17, v0;
	v20 =	vadd.s32 v3, v30  }
0x2df: {  	[tilespmem:s31], [sflag:$0x3] =	stream.indirect_vreg.gather [hbm4b:s8+s2], $0x80, v18, vm0, $0xb8;
	[tilespmem:$0x19600] =	vst v63  }
0x2e0: {  	s12 =	simm.s32 $0xF080;
	v32 =	vperm.xlane v17, v6;
	v18 =	vadd.s32 v3, v31  }
0x2e1: {  	[tilespmem:s12], [sflag:$0x3] =	stream.indirect_vreg.gather [hbm4b:s8+s2], $0x80, v19, vm0, $0xb8;
	[tilespmem:$0x19600] =	vst v63  }
0x2e2: {  	s13 =	simm.s32 $0xF100;
	v33 =	vperm.xlane v17, v7;
	v19 =	vadd.s32 v3, v32  }
0x2e3: {  	[tilespmem:s13], [sflag:$0x3] =	stream.indirect_vreg.gather [hbm4b:s8+s2], $0x80, v20, vm0, $0xb8;
	[tilespmem:$0x19600] =	vst v63  }
0x2e4: {  	s14 =	simm.s32 $0xF180;
	v35 =	vperm.xlane v17, v8;
	v34 =	vadd.s32 v3, v33  }
0x2e5: {  	[tilespmem:s14], [sflag:$0x3] =	stream.indirect_vreg.gather [hbm4b:s8+s2], $0x80, v18, vm0, $0xb8;
	[tilespmem:$0x19600] =	vst v63  }
0x2e6: {  	s30 =	simm.s32 $0xF200;
	v36 =	vperm.xlane v17, v1;
	v18 =	vadd.s32 v3, v35  }
0x2e7: {  	[tilespmem:s30], [sflag:$0x3] =	stream.indirect_vreg.gather [hbm4b:s8+s2], $0x80, v19, vm0, $0xb8;
	[tilespmem:$0x19600] =	vst v63  }
0x2e8: {  	v37 =	vperm.xlane v17, v9;
	s31 =	simm.s32 $0xF280;
	v19 =	vadd.s32 v3, v36  }
0x2e9: {  	[tilespmem:s31], [sflag:$0x3] =	stream.indirect_vreg.gather [hbm4b:s8+s2], $0x80, v34, vm0, $0xb8;
	[tilespmem:$0x19600] =	vst v63  }
0x2ea: {  	v39 =	vperm.xlane v17, v10;
	v38 =	vadd.s32 v3, v37;
	s12 =	simm.s32 $0xF300  }
0x2eb: {  	[tilespmem:s12], [sflag:$0x3] =	stream.indirect_vreg.gather [hbm4b:s8+s2], $0x80, v18, vm0, $0xb8;
	[tilespmem:$0x19600] =	vst v63  }
0x2ec: {  	v40 =	vperm.xlane v17, v11;
	s13 =	simm.s32 $0xF380;
	v18 =	vadd.s32 v3, v39  }
0x2ed: {  	[tilespmem:s13], [sflag:$0x3] =	stream.indirect_vreg.gather [hbm4b:s8+s2], $0x80, v19, vm0, $0xb8;
	[tilespmem:$0x19600] =	vst v63  }
0x2ee: {  	v41 =	vperm.xlane v17, v12;
	s14 =	simm.s32 $0xF400;
	v19 =	vadd.s32 v3, v40  }
0x2ef: {  	[tilespmem:s14], [sflag:$0x3] =	stream.indirect_vreg.gather [hbm4b:s8+s2], $0x80, v38, vm0, $0xb8;
	[tilespmem:$0x19600] =	vst v63  }
0x2f0: {  	v43 =	vperm.xlane v17, v13;
	v42 =	vadd.s32 v3, v41;
	s30 =	simm.s32 $0xF480  }
0x2f1: {  	[tilespmem:s30], [sflag:$0x3] =	stream.indirect_vreg.gather [hbm4b:s8+s2], $0x80, v18, vm0, $0xb8;
	[tilespmem:$0x19600] =	vst v63  }
0x2f2: {  	v44 =	vperm.xlane v17, v14;
	s31 =	simm.s32 $0xF500;
	v18 =	vadd.s32 v3, v43  }
0x2f3: {  	[tilespmem:s31], [sflag:$0x3] =	stream.indirect_vreg.gather [hbm4b:s8+s2], $0x80, v19, vm0, $0xb8;
	[tilespmem:$0x19600] =	vst v63  }
0x2f4: {  	v45 =	vperm.xlane v17, v15;
	s12 =	simm.s32 $0xF580;
	v19 =	vadd.s32 v3, v44  }
0x2f5: {  	[tilespmem:s12], [sflag:$0x3] =	stream.indirect_vreg.gather [hbm4b:s8+s2], $0x80, v42, vm0, $0xb8;
	[tilespmem:$0x19600] =	vst v63  }
0x2f6: {  	v17 =	vperm.xlane v17, v16;
	v46 =	vadd.s32 v3, v45;
	s13 =	simm.s32 $0xF600  }
0x2f7: {  	[tilespmem:s13], [sflag:$0x3] =	stream.indirect_vreg.gather [hbm4b:s8+s2], $0x80, v18, vm0, $0xb8;
	[tilespmem:$0x19600] =	vst v63  }
0x2f8: {  	v17 =	vadd.s32 v3, v17;
	s14 =	simm.s32 $0xF680  }
0x2f9: {  	[tilespmem:s14], [sflag:$0x3] =	stream.indirect_vreg.gather [hbm4b:s8+s2], $0x80, v19, vm0, $0xb8;
	[tilespmem:$0x19600] =	vst v63  }
0x2fa: {  	s30 =	simm.s32 $0xF700  }
0x2fb: {  	[tilespmem:s30], [sflag:$0x3] =	stream.indirect_vreg.gather [hbm4b:s8+s2], $0x80, v46, vm0, $0xb8;
	[tilespmem:$0x19600] =	vst v63  }
0x2fc: {  	s31 =	simm.s32 $0xF780  }
0x2fd: {  	[tilespmem:s31], [sflag:$0x3] =	stream.indirect_vreg.gather [hbm4b:s8+s2], $0x80, v17, vm0, $0xb8;
	[tilespmem:$0x19600] =	vst v63  }
0x2fe: {  	v17 =	vld [tilespmem:$0x120];
	_ =	sdelay $0x4  }
0x2ff: {  	v18 =	vshrl.u32 v17, $0x3  }
0x300: {  	v18 =	vmul.u32 $0x18, v18  }
0x301: {  	v17 =	vand.u32 $0x7, v17  }
0x302: {  	v17 =	vor.u32 v17, v18  }
0x303: {  	v18 =	vperm.xlane v17, v2;
	_ =	sdelay $0x1  }
0x304: {  	v19 =	vperm.xlane v17, v4;
	v18 =	vadd.s32 v3, v18;
	_ =	sdelay $0x1  }
0x305: {  	v47 =	vperm.xlane v17, v5;
	v19 =	vadd.s32 v3, v19;
	_ =	sdelay $0x1  }
0x306: {  	s12 =	simm.s32 $0xF800;
	v48 =	vperm.xlane v17, v0;
	v20 =	vadd.s32 v3, v47  }
0x307: {  	[tilespmem:s12], [sflag:$0x3] =	stream.indirect_vreg.gather [hbm4b:s8+s2], $0x80, v18, vm0, $0xb8;
	[tilespmem:$0x19600] =	vst v63  }
0x308: {  	s13 =	simm.s32 $0xF880;
	v49 =	vperm.xlane v17, v6;
	v18 =	vadd.s32 v3, v48  }
0x309: {  	[tilespmem:s13], [sflag:$0x3] =	stream.indirect_vreg.gather [hbm4b:s8+s2], $0x80, v19, vm0, $0xb8;
	[tilespmem:$0x19600] =	vst v63  }
0x30a: {  	s14 =	simm.s32 $0xF900;
	v50 =	vperm.xlane v17, v7;
	v19 =	vadd.s32 v3, v49  }
0x30b: {  	[tilespmem:s14], [sflag:$0x3] =	stream.indirect_vreg.gather [hbm4b:s8+s2], $0x80, v20, vm0, $0xb8;
	[tilespmem:$0x19600] =	vst v63  }
0x30c: {  	s30 =	simm.s32 $0xF980;
	v52 =	vperm.xlane v17, v8;
	v51 =	vadd.s32 v3, v50  }
0x30d: {  	[tilespmem:s30], [sflag:$0x3] =	stream.indirect_vreg.gather [hbm4b:s8+s2], $0x80, v18, vm0, $0xb8;
	[tilespmem:$0x19600] =	vst v63  }
0x30e: {  	s31 =	simm.s32 $0xFA00;
	v53 =	vperm.xlane v17, v1;
	v18 =	vadd.s32 v3, v52  }
0x30f: {  	[tilespmem:s31], [sflag:$0x3] =	stream.indirect_vreg.gather [hbm4b:s8+s2], $0x80, v19, vm0, $0xb8;
	[tilespmem:$0x19600] =	vst v63  }
0x310: {  	v54 =	vperm.xlane v17, v9;
	s12 =	simm.s32 $0xFA80;
	v19 =	vadd.s32 v3, v53  }
0x311: {  	[tilespmem:s12], [sflag:$0x3] =	stream.indirect_vreg.gather [hbm4b:s8+s2], $0x80, v51, vm0, $0xb8;
	[tilespmem:$0x19600] =	vst v63  }
0x312: {  	v56 =	vperm.xlane v17, v10;
	v55 =	vadd.s32 v3, v54;
	s13 =	simm.s32 $0xFB00  }
0x313: {  	[tilespmem:s13], [sflag:$0x3] =	stream.indirect_vreg.gather [hbm4b:s8+s2], $0x80, v18, vm0, $0xb8;
	[tilespmem:$0x19600] =	vst v63  }
0x314: {  	v57 =	vperm.xlane v17, v11;
	s14 =	simm.s32 $0xFB80;
	v18 =	vadd.s32 v3, v56  }
0x315: {  	[tilespmem:s14], [sflag:$0x3] =	stream.indirect_vreg.gather [hbm4b:s8+s2], $0x80, v19, vm0, $0xb8;
	[tilespmem:$0x19600] =	vst v63  }
0x316: {  	v58 =	vperm.xlane v17, v12;
	s30 =	simm.s32 $0xFC00;
	v19 =	vadd.s32 v3, v57  }
0x317: {  	[tilespmem:s30], [sflag:$0x3] =	stream.indirect_vreg.gather [hbm4b:s8+s2], $0x80, v55, vm0, $0xb8;
	[tilespmem:$0x19600] =	vst v63  }
0x318: {  	v60 =	vperm.xlane v17, v13;
	v59 =	vadd.s32 v3, v58;
	s31 =	simm.s32 $0xFC80  }
0x319: {  	[tilespmem:s31], [sflag:$0x3] =	stream.indirect_vreg.gather [hbm4b:s8+s2], $0x80, v18, vm0, $0xb8;
	[tilespmem:$0x19600] =	vst v63  }
0x31a: {  	v61 =	vperm.xlane v17, v14;
	s12 =	simm.s32 $0xFD00;
	v18 =	vadd.s32 v3, v60  }
0x31b: {  	[tilespmem:s12], [sflag:$0x3] =	stream.indirect_vreg.gather [hbm4b:s8+s2], $0x80, v19, vm0, $0xb8;
	[tilespmem:$0x19600] =	vst v63  }
0x31c: {  	v62 =	vperm.xlane v17, v15;
	s13 =	simm.s32 $0xFD80;
	v19 =	vadd.s32 v3, v61  }
0x31d: {  	[tilespmem:s13], [sflag:$0x3] =	stream.indirect_vreg.gather [hbm4b:s8+s2], $0x80, v59, vm0, $0xb8;
	[tilespmem:$0x19600] =	vst v63  }
0x31e: {  	v17 =	vperm.xlane v17, v16;
	v63 =	vadd.s32 v3, v62;
	s14 =	simm.s32 $0xFE00  }
0x31f: {  	[tilespmem:s14], [sflag:$0x3] =	stream.indirect_vreg.gather [hbm4b:s8+s2], $0x80, v18, vm0, $0xb8;
	[tilespmem:$0x19600] =	vst v63  }
0x320: {  	v17 =	vadd.s32 v3, v17;
	s30 =	simm.s32 $0xFE80  }
0x321: {  	[tilespmem:s30], [sflag:$0x3] =	stream.indirect_vreg.gather [hbm4b:s8+s2], $0x80, v19, vm0, $0xb8;
	[tilespmem:$0x19600] =	vst v63  }
0x322: {  	s31 =	simm.s32 $0xFF00  }
0x323: {  	[tilespmem:s31], [sflag:$0x3] =	stream.indirect_vreg.gather [hbm4b:s8+s2], $0x80, v63, vm0, $0xb8;
	[tilespmem:$0x19600] =	vst v63  }
0x324: {  	s12 =	simm.s32 $0xFF80  }
0x325: {  	[tilespmem:s12], [sflag:$0x3] =	stream.indirect_vreg.gather [hbm4b:s8+s2], $0x80, v17, vm0, $0xb8;
	[tilespmem:$0x19600] =	vst v63  }
0x326: {  	v17 =	vld.msk [tilespmem:$0x130], $0x3;
	_ =	sdelay $0x4  }
0x327: {  	v18 =	vshrl.u32 v17, $0x3  }
0x328: {  	v18 =	vmul.u32 $0x18, v18  }
0x329: {  	v17 =	vand.u32 $0x7, v17  }
0x32a: {  	v17 =	vor.u32 v17, v18  }
0x32b: {  	v18 =	vperm.xlane v17, v2;
	_ =	sdelay $0x1  }
0x32c: {  	v17 =	vperm.xlane v17, v4;
	v18 =	vadd.s32 v3, v18;
	_ =	sdelay $0x1  }
0x32d: {  	v17 =	vadd.s32 v3, v17;
	_ =	sdelay $0x1  }
0x32e: {  	s13 =	simm.s32 $0x10000  }
0x32f: {  	[tilespmem:s13], [sflag:$0x3] =	stream.indirect_vreg.gather [hbm4b:s8+s2], $0x80, v18, vm0, $0xb8;
	[tilespmem:$0x19600] =	vst v63  }
0x330: {  	s14 =	simm.s32 $0x10080  }
0x331: {  	[tilespmem:s14], [sflag:$0x3] =	stream.indirect_vreg.gather [hbm4b:s8+s2], $0x80, v17, vm0, $0xb8;
	[tilespmem:$0x19600] =	vst v63  }
0x332: {  	s29 =	simm.s32 $0x0;
	s30 =	simm.s32 $0x100;
	s31 =	simm.s32 $0x15800  }
0x333: {  	[tilespmem:s31], [sflag:$0x3] =	stream.indirect.gather [hbm4b:s5+s15], $0x80, s30, s15, $0xb8;
	[tilespmem:$0x19600] =	vst v63  }
.LBB2_2:
0x334: {  	s30 =	sshll.u32 s29, $0x9  }
0x335: {  	s31 =	sand.u32 $0x3FFFFE00, s30  }
0x336: {  	v17 =	vld [tilespmem:s31+$0x180];
	_ =	sdelay $0x4  }
0x337: {  	v18 =	vshrl.u32 v17, $0x3  }
0x338: {  	v18 =	vmul.u32 $0x18, v18  }
0x339: {  	v17 =	vand.u32 $0x7, v17  }
0x33a: {  	v17 =	vor.u32 v17, v18  }
0x33b: {  	v18 =	vperm.xlane v17, v2;
	_ =	sdelay $0x1  }
0x33c: {  	v19 =	vperm.xlane v17, v4;
	v18 =	vadd.s32 v3, v18;
	_ =	sdelay $0x1  }
0x33d: {  	v20 =	vperm.xlane v17, v5;
	v19 =	vadd.s32 v3, v19;
	_ =	sdelay $0x1  }
0x33e: {  	s9 =	simm.s32 $0x0;
	s12 =	simm.s32 $0x9400;
	v21 =	vperm.xlane v17, v0;
	v20 =	vadd.s32 v3, v20  }
0x33f: {  	[tilespmem:s12], [sflag:$0x4] =	stream.indirect_vreg.gather [hbm4b:s4+s9], $0x80, v18, vm0, $0xb8;
	[tilespmem:$0x19600] =	vst v63  }
0x340: {  	s13 =	simm.s32 $0x9480;
	v18 =	vadd.s32 v3, v21;
	v21 =	vperm.xlane v17, v6  }
0x341: {  	[tilespmem:s13], [sflag:$0x4] =	stream.indirect_vreg.gather [hbm4b:s4+s9], $0x80, v19, vm0, $0xb8;
	[tilespmem:$0x19600] =	vst v63  }
0x342: {  	s14 =	simm.s32 $0x9500;
	v19 =	vadd.s32 v3, v21;
	v21 =	vperm.xlane v17, v7  }
0x343: {  	[tilespmem:s14], [sflag:$0x4] =	stream.indirect_vreg.gather [hbm4b:s4+s9], $0x80, v20, vm0, $0xb8;
	[tilespmem:$0x19600] =	vst v63  }
0x344: {  	s13 =	simm.s32 $0x9580;
	v20 =	vadd.s32 v3, v21;
	v21 =	vperm.xlane v17, v8  }
0x345: {  	[tilespmem:s13], [sflag:$0x4] =	stream.indirect_vreg.gather [hbm4b:s4+s9], $0x80, v18, vm0, $0xb8;
	[tilespmem:$0x19600] =	vst v63  }
0x346: {  	s14 =	simm.s32 $0x9600;
	v18 =	vadd.s32 v3, v21;
	v21 =	vperm.xlane v17, v1  }
0x347: {  	[tilespmem:s14], [sflag:$0x4] =	stream.indirect_vreg.gather [hbm4b:s4+s9], $0x80, v19, vm0, $0xb8;
	[tilespmem:$0x19600] =	vst v63  }
0x348: {  	s13 =	simm.s32 $0x9680;
	v19 =	vadd.s32 v3, v21;
	v21 =	vperm.xlane v17, v9  }
0x349: {  	[tilespmem:s13], [sflag:$0x4] =	stream.indirect_vreg.gather [hbm4b:s4+s9], $0x80, v20, vm0, $0xb8;
	[tilespmem:$0x19600] =	vst v63  }
0x34a: {  	s14 =	simm.s32 $0x9700;
	v20 =	vadd.s32 v3, v21;
	v21 =	vperm.xlane v17, v10  }
0x34b: {  	[tilespmem:s14], [sflag:$0x4] =	stream.indirect_vreg.gather [hbm4b:s4+s9], $0x80, v18, vm0, $0xb8;
	[tilespmem:$0x19600] =	vst v63  }
0x34c: {  	s13 =	simm.s32 $0x9780;
	v18 =	vadd.s32 v3, v21;
	v21 =	vperm.xlane v17, v11  }
0x34d: {  	[tilespmem:s13], [sflag:$0x4] =	stream.indirect_vreg.gather [hbm4b:s4+s9], $0x80, v19, vm0, $0xb8;
	[tilespmem:$0x19600] =	vst v63  }
0x34e: {  	s14 =	simm.s32 $0x9800;
	v19 =	vadd.s32 v3, v21;
	v21 =	vperm.xlane v17, v12  }
0x34f: {  	[tilespmem:s14], [sflag:$0x4] =	stream.indirect_vreg.gather [hbm4b:s4+s9], $0x80, v20, vm0, $0xb8;
	[tilespmem:$0x19600] =	vst v63  }
0x350: {  	s13 =	simm.s32 $0x9880;
	v20 =	vadd.s32 v3, v21;
	v21 =	vperm.xlane v17, v13  }
0x351: {  	[tilespmem:s13], [sflag:$0x4] =	stream.indirect_vreg.gather [hbm4b:s4+s9], $0x80, v18, vm0, $0xb8;
	[tilespmem:$0x19600] =	vst v63  }
0x352: {  	s14 =	simm.s32 $0x9900;
	v18 =	vadd.s32 v3, v21;
	v21 =	vperm.xlane v17, v14  }
0x353: {  	[tilespmem:s14], [sflag:$0x4] =	stream.indirect_vreg.gather [hbm4b:s4+s9], $0x80, v19, vm0, $0xb8;
	[tilespmem:$0x19600] =	vst v63  }
0x354: {  	s13 =	simm.s32 $0x9980;
	v19 =	vadd.s32 v3, v21;
	v21 =	vperm.xlane v17, v15  }
0x355: {  	[tilespmem:s13], [sflag:$0x4] =	stream.indirect_vreg.gather [hbm4b:s4+s9], $0x80, v20, vm0, $0xb8;
	[tilespmem:$0x19600] =	vst v63  }
0x356: {  	v17 =	vperm.xlane v17, v16;
	s14 =	simm.s32 $0x9A00;
	v20 =	vadd.s32 v3, v21  }
0x357: {  	[tilespmem:s14], [sflag:$0x4] =	stream.indirect_vreg.gather [hbm4b:s4+s9], $0x80, v18, vm0, $0xb8;
	[tilespmem:$0x19600] =	vst v63  }
0x358: {  	v17 =	vadd.s32 v3, v17;
	s13 =	simm.s32 $0x9A80  }
0x359: {  	[tilespmem:s13], [sflag:$0x4] =	stream.indirect_vreg.gather [hbm4b:s4+s9], $0x80, v19, vm0, $0xb8;
	[tilespmem:$0x19600] =	vst v63  }
0x35a: {  	s14 =	simm.s32 $0x9B00  }
0x35b: {  	[tilespmem:s14], [sflag:$0x4] =	stream.indirect_vreg.gather [hbm4b:s4+s9], $0x80, v20, vm0, $0xb8;
	[tilespmem:$0x19600] =	vst v63  }
0x35c: {  	s13 =	simm.s32 $0x9B80  }
0x35d: {  	[tilespmem:s13], [sflag:$0x4] =	stream.indirect_vreg.gather [hbm4b:s4+s9], $0x80, v17, vm0, $0xb8;
	[tilespmem:$0x19600] =	vst v63  }
0x35e: {  	v17 =	vld [tilespmem:s31+$0x190];
	_ =	sdelay $0x4  }
0x35f: {  	v18 =	vshrl.u32 v17, $0x3  }
0x360: {  	v18 =	vmul.u32 $0x18, v18  }
0x361: {  	v17 =	vand.u32 $0x7, v17  }
0x362: {  	v17 =	vor.u32 v17, v18  }
0x363: {  	v18 =	vperm.xlane v17, v2;
	_ =	sdelay $0x1  }
0x364: {  	v19 =	vperm.xlane v17, v4;
	v18 =	vadd.s32 v3, v18;
	_ =	sdelay $0x1  }
0x365: {  	v20 =	vperm.xlane v17, v5;
	v19 =	vadd.s32 v3, v19;
	_ =	sdelay $0x1  }
0x366: {  	s14 =	simm.s32 $0x9C00;
	v21 =	vperm.xlane v17, v0;
	v20 =	vadd.s32 v3, v20  }
0x367: {  	[tilespmem:s14], [sflag:$0x4] =	stream.indirect_vreg.gather [hbm4b:s4+s9], $0x80, v18, vm0, $0xb8;
	[tilespmem:$0x19600] =	vst v63  }
0x368: {  	s13 =	simm.s32 $0x9C80;
	v18 =	vadd.s32 v3, v21;
	v21 =	vperm.xlane v17, v6  }
0x369: {  	[tilespmem:s13], [sflag:$0x4] =	stream.indirect_vreg.gather [hbm4b:s4+s9], $0x80, v19, vm0, $0xb8;
	[tilespmem:$0x19600] =	vst v63  }
0x36a: {  	s14 =	simm.s32 $0x9D00;
	v19 =	vadd.s32 v3, v21;
	v21 =	vperm.xlane v17, v7  }
0x36b: {  	[tilespmem:s14], [sflag:$0x4] =	stream.indirect_vreg.gather [hbm4b:s4+s9], $0x80, v20, vm0, $0xb8;
	[tilespmem:$0x19600] =	vst v63  }
0x36c: {  	s13 =	simm.s32 $0x9D80;
	v20 =	vadd.s32 v3, v21;
	v21 =	vperm.xlane v17, v8  }
0x36d: {  	[tilespmem:s13], [sflag:$0x4] =	stream.indirect_vreg.gather [hbm4b:s4+s9], $0x80, v18, vm0, $0xb8;
	[tilespmem:$0x19600] =	vst v63  }
0x36e: {  	s14 =	simm.s32 $0x9E00;
	v18 =	vadd.s32 v3, v21;
	v21 =	vperm.xlane v17, v1  }
0x36f: {  	[tilespmem:s14], [sflag:$0x4] =	stream.indirect_vreg.gather [hbm4b:s4+s9], $0x80, v19, vm0, $0xb8;
	[tilespmem:$0x19600] =	vst v63  }
0x370: {  	s13 =	simm.s32 $0x9E80;
	v19 =	vadd.s32 v3, v21;
	v21 =	vperm.xlane v17, v9  }
0x371: {  	[tilespmem:s13], [sflag:$0x4] =	stream.indirect_vreg.gather [hbm4b:s4+s9], $0x80, v20, vm0, $0xb8;
	[tilespmem:$0x19600] =	vst v63  }
0x372: {  	s14 =	simm.s32 $0x9F00;
	v20 =	vadd.s32 v3, v21;
	v21 =	vperm.xlane v17, v10  }
0x373: {  	[tilespmem:s14], [sflag:$0x4] =	stream.indirect_vreg.gather [hbm4b:s4+s9], $0x80, v18, vm0, $0xb8;
	[tilespmem:$0x19600] =	vst v63  }
0x374: {  	s13 =	simm.s32 $0x9F80;
	v18 =	vadd.s32 v3, v21;
	v21 =	vperm.xlane v17, v11  }
0x375: {  	[tilespmem:s13], [sflag:$0x4] =	stream.indirect_vreg.gather [hbm4b:s4+s9], $0x80, v19, vm0, $0xb8;
	[tilespmem:$0x19600] =	vst v63  }
0x376: {  	s14 =	simm.s32 $0xA000;
	v19 =	vadd.s32 v3, v21;
	v21 =	vperm.xlane v17, v12  }
0x377: {  	[tilespmem:s14], [sflag:$0x4] =	stream.indirect_vreg.gather [hbm4b:s4+s9], $0x80, v20, vm0, $0xb8;
	[tilespmem:$0x19600] =	vst v63  }
0x378: {  	s13 =	simm.s32 $0xA080;
	v20 =	vadd.s32 v3, v21;
	v21 =	vperm.xlane v17, v13  }
0x379: {  	[tilespmem:s13], [sflag:$0x4] =	stream.indirect_vreg.gather [hbm4b:s4+s9], $0x80, v18, vm0, $0xb8;
	[tilespmem:$0x19600] =	vst v63  }
0x37a: {  	s14 =	simm.s32 $0xA100;
	v18 =	vadd.s32 v3, v21;
	v21 =	vperm.xlane v17, v14  }
0x37b: {  	[tilespmem:s14], [sflag:$0x4] =	stream.indirect_vreg.gather [hbm4b:s4+s9], $0x80, v19, vm0, $0xb8;
	[tilespmem:$0x19600] =	vst v63  }
0x37c: {  	s13 =	simm.s32 $0xA180;
	v19 =	vadd.s32 v3, v21;
	v21 =	vperm.xlane v17, v15  }
0x37d: {  	[tilespmem:s13], [sflag:$0x4] =	stream.indirect_vreg.gather [hbm4b:s4+s9], $0x80, v20, vm0, $0xb8;
	[tilespmem:$0x19600] =	vst v63  }
0x37e: {  	v17 =	vperm.xlane v17, v16;
	s14 =	simm.s32 $0xA200;
	v20 =	vadd.s32 v3, v21  }
0x37f: {  	[tilespmem:s14], [sflag:$0x4] =	stream.indirect_vreg.gather [hbm4b:s4+s9], $0x80, v18, vm0, $0xb8;
	[tilespmem:$0x19600] =	vst v63  }
0x380: {  	v17 =	vadd.s32 v3, v17;
	s13 =	simm.s32 $0xA280  }
0x381: {  	[tilespmem:s13], [sflag:$0x4] =	stream.indirect_vreg.gather [hbm4b:s4+s9], $0x80, v19, vm0, $0xb8;
	[tilespmem:$0x19600] =	vst v63  }
0x382: {  	s14 =	simm.s32 $0xA300  }
0x383: {  	[tilespmem:s14], [sflag:$0x4] =	stream.indirect_vreg.gather [hbm4b:s4+s9], $0x80, v20, vm0, $0xb8;
	[tilespmem:$0x19600] =	vst v63  }
0x384: {  	s13 =	simm.s32 $0xA380  }
0x385: {  	[tilespmem:s13], [sflag:$0x4] =	stream.indirect_vreg.gather [hbm4b:s4+s9], $0x80, v17, vm0, $0xb8;
	[tilespmem:$0x19600] =	vst v63  }
0x386: {  	v17 =	vld [tilespmem:s31+$0x1A0];
	_ =	sdelay $0x4  }
0x387: {  	v18 =	vshrl.u32 v17, $0x3  }
0x388: {  	v18 =	vmul.u32 $0x18, v18  }
0x389: {  	v17 =	vand.u32 $0x7, v17  }
0x38a: {  	v17 =	vor.u32 v17, v18  }
0x38b: {  	v18 =	vperm.xlane v17, v2;
	_ =	sdelay $0x1  }
0x38c: {  	v19 =	vperm.xlane v17, v4;
	v18 =	vadd.s32 v3, v18;
	_ =	sdelay $0x1  }
0x38d: {  	v20 =	vperm.xlane v17, v5;
	v19 =	vadd.s32 v3, v19;
	_ =	sdelay $0x1  }
0x38e: {  	s14 =	simm.s32 $0xA400;
	v21 =	vperm.xlane v17, v0;
	v20 =	vadd.s32 v3, v20  }
0x38f: {  	[tilespmem:s14], [sflag:$0x4] =	stream.indirect_vreg.gather [hbm4b:s4+s9], $0x80, v18, vm0, $0xb8;
	[tilespmem:$0x19600] =	vst v63  }
0x390: {  	s13 =	simm.s32 $0xA480;
	v18 =	vadd.s32 v3, v21;
	v21 =	vperm.xlane v17, v6  }
0x391: {  	[tilespmem:s13], [sflag:$0x4] =	stream.indirect_vreg.gather [hbm4b:s4+s9], $0x80, v19, vm0, $0xb8;
	[tilespmem:$0x19600] =	vst v63  }
0x392: {  	s14 =	simm.s32 $0xA500;
	v19 =	vadd.s32 v3, v21;
	v21 =	vperm.xlane v17, v7  }
0x393: {  	[tilespmem:s14], [sflag:$0x4] =	stream.indirect_vreg.gather [hbm4b:s4+s9], $0x80, v20, vm0, $0xb8;
	[tilespmem:$0x19600] =	vst v63  }
0x394: {  	s13 =	simm.s32 $0xA580;
	v20 =	vadd.s32 v3, v21;
	v21 =	vperm.xlane v17, v8  }
0x395: {  	[tilespmem:s13], [sflag:$0x4] =	stream.indirect_vreg.gather [hbm4b:s4+s9], $0x80, v18, vm0, $0xb8;
	[tilespmem:$0x19600] =	vst v63  }
0x396: {  	s14 =	simm.s32 $0xA600;
	v18 =	vadd.s32 v3, v21;
	v21 =	vperm.xlane v17, v1  }
0x397: {  	[tilespmem:s14], [sflag:$0x4] =	stream.indirect_vreg.gather [hbm4b:s4+s9], $0x80, v19, vm0, $0xb8;
	[tilespmem:$0x19600] =	vst v63  }
0x398: {  	s13 =	simm.s32 $0xA680;
	v19 =	vadd.s32 v3, v21;
	v21 =	vperm.xlane v17, v9  }
0x399: {  	[tilespmem:s13], [sflag:$0x4] =	stream.indirect_vreg.gather [hbm4b:s4+s9], $0x80, v20, vm0, $0xb8;
	[tilespmem:$0x19600] =	vst v63  }
0x39a: {  	s14 =	simm.s32 $0xA700;
	v20 =	vadd.s32 v3, v21;
	v21 =	vperm.xlane v17, v10  }
0x39b: {  	[tilespmem:s14], [sflag:$0x4] =	stream.indirect_vreg.gather [hbm4b:s4+s9], $0x80, v18, vm0, $0xb8;
	[tilespmem:$0x19600] =	vst v63  }
0x39c: {  	s13 =	simm.s32 $0xA780;
	v18 =	vadd.s32 v3, v21;
	v21 =	vperm.xlane v17, v11  }
0x39d: {  	[tilespmem:s13], [sflag:$0x4] =	stream.indirect_vreg.gather [hbm4b:s4+s9], $0x80, v19, vm0, $0xb8;
	[tilespmem:$0x19600] =	vst v63  }
0x39e: {  	s14 =	simm.s32 $0xA800;
	v19 =	vadd.s32 v3, v21;
	v21 =	vperm.xlane v17, v12  }
0x39f: {  	[tilespmem:s14], [sflag:$0x4] =	stream.indirect_vreg.gather [hbm4b:s4+s9], $0x80, v20, vm0, $0xb8;
	[tilespmem:$0x19600] =	vst v63  }
0x3a0: {  	s13 =	simm.s32 $0xA880;
	v20 =	vadd.s32 v3, v21;
	v21 =	vperm.xlane v17, v13  }
0x3a1: {  	[tilespmem:s13], [sflag:$0x4] =	stream.indirect_vreg.gather [hbm4b:s4+s9], $0x80, v18, vm0, $0xb8;
	[tilespmem:$0x19600] =	vst v63  }
0x3a2: {  	s14 =	simm.s32 $0xA900;
	v18 =	vadd.s32 v3, v21;
	v21 =	vperm.xlane v17, v14  }
0x3a3: {  	[tilespmem:s14], [sflag:$0x4] =	stream.indirect_vreg.gather [hbm4b:s4+s9], $0x80, v19, vm0, $0xb8;
	[tilespmem:$0x19600] =	vst v63  }
0x3a4: {  	s13 =	simm.s32 $0xA980;
	v19 =	vadd.s32 v3, v21;
	v21 =	vperm.xlane v17, v15  }
0x3a5: {  	[tilespmem:s13], [sflag:$0x4] =	stream.indirect_vreg.gather [hbm4b:s4+s9], $0x80, v20, vm0, $0xb8;
	[tilespmem:$0x19600] =	vst v63  }
0x3a6: {  	v17 =	vperm.xlane v17, v16;
	s14 =	simm.s32 $0xAA00;
	v20 =	vadd.s32 v3, v21  }
0x3a7: {  	[tilespmem:s14], [sflag:$0x4] =	stream.indirect_vreg.gather [hbm4b:s4+s9], $0x80, v18, vm0, $0xb8;
	[tilespmem:$0x19600] =	vst v63  }
0x3a8: {  	v17 =	vadd.s32 v3, v17;
	s13 =	simm.s32 $0xAA80  }
0x3a9: {  	[tilespmem:s13], [sflag:$0x4] =	stream.indirect_vreg.gather [hbm4b:s4+s9], $0x80, v19, vm0, $0xb8;
	[tilespmem:$0x19600] =	vst v63  }
0x3aa: {  	s14 =	simm.s32 $0xAB00  }
0x3ab: {  	[tilespmem:s14], [sflag:$0x4] =	stream.indirect_vreg.gather [hbm4b:s4+s9], $0x80, v20, vm0, $0xb8;
	[tilespmem:$0x19600] =	vst v63  }
0x3ac: {  	s12 =	sor.u32 $0x1B0, s31;
	s13 =	simm.s32 $0xAB80  }
0x3ad: {  	[tilespmem:s13], [sflag:$0x4] =	stream.indirect_vreg.gather [hbm4b:s4+s9], $0x80, v17, vm0, $0xb8;
	[tilespmem:$0x19600] =	vst v63  }
0x3ae: {  	v17 =	vld.msk [tilespmem:s12+$0x0], $0x3;
	_ =	sdelay $0x4  }
0x3af: {  	v18 =	vshrl.u32 v17, $0x3  }
0x3b0: {  	v18 =	vmul.u32 $0x18, v18  }
0x3b1: {  	v17 =	vand.u32 $0x7, v17  }
0x3b2: {  	v17 =	vor.u32 v17, v18  }
0x3b3: {  	v18 =	vperm.xlane v17, v2;
	_ =	sdelay $0x1  }
0x3b4: {  	v17 =	vperm.xlane v17, v4;
	v18 =	vadd.s32 v3, v18;
	_ =	sdelay $0x1  }
0x3b5: {  	v17 =	vadd.s32 v3, v17;
	_ =	sdelay $0x1  }
0x3b6: {  	s13 =	simm.s32 $0xAC00  }
0x3b7: {  	[tilespmem:s13], [sflag:$0x4] =	stream.indirect_vreg.gather [hbm4b:s4+s9], $0x80, v18, vm0, $0xb8;
	[tilespmem:$0x19600] =	vst v63  }
0x3b8: {  	s14 =	simm.s32 $0xAC80  }
0x3b9: {  	[tilespmem:s14], [sflag:$0x4] =	stream.indirect_vreg.gather [hbm4b:s4+s9], $0x80, v17, vm0, $0xb8;
	[tilespmem:$0x19600] =	vst v63  }
0x3ba: {  	v17 =	vld [tilespmem:s31+$0x180];
	_ =	sdelay $0x4  }
0x3bb: {  	v18 =	vshrl.u32 v17, $0x3  }
0x3bc: {  	v18 =	vmul.u32 $0x18, v18  }
0x3bd: {  	v17 =	vand.u32 $0x7, v17  }
0x3be: {  	v17 =	vor.u32 v17, v18  }
0x3bf: {  	v18 =	vperm.xlane v17, v2;
	_ =	sdelay $0x1  }
0x3c0: {  	v19 =	vperm.xlane v17, v4;
	v18 =	vadd.s32 v3, v18;
	_ =	sdelay $0x1  }
0x3c1: {  	v20 =	vperm.xlane v17, v5;
	v19 =	vadd.s32 v3, v19;
	_ =	sdelay $0x1  }
0x3c2: {  	s14 =	simm.s32 $0x10400;
	v21 =	vperm.xlane v17, v0;
	v20 =	vadd.s32 v3, v20  }
0x3c3: {  	[tilespmem:s14], [sflag:$0x4] =	stream.indirect_vreg.gather [hbm4b:s8+s9], $0x80, v18, vm0, $0xb8;
	[tilespmem:$0x19600] =	vst v63  }
0x3c4: {  	v18 =	vadd.s32 v3, v21;
	v21 =	vperm.xlane v17, v6;
	s14 =	simm.s32 $0x10480  }
0x3c5: {  	[tilespmem:s14], [sflag:$0x4] =	stream.indirect_vreg.gather [hbm4b:s8+s9], $0x80, v19, vm0, $0xb8;
	[tilespmem:$0x19600] =	vst v63  }
0x3c6: {  	v19 =	vadd.s32 v3, v21;
	v21 =	vperm.xlane v17, v7;
	s14 =	simm.s32 $0x10500  }
0x3c7: {  	[tilespmem:s14], [sflag:$0x4] =	stream.indirect_vreg.gather [hbm4b:s8+s9], $0x80, v20, vm0, $0xb8;
	[tilespmem:$0x19600] =	vst v63  }
0x3c8: {  	v20 =	vadd.s32 v3, v21;
	v21 =	vperm.xlane v17, v8;
	s14 =	simm.s32 $0x10580  }
0x3c9: {  	[tilespmem:s14], [sflag:$0x4] =	stream.indirect_vreg.gather [hbm4b:s8+s9], $0x80, v18, vm0, $0xb8;
	[tilespmem:$0x19600] =	vst v63  }
0x3ca: {  	v18 =	vadd.s32 v3, v21;
	v21 =	vperm.xlane v17, v1;
	s14 =	simm.s32 $0x10600  }
0x3cb: {  	[tilespmem:s14], [sflag:$0x4] =	stream.indirect_vreg.gather [hbm4b:s8+s9], $0x80, v19, vm0, $0xb8;
	[tilespmem:$0x19600] =	vst v63  }
0x3cc: {  	v19 =	vadd.s32 v3, v21;
	v21 =	vperm.xlane v17, v9;
	s14 =	simm.s32 $0x10680  }
0x3cd: {  	[tilespmem:s14], [sflag:$0x4] =	stream.indirect_vreg.gather [hbm4b:s8+s9], $0x80, v20, vm0, $0xb8;
	[tilespmem:$0x19600] =	vst v63  }
0x3ce: {  	v20 =	vadd.s32 v3, v21;
	v21 =	vperm.xlane v17, v10;
	s14 =	simm.s32 $0x10700  }
0x3cf: {  	[tilespmem:s14], [sflag:$0x4] =	stream.indirect_vreg.gather [hbm4b:s8+s9], $0x80, v18, vm0, $0xb8;
	[tilespmem:$0x19600] =	vst v63  }
0x3d0: {  	v18 =	vadd.s32 v3, v21;
	v21 =	vperm.xlane v17, v11;
	s14 =	simm.s32 $0x10780  }
0x3d1: {  	[tilespmem:s14], [sflag:$0x4] =	stream.indirect_vreg.gather [hbm4b:s8+s9], $0x80, v19, vm0, $0xb8;
	[tilespmem:$0x19600] =	vst v63  }
0x3d2: {  	v19 =	vadd.s32 v3, v21;
	v21 =	vperm.xlane v17, v12;
	s14 =	simm.s32 $0x10800  }
0x3d3: {  	[tilespmem:s14], [sflag:$0x4] =	stream.indirect_vreg.gather [hbm4b:s8+s9], $0x80, v20, vm0, $0xb8;
	[tilespmem:$0x19600] =	vst v63  }
0x3d4: {  	v20 =	vadd.s32 v3, v21;
	v21 =	vperm.xlane v17, v13;
	s14 =	simm.s32 $0x10880  }
0x3d5: {  	[tilespmem:s14], [sflag:$0x4] =	stream.indirect_vreg.gather [hbm4b:s8+s9], $0x80, v18, vm0, $0xb8;
	[tilespmem:$0x19600] =	vst v63  }
0x3d6: {  	v18 =	vadd.s32 v3, v21;
	v21 =	vperm.xlane v17, v14;
	s14 =	simm.s32 $0x10900  }
0x3d7: {  	[tilespmem:s14], [sflag:$0x4] =	stream.indirect_vreg.gather [hbm4b:s8+s9], $0x80, v19, vm0, $0xb8;
	[tilespmem:$0x19600] =	vst v63  }
0x3d8: {  	v19 =	vadd.s32 v3, v21;
	v21 =	vperm.xlane v17, v15;
	s14 =	simm.s32 $0x10980  }
0x3d9: {  	[tilespmem:s14], [sflag:$0x4] =	stream.indirect_vreg.gather [hbm4b:s8+s9], $0x80, v20, vm0, $0xb8;
	[tilespmem:$0x19600] =	vst v63  }
0x3da: {  	v17 =	vperm.xlane v17, v16;
	v20 =	vadd.s32 v3, v21;
	s14 =	simm.s32 $0x10A00  }
0x3db: {  	[tilespmem:s14], [sflag:$0x4] =	stream.indirect_vreg.gather [hbm4b:s8+s9], $0x80, v18, vm0, $0xb8;
	[tilespmem:$0x19600] =	vst v63  }
0x3dc: {  	v17 =	vadd.s32 v3, v17;
	s14 =	simm.s32 $0x10A80  }
0x3dd: {  	[tilespmem:s14], [sflag:$0x4] =	stream.indirect_vreg.gather [hbm4b:s8+s9], $0x80, v19, vm0, $0xb8;
	[tilespmem:$0x19600] =	vst v63  }
0x3de: {  	s14 =	simm.s32 $0x10B00  }
0x3df: {  	[tilespmem:s14], [sflag:$0x4] =	stream.indirect_vreg.gather [hbm4b:s8+s9], $0x80, v20, vm0, $0xb8;
	[tilespmem:$0x19600] =	vst v63  }
0x3e0: {  	s14 =	simm.s32 $0x10B80  }
0x3e1: {  	[tilespmem:s14], [sflag:$0x4] =	stream.indirect_vreg.gather [hbm4b:s8+s9], $0x80, v17, vm0, $0xb8;
	[tilespmem:$0x19600] =	vst v63  }
0x3e2: {  	v17 =	vld [tilespmem:s31+$0x190];
	_ =	sdelay $0x4  }
0x3e3: {  	v18 =	vshrl.u32 v17, $0x3  }
0x3e4: {  	v18 =	vmul.u32 $0x18, v18  }
0x3e5: {  	v17 =	vand.u32 $0x7, v17  }
0x3e6: {  	v17 =	vor.u32 v17, v18  }
0x3e7: {  	v18 =	vperm.xlane v17, v2;
	_ =	sdelay $0x1  }
0x3e8: {  	v19 =	vperm.xlane v17, v4;
	v18 =	vadd.s32 v3, v18;
	_ =	sdelay $0x1  }
0x3e9: {  	v20 =	vperm.xlane v17, v5;
	v19 =	vadd.s32 v3, v19;
	_ =	sdelay $0x1  }
0x3ea: {  	s14 =	simm.s32 $0x10C00;
	v21 =	vperm.xlane v17, v0;
	v20 =	vadd.s32 v3, v20  }
0x3eb: {  	[tilespmem:s14], [sflag:$0x4] =	stream.indirect_vreg.gather [hbm4b:s8+s9], $0x80, v18, vm0, $0xb8;
	[tilespmem:$0x19600] =	vst v63  }
0x3ec: {  	v18 =	vadd.s32 v3, v21;
	v21 =	vperm.xlane v17, v6;
	s14 =	simm.s32 $0x10C80  }
0x3ed: {  	[tilespmem:s14], [sflag:$0x4] =	stream.indirect_vreg.gather [hbm4b:s8+s9], $0x80, v19, vm0, $0xb8;
	[tilespmem:$0x19600] =	vst v63  }
0x3ee: {  	v19 =	vadd.s32 v3, v21;
	v21 =	vperm.xlane v17, v7;
	s14 =	simm.s32 $0x10D00  }
0x3ef: {  	[tilespmem:s14], [sflag:$0x4] =	stream.indirect_vreg.gather [hbm4b:s8+s9], $0x80, v20, vm0, $0xb8;
	[tilespmem:$0x19600] =	vst v63  }
0x3f0: {  	v20 =	vadd.s32 v3, v21;
	v21 =	vperm.xlane v17, v8;
	s14 =	simm.s32 $0x10D80  }
0x3f1: {  	[tilespmem:s14], [sflag:$0x4] =	stream.indirect_vreg.gather [hbm4b:s8+s9], $0x80, v18, vm0, $0xb8;
	[tilespmem:$0x19600] =	vst v63  }
0x3f2: {  	v18 =	vadd.s32 v3, v21;
	v21 =	vperm.xlane v17, v1;
	s14 =	simm.s32 $0x10E00  }
0x3f3: {  	[tilespmem:s14], [sflag:$0x4] =	stream.indirect_vreg.gather [hbm4b:s8+s9], $0x80, v19, vm0, $0xb8;
	[tilespmem:$0x19600] =	vst v63  }
0x3f4: {  	v19 =	vadd.s32 v3, v21;
	v21 =	vperm.xlane v17, v9;
	s14 =	simm.s32 $0x10E80  }
0x3f5: {  	[tilespmem:s14], [sflag:$0x4] =	stream.indirect_vreg.gather [hbm4b:s8+s9], $0x80, v20, vm0, $0xb8;
	[tilespmem:$0x19600] =	vst v63  }
0x3f6: {  	v20 =	vadd.s32 v3, v21;
	v21 =	vperm.xlane v17, v10;
	s14 =	simm.s32 $0x10F00  }
0x3f7: {  	[tilespmem:s14], [sflag:$0x4] =	stream.indirect_vreg.gather [hbm4b:s8+s9], $0x80, v18, vm0, $0xb8;
	[tilespmem:$0x19600] =	vst v63  }
0x3f8: {  	v18 =	vadd.s32 v3, v21;
	v21 =	vperm.xlane v17, v11;
	s14 =	simm.s32 $0x10F80  }
0x3f9: {  	[tilespmem:s14], [sflag:$0x4] =	stream.indirect_vreg.gather [hbm4b:s8+s9], $0x80, v19, vm0, $0xb8;
	[tilespmem:$0x19600] =	vst v63  }
0x3fa: {  	v19 =	vadd.s32 v3, v21;
	v21 =	vperm.xlane v17, v12;
	s14 =	simm.s32 $0x11000  }
0x3fb: {  	[tilespmem:s14], [sflag:$0x4] =	stream.indirect_vreg.gather [hbm4b:s8+s9], $0x80, v20, vm0, $0xb8;
	[tilespmem:$0x19600] =	vst v63  }
0x3fc: {  	v20 =	vadd.s32 v3, v21;
	v21 =	vperm.xlane v17, v13;
	s14 =	simm.s32 $0x11080  }
0x3fd: {  	[tilespmem:s14], [sflag:$0x4] =	stream.indirect_vreg.gather [hbm4b:s8+s9], $0x80, v18, vm0, $0xb8;
	[tilespmem:$0x19600] =	vst v63  }
0x3fe: {  	v18 =	vadd.s32 v3, v21;
	v21 =	vperm.xlane v17, v14;
	s14 =	simm.s32 $0x11100  }
0x3ff: {  	[tilespmem:s14], [sflag:$0x4] =	stream.indirect_vreg.gather [hbm4b:s8+s9], $0x80, v19, vm0, $0xb8;
	[tilespmem:$0x19600] =	vst v63  }
0x400: {  	v19 =	vadd.s32 v3, v21;
	v21 =	vperm.xlane v17, v15;
	s14 =	simm.s32 $0x11180  }
0x401: {  	[tilespmem:s14], [sflag:$0x4] =	stream.indirect_vreg.gather [hbm4b:s8+s9], $0x80, v20, vm0, $0xb8;
	[tilespmem:$0x19600] =	vst v63  }
0x402: {  	v17 =	vperm.xlane v17, v16;
	v20 =	vadd.s32 v3, v21;
	s14 =	simm.s32 $0x11200  }
0x403: {  	[tilespmem:s14], [sflag:$0x4] =	stream.indirect_vreg.gather [hbm4b:s8+s9], $0x80, v18, vm0, $0xb8;
	[tilespmem:$0x19600] =	vst v63  }
0x404: {  	v17 =	vadd.s32 v3, v17;
	s14 =	simm.s32 $0x11280  }
0x405: {  	[tilespmem:s14], [sflag:$0x4] =	stream.indirect_vreg.gather [hbm4b:s8+s9], $0x80, v19, vm0, $0xb8;
	[tilespmem:$0x19600] =	vst v63  }
0x406: {  	s14 =	simm.s32 $0x11300  }
0x407: {  	[tilespmem:s14], [sflag:$0x4] =	stream.indirect_vreg.gather [hbm4b:s8+s9], $0x80, v20, vm0, $0xb8;
	[tilespmem:$0x19600] =	vst v63  }
0x408: {  	s14 =	simm.s32 $0x11380  }
0x409: {  	[tilespmem:s14], [sflag:$0x4] =	stream.indirect_vreg.gather [hbm4b:s8+s9], $0x80, v17, vm0, $0xb8;
	[tilespmem:$0x19600] =	vst v63  }
0x40a: {  	v17 =	vld [tilespmem:s31+$0x1A0];
	_ =	sdelay $0x4  }
0x40b: {  	v18 =	vshrl.u32 v17, $0x3  }
0x40c: {  	v18 =	vmul.u32 $0x18, v18  }
0x40d: {  	v17 =	vand.u32 $0x7, v17  }
0x40e: {  	v17 =	vor.u32 v17, v18  }
0x40f: {  	v18 =	vperm.xlane v17, v2;
	_ =	sdelay $0x1  }
0x410: {  	v19 =	vperm.xlane v17, v4;
	v18 =	vadd.s32 v3, v18;
	_ =	sdelay $0x1  }
0x411: {  	v20 =	vperm.xlane v17, v5;
	v19 =	vadd.s32 v3, v19;
	_ =	sdelay $0x1  }
0x412: {  	s14 =	simm.s32 $0x11400;
	v21 =	vperm.xlane v17, v0;
	v20 =	vadd.s32 v3, v20  }
0x413: {  	[tilespmem:s14], [sflag:$0x4] =	stream.indirect_vreg.gather [hbm4b:s8+s9], $0x80, v18, vm0, $0xb8;
	[tilespmem:$0x19600] =	vst v63  }
0x414: {  	v18 =	vadd.s32 v3, v21;
	v21 =	vperm.xlane v17, v6;
	s14 =	simm.s32 $0x11480  }
0x415: {  	[tilespmem:s14], [sflag:$0x4] =	stream.indirect_vreg.gather [hbm4b:s8+s9], $0x80, v19, vm0, $0xb8;
	[tilespmem:$0x19600] =	vst v63  }
0x416: {  	v19 =	vadd.s32 v3, v21;
	v21 =	vperm.xlane v17, v7;
	s14 =	simm.s32 $0x11500  }
0x417: {  	[tilespmem:s14], [sflag:$0x4] =	stream.indirect_vreg.gather [hbm4b:s8+s9], $0x80, v20, vm0, $0xb8;
	[tilespmem:$0x19600] =	vst v63  }
0x418: {  	v20 =	vadd.s32 v3, v21;
	v21 =	vperm.xlane v17, v8;
	s14 =	simm.s32 $0x11580  }
0x419: {  	[tilespmem:s14], [sflag:$0x4] =	stream.indirect_vreg.gather [hbm4b:s8+s9], $0x80, v18, vm0, $0xb8;
	[tilespmem:$0x19600] =	vst v63  }
0x41a: {  	v18 =	vadd.s32 v3, v21;
	v21 =	vperm.xlane v17, v1;
	s14 =	simm.s32 $0x11600  }
0x41b: {  	[tilespmem:s14], [sflag:$0x4] =	stream.indirect_vreg.gather [hbm4b:s8+s9], $0x80, v19, vm0, $0xb8;
	[tilespmem:$0x19600] =	vst v63  }
0x41c: {  	v19 =	vadd.s32 v3, v21;
	v21 =	vperm.xlane v17, v9  }
0x41d: {  	[tilespmem:s23], [sflag:$0x4] =	stream.indirect_vreg.gather [hbm4b:s8+s9], $0x80, v20, vm0, $0xb8;
	[tilespmem:$0x19600] =	vst v63  }
0x41e: {  	v20 =	vadd.s32 v3, v21;
	v21 =	vperm.xlane v17, v10  }
0x41f: {  	[tilespmem:s24], [sflag:$0x4] =	stream.indirect_vreg.gather [hbm4b:s8+s9], $0x80, v18, vm0, $0xb8;
	[tilespmem:$0x19600] =	vst v63  }
0x420: {  	v18 =	vadd.s32 v3, v21;
	v21 =	vperm.xlane v17, v11  }
0x421: {  	[tilespmem:s25], [sflag:$0x4] =	stream.indirect_vreg.gather [hbm4b:s8+s9], $0x80, v19, vm0, $0xb8;
	[tilespmem:$0x19600] =	vst v63  }
0x422: {  	s14 =	simm.s32 $0x11800;
	v19 =	vadd.s32 v3, v21;
	v21 =	vperm.xlane v17, v12  }
0x423: {  	[tilespmem:s14], [sflag:$0x4] =	stream.indirect_vreg.gather [hbm4b:s8+s9], $0x80, v20, vm0, $0xb8;
	[tilespmem:$0x19600] =	vst v63  }
0x424: {  	v20 =	vadd.s32 v3, v21;
	v21 =	vperm.xlane v17, v13  }
0x425: {  	[tilespmem:s17], [sflag:$0x4] =	stream.indirect_vreg.gather [hbm4b:s8+s9], $0x80, v18, vm0, $0xb8;
	[tilespmem:$0x19600] =	vst v63  }
0x426: {  	v18 =	vadd.s32 v3, v21;
	v21 =	vperm.xlane v17, v14  }
0x427: {  	[tilespmem:s22], [sflag:$0x4] =	stream.indirect_vreg.gather [hbm4b:s8+s9], $0x80, v19, vm0, $0xb8;
	[tilespmem:$0x19600] =	vst v63  }
0x428: {  	v19 =	vadd.s32 v3, v21;
	v21 =	vperm.xlane v17, v15  }
0x429: {  	[tilespmem:s21], [sflag:$0x4] =	stream.indirect_vreg.gather [hbm4b:s8+s9], $0x80, v20, vm0, $0xb8;
	[tilespmem:$0x19600] =	vst v63  }
0x42a: {  	v17 =	vperm.xlane v17, v16;
	v20 =	vadd.s32 v3, v21  }
0x42b: {  	[tilespmem:s20], [sflag:$0x4] =	stream.indirect_vreg.gather [hbm4b:s8+s9], $0x80, v18, vm0, $0xb8;
	[tilespmem:$0x19600] =	vst v63  }
0x42c: {  	v17 =	vadd.s32 v3, v17  }
0x42d: {  	[tilespmem:s18], [sflag:$0x4] =	stream.indirect_vreg.gather [hbm4b:s8+s9], $0x80, v19, vm0, $0xb8;
	[tilespmem:$0x19600] =	vst v63  }
0x42e: {  	_ = 	snop  }
0x42f: {  	[tilespmem:s19], [sflag:$0x4] =	stream.indirect_vreg.gather [hbm4b:s8+s9], $0x80, v20, vm0, $0xb8;
	[tilespmem:$0x19600] =	vst v63  }
0x430: {  	s14 =	simm.s32 $0x11B80  }
0x431: {  	[tilespmem:s14], [sflag:$0x4] =	stream.indirect_vreg.gather [hbm4b:s8+s9], $0x80, v17, vm0, $0xb8;
	[tilespmem:$0x19600] =	vst v63  }
0x432: {  	v17 =	vld.msk [tilespmem:s12+$0x0], $0x3;
	_ =	sdelay $0x4  }
0x433: {  	v18 =	vshrl.u32 v17, $0x3  }
0x434: {  	v18 =	vmul.u32 $0x18, v18  }
0x435: {  	v17 =	vand.u32 $0x7, v17  }
0x436: {  	v17 =	vor.u32 v17, v18  }
0x437: {  	v18 =	vperm.xlane v17, v2;
	_ =	sdelay $0x1  }
0x438: {  	v17 =	vperm.xlane v17, v4;
	v18 =	vadd.s32 v3, v18;
	_ =	sdelay $0x1  }
0x439: {  	v17 =	vadd.s32 v3, v17;
	_ =	sdelay $0x2  }
0x43a: {  	[tilespmem:s16], [sflag:$0x4] =	stream.indirect_vreg.gather [hbm4b:s8+s9], $0x80, v18, vm0, $0xb8;
	[tilespmem:$0x19600] =	vst v63  }
0x43b: {  	s14 =	simm.s32 $0x11C80  }
0x43c: {  	[tilespmem:s14], [sflag:$0x4] =	stream.indirect_vreg.gather [hbm4b:s8+s9], $0x80, v17, vm0, $0xb8;
	[tilespmem:$0x19600] =	vst v63  }
0x43d: {  	s13 =	simm.s32 $0x17400;
	s12 =	sor.u32 $0x180, s31  }
0x43e: {  	[tilespmem:s13], [sflag:$0x4] =	stream.indirect.gather [hbm4b:s5+s15], $0x80, s12, s15, $0xb8;
	[tilespmem:$0x19600] =	vst v63  }
0x43f: {  	_ =	swait.ge [sflag:s11], $0x1900  }
0x440: {  	[sflag:s11] =	ssyncset.done $0x0  }
0x441: {  	[sflag:s11] =	ssyncadd.s32 $0xFFFFE700  }
0x442: {  	_ =	swait.ge [sflag:s11], $0x1900  }
0x443: {  	[sflag:s11] =	ssyncset.done $0x0  }
0x444: {  	[sflag:s11] =	ssyncadd.s32 $0xFFFFE700  }
0x445: {  	_ =	swait.ge [sflag:s11], $0x1900  }
0x446: {  	[sflag:s11] =	ssyncset.done $0x0  }
0x447: {  	s14 =	simm.s32 $0x0;
	[sflag:s11] =	ssyncadd.s32 $0xFFFFE700  }
0x448: {  	v17 =	vld [tilespmem:s14+$0x12020]  }
0x449: {  	v19 =	vld [tilespmem:s14+$0x4000]  }
0x44a: {  	v20 =	vld [tilespmem:s14+$0x4010]  }
0x44b: {  	v21 =	vld [tilespmem:s14+$0x4020]  }
0x44c: {  	v22 =	vld [tilespmem:s14+$0x4030]  }
0x44d: {  	v23 =	vld [tilespmem:s14+$0x4040]  }
0x44e: {  	v24 =	vld [tilespmem:s14+$0x4050]  }
0x44f: {  	v25 =	vld [tilespmem:s14+$0x4060]  }
0x450: {  	v26 =	vld [tilespmem:s14+$0x4070]  }
0x451: {  	v27 =	vld [tilespmem:s14+$0xB000]  }
0x452: {  	v18 =	vimm.f32 $0.0e+00;
	v36 =	vld [tilespmem:s14+$0xB010]  }
0x453: {  	v37 =	vld [tilespmem:s14+$0xB020];
	v17 =	vadd.f32 v17, v18;
	v34 =	vadd.f32 v19, v18  }
0x454: {  	v19 =	vld [tilespmem:s14+$0xB030];
	v35 =	vadd.f32 v20, v18;
	v33 =	vadd.f32 v21, v18  }
0x455: {  	v20 =	vld [tilespmem:s14+$0xB040];
	v32 =	vadd.f32 v22, v18;
	v31 =	vadd.f32 v23, v18  }
0x456: {  	v40 =	vld [tilespmem:s14+$0xB050];
	v30 =	vadd.f32 v24, v18;
	v29 =	vadd.f32 v25, v18  }
0x457: {  	v39 =	vld [tilespmem:s14+$0xB060];
	v28 =	vadd.f32 v26, v18;
	v27 =	vadd.f32 v27, v18  }
0x458: {  	v38 =	vld [tilespmem:s14+$0xB070];
	v26 =	vadd.f32 v36, v18;
	v25 =	vadd.f32 v37, v18  }
0x459: {  	v36 =	vld [tilespmem:s14+$0x12000];
	v22 =	vimm.f32 $0.0e+00;
	v23 =	vimm.f32 $0.0e+00;
	v24 =	vadd.f32 v19, v18  }
0x45a: {  	s9 =	simm.s32 $0x80;
	s12 =	simm.s32 $0x400;
	v37 =	vld [tilespmem:s14+$0x12010];
	v21 =	vadd.f32 v20, v18;
	v20 =	vimm.f32 $0.0e+00;
	v19 =	vimm.f32 $0.0e+00  }
.LBB2_3:
0x45b: {  	p0 =	sne.s32 s12, $0x6200;
	v41 =	vld [tilespmem:s9+$0x12020];
	v18 =	vadd.f32 v40, v18  }
0x45c: {  	v40 =	vld [tilespmem:s9+$0x4000];
	v22 =	vadd.f32 v39, v22  }
0x45d: {  	v39 =	vld [tilespmem:s9+$0x4010];
	v23 =	vadd.f32 v38, v23  }
0x45e: {  	v38 =	vld [tilespmem:s9+$0x4020];
	v20 =	vadd.f32 v36, v20  }
0x45f: {  	v36 =	vld [tilespmem:s9+$0x4030];
	v19 =	vadd.f32 v37, v19  }
0x460: {  	v37 =	vld [tilespmem:s9+$0x4040];
	v17 =	vadd.f32 v41, v17  }
0x461: {  	v34 =	vadd.f32 v40, v34;
	v40 =	vld [tilespmem:s9+$0x4050]  }
0x462: {  	v35 =	vadd.f32 v39, v35;
	v39 =	vld [tilespmem:s9+$0x4060]  }
0x463: {  	v33 =	vadd.f32 v38, v33;
	v38 =	vld [tilespmem:s9+$0x4070]  }
0x464: {  	v32 =	vadd.f32 v36, v32;
	v36 =	vld [tilespmem:s9+$0xB000]  }
0x465: {  	v31 =	vadd.f32 v37, v31;
	v37 =	vld [tilespmem:s9+$0xB010]  }
0x466: {  	v30 =	vadd.f32 v40, v30;
	v41 =	vld [tilespmem:s9+$0xB020]  }
0x467: {  	v29 =	vadd.f32 v39, v29;
	v42 =	vld [tilespmem:s9+$0xB030]  }
0x468: {  	v28 =	vadd.f32 v38, v28;
	v43 =	vld [tilespmem:s9+$0xB040]  }
.Ltmp0:
0x469: {  	v27 =	vadd.f32 v36, v27;
	v40 =	vld [tilespmem:s9+$0xB050];
	(pc) =	sbr.rel @p0 .LBB2_3-.Ltmp0, $4  }
0x46a: {  	v26 =	vadd.f32 v37, v26;
	v39 =	vld [tilespmem:s9+$0xB060]  }
0x46b: {  	v25 =	vadd.f32 v41, v25;
	v38 =	vld [tilespmem:s9+$0xB070]  }
0x46c: {  	v24 =	vadd.f32 v42, v24;
	v36 =	vld [tilespmem:s9+$0x12000]  }
0x46d: {  	v21 =	vadd.f32 v43, v21;
	v37 =	vld [tilespmem:s9+$0x12010];
	s9 =	sshra.s32 s12, $0x2;
	s12 =	sadd.s32 $0x200, s12  }
0x46e: {  	v41 =	vld [tilespmem:s9+$0x12020]  }
0x46f: {  	v42 =	vld [tilespmem:s9+$0x4000]  }
0x470: {  	v43 =	vld [tilespmem:s9+$0x4010]  }
0x471: {  	v44 =	vld [tilespmem:s9+$0x4020]  }
0x472: {  	v45 =	vld [tilespmem:s9+$0x4030]  }
0x473: {  	v46 =	vld [tilespmem:s9+$0x4040]  }
0x474: {  	v47 =	vld [tilespmem:s9+$0x4050]  }
0x475: {  	v48 =	vld [tilespmem:s9+$0x4060]  }
0x476: {  	v49 =	vld [tilespmem:s9+$0x4070]  }
0x477: {  	v50 =	vld [tilespmem:s9+$0xB000]  }
0x478: {  	v51 =	vld [tilespmem:s9+$0xB010]  }
0x479: {  	v52 =	vld [tilespmem:s9+$0xB020]  }
0x47a: {  	v53 =	vld [tilespmem:s9+$0xB030]  }
0x47b: {  	v54 =	vld [tilespmem:s9+$0xB040]  }
0x47c: {  	v55 =	vld [tilespmem:s9+$0xB050];
	v34 =	vadd.f32 v42, v34  }
0x47d: {  	v59 =	vld [tilespmem:s9+$0xB060];
	v35 =	vadd.f32 v43, v35  }
0x47e: {  	v60 =	vld [tilespmem:s9+$0xB070];
	v33 =	vadd.f32 v44, v33;
	v34 =	vmul.f32 $1.999999960e-02, v34  }
0x47f: {  	v61 =	vld [tilespmem:s9+$0x12000];
	v32 =	vadd.f32 v45, v32;
	v35 =	vmul.f32 $1.999999960e-02, v35  }
0x480: {  	v62 =	vld [tilespmem:s9+$0x12010];
	v31 =	vadd.f32 v46, v31;
	v33 =	vmul.f32 $1.999999960e-02, v33;
	[tilespmem:$0x19000] =	vst v34  }
0x481: {  	v30 =	vadd.f32 v47, v30;
	v32 =	vmul.f32 $1.999999960e-02, v32;
	[tilespmem:$0x19010] =	vst v35  }
0x482: {  	v29 =	vadd.f32 v48, v29;
	v31 =	vmul.f32 $1.999999960e-02, v31;
	[tilespmem:$0x19020] =	vst v33  }
0x483: {  	v28 =	vadd.f32 v49, v28;
	v30 =	vmul.f32 $1.999999960e-02, v30;
	[tilespmem:$0x19030] =	vst v32  }
0x484: {  	v27 =	vadd.f32 v50, v27;
	v29 =	vmul.f32 $1.999999960e-02, v29;
	[tilespmem:$0x19040] =	vst v31  }
0x485: {  	v26 =	vadd.f32 v51, v26;
	v28 =	vmul.f32 $1.999999960e-02, v28;
	[tilespmem:$0x19050] =	vst v30  }
0x486: {  	v25 =	vadd.f32 v52, v25;
	v27 =	vmul.f32 $1.999999960e-02, v27;
	[tilespmem:$0x19060] =	vst v29  }
0x487: {  	v18 =	vadd.f32 v40, v18;
	v24 =	vadd.f32 v53, v24;
	v26 =	vmul.f32 $1.999999960e-02, v26;
	[tilespmem:$0x19070] =	vst v28  }
0x488: {  	v22 =	vadd.f32 v39, v22;
	v21 =	vadd.f32 v54, v21;
	v25 =	vmul.f32 $1.999999960e-02, v25;
	[tilespmem:$0x19200] =	vst v27  }
0x489: {  	v20 =	vadd.f32 v36, v20;
	v18 =	vadd.f32 v55, v18;
	v24 =	vmul.f32 $1.999999960e-02, v24;
	[tilespmem:$0x19210] =	vst v26  }
0x48a: {  	v23 =	vadd.f32 v38, v23;
	v22 =	vadd.f32 v59, v22;
	v21 =	vmul.f32 $1.999999960e-02, v21;
	[tilespmem:$0x19220] =	vst v25  }
0x48b: {  	v20 =	vadd.f32 v61, v20;
	v18 =	vmul.f32 $1.999999960e-02, v18;
	[tilespmem:$0x19230] =	vst v24  }
0x48c: {  	v19 =	vadd.f32 v37, v19;
	v23 =	vadd.f32 v60, v23;
	v63 =	vmul.f32 $1.999999960e-02, v22;
	[tilespmem:$0x19240] =	vst v21  }
0x48d: {  	p0 =	seq.s32 s29, $0x1F;
	v17 =	vadd.f32 v41, v17;
	v20 =	vmul.f32 $1.999999960e-02, v20;
	[tilespmem:$0x19250] =	vst v18  }
.Ltmp1:
0x48e: {  	v19 =	vadd.f32 v62, v19;
	v18 =	vmul.f32 $1.999999960e-02, v23;
	[tilespmem:$0x19260] =	vst v63;
	(pc) =	sbr.rel @p0 .LBB2_6-.Ltmp1, $4  }
0x48f: {  	v17 =	vmul.f32 $1.999999960e-02, v17;
	[tilespmem:$0x19400] =	vst v20  }
0x490: {  	[tilespmem:$0x19270] =	vst v18;
	v18 =	vmul.f32 $1.999999960e-02, v19  }
0x491: {  	[tilespmem:$0x19420] =	vst v17  }
0x492: {  	[tilespmem:$0x19410] =	vst v18  }
0x493: {  	v17 =	vld [tilespmem:s31+$0x200];
	_ =	sdelay $0x4  }
0x494: {  	v18 =	vshrl.u32 v17, $0x3  }
0x495: {  	v18 =	vmul.u32 $0x18, v18  }
0x496: {  	v17 =	vand.u32 $0x7, v17  }
0x497: {  	v17 =	vor.u32 v17, v18  }
0x498: {  	v18 =	vperm.xlane v17, v2;
	_ =	sdelay $0x1  }
0x499: {  	v19 =	vperm.xlane v17, v4;
	v18 =	vadd.s32 v3, v18;
	_ =	sdelay $0x1  }
0x49a: {  	v20 =	vperm.xlane v17, v5;
	v19 =	vadd.s32 v3, v19;
	_ =	sdelay $0x1  }
0x49b: {  	s9 =	simm.s32 $0x4000;
	v21 =	vperm.xlane v17, v0;
	v20 =	vadd.s32 v3, v20  }
0x49c: {  	[tilespmem:s9], [sflag:$0x1] =	stream.indirect_vreg.gather [hbm4b:s4+s2], $0x80, v18, vm0, $0xb8;
	[tilespmem:$0x19600] =	vst v63  }
0x49d: {  	s14 =	simm.s32 $0x4080;
	v44 =	vperm.xlane v17, v6;
	v18 =	vadd.s32 v3, v21  }
0x49e: {  	[tilespmem:s14], [sflag:$0x1] =	stream.indirect_vreg.gather [hbm4b:s4+s2], $0x80, v19, vm0, $0xb8;
	[tilespmem:$0x19600] =	vst v63  }
0x49f: {  	s12 =	simm.s32 $0x4100;
	v45 =	vperm.xlane v17, v7;
	v19 =	vadd.s32 v3, v44  }
0x4a0: {  	[tilespmem:s12], [sflag:$0x1] =	stream.indirect_vreg.gather [hbm4b:s4+s2], $0x80, v20, vm0, $0xb8;
	[tilespmem:$0x19600] =	vst v63  }
0x4a1: {  	s13 =	simm.s32 $0x4180;
	v47 =	vperm.xlane v17, v8;
	v46 =	vadd.s32 v3, v45  }
0x4a2: {  	[tilespmem:s13], [sflag:$0x1] =	stream.indirect_vreg.gather [hbm4b:s4+s2], $0x80, v18, vm0, $0xb8;
	[tilespmem:$0x19600] =	vst v63  }
0x4a3: {  	v48 =	vperm.xlane v17, v1;
	s14 =	simm.s32 $0x4200;
	v18 =	vadd.s32 v3, v47  }
0x4a4: {  	[tilespmem:s14], [sflag:$0x1] =	stream.indirect_vreg.gather [hbm4b:s4+s2], $0x80, v19, vm0, $0xb8;
	[tilespmem:$0x19600] =	vst v63  }
0x4a5: {  	v49 =	vperm.xlane v17, v9;
	s12 =	simm.s32 $0x4280;
	v19 =	vadd.s32 v3, v48  }
0x4a6: {  	[tilespmem:s12], [sflag:$0x1] =	stream.indirect_vreg.gather [hbm4b:s4+s2], $0x80, v46, vm0, $0xb8;
	[tilespmem:$0x19600] =	vst v63  }
0x4a7: {  	v51 =	vperm.xlane v17, v10;
	v50 =	vadd.s32 v3, v49;
	s13 =	simm.s32 $0x4300  }
0x4a8: {  	[tilespmem:s13], [sflag:$0x1] =	stream.indirect_vreg.gather [hbm4b:s4+s2], $0x80, v18, vm0, $0xb8;
	[tilespmem:$0x19600] =	vst v63  }
0x4a9: {  	v52 =	vperm.xlane v17, v11;
	s14 =	simm.s32 $0x4380;
	v18 =	vadd.s32 v3, v51  }
0x4aa: {  	[tilespmem:s14], [sflag:$0x1] =	stream.indirect_vreg.gather [hbm4b:s4+s2], $0x80, v19, vm0, $0xb8;
	[tilespmem:$0x19600] =	vst v63  }
0x4ab: {  	v53 =	vperm.xlane v17, v12;
	s12 =	simm.s32 $0x4400;
	v19 =	vadd.s32 v3, v52  }
0x4ac: {  	[tilespmem:s12], [sflag:$0x1] =	stream.indirect_vreg.gather [hbm4b:s4+s2], $0x80, v50, vm0, $0xb8;
	[tilespmem:$0x19600] =	vst v63  }
0x4ad: {  	v55 =	vperm.xlane v17, v13;
	v54 =	vadd.s32 v3, v53;
	s13 =	simm.s32 $0x4480  }
0x4ae: {  	[tilespmem:s13], [sflag:$0x1] =	stream.indirect_vreg.gather [hbm4b:s4+s2], $0x80, v18, vm0, $0xb8;
	[tilespmem:$0x19600] =	vst v63  }
0x4af: {  	v56 =	vperm.xlane v17, v14;
	s14 =	simm.s32 $0x4500;
	v18 =	vadd.s32 v3, v55  }
0x4b0: {  	[tilespmem:s14], [sflag:$0x1] =	stream.indirect_vreg.gather [hbm4b:s4+s2], $0x80, v19, vm0, $0xb8;
	[tilespmem:$0x19600] =	vst v63  }
0x4b1: {  	v57 =	vperm.xlane v17, v15;
	s12 =	simm.s32 $0x4580;
	v19 =	vadd.s32 v3, v56  }
0x4b2: {  	[tilespmem:s12], [sflag:$0x1] =	stream.indirect_vreg.gather [hbm4b:s4+s2], $0x80, v54, vm0, $0xb8;
	[tilespmem:$0x19600] =	vst v63  }
0x4b3: {  	v17 =	vperm.xlane v17, v16;
	v58 =	vadd.s32 v3, v57;
	s13 =	simm.s32 $0x4600  }
0x4b4: {  	[tilespmem:s13], [sflag:$0x1] =	stream.indirect_vreg.gather [hbm4b:s4+s2], $0x80, v18, vm0, $0xb8;
	[tilespmem:$0x19600] =	vst v63  }
0x4b5: {  	v17 =	vadd.s32 v3, v17;
	s14 =	simm.s32 $0x4680  }
0x4b6: {  	[tilespmem:s14], [sflag:$0x1] =	stream.indirect_vreg.gather [hbm4b:s4+s2], $0x80, v19, vm0, $0xb8;
	[tilespmem:$0x19600] =	vst v63  }
0x4b7: {  	s12 =	simm.s32 $0x4700  }
0x4b8: {  	[tilespmem:s12], [sflag:$0x1] =	stream.indirect_vreg.gather [hbm4b:s4+s2], $0x80, v58, vm0, $0xb8;
	[tilespmem:$0x19600] =	vst v63  }
0x4b9: {  	s13 =	simm.s32 $0x4780  }
0x4ba: {  	[tilespmem:s13], [sflag:$0x1] =	stream.indirect_vreg.gather [hbm4b:s4+s2], $0x80, v17, vm0, $0xb8;
	[tilespmem:$0x19600] =	vst v63  }
0x4bb: {  	v17 =	vld [tilespmem:s31+$0x210];
	_ =	sdelay $0x4  }
0x4bc: {  	v18 =	vshrl.u32 v17, $0x3  }
0x4bd: {  	v18 =	vmul.u32 $0x18, v18  }
0x4be: {  	v17 =	vand.u32 $0x7, v17  }
0x4bf: {  	v17 =	vor.u32 v17, v18  }
0x4c0: {  	v18 =	vperm.xlane v17, v2;
	_ =	sdelay $0x1  }
0x4c1: {  	v19 =	vperm.xlane v17, v4;
	v18 =	vadd.s32 v3, v18;
	_ =	sdelay $0x1  }
0x4c2: {  	v59 =	vperm.xlane v17, v5;
	v19 =	vadd.s32 v3, v19;
	_ =	sdelay $0x1  }
0x4c3: {  	s14 =	simm.s32 $0x4800;
	v60 =	vperm.xlane v17, v0;
	v20 =	vadd.s32 v3, v59  }
0x4c4: {  	[tilespmem:s14], [sflag:$0x1] =	stream.indirect_vreg.gather [hbm4b:s4+s2], $0x80, v18, vm0, $0xb8;
	[tilespmem:$0x19600] =	vst v63  }
0x4c5: {  	s12 =	simm.s32 $0x4880;
	v61 =	vperm.xlane v17, v6;
	v18 =	vadd.s32 v3, v60  }
0x4c6: {  	[tilespmem:s12], [sflag:$0x1] =	stream.indirect_vreg.gather [hbm4b:s4+s2], $0x80, v19, vm0, $0xb8;
	[tilespmem:$0x19600] =	vst v63  }
0x4c7: {  	s13 =	simm.s32 $0x4900;
	v62 =	vperm.xlane v17, v7;
	v19 =	vadd.s32 v3, v61  }
0x4c8: {  	[tilespmem:s13], [sflag:$0x1] =	stream.indirect_vreg.gather [hbm4b:s4+s2], $0x80, v20, vm0, $0xb8;
	[tilespmem:$0x19600] =	vst v63  }
0x4c9: {  	v24 =	vperm.xlane v17, v8;
	v63 =	vadd.s32 v3, v62;
	s14 =	simm.s32 $0x4980  }
0x4ca: {  	[tilespmem:s14], [sflag:$0x1] =	stream.indirect_vreg.gather [hbm4b:s4+s2], $0x80, v18, vm0, $0xb8;
	[tilespmem:$0x19600] =	vst v63  }
0x4cb: {  	v25 =	vperm.xlane v17, v1;
	s12 =	simm.s32 $0x4A00;
	v18 =	vadd.s32 v3, v24  }
0x4cc: {  	[tilespmem:s12], [sflag:$0x1] =	stream.indirect_vreg.gather [hbm4b:s4+s2], $0x80, v19, vm0, $0xb8;
	[tilespmem:$0x19600] =	vst v63  }
0x4cd: {  	v26 =	vperm.xlane v17, v9;
	s13 =	simm.s32 $0x4A80;
	v19 =	vadd.s32 v3, v25  }
0x4ce: {  	[tilespmem:s13], [sflag:$0x1] =	stream.indirect_vreg.gather [hbm4b:s4+s2], $0x80, v63, vm0, $0xb8;
	[tilespmem:$0x19600] =	vst v63  }
0x4cf: {  	v28 =	vperm.xlane v17, v10;
	v27 =	vadd.s32 v3, v26;
	s14 =	simm.s32 $0x4B00  }
0x4d0: {  	[tilespmem:s14], [sflag:$0x1] =	stream.indirect_vreg.gather [hbm4b:s4+s2], $0x80, v18, vm0, $0xb8;
	[tilespmem:$0x19600] =	vst v63  }
0x4d1: {  	v29 =	vperm.xlane v17, v11;
	s12 =	simm.s32 $0x4B80;
	v18 =	vadd.s32 v3, v28  }
0x4d2: {  	[tilespmem:s12], [sflag:$0x1] =	stream.indirect_vreg.gather [hbm4b:s4+s2], $0x80, v19, vm0, $0xb8;
	[tilespmem:$0x19600] =	vst v63  }
0x4d3: {  	v30 =	vperm.xlane v17, v12;
	s13 =	simm.s32 $0x4C00;
	v19 =	vadd.s32 v3, v29  }
0x4d4: {  	[tilespmem:s13], [sflag:$0x1] =	stream.indirect_vreg.gather [hbm4b:s4+s2], $0x80, v27, vm0, $0xb8;
	[tilespmem:$0x19600] =	vst v63  }
0x4d5: {  	v32 =	vperm.xlane v17, v13;
	v31 =	vadd.s32 v3, v30;
	s14 =	simm.s32 $0x4C80  }
0x4d6: {  	[tilespmem:s14], [sflag:$0x1] =	stream.indirect_vreg.gather [hbm4b:s4+s2], $0x80, v18, vm0, $0xb8;
	[tilespmem:$0x19600] =	vst v63  }
0x4d7: {  	v33 =	vperm.xlane v17, v14;
	s12 =	simm.s32 $0x4D00;
	v18 =	vadd.s32 v3, v32  }
0x4d8: {  	[tilespmem:s12], [sflag:$0x1] =	stream.indirect_vreg.gather [hbm4b:s4+s2], $0x80, v19, vm0, $0xb8;
	[tilespmem:$0x19600] =	vst v63  }
0x4d9: {  	v34 =	vperm.xlane v17, v15;
	s13 =	simm.s32 $0x4D80;
	v19 =	vadd.s32 v3, v33  }
0x4da: {  	[tilespmem:s13], [sflag:$0x1] =	stream.indirect_vreg.gather [hbm4b:s4+s2], $0x80, v31, vm0, $0xb8;
	[tilespmem:$0x19600] =	vst v63  }
0x4db: {  	v17 =	vperm.xlane v17, v16;
	v35 =	vadd.s32 v3, v34;
	s14 =	simm.s32 $0x4E00  }
0x4dc: {  	[tilespmem:s14], [sflag:$0x1] =	stream.indirect_vreg.gather [hbm4b:s4+s2], $0x80, v18, vm0, $0xb8;
	[tilespmem:$0x19600] =	vst v63  }
0x4dd: {  	v17 =	vadd.s32 v3, v17;
	s12 =	simm.s32 $0x4E80  }
0x4de: {  	[tilespmem:s12], [sflag:$0x1] =	stream.indirect_vreg.gather [hbm4b:s4+s2], $0x80, v19, vm0, $0xb8;
	[tilespmem:$0x19600] =	vst v63  }
0x4df: {  	s13 =	simm.s32 $0x4F00  }
0x4e0: {  	[tilespmem:s13], [sflag:$0x1] =	stream.indirect_vreg.gather [hbm4b:s4+s2], $0x80, v35, vm0, $0xb8;
	[tilespmem:$0x19600] =	vst v63  }
0x4e1: {  	s14 =	simm.s32 $0x4F80  }
0x4e2: {  	[tilespmem:s14], [sflag:$0x1] =	stream.indirect_vreg.gather [hbm4b:s4+s2], $0x80, v17, vm0, $0xb8;
	[tilespmem:$0x19600] =	vst v63  }
0x4e3: {  	v17 =	vld [tilespmem:s31+$0x220];
	_ =	sdelay $0x4  }
0x4e4: {  	v18 =	vshrl.u32 v17, $0x3  }
0x4e5: {  	v18 =	vmul.u32 $0x18, v18  }
0x4e6: {  	v17 =	vand.u32 $0x7, v17  }
0x4e7: {  	v17 =	vor.u32 v17, v18  }
0x4e8: {  	v18 =	vperm.xlane v17, v2;
	_ =	sdelay $0x1  }
0x4e9: {  	v19 =	vperm.xlane v17, v4;
	v18 =	vadd.s32 v3, v18;
	_ =	sdelay $0x1  }
0x4ea: {  	v36 =	vperm.xlane v17, v5;
	v19 =	vadd.s32 v3, v19;
	_ =	sdelay $0x1  }
0x4eb: {  	s12 =	simm.s32 $0x5000;
	v37 =	vperm.xlane v17, v0;
	v20 =	vadd.s32 v3, v36  }
0x4ec: {  	[tilespmem:s12], [sflag:$0x1] =	stream.indirect_vreg.gather [hbm4b:s4+s2], $0x80, v18, vm0, $0xb8;
	[tilespmem:$0x19600] =	vst v63  }
0x4ed: {  	s13 =	simm.s32 $0x5080;
	v38 =	vperm.xlane v17, v6;
	v18 =	vadd.s32 v3, v37  }
0x4ee: {  	[tilespmem:s13], [sflag:$0x1] =	stream.indirect_vreg.gather [hbm4b:s4+s2], $0x80, v19, vm0, $0xb8;
	[tilespmem:$0x19600] =	vst v63  }
0x4ef: {  	s14 =	simm.s32 $0x5100;
	v39 =	vperm.xlane v17, v7;
	v19 =	vadd.s32 v3, v38  }
0x4f0: {  	[tilespmem:s14], [sflag:$0x1] =	stream.indirect_vreg.gather [hbm4b:s4+s2], $0x80, v20, vm0, $0xb8;
	[tilespmem:$0x19600] =	vst v63  }
0x4f1: {  	v41 =	vperm.xlane v17, v8;
	v40 =	vadd.s32 v3, v39;
	s12 =	simm.s32 $0x5180  }
0x4f2: {  	[tilespmem:s12], [sflag:$0x1] =	stream.indirect_vreg.gather [hbm4b:s4+s2], $0x80, v18, vm0, $0xb8;
	[tilespmem:$0x19600] =	vst v63  }
0x4f3: {  	v42 =	vperm.xlane v17, v1;
	s13 =	simm.s32 $0x5200;
	v18 =	vadd.s32 v3, v41  }
0x4f4: {  	[tilespmem:s13], [sflag:$0x1] =	stream.indirect_vreg.gather [hbm4b:s4+s2], $0x80, v19, vm0, $0xb8;
	[tilespmem:$0x19600] =	vst v63  }
0x4f5: {  	v43 =	vperm.xlane v17, v9;
	s14 =	simm.s32 $0x5280;
	v19 =	vadd.s32 v3, v42  }
0x4f6: {  	[tilespmem:s14], [sflag:$0x1] =	stream.indirect_vreg.gather [hbm4b:s4+s2], $0x80, v40, vm0, $0xb8;
	[tilespmem:$0x19600] =	vst v63  }
0x4f7: {  	v45 =	vperm.xlane v17, v10;
	v44 =	vadd.s32 v3, v43;
	s12 =	simm.s32 $0x5300  }
0x4f8: {  	[tilespmem:s12], [sflag:$0x1] =	stream.indirect_vreg.gather [hbm4b:s4+s2], $0x80, v18, vm0, $0xb8;
	[tilespmem:$0x19600] =	vst v63  }
0x4f9: {  	v46 =	vperm.xlane v17, v11;
	s13 =	simm.s32 $0x5380;
	v18 =	vadd.s32 v3, v45  }
0x4fa: {  	[tilespmem:s13], [sflag:$0x1] =	stream.indirect_vreg.gather [hbm4b:s4+s2], $0x80, v19, vm0, $0xb8;
	[tilespmem:$0x19600] =	vst v63  }
0x4fb: {  	v47 =	vperm.xlane v17, v12;
	s14 =	simm.s32 $0x5400;
	v19 =	vadd.s32 v3, v46  }
0x4fc: {  	[tilespmem:s14], [sflag:$0x1] =	stream.indirect_vreg.gather [hbm4b:s4+s2], $0x80, v44, vm0, $0xb8;
	[tilespmem:$0x19600] =	vst v63  }
0x4fd: {  	v49 =	vperm.xlane v17, v13;
	v48 =	vadd.s32 v3, v47;
	s12 =	simm.s32 $0x5480  }
0x4fe: {  	[tilespmem:s12], [sflag:$0x1] =	stream.indirect_vreg.gather [hbm4b:s4+s2], $0x80, v18, vm0, $0xb8;
	[tilespmem:$0x19600] =	vst v63  }
0x4ff: {  	v50 =	vperm.xlane v17, v14;
	s13 =	simm.s32 $0x5500;
	v18 =	vadd.s32 v3, v49  }
0x500: {  	[tilespmem:s13], [sflag:$0x1] =	stream.indirect_vreg.gather [hbm4b:s4+s2], $0x80, v19, vm0, $0xb8;
	[tilespmem:$0x19600] =	vst v63  }
0x501: {  	v51 =	vperm.xlane v17, v15;
	s14 =	simm.s32 $0x5580;
	v19 =	vadd.s32 v3, v50  }
0x502: {  	[tilespmem:s14], [sflag:$0x1] =	stream.indirect_vreg.gather [hbm4b:s4+s2], $0x80, v48, vm0, $0xb8;
	[tilespmem:$0x19600] =	vst v63  }
0x503: {  	v17 =	vperm.xlane v17, v16;
	v52 =	vadd.s32 v3, v51;
	s12 =	simm.s32 $0x5600  }
0x504: {  	[tilespmem:s12], [sflag:$0x1] =	stream.indirect_vreg.gather [hbm4b:s4+s2], $0x80, v18, vm0, $0xb8;
	[tilespmem:$0x19600] =	vst v63  }
0x505: {  	v17 =	vadd.s32 v3, v17;
	s13 =	simm.s32 $0x5680  }
0x506: {  	[tilespmem:s13], [sflag:$0x1] =	stream.indirect_vreg.gather [hbm4b:s4+s2], $0x80, v19, vm0, $0xb8;
	[tilespmem:$0x19600] =	vst v63  }
0x507: {  	s14 =	simm.s32 $0x5700  }
0x508: {  	[tilespmem:s14], [sflag:$0x1] =	stream.indirect_vreg.gather [hbm4b:s4+s2], $0x80, v52, vm0, $0xb8;
	[tilespmem:$0x19600] =	vst v63  }
0x509: {  	s12 =	simm.s32 $0x5780  }
0x50a: {  	[tilespmem:s12], [sflag:$0x1] =	stream.indirect_vreg.gather [hbm4b:s4+s2], $0x80, v17, vm0, $0xb8;
	[tilespmem:$0x19600] =	vst v63  }
0x50b: {  	v17 =	vld.msk [tilespmem:s31+$0x230], $0x3;
	_ =	sdelay $0x4  }
0x50c: {  	v18 =	vshrl.u32 v17, $0x3  }
0x50d: {  	v18 =	vmul.u32 $0x18, v18  }
0x50e: {  	v17 =	vand.u32 $0x7, v17  }
0x50f: {  	v17 =	vor.u32 v17, v18  }
0x510: {  	v18 =	vperm.xlane v17, v2;
	_ =	sdelay $0x1  }
0x511: {  	v17 =	vperm.xlane v17, v4;
	v18 =	vadd.s32 v3, v18;
	_ =	sdelay $0x1  }
0x512: {  	v17 =	vadd.s32 v3, v17;
	_ =	sdelay $0x1  }
0x513: {  	s13 =	simm.s32 $0x5800  }
0x514: {  	[tilespmem:s13], [sflag:$0x1] =	stream.indirect_vreg.gather [hbm4b:s4+s2], $0x80, v18, vm0, $0xb8;
	[tilespmem:$0x19600] =	vst v63  }
0x515: {  	s14 =	simm.s32 $0x5880  }
0x516: {  	[tilespmem:s14], [sflag:$0x1] =	stream.indirect_vreg.gather [hbm4b:s4+s2], $0x80, v17, vm0, $0xb8;
	[tilespmem:$0x19600] =	vst v63  }
0x517: {  	v17 =	vld [tilespmem:s31+$0x200];
	_ =	sdelay $0x4  }
0x518: {  	v18 =	vshrl.u32 v17, $0x3  }
0x519: {  	v18 =	vmul.u32 $0x18, v18  }
0x51a: {  	v17 =	vand.u32 $0x7, v17  }
0x51b: {  	v17 =	vor.u32 v17, v18  }
0x51c: {  	v18 =	vperm.xlane v17, v2;
	_ =	sdelay $0x1  }
0x51d: {  	v19 =	vperm.xlane v17, v4;
	v18 =	vadd.s32 v3, v18;
	_ =	sdelay $0x1  }
0x51e: {  	v53 =	vperm.xlane v17, v5;
	v19 =	vadd.s32 v3, v19;
	_ =	sdelay $0x1  }
0x51f: {  	s12 =	simm.s32 $0xB000;
	v54 =	vperm.xlane v17, v0;
	v20 =	vadd.s32 v3, v53  }
0x520: {  	[tilespmem:s12], [sflag:$0x1] =	stream.indirect_vreg.gather [hbm4b:s8+s2], $0x80, v18, vm0, $0xb8;
	[tilespmem:$0x19600] =	vst v63  }
0x521: {  	s13 =	simm.s32 $0xB080;
	v55 =	vperm.xlane v17, v6;
	v18 =	vadd.s32 v3, v54  }
0x522: {  	[tilespmem:s13], [sflag:$0x1] =	stream.indirect_vreg.gather [hbm4b:s8+s2], $0x80, v19, vm0, $0xb8;
	[tilespmem:$0x19600] =	vst v63  }
0x523: {  	s14 =	simm.s32 $0xB100;
	v56 =	vperm.xlane v17, v7;
	v19 =	vadd.s32 v3, v55  }
0x524: {  	[tilespmem:s14], [sflag:$0x1] =	stream.indirect_vreg.gather [hbm4b:s8+s2], $0x80, v20, vm0, $0xb8;
	[tilespmem:$0x19600] =	vst v63  }
0x525: {  	v58 =	vperm.xlane v17, v8;
	v57 =	vadd.s32 v3, v56;
	s12 =	simm.s32 $0xB180  }
0x526: {  	[tilespmem:s12], [sflag:$0x1] =	stream.indirect_vreg.gather [hbm4b:s8+s2], $0x80, v18, vm0, $0xb8;
	[tilespmem:$0x19600] =	vst v63  }
0x527: {  	v59 =	vperm.xlane v17, v1;
	s13 =	simm.s32 $0xB200;
	v18 =	vadd.s32 v3, v58  }
0x528: {  	[tilespmem:s13], [sflag:$0x1] =	stream.indirect_vreg.gather [hbm4b:s8+s2], $0x80, v19, vm0, $0xb8;
	[tilespmem:$0x19600] =	vst v63  }
0x529: {  	v60 =	vperm.xlane v17, v9;
	s14 =	simm.s32 $0xB280;
	v19 =	vadd.s32 v3, v59  }
0x52a: {  	[tilespmem:s14], [sflag:$0x1] =	stream.indirect_vreg.gather [hbm4b:s8+s2], $0x80, v57, vm0, $0xb8;
	[tilespmem:$0x19600] =	vst v63  }
0x52b: {  	v62 =	vperm.xlane v17, v10;
	v61 =	vadd.s32 v3, v60;
	s12 =	simm.s32 $0xB300  }
0x52c: {  	[tilespmem:s12], [sflag:$0x1] =	stream.indirect_vreg.gather [hbm4b:s8+s2], $0x80, v18, vm0, $0xb8;
	[tilespmem:$0x19600] =	vst v63  }
0x52d: {  	v63 =	vperm.xlane v17, v11;
	s13 =	simm.s32 $0xB380;
	v18 =	vadd.s32 v3, v62  }
0x52e: {  	[tilespmem:s13], [sflag:$0x1] =	stream.indirect_vreg.gather [hbm4b:s8+s2], $0x80, v19, vm0, $0xb8;
	[tilespmem:$0x19600] =	vst v63  }
0x52f: {  	v24 =	vperm.xlane v17, v12;
	s14 =	simm.s32 $0xB400;
	v19 =	vadd.s32 v3, v63  }
0x530: {  	[tilespmem:s14], [sflag:$0x1] =	stream.indirect_vreg.gather [hbm4b:s8+s2], $0x80, v61, vm0, $0xb8;
	[tilespmem:$0x19600] =	vst v63  }
0x531: {  	v26 =	vperm.xlane v17, v13;
	v25 =	vadd.s32 v3, v24;
	s12 =	simm.s32 $0xB480  }
0x532: {  	[tilespmem:s12], [sflag:$0x1] =	stream.indirect_vreg.gather [hbm4b:s8+s2], $0x80, v18, vm0, $0xb8;
	[tilespmem:$0x19600] =	vst v63  }
0x533: {  	v27 =	vperm.xlane v17, v14;
	s13 =	simm.s32 $0xB500;
	v18 =	vadd.s32 v3, v26  }
0x534: {  	[tilespmem:s13], [sflag:$0x1] =	stream.indirect_vreg.gather [hbm4b:s8+s2], $0x80, v19, vm0, $0xb8;
	[tilespmem:$0x19600] =	vst v63  }
0x535: {  	v28 =	vperm.xlane v17, v15;
	s14 =	simm.s32 $0xB580;
	v19 =	vadd.s32 v3, v27  }
0x536: {  	[tilespmem:s14], [sflag:$0x1] =	stream.indirect_vreg.gather [hbm4b:s8+s2], $0x80, v25, vm0, $0xb8;
	[tilespmem:$0x19600] =	vst v63  }
0x537: {  	v17 =	vperm.xlane v17, v16;
	v29 =	vadd.s32 v3, v28;
	s12 =	simm.s32 $0xB600  }
0x538: {  	[tilespmem:s12], [sflag:$0x1] =	stream.indirect_vreg.gather [hbm4b:s8+s2], $0x80, v18, vm0, $0xb8;
	[tilespmem:$0x19600] =	vst v63  }
0x539: {  	v17 =	vadd.s32 v3, v17;
	s13 =	simm.s32 $0xB680  }
0x53a: {  	[tilespmem:s13], [sflag:$0x1] =	stream.indirect_vreg.gather [hbm4b:s8+s2], $0x80, v19, vm0, $0xb8;
	[tilespmem:$0x19600] =	vst v63  }
0x53b: {  	s14 =	simm.s32 $0xB700  }
0x53c: {  	[tilespmem:s14], [sflag:$0x1] =	stream.indirect_vreg.gather [hbm4b:s8+s2], $0x80, v29, vm0, $0xb8;
	[tilespmem:$0x19600] =	vst v63  }
0x53d: {  	s12 =	simm.s32 $0xB780  }
0x53e: {  	[tilespmem:s12], [sflag:$0x1] =	stream.indirect_vreg.gather [hbm4b:s8+s2], $0x80, v17, vm0, $0xb8;
	[tilespmem:$0x19600] =	vst v63  }
0x53f: {  	v17 =	vld [tilespmem:s31+$0x210];
	_ =	sdelay $0x4  }
0x540: {  	v18 =	vshrl.u32 v17, $0x3  }
0x541: {  	v18 =	vmul.u32 $0x18, v18  }
0x542: {  	v17 =	vand.u32 $0x7, v17  }
0x543: {  	v17 =	vor.u32 v17, v18  }
0x544: {  	v18 =	vperm.xlane v17, v2;
	_ =	sdelay $0x1  }
0x545: {  	v19 =	vperm.xlane v17, v4;
	v18 =	vadd.s32 v3, v18;
	_ =	sdelay $0x1  }
0x546: {  	v30 =	vperm.xlane v17, v5;
	v19 =	vadd.s32 v3, v19;
	_ =	sdelay $0x1  }
0x547: {  	s13 =	simm.s32 $0xB800;
	v31 =	vperm.xlane v17, v0;
	v20 =	vadd.s32 v3, v30  }
0x548: {  	[tilespmem:s13], [sflag:$0x1] =	stream.indirect_vreg.gather [hbm4b:s8+s2], $0x80, v18, vm0, $0xb8;
	[tilespmem:$0x19600] =	vst v63  }
0x549: {  	s14 =	simm.s32 $0xB880;
	v32 =	vperm.xlane v17, v6;
	v18 =	vadd.s32 v3, v31  }
0x54a: {  	[tilespmem:s14], [sflag:$0x1] =	stream.indirect_vreg.gather [hbm4b:s8+s2], $0x80, v19, vm0, $0xb8;
	[tilespmem:$0x19600] =	vst v63  }
0x54b: {  	s12 =	simm.s32 $0xB900;
	v33 =	vperm.xlane v17, v7;
	v19 =	vadd.s32 v3, v32  }
0x54c: {  	[tilespmem:s12], [sflag:$0x1] =	stream.indirect_vreg.gather [hbm4b:s8+s2], $0x80, v20, vm0, $0xb8;
	[tilespmem:$0x19600] =	vst v63  }
0x54d: {  	v35 =	vperm.xlane v17, v8;
	v34 =	vadd.s32 v3, v33;
	s13 =	simm.s32 $0xB980  }
0x54e: {  	[tilespmem:s13], [sflag:$0x1] =	stream.indirect_vreg.gather [hbm4b:s8+s2], $0x80, v18, vm0, $0xb8;
	[tilespmem:$0x19600] =	vst v63  }
0x54f: {  	v36 =	vperm.xlane v17, v1;
	s14 =	simm.s32 $0xBA00;
	v18 =	vadd.s32 v3, v35  }
0x550: {  	[tilespmem:s14], [sflag:$0x1] =	stream.indirect_vreg.gather [hbm4b:s8+s2], $0x80, v19, vm0, $0xb8;
	[tilespmem:$0x19600] =	vst v63  }
0x551: {  	v37 =	vperm.xlane v17, v9;
	s12 =	simm.s32 $0xBA80;
	v19 =	vadd.s32 v3, v36  }
0x552: {  	[tilespmem:s12], [sflag:$0x1] =	stream.indirect_vreg.gather [hbm4b:s8+s2], $0x80, v34, vm0, $0xb8;
	[tilespmem:$0x19600] =	vst v63  }
0x553: {  	v39 =	vperm.xlane v17, v10;
	v38 =	vadd.s32 v3, v37;
	s13 =	simm.s32 $0xBB00  }
0x554: {  	[tilespmem:s13], [sflag:$0x1] =	stream.indirect_vreg.gather [hbm4b:s8+s2], $0x80, v18, vm0, $0xb8;
	[tilespmem:$0x19600] =	vst v63  }
0x555: {  	v40 =	vperm.xlane v17, v11;
	s14 =	simm.s32 $0xBB80;
	v18 =	vadd.s32 v3, v39  }
0x556: {  	[tilespmem:s14], [sflag:$0x1] =	stream.indirect_vreg.gather [hbm4b:s8+s2], $0x80, v19, vm0, $0xb8;
	[tilespmem:$0x19600] =	vst v63  }
0x557: {  	v41 =	vperm.xlane v17, v12;
	s12 =	simm.s32 $0xBC00;
	v19 =	vadd.s32 v3, v40  }
0x558: {  	[tilespmem:s12], [sflag:$0x1] =	stream.indirect_vreg.gather [hbm4b:s8+s2], $0x80, v38, vm0, $0xb8;
	[tilespmem:$0x19600] =	vst v63  }
0x559: {  	v43 =	vperm.xlane v17, v13;
	v42 =	vadd.s32 v3, v41;
	s13 =	simm.s32 $0xBC80  }
0x55a: {  	[tilespmem:s13], [sflag:$0x1] =	stream.indirect_vreg.gather [hbm4b:s8+s2], $0x80, v18, vm0, $0xb8;
	[tilespmem:$0x19600] =	vst v63  }
0x55b: {  	v44 =	vperm.xlane v17, v14;
	s14 =	simm.s32 $0xBD00;
	v18 =	vadd.s32 v3, v43  }
0x55c: {  	[tilespmem:s14], [sflag:$0x1] =	stream.indirect_vreg.gather [hbm4b:s8+s2], $0x80, v19, vm0, $0xb8;
	[tilespmem:$0x19600] =	vst v63  }
0x55d: {  	v45 =	vperm.xlane v17, v15;
	s12 =	simm.s32 $0xBD80;
	v19 =	vadd.s32 v3, v44  }
0x55e: {  	[tilespmem:s12], [sflag:$0x1] =	stream.indirect_vreg.gather [hbm4b:s8+s2], $0x80, v42, vm0, $0xb8;
	[tilespmem:$0x19600] =	vst v63  }
0x55f: {  	v17 =	vperm.xlane v17, v16;
	v46 =	vadd.s32 v3, v45;
	s13 =	simm.s32 $0xBE00  }
0x560: {  	[tilespmem:s13], [sflag:$0x1] =	stream.indirect_vreg.gather [hbm4b:s8+s2], $0x80, v18, vm0, $0xb8;
	[tilespmem:$0x19600] =	vst v63  }
0x561: {  	v17 =	vadd.s32 v3, v17;
	s14 =	simm.s32 $0xBE80  }
0x562: {  	[tilespmem:s14], [sflag:$0x1] =	stream.indirect_vreg.gather [hbm4b:s8+s2], $0x80, v19, vm0, $0xb8;
	[tilespmem:$0x19600] =	vst v63  }
0x563: {  	s12 =	simm.s32 $0xBF00  }
0x564: {  	[tilespmem:s12], [sflag:$0x1] =	stream.indirect_vreg.gather [hbm4b:s8+s2], $0x80, v46, vm0, $0xb8;
	[tilespmem:$0x19600] =	vst v63  }
0x565: {  	s13 =	simm.s32 $0xBF80  }
0x566: {  	[tilespmem:s13], [sflag:$0x1] =	stream.indirect_vreg.gather [hbm4b:s8+s2], $0x80, v17, vm0, $0xb8;
	[tilespmem:$0x19600] =	vst v63  }
0x567: {  	v17 =	vld [tilespmem:s31+$0x220];
	_ =	sdelay $0x4  }
0x568: {  	v18 =	vshrl.u32 v17, $0x3  }
0x569: {  	v18 =	vmul.u32 $0x18, v18  }
0x56a: {  	v17 =	vand.u32 $0x7, v17  }
0x56b: {  	v17 =	vor.u32 v17, v18  }
0x56c: {  	v18 =	vperm.xlane v17, v2;
	_ =	sdelay $0x1  }
0x56d: {  	v19 =	vperm.xlane v17, v4;
	v18 =	vadd.s32 v3, v18;
	_ =	sdelay $0x1  }
0x56e: {  	v47 =	vperm.xlane v17, v5;
	v19 =	vadd.s32 v3, v19;
	_ =	sdelay $0x1  }
0x56f: {  	s14 =	simm.s32 $0xC000;
	v48 =	vperm.xlane v17, v0;
	v20 =	vadd.s32 v3, v47  }
0x570: {  	[tilespmem:s14], [sflag:$0x1] =	stream.indirect_vreg.gather [hbm4b:s8+s2], $0x80, v18, vm0, $0xb8;
	[tilespmem:$0x19600] =	vst v63  }
0x571: {  	s12 =	simm.s32 $0xC080;
	v49 =	vperm.xlane v17, v6;
	v18 =	vadd.s32 v3, v48  }
0x572: {  	[tilespmem:s12], [sflag:$0x1] =	stream.indirect_vreg.gather [hbm4b:s8+s2], $0x80, v19, vm0, $0xb8;
	[tilespmem:$0x19600] =	vst v63  }
0x573: {  	s13 =	simm.s32 $0xC100;
	v50 =	vperm.xlane v17, v7;
	v19 =	vadd.s32 v3, v49  }
0x574: {  	[tilespmem:s13], [sflag:$0x1] =	stream.indirect_vreg.gather [hbm4b:s8+s2], $0x80, v20, vm0, $0xb8;
	[tilespmem:$0x19600] =	vst v63  }
0x575: {  	v52 =	vperm.xlane v17, v8;
	v51 =	vadd.s32 v3, v50;
	s14 =	simm.s32 $0xC180  }
0x576: {  	[tilespmem:s14], [sflag:$0x1] =	stream.indirect_vreg.gather [hbm4b:s8+s2], $0x80, v18, vm0, $0xb8;
	[tilespmem:$0x19600] =	vst v63  }
0x577: {  	v53 =	vperm.xlane v17, v1;
	s12 =	simm.s32 $0xC200;
	v18 =	vadd.s32 v3, v52  }
0x578: {  	[tilespmem:s12], [sflag:$0x1] =	stream.indirect_vreg.gather [hbm4b:s8+s2], $0x80, v19, vm0, $0xb8;
	[tilespmem:$0x19600] =	vst v63  }
0x579: {  	v54 =	vperm.xlane v17, v9;
	s13 =	simm.s32 $0xC280;
	v19 =	vadd.s32 v3, v53  }
0x57a: {  	[tilespmem:s13], [sflag:$0x1] =	stream.indirect_vreg.gather [hbm4b:s8+s2], $0x80, v51, vm0, $0xb8;
	[tilespmem:$0x19600] =	vst v63  }
0x57b: {  	v56 =	vperm.xlane v17, v10;
	v55 =	vadd.s32 v3, v54;
	s14 =	simm.s32 $0xC300  }
0x57c: {  	[tilespmem:s14], [sflag:$0x1] =	stream.indirect_vreg.gather [hbm4b:s8+s2], $0x80, v18, vm0, $0xb8;
	[tilespmem:$0x19600] =	vst v63  }
0x57d: {  	v57 =	vperm.xlane v17, v11;
	s12 =	simm.s32 $0xC380;
	v18 =	vadd.s32 v3, v56  }
0x57e: {  	[tilespmem:s12], [sflag:$0x1] =	stream.indirect_vreg.gather [hbm4b:s8+s2], $0x80, v19, vm0, $0xb8;
	[tilespmem:$0x19600] =	vst v63  }
0x57f: {  	v58 =	vperm.xlane v17, v12;
	s13 =	simm.s32 $0xC400;
	v19 =	vadd.s32 v3, v57  }
0x580: {  	[tilespmem:s13], [sflag:$0x1] =	stream.indirect_vreg.gather [hbm4b:s8+s2], $0x80, v55, vm0, $0xb8;
	[tilespmem:$0x19600] =	vst v63  }
0x581: {  	v60 =	vperm.xlane v17, v13;
	v59 =	vadd.s32 v3, v58;
	s14 =	simm.s32 $0xC480  }
0x582: {  	[tilespmem:s14], [sflag:$0x1] =	stream.indirect_vreg.gather [hbm4b:s8+s2], $0x80, v18, vm0, $0xb8;
	[tilespmem:$0x19600] =	vst v63  }
0x583: {  	v61 =	vperm.xlane v17, v14;
	s12 =	simm.s32 $0xC500;
	v18 =	vadd.s32 v3, v60  }
0x584: {  	[tilespmem:s12], [sflag:$0x1] =	stream.indirect_vreg.gather [hbm4b:s8+s2], $0x80, v19, vm0, $0xb8;
	[tilespmem:$0x19600] =	vst v63  }
0x585: {  	v62 =	vperm.xlane v17, v15;
	s13 =	simm.s32 $0xC580;
	v19 =	vadd.s32 v3, v61  }
0x586: {  	[tilespmem:s13], [sflag:$0x1] =	stream.indirect_vreg.gather [hbm4b:s8+s2], $0x80, v59, vm0, $0xb8;
	[tilespmem:$0x19600] =	vst v63  }
0x587: {  	v17 =	vperm.xlane v17, v16;
	v63 =	vadd.s32 v3, v62;
	s14 =	simm.s32 $0xC600  }
0x588: {  	[tilespmem:s14], [sflag:$0x1] =	stream.indirect_vreg.gather [hbm4b:s8+s2], $0x80, v18, vm0, $0xb8;
	[tilespmem:$0x19600] =	vst v63  }
0x589: {  	v17 =	vadd.s32 v3, v17;
	s12 =	simm.s32 $0xC680  }
0x58a: {  	[tilespmem:s12], [sflag:$0x1] =	stream.indirect_vreg.gather [hbm4b:s8+s2], $0x80, v19, vm0, $0xb8;
	[tilespmem:$0x19600] =	vst v63  }
0x58b: {  	s13 =	simm.s32 $0xC700  }
0x58c: {  	[tilespmem:s13], [sflag:$0x1] =	stream.indirect_vreg.gather [hbm4b:s8+s2], $0x80, v63, vm0, $0xb8;
	[tilespmem:$0x19600] =	vst v63  }
0x58d: {  	s14 =	simm.s32 $0xC780  }
0x58e: {  	[tilespmem:s14], [sflag:$0x1] =	stream.indirect_vreg.gather [hbm4b:s8+s2], $0x80, v17, vm0, $0xb8;
	[tilespmem:$0x19600] =	vst v63  }
0x58f: {  	v17 =	vld.msk [tilespmem:s31+$0x230], $0x3;
	_ =	sdelay $0x4  }
0x590: {  	v18 =	vshrl.u32 v17, $0x3  }
0x591: {  	v18 =	vmul.u32 $0x18, v18  }
0x592: {  	v17 =	vand.u32 $0x7, v17  }
0x593: {  	v17 =	vor.u32 v17, v18  }
0x594: {  	v18 =	vperm.xlane v17, v2;
	_ =	sdelay $0x1  }
0x595: {  	v17 =	vperm.xlane v17, v4;
	v18 =	vadd.s32 v3, v18;
	_ =	sdelay $0x1  }
0x596: {  	v17 =	vadd.s32 v3, v17;
	_ =	sdelay $0x1  }
0x597: {  	s12 =	simm.s32 $0xC800  }
0x598: {  	[tilespmem:s12], [sflag:$0x1] =	stream.indirect_vreg.gather [hbm4b:s8+s2], $0x80, v18, vm0, $0xb8;
	[tilespmem:$0x19600] =	vst v63  }
0x599: {  	s13 =	simm.s32 $0xC880  }
0x59a: {  	[tilespmem:s13], [sflag:$0x1] =	stream.indirect_vreg.gather [hbm4b:s8+s2], $0x80, v17, vm0, $0xb8;
	[tilespmem:$0x19600] =	vst v63  }
0x59b: {  	s14 =	sadd.s32 $0x200, s31;
	s12 =	simm.s32 $0x12000  }
0x59c: {  	[tilespmem:s12], [sflag:$0x1] =	stream.indirect.gather [hbm4b:s5+s15], $0x80, s14, s15, $0xb8;
	[tilespmem:$0x19600] =	vst v63  }
.LBB2_6:
0x59d: {  	_ =	swait.ge [sflag:s0], $0x1900  }
0x59e: {  	[sflag:s0] =	ssyncset.done $0x0  }
0x59f: {  	[sflag:s0] =	ssyncadd.s32 $0xFFFFE700  }
0x5a0: {  	_ =	swait.ge [sflag:s0], $0x1900  }
0x5a1: {  	[sflag:s0] =	ssyncset.done $0x0  }
0x5a2: {  	[sflag:s0] =	ssyncadd.s32 $0xFFFFE700  }
0x5a3: {  	_ =	swait.ge [sflag:s0], $0x1900  }
0x5a4: {  	[sflag:s0] =	ssyncset.done $0x0  }
0x5a5: {  	s14 =	simm.s32 $0x0;
	[sflag:s0] =	ssyncadd.s32 $0xFFFFE700  }
0x5a6: {  	v17 =	vld [tilespmem:s14+$0x13C20]  }
0x5a7: {  	v19 =	vld [tilespmem:s14+$0x5C00]  }
0x5a8: {  	v20 =	vld [tilespmem:s14+$0x5C10]  }
0x5a9: {  	v21 =	vld [tilespmem:s14+$0x5C20]  }
0x5aa: {  	v22 =	vld [tilespmem:s14+$0x5C30]  }
0x5ab: {  	v23 =	vld [tilespmem:s14+$0x5C40]  }
0x5ac: {  	v24 =	vld [tilespmem:s14+$0x5C50]  }
0x5ad: {  	v25 =	vld [tilespmem:s14+$0x5C60]  }
0x5ae: {  	v26 =	vld [tilespmem:s14+$0x5C70]  }
0x5af: {  	v27 =	vld [tilespmem:s14+$0xCC00]  }
0x5b0: {  	v18 =	vimm.f32 $0.0e+00;
	v36 =	vld [tilespmem:s14+$0xCC10]  }
0x5b1: {  	v37 =	vld [tilespmem:s14+$0xCC20];
	v17 =	vadd.f32 v17, v18;
	v34 =	vadd.f32 v19, v18  }
0x5b2: {  	v19 =	vld [tilespmem:s14+$0xCC30];
	v35 =	vadd.f32 v20, v18;
	v33 =	vadd.f32 v21, v18  }
0x5b3: {  	v20 =	vld [tilespmem:s14+$0xCC40];
	v32 =	vadd.f32 v22, v18;
	v31 =	vadd.f32 v23, v18  }
0x5b4: {  	v40 =	vld [tilespmem:s14+$0xCC50];
	v30 =	vadd.f32 v24, v18;
	v29 =	vadd.f32 v25, v18  }
0x5b5: {  	v39 =	vld [tilespmem:s14+$0xCC60];
	v28 =	vadd.f32 v26, v18;
	v27 =	vadd.f32 v27, v18  }
0x5b6: {  	v26 =	vadd.f32 v36, v18;
	v25 =	vadd.f32 v37, v18;
	v37 =	vld [tilespmem:s14+$0xCC70]  }
0x5b7: {  	v36 =	vld [tilespmem:s14+$0x13C00];
	v22 =	vimm.f32 $0.0e+00;
	v24 =	vimm.f32 $0.0e+00;
	v23 =	vadd.f32 v19, v18  }
0x5b8: {  	s9 =	sshll.u32 s29, $0x2;
	s12 =	simm.s32 $0x80;
	s13 =	simm.s32 $0x400;
	v38 =	vld [tilespmem:s14+$0x13C10];
	v21 =	vadd.f32 v20, v18;
	v20 =	vimm.f32 $0.0e+00;
	v19 =	vimm.f32 $0.0e+00  }
.LBB2_7:
0x5b9: {  	p1 =	sne.s32 s13, $0x6200;
	v41 =	vld [tilespmem:s12+$0x13C20];
	v18 =	vadd.f32 v40, v18  }
0x5ba: {  	v40 =	vld [tilespmem:s12+$0x5C00];
	v22 =	vadd.f32 v39, v22  }
0x5bb: {  	v39 =	vld [tilespmem:s12+$0x5C10];
	v24 =	vadd.f32 v37, v24  }
0x5bc: {  	v37 =	vld [tilespmem:s12+$0x5C20];
	v20 =	vadd.f32 v36, v20  }
0x5bd: {  	v36 =	vld [tilespmem:s12+$0x5C30];
	v19 =	vadd.f32 v38, v19  }
0x5be: {  	v38 =	vld [tilespmem:s12+$0x5C40];
	v17 =	vadd.f32 v41, v17  }
0x5bf: {  	v34 =	vadd.f32 v40, v34;
	v40 =	vld [tilespmem:s12+$0x5C50]  }
0x5c0: {  	v35 =	vadd.f32 v39, v35;
	v39 =	vld [tilespmem:s12+$0x5C60]  }
0x5c1: {  	v33 =	vadd.f32 v37, v33;
	v37 =	vld [tilespmem:s12+$0x5C70]  }
0x5c2: {  	v32 =	vadd.f32 v36, v32;
	v36 =	vld [tilespmem:s12+$0xCC00]  }
0x5c3: {  	v31 =	vadd.f32 v38, v31;
	v38 =	vld [tilespmem:s12+$0xCC10]  }
0x5c4: {  	v30 =	vadd.f32 v40, v30;
	v41 =	vld [tilespmem:s12+$0xCC20]  }
0x5c5: {  	v29 =	vadd.f32 v39, v29;
	v42 =	vld [tilespmem:s12+$0xCC30]  }
0x5c6: {  	v28 =	vadd.f32 v37, v28;
	v43 =	vld [tilespmem:s12+$0xCC40]  }
.Ltmp2:
0x5c7: {  	v27 =	vadd.f32 v36, v27;
	v40 =	vld [tilespmem:s12+$0xCC50];
	(pc) =	sbr.rel @p1 .LBB2_7-.Ltmp2, $4  }
0x5c8: {  	v26 =	vadd.f32 v38, v26;
	v39 =	vld [tilespmem:s12+$0xCC60]  }
0x5c9: {  	v25 =	vadd.f32 v41, v25;
	v37 =	vld [tilespmem:s12+$0xCC70]  }
0x5ca: {  	v23 =	vadd.f32 v42, v23;
	v36 =	vld [tilespmem:s12+$0x13C00]  }
0x5cb: {  	v21 =	vadd.f32 v43, v21;
	v38 =	vld [tilespmem:s12+$0x13C10];
	s12 =	sshra.s32 s13, $0x2;
	s13 =	sadd.s32 $0x200, s13  }
0x5cc: {  	v41 =	vld [tilespmem:s12+$0x13C20]  }
0x5cd: {  	v42 =	vld [tilespmem:s12+$0x5C00]  }
0x5ce: {  	v43 =	vld [tilespmem:s12+$0x5C10]  }
0x5cf: {  	v44 =	vld [tilespmem:s12+$0x5C20]  }
0x5d0: {  	v45 =	vld [tilespmem:s12+$0x5C30]  }
0x5d1: {  	v46 =	vld [tilespmem:s12+$0x5C40]  }
0x5d2: {  	v47 =	vld [tilespmem:s12+$0x5C50]  }
0x5d3: {  	v48 =	vld [tilespmem:s12+$0x5C60]  }
0x5d4: {  	v49 =	vld [tilespmem:s12+$0x5C70]  }
0x5d5: {  	v50 =	vld [tilespmem:s12+$0xCC00]  }
0x5d6: {  	v51 =	vld [tilespmem:s12+$0xCC10]  }
0x5d7: {  	v52 =	vld [tilespmem:s12+$0xCC20]  }
0x5d8: {  	v53 =	vld [tilespmem:s12+$0xCC30]  }
0x5d9: {  	v54 =	vld [tilespmem:s12+$0xCC40]  }
0x5da: {  	v55 =	vld [tilespmem:s12+$0xCC50];
	v34 =	vadd.f32 v42, v34  }
0x5db: {  	v59 =	vld [tilespmem:s12+$0xCC60];
	v35 =	vadd.f32 v43, v35  }
0x5dc: {  	v60 =	vld [tilespmem:s12+$0xCC70];
	v33 =	vadd.f32 v44, v33;
	v34 =	vmul.f32 $1.999999960e-02, v34  }
0x5dd: {  	v61 =	vld [tilespmem:s12+$0x13C00];
	v32 =	vadd.f32 v45, v32;
	v35 =	vmul.f32 $1.999999960e-02, v35  }
0x5de: {  	v62 =	vld [tilespmem:s12+$0x13C10];
	v31 =	vadd.f32 v46, v31;
	v33 =	vmul.f32 $1.999999960e-02, v33;
	[tilespmem:$0x19080] =	vst v34  }
0x5df: {  	v30 =	vadd.f32 v47, v30;
	v32 =	vmul.f32 $1.999999960e-02, v32;
	[tilespmem:$0x19090] =	vst v35  }
0x5e0: {  	v29 =	vadd.f32 v48, v29;
	v31 =	vmul.f32 $1.999999960e-02, v31;
	[tilespmem:$0x190A0] =	vst v33  }
0x5e1: {  	v28 =	vadd.f32 v49, v28;
	v30 =	vmul.f32 $1.999999960e-02, v30;
	[tilespmem:$0x190B0] =	vst v32  }
0x5e2: {  	v27 =	vadd.f32 v50, v27;
	v29 =	vmul.f32 $1.999999960e-02, v29;
	[tilespmem:$0x190C0] =	vst v31  }
0x5e3: {  	v26 =	vadd.f32 v51, v26;
	v28 =	vmul.f32 $1.999999960e-02, v28;
	[tilespmem:$0x190D0] =	vst v30  }
0x5e4: {  	v25 =	vadd.f32 v52, v25;
	v27 =	vmul.f32 $1.999999960e-02, v27;
	[tilespmem:$0x190E0] =	vst v29  }
0x5e5: {  	v18 =	vadd.f32 v40, v18;
	v23 =	vadd.f32 v53, v23;
	v26 =	vmul.f32 $1.999999960e-02, v26;
	[tilespmem:$0x190F0] =	vst v28  }
0x5e6: {  	v22 =	vadd.f32 v39, v22;
	v21 =	vadd.f32 v54, v21;
	v25 =	vmul.f32 $1.999999960e-02, v25;
	[tilespmem:$0x19280] =	vst v27  }
0x5e7: {  	v20 =	vadd.f32 v36, v20;
	v18 =	vadd.f32 v55, v18;
	v23 =	vmul.f32 $1.999999960e-02, v23;
	[tilespmem:$0x19290] =	vst v26  }
0x5e8: {  	v24 =	vadd.f32 v37, v24;
	v22 =	vadd.f32 v59, v22;
	v21 =	vmul.f32 $1.999999960e-02, v21;
	[tilespmem:$0x192A0] =	vst v25  }
0x5e9: {  	v20 =	vadd.f32 v61, v20;
	v18 =	vmul.f32 $1.999999960e-02, v18;
	[tilespmem:$0x192B0] =	vst v23  }
0x5ea: {  	v19 =	vadd.f32 v38, v19;
	v24 =	vadd.f32 v60, v24;
	v63 =	vmul.f32 $1.999999960e-02, v22;
	[tilespmem:$0x192C0] =	vst v21  }
0x5eb: {  	v17 =	vadd.f32 v41, v17;
	v20 =	vmul.f32 $1.999999960e-02, v20;
	[tilespmem:$0x192D0] =	vst v18  }
.Ltmp3:
0x5ec: {  	v19 =	vadd.f32 v62, v19;
	v18 =	vmul.f32 $1.999999960e-02, v24;
	[tilespmem:$0x192E0] =	vst v63;
	(pc) =	sbr.rel @p0 .LBB2_10-.Ltmp3, $4  }
0x5ed: {  	v17 =	vmul.f32 $1.999999960e-02, v17;
	[tilespmem:$0x19480] =	vst v20  }
0x5ee: {  	[tilespmem:$0x192F0] =	vst v18;
	v18 =	vmul.f32 $1.999999960e-02, v19  }
0x5ef: {  	[tilespmem:$0x194A0] =	vst v17  }
0x5f0: {  	[tilespmem:$0x19490] =	vst v18  }
0x5f1: {  	v17 =	vld [tilespmem:s31+$0x280];
	_ =	sdelay $0x4  }
0x5f2: {  	v18 =	vshrl.u32 v17, $0x3  }
0x5f3: {  	v18 =	vmul.u32 $0x18, v18  }
0x5f4: {  	v17 =	vand.u32 $0x7, v17  }
0x5f5: {  	v17 =	vor.u32 v17, v18  }
0x5f6: {  	v18 =	vperm.xlane v17, v2;
	_ =	sdelay $0x1  }
0x5f7: {  	v19 =	vperm.xlane v17, v4;
	v18 =	vadd.s32 v3, v18;
	_ =	sdelay $0x1  }
0x5f8: {  	v20 =	vperm.xlane v17, v5;
	v19 =	vadd.s32 v3, v19;
	_ =	sdelay $0x1  }
0x5f9: {  	s12 =	simm.s32 $0x5C00;
	v21 =	vperm.xlane v17, v0;
	v20 =	vadd.s32 v3, v20  }
0x5fa: {  	[tilespmem:s12], [sflag:$0x2] =	stream.indirect_vreg.gather [hbm4b:s4+s2], $0x80, v18, vm0, $0xb8;
	[tilespmem:$0x19600] =	vst v63  }
0x5fb: {  	s13 =	simm.s32 $0x5C80;
	v44 =	vperm.xlane v17, v6;
	v18 =	vadd.s32 v3, v21  }
0x5fc: {  	[tilespmem:s13], [sflag:$0x2] =	stream.indirect_vreg.gather [hbm4b:s4+s2], $0x80, v19, vm0, $0xb8;
	[tilespmem:$0x19600] =	vst v63  }
0x5fd: {  	s14 =	simm.s32 $0x5D00;
	v45 =	vperm.xlane v17, v7;
	v19 =	vadd.s32 v3, v44  }
0x5fe: {  	[tilespmem:s14], [sflag:$0x2] =	stream.indirect_vreg.gather [hbm4b:s4+s2], $0x80, v20, vm0, $0xb8;
	[tilespmem:$0x19600] =	vst v63  }
0x5ff: {  	v47 =	vperm.xlane v17, v8;
	v46 =	vadd.s32 v3, v45;
	s13 =	simm.s32 $0x5D80  }
0x600: {  	[tilespmem:s13], [sflag:$0x2] =	stream.indirect_vreg.gather [hbm4b:s4+s2], $0x80, v18, vm0, $0xb8;
	[tilespmem:$0x19600] =	vst v63  }
0x601: {  	v48 =	vperm.xlane v17, v1;
	s14 =	simm.s32 $0x5E00;
	v18 =	vadd.s32 v3, v47  }
0x602: {  	[tilespmem:s14], [sflag:$0x2] =	stream.indirect_vreg.gather [hbm4b:s4+s2], $0x80, v19, vm0, $0xb8;
	[tilespmem:$0x19600] =	vst v63  }
0x603: {  	v49 =	vperm.xlane v17, v9;
	s13 =	simm.s32 $0x5E80;
	v19 =	vadd.s32 v3, v48  }
0x604: {  	[tilespmem:s13], [sflag:$0x2] =	stream.indirect_vreg.gather [hbm4b:s4+s2], $0x80, v46, vm0, $0xb8;
	[tilespmem:$0x19600] =	vst v63  }
0x605: {  	v51 =	vperm.xlane v17, v10;
	v50 =	vadd.s32 v3, v49;
	s14 =	simm.s32 $0x5F00  }
0x606: {  	[tilespmem:s14], [sflag:$0x2] =	stream.indirect_vreg.gather [hbm4b:s4+s2], $0x80, v18, vm0, $0xb8;
	[tilespmem:$0x19600] =	vst v63  }
0x607: {  	v52 =	vperm.xlane v17, v11;
	s13 =	simm.s32 $0x5F80;
	v18 =	vadd.s32 v3, v51  }
0x608: {  	[tilespmem:s13], [sflag:$0x2] =	stream.indirect_vreg.gather [hbm4b:s4+s2], $0x80, v19, vm0, $0xb8;
	[tilespmem:$0x19600] =	vst v63  }
0x609: {  	v53 =	vperm.xlane v17, v12;
	s14 =	simm.s32 $0x6000;
	v19 =	vadd.s32 v3, v52  }
0x60a: {  	[tilespmem:s14], [sflag:$0x2] =	stream.indirect_vreg.gather [hbm4b:s4+s2], $0x80, v50, vm0, $0xb8;
	[tilespmem:$0x19600] =	vst v63  }
0x60b: {  	v55 =	vperm.xlane v17, v13;
	v54 =	vadd.s32 v3, v53;
	s13 =	simm.s32 $0x6080  }
0x60c: {  	[tilespmem:s13], [sflag:$0x2] =	stream.indirect_vreg.gather [hbm4b:s4+s2], $0x80, v18, vm0, $0xb8;
	[tilespmem:$0x19600] =	vst v63  }
0x60d: {  	v56 =	vperm.xlane v17, v14;
	s14 =	simm.s32 $0x6100;
	v18 =	vadd.s32 v3, v55  }
0x60e: {  	[tilespmem:s14], [sflag:$0x2] =	stream.indirect_vreg.gather [hbm4b:s4+s2], $0x80, v19, vm0, $0xb8;
	[tilespmem:$0x19600] =	vst v63  }
0x60f: {  	v57 =	vperm.xlane v17, v15;
	s13 =	simm.s32 $0x6180;
	v19 =	vadd.s32 v3, v56  }
0x610: {  	[tilespmem:s13], [sflag:$0x2] =	stream.indirect_vreg.gather [hbm4b:s4+s2], $0x80, v54, vm0, $0xb8;
	[tilespmem:$0x19600] =	vst v63  }
0x611: {  	v17 =	vperm.xlane v17, v16;
	v58 =	vadd.s32 v3, v57;
	s14 =	simm.s32 $0x6200  }
0x612: {  	[tilespmem:s14], [sflag:$0x2] =	stream.indirect_vreg.gather [hbm4b:s4+s2], $0x80, v18, vm0, $0xb8;
	[tilespmem:$0x19600] =	vst v63  }
0x613: {  	v17 =	vadd.s32 v3, v17;
	s13 =	simm.s32 $0x6280  }
0x614: {  	[tilespmem:s13], [sflag:$0x2] =	stream.indirect_vreg.gather [hbm4b:s4+s2], $0x80, v19, vm0, $0xb8;
	[tilespmem:$0x19600] =	vst v63  }
0x615: {  	s14 =	simm.s32 $0x6300  }
0x616: {  	[tilespmem:s14], [sflag:$0x2] =	stream.indirect_vreg.gather [hbm4b:s4+s2], $0x80, v58, vm0, $0xb8;
	[tilespmem:$0x19600] =	vst v63  }
0x617: {  	s13 =	simm.s32 $0x6380  }
0x618: {  	[tilespmem:s13], [sflag:$0x2] =	stream.indirect_vreg.gather [hbm4b:s4+s2], $0x80, v17, vm0, $0xb8;
	[tilespmem:$0x19600] =	vst v63  }
0x619: {  	v17 =	vld [tilespmem:s31+$0x290];
	_ =	sdelay $0x4  }
0x61a: {  	v18 =	vshrl.u32 v17, $0x3  }
0x61b: {  	v18 =	vmul.u32 $0x18, v18  }
0x61c: {  	v17 =	vand.u32 $0x7, v17  }
0x61d: {  	v17 =	vor.u32 v17, v18  }
0x61e: {  	v18 =	vperm.xlane v17, v2;
	_ =	sdelay $0x1  }
0x61f: {  	v19 =	vperm.xlane v17, v4;
	v18 =	vadd.s32 v3, v18;
	_ =	sdelay $0x1  }
0x620: {  	v59 =	vperm.xlane v17, v5;
	v19 =	vadd.s32 v3, v19;
	_ =	sdelay $0x1  }
0x621: {  	s14 =	simm.s32 $0x6400;
	v60 =	vperm.xlane v17, v0;
	v20 =	vadd.s32 v3, v59  }
0x622: {  	[tilespmem:s14], [sflag:$0x2] =	stream.indirect_vreg.gather [hbm4b:s4+s2], $0x80, v18, vm0, $0xb8;
	[tilespmem:$0x19600] =	vst v63  }
0x623: {  	s13 =	simm.s32 $0x6480;
	v61 =	vperm.xlane v17, v6;
	v18 =	vadd.s32 v3, v60  }
0x624: {  	[tilespmem:s13], [sflag:$0x2] =	stream.indirect_vreg.gather [hbm4b:s4+s2], $0x80, v19, vm0, $0xb8;
	[tilespmem:$0x19600] =	vst v63  }
0x625: {  	v62 =	vperm.xlane v17, v7;
	s14 =	simm.s32 $0x6500;
	v19 =	vadd.s32 v3, v61  }
0x626: {  	[tilespmem:s14], [sflag:$0x2] =	stream.indirect_vreg.gather [hbm4b:s4+s2], $0x80, v20, vm0, $0xb8;
	[tilespmem:$0x19600] =	vst v63  }
0x627: {  	v24 =	vperm.xlane v17, v8;
	v63 =	vadd.s32 v3, v62;
	s13 =	simm.s32 $0x6580  }
0x628: {  	[tilespmem:s13], [sflag:$0x2] =	stream.indirect_vreg.gather [hbm4b:s4+s2], $0x80, v18, vm0, $0xb8;
	[tilespmem:$0x19600] =	vst v63  }
0x629: {  	v25 =	vperm.xlane v17, v1;
	s14 =	simm.s32 $0x6600;
	v18 =	vadd.s32 v3, v24  }
0x62a: {  	[tilespmem:s14], [sflag:$0x2] =	stream.indirect_vreg.gather [hbm4b:s4+s2], $0x80, v19, vm0, $0xb8;
	[tilespmem:$0x19600] =	vst v63  }
0x62b: {  	v26 =	vperm.xlane v17, v9;
	s13 =	simm.s32 $0x6680;
	v19 =	vadd.s32 v3, v25  }
0x62c: {  	[tilespmem:s13], [sflag:$0x2] =	stream.indirect_vreg.gather [hbm4b:s4+s2], $0x80, v63, vm0, $0xb8;
	[tilespmem:$0x19600] =	vst v63  }
0x62d: {  	v28 =	vperm.xlane v17, v10;
	v27 =	vadd.s32 v3, v26;
	s14 =	simm.s32 $0x6700  }
0x62e: {  	[tilespmem:s14], [sflag:$0x2] =	stream.indirect_vreg.gather [hbm4b:s4+s2], $0x80, v18, vm0, $0xb8;
	[tilespmem:$0x19600] =	vst v63  }
0x62f: {  	v29 =	vperm.xlane v17, v11;
	s13 =	simm.s32 $0x6780;
	v18 =	vadd.s32 v3, v28  }
0x630: {  	[tilespmem:s13], [sflag:$0x2] =	stream.indirect_vreg.gather [hbm4b:s4+s2], $0x80, v19, vm0, $0xb8;
	[tilespmem:$0x19600] =	vst v63  }
0x631: {  	v30 =	vperm.xlane v17, v12;
	s14 =	simm.s32 $0x6800;
	v19 =	vadd.s32 v3, v29  }
0x632: {  	[tilespmem:s14], [sflag:$0x2] =	stream.indirect_vreg.gather [hbm4b:s4+s2], $0x80, v27, vm0, $0xb8;
	[tilespmem:$0x19600] =	vst v63  }
0x633: {  	v32 =	vperm.xlane v17, v13;
	v31 =	vadd.s32 v3, v30;
	s13 =	simm.s32 $0x6880  }
0x634: {  	[tilespmem:s13], [sflag:$0x2] =	stream.indirect_vreg.gather [hbm4b:s4+s2], $0x80, v18, vm0, $0xb8;
	[tilespmem:$0x19600] =	vst v63  }
0x635: {  	v33 =	vperm.xlane v17, v14;
	s14 =	simm.s32 $0x6900;
	v18 =	vadd.s32 v3, v32  }
0x636: {  	[tilespmem:s14], [sflag:$0x2] =	stream.indirect_vreg.gather [hbm4b:s4+s2], $0x80, v19, vm0, $0xb8;
	[tilespmem:$0x19600] =	vst v63  }
0x637: {  	v34 =	vperm.xlane v17, v15;
	s13 =	simm.s32 $0x6980;
	v19 =	vadd.s32 v3, v33  }
0x638: {  	[tilespmem:s13], [sflag:$0x2] =	stream.indirect_vreg.gather [hbm4b:s4+s2], $0x80, v31, vm0, $0xb8;
	[tilespmem:$0x19600] =	vst v63  }
0x639: {  	v17 =	vperm.xlane v17, v16;
	v35 =	vadd.s32 v3, v34;
	s14 =	simm.s32 $0x6A00  }
0x63a: {  	[tilespmem:s14], [sflag:$0x2] =	stream.indirect_vreg.gather [hbm4b:s4+s2], $0x80, v18, vm0, $0xb8;
	[tilespmem:$0x19600] =	vst v63  }
0x63b: {  	v17 =	vadd.s32 v3, v17;
	s13 =	simm.s32 $0x6A80  }
0x63c: {  	[tilespmem:s13], [sflag:$0x2] =	stream.indirect_vreg.gather [hbm4b:s4+s2], $0x80, v19, vm0, $0xb8;
	[tilespmem:$0x19600] =	vst v63  }
0x63d: {  	s14 =	simm.s32 $0x6B00  }
0x63e: {  	[tilespmem:s14], [sflag:$0x2] =	stream.indirect_vreg.gather [hbm4b:s4+s2], $0x80, v35, vm0, $0xb8;
	[tilespmem:$0x19600] =	vst v63  }
0x63f: {  	s13 =	simm.s32 $0x6B80  }
0x640: {  	[tilespmem:s13], [sflag:$0x2] =	stream.indirect_vreg.gather [hbm4b:s4+s2], $0x80, v17, vm0, $0xb8;
	[tilespmem:$0x19600] =	vst v63  }
0x641: {  	v17 =	vld [tilespmem:s31+$0x2A0];
	_ =	sdelay $0x4  }
0x642: {  	v18 =	vshrl.u32 v17, $0x3  }
0x643: {  	v18 =	vmul.u32 $0x18, v18  }
0x644: {  	v17 =	vand.u32 $0x7, v17  }
0x645: {  	v17 =	vor.u32 v17, v18  }
0x646: {  	v18 =	vperm.xlane v17, v2;
	_ =	sdelay $0x1  }
0x647: {  	v19 =	vperm.xlane v17, v4;
	v18 =	vadd.s32 v3, v18;
	_ =	sdelay $0x1  }
0x648: {  	v36 =	vperm.xlane v17, v5;
	v19 =	vadd.s32 v3, v19;
	_ =	sdelay $0x1  }
0x649: {  	s14 =	simm.s32 $0x6C00;
	v37 =	vperm.xlane v17, v0;
	v20 =	vadd.s32 v3, v36  }
0x64a: {  	[tilespmem:s14], [sflag:$0x2] =	stream.indirect_vreg.gather [hbm4b:s4+s2], $0x80, v18, vm0, $0xb8;
	[tilespmem:$0x19600] =	vst v63  }
0x64b: {  	s13 =	simm.s32 $0x6C80;
	v38 =	vperm.xlane v17, v6;
	v18 =	vadd.s32 v3, v37  }
0x64c: {  	[tilespmem:s13], [sflag:$0x2] =	stream.indirect_vreg.gather [hbm4b:s4+s2], $0x80, v19, vm0, $0xb8;
	[tilespmem:$0x19600] =	vst v63  }
0x64d: {  	v39 =	vperm.xlane v17, v7;
	s14 =	simm.s32 $0x6D00;
	v19 =	vadd.s32 v3, v38  }
0x64e: {  	[tilespmem:s14], [sflag:$0x2] =	stream.indirect_vreg.gather [hbm4b:s4+s2], $0x80, v20, vm0, $0xb8;
	[tilespmem:$0x19600] =	vst v63  }
0x64f: {  	v41 =	vperm.xlane v17, v8;
	v40 =	vadd.s32 v3, v39;
	s13 =	simm.s32 $0x6D80  }
0x650: {  	[tilespmem:s13], [sflag:$0x2] =	stream.indirect_vreg.gather [hbm4b:s4+s2], $0x80, v18, vm0, $0xb8;
	[tilespmem:$0x19600] =	vst v63  }
0x651: {  	v42 =	vperm.xlane v17, v1;
	s14 =	simm.s32 $0x6E00;
	v18 =	vadd.s32 v3, v41  }
0x652: {  	[tilespmem:s14], [sflag:$0x2] =	stream.indirect_vreg.gather [hbm4b:s4+s2], $0x80, v19, vm0, $0xb8;
	[tilespmem:$0x19600] =	vst v63  }
0x653: {  	v43 =	vperm.xlane v17, v9;
	s13 =	simm.s32 $0x6E80;
	v19 =	vadd.s32 v3, v42  }
0x654: {  	[tilespmem:s13], [sflag:$0x2] =	stream.indirect_vreg.gather [hbm4b:s4+s2], $0x80, v40, vm0, $0xb8;
	[tilespmem:$0x19600] =	vst v63  }
0x655: {  	v45 =	vperm.xlane v17, v10;
	v44 =	vadd.s32 v3, v43;
	s14 =	simm.s32 $0x6F00  }
0x656: {  	[tilespmem:s14], [sflag:$0x2] =	stream.indirect_vreg.gather [hbm4b:s4+s2], $0x80, v18, vm0, $0xb8;
	[tilespmem:$0x19600] =	vst v63  }
0x657: {  	v46 =	vperm.xlane v17, v11;
	s13 =	simm.s32 $0x6F80;
	v18 =	vadd.s32 v3, v45  }
0x658: {  	[tilespmem:s13], [sflag:$0x2] =	stream.indirect_vreg.gather [hbm4b:s4+s2], $0x80, v19, vm0, $0xb8;
	[tilespmem:$0x19600] =	vst v63  }
0x659: {  	v47 =	vperm.xlane v17, v12;
	s14 =	simm.s32 $0x7000;
	v19 =	vadd.s32 v3, v46  }
0x65a: {  	[tilespmem:s14], [sflag:$0x2] =	stream.indirect_vreg.gather [hbm4b:s4+s2], $0x80, v44, vm0, $0xb8;
	[tilespmem:$0x19600] =	vst v63  }
0x65b: {  	v49 =	vperm.xlane v17, v13;
	v48 =	vadd.s32 v3, v47;
	s13 =	simm.s32 $0x7080  }
0x65c: {  	[tilespmem:s13], [sflag:$0x2] =	stream.indirect_vreg.gather [hbm4b:s4+s2], $0x80, v18, vm0, $0xb8;
	[tilespmem:$0x19600] =	vst v63  }
0x65d: {  	v50 =	vperm.xlane v17, v14;
	s14 =	simm.s32 $0x7100;
	v18 =	vadd.s32 v3, v49  }
0x65e: {  	[tilespmem:s14], [sflag:$0x2] =	stream.indirect_vreg.gather [hbm4b:s4+s2], $0x80, v19, vm0, $0xb8;
	[tilespmem:$0x19600] =	vst v63  }
0x65f: {  	v51 =	vperm.xlane v17, v15;
	s13 =	simm.s32 $0x7180;
	v19 =	vadd.s32 v3, v50  }
0x660: {  	[tilespmem:s13], [sflag:$0x2] =	stream.indirect_vreg.gather [hbm4b:s4+s2], $0x80, v48, vm0, $0xb8;
	[tilespmem:$0x19600] =	vst v63  }
0x661: {  	v17 =	vperm.xlane v17, v16;
	v52 =	vadd.s32 v3, v51;
	s14 =	simm.s32 $0x7200  }
0x662: {  	[tilespmem:s14], [sflag:$0x2] =	stream.indirect_vreg.gather [hbm4b:s4+s2], $0x80, v18, vm0, $0xb8;
	[tilespmem:$0x19600] =	vst v63  }
0x663: {  	v17 =	vadd.s32 v3, v17;
	s13 =	simm.s32 $0x7280  }
0x664: {  	[tilespmem:s13], [sflag:$0x2] =	stream.indirect_vreg.gather [hbm4b:s4+s2], $0x80, v19, vm0, $0xb8;
	[tilespmem:$0x19600] =	vst v63  }
0x665: {  	s14 =	simm.s32 $0x7300  }
0x666: {  	[tilespmem:s14], [sflag:$0x2] =	stream.indirect_vreg.gather [hbm4b:s4+s2], $0x80, v52, vm0, $0xb8;
	[tilespmem:$0x19600] =	vst v63  }
0x667: {  	s13 =	simm.s32 $0x7380  }
0x668: {  	[tilespmem:s13], [sflag:$0x2] =	stream.indirect_vreg.gather [hbm4b:s4+s2], $0x80, v17, vm0, $0xb8;
	[tilespmem:$0x19600] =	vst v63  }
0x669: {  	v17 =	vld.msk [tilespmem:s31+$0x2B0], $0x3;
	_ =	sdelay $0x4  }
0x66a: {  	v18 =	vshrl.u32 v17, $0x3  }
0x66b: {  	v18 =	vmul.u32 $0x18, v18  }
0x66c: {  	v17 =	vand.u32 $0x7, v17  }
0x66d: {  	v17 =	vor.u32 v17, v18  }
0x66e: {  	v18 =	vperm.xlane v17, v2;
	_ =	sdelay $0x1  }
0x66f: {  	v17 =	vperm.xlane v17, v4;
	v18 =	vadd.s32 v3, v18;
	_ =	sdelay $0x1  }
0x670: {  	v17 =	vadd.s32 v3, v17;
	_ =	sdelay $0x1  }
0x671: {  	s14 =	simm.s32 $0x7400  }
0x672: {  	[tilespmem:s14], [sflag:$0x2] =	stream.indirect_vreg.gather [hbm4b:s4+s2], $0x80, v18, vm0, $0xb8;
	[tilespmem:$0x19600] =	vst v63  }
0x673: {  	s13 =	simm.s32 $0x7480  }
0x674: {  	[tilespmem:s13], [sflag:$0x2] =	stream.indirect_vreg.gather [hbm4b:s4+s2], $0x80, v17, vm0, $0xb8;
	[tilespmem:$0x19600] =	vst v63  }
0x675: {  	v17 =	vld [tilespmem:s31+$0x280];
	_ =	sdelay $0x4  }
0x676: {  	v18 =	vshrl.u32 v17, $0x3  }
0x677: {  	v18 =	vmul.u32 $0x18, v18  }
0x678: {  	v17 =	vand.u32 $0x7, v17  }
0x679: {  	v17 =	vor.u32 v17, v18  }
0x67a: {  	v18 =	vperm.xlane v17, v2;
	_ =	sdelay $0x1  }
0x67b: {  	v19 =	vperm.xlane v17, v4;
	v18 =	vadd.s32 v3, v18;
	_ =	sdelay $0x1  }
0x67c: {  	v53 =	vperm.xlane v17, v5;
	v19 =	vadd.s32 v3, v19;
	_ =	sdelay $0x1  }
0x67d: {  	s14 =	simm.s32 $0xCC00;
	v54 =	vperm.xlane v17, v0;
	v20 =	vadd.s32 v3, v53  }
0x67e: {  	[tilespmem:s14], [sflag:$0x2] =	stream.indirect_vreg.gather [hbm4b:s8+s2], $0x80, v18, vm0, $0xb8;
	[tilespmem:$0x19600] =	vst v63  }
0x67f: {  	s13 =	simm.s32 $0xCC80;
	v55 =	vperm.xlane v17, v6;
	v18 =	vadd.s32 v3, v54  }
0x680: {  	[tilespmem:s13], [sflag:$0x2] =	stream.indirect_vreg.gather [hbm4b:s8+s2], $0x80, v19, vm0, $0xb8;
	[tilespmem:$0x19600] =	vst v63  }
0x681: {  	v56 =	vperm.xlane v17, v7;
	s14 =	simm.s32 $0xCD00;
	v19 =	vadd.s32 v3, v55  }
0x682: {  	[tilespmem:s14], [sflag:$0x2] =	stream.indirect_vreg.gather [hbm4b:s8+s2], $0x80, v20, vm0, $0xb8;
	[tilespmem:$0x19600] =	vst v63  }
0x683: {  	v58 =	vperm.xlane v17, v8;
	v57 =	vadd.s32 v3, v56;
	s13 =	simm.s32 $0xCD80  }
0x684: {  	[tilespmem:s13], [sflag:$0x2] =	stream.indirect_vreg.gather [hbm4b:s8+s2], $0x80, v18, vm0, $0xb8;
	[tilespmem:$0x19600] =	vst v63  }
0x685: {  	v59 =	vperm.xlane v17, v1;
	s14 =	simm.s32 $0xCE00;
	v18 =	vadd.s32 v3, v58  }
0x686: {  	[tilespmem:s14], [sflag:$0x2] =	stream.indirect_vreg.gather [hbm4b:s8+s2], $0x80, v19, vm0, $0xb8;
	[tilespmem:$0x19600] =	vst v63  }
0x687: {  	v60 =	vperm.xlane v17, v9;
	s13 =	simm.s32 $0xCE80;
	v19 =	vadd.s32 v3, v59  }
0x688: {  	[tilespmem:s13], [sflag:$0x2] =	stream.indirect_vreg.gather [hbm4b:s8+s2], $0x80, v57, vm0, $0xb8;
	[tilespmem:$0x19600] =	vst v63  }
0x689: {  	v62 =	vperm.xlane v17, v10;
	v61 =	vadd.s32 v3, v60;
	s14 =	simm.s32 $0xCF00  }
0x68a: {  	[tilespmem:s14], [sflag:$0x2] =	stream.indirect_vreg.gather [hbm4b:s8+s2], $0x80, v18, vm0, $0xb8;
	[tilespmem:$0x19600] =	vst v63  }
0x68b: {  	v63 =	vperm.xlane v17, v11;
	s13 =	simm.s32 $0xCF80;
	v18 =	vadd.s32 v3, v62  }
0x68c: {  	[tilespmem:s13], [sflag:$0x2] =	stream.indirect_vreg.gather [hbm4b:s8+s2], $0x80, v19, vm0, $0xb8;
	[tilespmem:$0x19600] =	vst v63  }
0x68d: {  	v24 =	vperm.xlane v17, v12;
	s14 =	simm.s32 $0xD000;
	v19 =	vadd.s32 v3, v63  }
0x68e: {  	[tilespmem:s14], [sflag:$0x2] =	stream.indirect_vreg.gather [hbm4b:s8+s2], $0x80, v61, vm0, $0xb8;
	[tilespmem:$0x19600] =	vst v63  }
0x68f: {  	v26 =	vperm.xlane v17, v13;
	v25 =	vadd.s32 v3, v24;
	s13 =	simm.s32 $0xD080  }
0x690: {  	[tilespmem:s13], [sflag:$0x2] =	stream.indirect_vreg.gather [hbm4b:s8+s2], $0x80, v18, vm0, $0xb8;
	[tilespmem:$0x19600] =	vst v63  }
0x691: {  	v27 =	vperm.xlane v17, v14;
	s14 =	simm.s32 $0xD100;
	v18 =	vadd.s32 v3, v26  }
0x692: {  	[tilespmem:s14], [sflag:$0x2] =	stream.indirect_vreg.gather [hbm4b:s8+s2], $0x80, v19, vm0, $0xb8;
	[tilespmem:$0x19600] =	vst v63  }
0x693: {  	v28 =	vperm.xlane v17, v15;
	s13 =	simm.s32 $0xD180;
	v19 =	vadd.s32 v3, v27  }
0x694: {  	[tilespmem:s13], [sflag:$0x2] =	stream.indirect_vreg.gather [hbm4b:s8+s2], $0x80, v25, vm0, $0xb8;
	[tilespmem:$0x19600] =	vst v63  }
0x695: {  	v17 =	vperm.xlane v17, v16;
	v29 =	vadd.s32 v3, v28;
	s14 =	simm.s32 $0xD200  }
0x696: {  	[tilespmem:s14], [sflag:$0x2] =	stream.indirect_vreg.gather [hbm4b:s8+s2], $0x80, v18, vm0, $0xb8;
	[tilespmem:$0x19600] =	vst v63  }
0x697: {  	v17 =	vadd.s32 v3, v17;
	s13 =	simm.s32 $0xD280  }
0x698: {  	[tilespmem:s13], [sflag:$0x2] =	stream.indirect_vreg.gather [hbm4b:s8+s2], $0x80, v19, vm0, $0xb8;
	[tilespmem:$0x19600] =	vst v63  }
0x699: {  	s14 =	simm.s32 $0xD300  }
0x69a: {  	[tilespmem:s14], [sflag:$0x2] =	stream.indirect_vreg.gather [hbm4b:s8+s2], $0x80, v29, vm0, $0xb8;
	[tilespmem:$0x19600] =	vst v63  }
0x69b: {  	s13 =	simm.s32 $0xD380  }
0x69c: {  	[tilespmem:s13], [sflag:$0x2] =	stream.indirect_vreg.gather [hbm4b:s8+s2], $0x80, v17, vm0, $0xb8;
	[tilespmem:$0x19600] =	vst v63  }
0x69d: {  	v17 =	vld [tilespmem:s31+$0x290];
	_ =	sdelay $0x4  }
0x69e: {  	v18 =	vshrl.u32 v17, $0x3  }
0x69f: {  	v18 =	vmul.u32 $0x18, v18  }
0x6a0: {  	v17 =	vand.u32 $0x7, v17  }
0x6a1: {  	v17 =	vor.u32 v17, v18  }
0x6a2: {  	v18 =	vperm.xlane v17, v2;
	_ =	sdelay $0x1  }
0x6a3: {  	v19 =	vperm.xlane v17, v4;
	v18 =	vadd.s32 v3, v18;
	_ =	sdelay $0x1  }
0x6a4: {  	v30 =	vperm.xlane v17, v5;
	v19 =	vadd.s32 v3, v19;
	_ =	sdelay $0x1  }
0x6a5: {  	s14 =	simm.s32 $0xD400;
	v31 =	vperm.xlane v17, v0;
	v20 =	vadd.s32 v3, v30  }
0x6a6: {  	[tilespmem:s14], [sflag:$0x2] =	stream.indirect_vreg.gather [hbm4b:s8+s2], $0x80, v18, vm0, $0xb8;
	[tilespmem:$0x19600] =	vst v63  }
0x6a7: {  	s13 =	simm.s32 $0xD480;
	v32 =	vperm.xlane v17, v6;
	v18 =	vadd.s32 v3, v31  }
0x6a8: {  	[tilespmem:s13], [sflag:$0x2] =	stream.indirect_vreg.gather [hbm4b:s8+s2], $0x80, v19, vm0, $0xb8;
	[tilespmem:$0x19600] =	vst v63  }
0x6a9: {  	v33 =	vperm.xlane v17, v7;
	s14 =	simm.s32 $0xD500;
	v19 =	vadd.s32 v3, v32  }
0x6aa: {  	[tilespmem:s14], [sflag:$0x2] =	stream.indirect_vreg.gather [hbm4b:s8+s2], $0x80, v20, vm0, $0xb8;
	[tilespmem:$0x19600] =	vst v63  }
0x6ab: {  	v35 =	vperm.xlane v17, v8;
	v34 =	vadd.s32 v3, v33;
	s13 =	simm.s32 $0xD580  }
0x6ac: {  	[tilespmem:s13], [sflag:$0x2] =	stream.indirect_vreg.gather [hbm4b:s8+s2], $0x80, v18, vm0, $0xb8;
	[tilespmem:$0x19600] =	vst v63  }
0x6ad: {  	v36 =	vperm.xlane v17, v1;
	s14 =	simm.s32 $0xD600;
	v18 =	vadd.s32 v3, v35  }
0x6ae: {  	[tilespmem:s14], [sflag:$0x2] =	stream.indirect_vreg.gather [hbm4b:s8+s2], $0x80, v19, vm0, $0xb8;
	[tilespmem:$0x19600] =	vst v63  }
0x6af: {  	v37 =	vperm.xlane v17, v9;
	s13 =	simm.s32 $0xD680;
	v19 =	vadd.s32 v3, v36  }
0x6b0: {  	[tilespmem:s13], [sflag:$0x2] =	stream.indirect_vreg.gather [hbm4b:s8+s2], $0x80, v34, vm0, $0xb8;
	[tilespmem:$0x19600] =	vst v63  }
0x6b1: {  	v39 =	vperm.xlane v17, v10;
	v38 =	vadd.s32 v3, v37;
	s14 =	simm.s32 $0xD700  }
0x6b2: {  	[tilespmem:s14], [sflag:$0x2] =	stream.indirect_vreg.gather [hbm4b:s8+s2], $0x80, v18, vm0, $0xb8;
	[tilespmem:$0x19600] =	vst v63  }
0x6b3: {  	v40 =	vperm.xlane v17, v11;
	s13 =	simm.s32 $0xD780;
	v18 =	vadd.s32 v3, v39  }
0x6b4: {  	[tilespmem:s13], [sflag:$0x2] =	stream.indirect_vreg.gather [hbm4b:s8+s2], $0x80, v19, vm0, $0xb8;
	[tilespmem:$0x19600] =	vst v63  }
0x6b5: {  	v41 =	vperm.xlane v17, v12;
	s14 =	simm.s32 $0xD800;
	v19 =	vadd.s32 v3, v40  }
0x6b6: {  	[tilespmem:s14], [sflag:$0x2] =	stream.indirect_vreg.gather [hbm4b:s8+s2], $0x80, v38, vm0, $0xb8;
	[tilespmem:$0x19600] =	vst v63  }
0x6b7: {  	v43 =	vperm.xlane v17, v13;
	v42 =	vadd.s32 v3, v41;
	s13 =	simm.s32 $0xD880  }
0x6b8: {  	[tilespmem:s13], [sflag:$0x2] =	stream.indirect_vreg.gather [hbm4b:s8+s2], $0x80, v18, vm0, $0xb8;
	[tilespmem:$0x19600] =	vst v63  }
0x6b9: {  	v44 =	vperm.xlane v17, v14;
	s14 =	simm.s32 $0xD900;
	v18 =	vadd.s32 v3, v43  }
0x6ba: {  	[tilespmem:s14], [sflag:$0x2] =	stream.indirect_vreg.gather [hbm4b:s8+s2], $0x80, v19, vm0, $0xb8;
	[tilespmem:$0x19600] =	vst v63  }
0x6bb: {  	v45 =	vperm.xlane v17, v15;
	s13 =	simm.s32 $0xD980;
	v19 =	vadd.s32 v3, v44  }
0x6bc: {  	[tilespmem:s13], [sflag:$0x2] =	stream.indirect_vreg.gather [hbm4b:s8+s2], $0x80, v42, vm0, $0xb8;
	[tilespmem:$0x19600] =	vst v63  }
0x6bd: {  	v17 =	vperm.xlane v17, v16;
	v46 =	vadd.s32 v3, v45;
	s14 =	simm.s32 $0xDA00  }
0x6be: {  	[tilespmem:s14], [sflag:$0x2] =	stream.indirect_vreg.gather [hbm4b:s8+s2], $0x80, v18, vm0, $0xb8;
	[tilespmem:$0x19600] =	vst v63  }
0x6bf: {  	v17 =	vadd.s32 v3, v17;
	s13 =	simm.s32 $0xDA80  }
0x6c0: {  	[tilespmem:s13], [sflag:$0x2] =	stream.indirect_vreg.gather [hbm4b:s8+s2], $0x80, v19, vm0, $0xb8;
	[tilespmem:$0x19600] =	vst v63  }
0x6c1: {  	s14 =	simm.s32 $0xDB00  }
0x6c2: {  	[tilespmem:s14], [sflag:$0x2] =	stream.indirect_vreg.gather [hbm4b:s8+s2], $0x80, v46, vm0, $0xb8;
	[tilespmem:$0x19600] =	vst v63  }
0x6c3: {  	s13 =	simm.s32 $0xDB80  }
0x6c4: {  	[tilespmem:s13], [sflag:$0x2] =	stream.indirect_vreg.gather [hbm4b:s8+s2], $0x80, v17, vm0, $0xb8;
	[tilespmem:$0x19600] =	vst v63  }
0x6c5: {  	v17 =	vld [tilespmem:s31+$0x2A0];
	_ =	sdelay $0x4  }
0x6c6: {  	v18 =	vshrl.u32 v17, $0x3  }
0x6c7: {  	v18 =	vmul.u32 $0x18, v18  }
0x6c8: {  	v17 =	vand.u32 $0x7, v17  }
0x6c9: {  	v17 =	vor.u32 v17, v18  }
0x6ca: {  	v18 =	vperm.xlane v17, v2;
	_ =	sdelay $0x1  }
0x6cb: {  	v19 =	vperm.xlane v17, v4;
	v18 =	vadd.s32 v3, v18;
	_ =	sdelay $0x1  }
0x6cc: {  	v47 =	vperm.xlane v17, v5;
	v19 =	vadd.s32 v3, v19;
	_ =	sdelay $0x1  }
0x6cd: {  	s14 =	simm.s32 $0xDC00;
	v48 =	vperm.xlane v17, v0;
	v20 =	vadd.s32 v3, v47  }
0x6ce: {  	[tilespmem:s14], [sflag:$0x2] =	stream.indirect_vreg.gather [hbm4b:s8+s2], $0x80, v18, vm0, $0xb8;
	[tilespmem:$0x19600] =	vst v63  }
0x6cf: {  	s13 =	simm.s32 $0xDC80;
	v49 =	vperm.xlane v17, v6;
	v18 =	vadd.s32 v3, v48  }
0x6d0: {  	[tilespmem:s13], [sflag:$0x2] =	stream.indirect_vreg.gather [hbm4b:s8+s2], $0x80, v19, vm0, $0xb8;
	[tilespmem:$0x19600] =	vst v63  }
0x6d1: {  	v50 =	vperm.xlane v17, v7;
	s14 =	simm.s32 $0xDD00;
	v19 =	vadd.s32 v3, v49  }
0x6d2: {  	[tilespmem:s14], [sflag:$0x2] =	stream.indirect_vreg.gather [hbm4b:s8+s2], $0x80, v20, vm0, $0xb8;
	[tilespmem:$0x19600] =	vst v63  }
0x6d3: {  	v52 =	vperm.xlane v17, v8;
	v51 =	vadd.s32 v3, v50;
	s13 =	simm.s32 $0xDD80  }
0x6d4: {  	[tilespmem:s13], [sflag:$0x2] =	stream.indirect_vreg.gather [hbm4b:s8+s2], $0x80, v18, vm0, $0xb8;
	[tilespmem:$0x19600] =	vst v63  }
0x6d5: {  	v53 =	vperm.xlane v17, v1;
	s14 =	simm.s32 $0xDE00;
	v18 =	vadd.s32 v3, v52  }
0x6d6: {  	[tilespmem:s14], [sflag:$0x2] =	stream.indirect_vreg.gather [hbm4b:s8+s2], $0x80, v19, vm0, $0xb8;
	[tilespmem:$0x19600] =	vst v63  }
0x6d7: {  	v54 =	vperm.xlane v17, v9;
	s13 =	simm.s32 $0xDE80;
	v19 =	vadd.s32 v3, v53  }
0x6d8: {  	[tilespmem:s13], [sflag:$0x2] =	stream.indirect_vreg.gather [hbm4b:s8+s2], $0x80, v51, vm0, $0xb8;
	[tilespmem:$0x19600] =	vst v63  }
0x6d9: {  	v56 =	vperm.xlane v17, v10;
	v55 =	vadd.s32 v3, v54;
	s14 =	simm.s32 $0xDF00  }
0x6da: {  	[tilespmem:s14], [sflag:$0x2] =	stream.indirect_vreg.gather [hbm4b:s8+s2], $0x80, v18, vm0, $0xb8;
	[tilespmem:$0x19600] =	vst v63  }
0x6db: {  	v57 =	vperm.xlane v17, v11;
	s13 =	simm.s32 $0xDF80;
	v18 =	vadd.s32 v3, v56  }
0x6dc: {  	[tilespmem:s13], [sflag:$0x2] =	stream.indirect_vreg.gather [hbm4b:s8+s2], $0x80, v19, vm0, $0xb8;
	[tilespmem:$0x19600] =	vst v63  }
0x6dd: {  	v58 =	vperm.xlane v17, v12;
	s14 =	simm.s32 $0xE000;
	v19 =	vadd.s32 v3, v57  }
0x6de: {  	[tilespmem:s14], [sflag:$0x2] =	stream.indirect_vreg.gather [hbm4b:s8+s2], $0x80, v55, vm0, $0xb8;
	[tilespmem:$0x19600] =	vst v63  }
0x6df: {  	v60 =	vperm.xlane v17, v13;
	v59 =	vadd.s32 v3, v58;
	s13 =	simm.s32 $0xE080  }
0x6e0: {  	[tilespmem:s13], [sflag:$0x2] =	stream.indirect_vreg.gather [hbm4b:s8+s2], $0x80, v18, vm0, $0xb8;
	[tilespmem:$0x19600] =	vst v63  }
0x6e1: {  	v61 =	vperm.xlane v17, v14;
	s14 =	simm.s32 $0xE100;
	v18 =	vadd.s32 v3, v60  }
0x6e2: {  	[tilespmem:s14], [sflag:$0x2] =	stream.indirect_vreg.gather [hbm4b:s8+s2], $0x80, v19, vm0, $0xb8;
	[tilespmem:$0x19600] =	vst v63  }
0x6e3: {  	v62 =	vperm.xlane v17, v15;
	s13 =	simm.s32 $0xE180;
	v19 =	vadd.s32 v3, v61  }
0x6e4: {  	[tilespmem:s13], [sflag:$0x2] =	stream.indirect_vreg.gather [hbm4b:s8+s2], $0x80, v59, vm0, $0xb8;
	[tilespmem:$0x19600] =	vst v63  }
0x6e5: {  	v17 =	vperm.xlane v17, v16;
	v63 =	vadd.s32 v3, v62;
	s14 =	simm.s32 $0xE200  }
0x6e6: {  	[tilespmem:s14], [sflag:$0x2] =	stream.indirect_vreg.gather [hbm4b:s8+s2], $0x80, v18, vm0, $0xb8;
	[tilespmem:$0x19600] =	vst v63  }
0x6e7: {  	v17 =	vadd.s32 v3, v17;
	s13 =	simm.s32 $0xE280  }
0x6e8: {  	[tilespmem:s13], [sflag:$0x2] =	stream.indirect_vreg.gather [hbm4b:s8+s2], $0x80, v19, vm0, $0xb8;
	[tilespmem:$0x19600] =	vst v63  }
0x6e9: {  	s14 =	simm.s32 $0xE300  }
0x6ea: {  	[tilespmem:s14], [sflag:$0x2] =	stream.indirect_vreg.gather [hbm4b:s8+s2], $0x80, v63, vm0, $0xb8;
	[tilespmem:$0x19600] =	vst v63  }
0x6eb: {  	s13 =	simm.s32 $0xE380  }
0x6ec: {  	[tilespmem:s13], [sflag:$0x2] =	stream.indirect_vreg.gather [hbm4b:s8+s2], $0x80, v17, vm0, $0xb8;
	[tilespmem:$0x19600] =	vst v63  }
0x6ed: {  	v17 =	vld.msk [tilespmem:s31+$0x2B0], $0x3;
	_ =	sdelay $0x4  }
0x6ee: {  	v18 =	vshrl.u32 v17, $0x3  }
0x6ef: {  	v18 =	vmul.u32 $0x18, v18  }
0x6f0: {  	v17 =	vand.u32 $0x7, v17  }
0x6f1: {  	v17 =	vor.u32 v17, v18  }
0x6f2: {  	v18 =	vperm.xlane v17, v2;
	_ =	sdelay $0x1  }
0x6f3: {  	v17 =	vperm.xlane v17, v4;
	v18 =	vadd.s32 v3, v18;
	_ =	sdelay $0x1  }
0x6f4: {  	v17 =	vadd.s32 v3, v17;
	_ =	sdelay $0x1  }
0x6f5: {  	s14 =	simm.s32 $0xE400  }
0x6f6: {  	[tilespmem:s14], [sflag:$0x2] =	stream.indirect_vreg.gather [hbm4b:s8+s2], $0x80, v18, vm0, $0xb8;
	[tilespmem:$0x19600] =	vst v63  }
0x6f7: {  	s13 =	simm.s32 $0xE480  }
0x6f8: {  	[tilespmem:s13], [sflag:$0x2] =	stream.indirect_vreg.gather [hbm4b:s8+s2], $0x80, v17, vm0, $0xb8;
	[tilespmem:$0x19600] =	vst v63  }
0x6f9: {  	s14 =	sadd.s32 $0x280, s31;
	s13 =	simm.s32 $0x13C00  }
0x6fa: {  	[tilespmem:s13], [sflag:$0x2] =	stream.indirect.gather [hbm4b:s5+s15], $0x80, s14, s15, $0xb8;
	[tilespmem:$0x19600] =	vst v63  }
.LBB2_10:
0x6fb: {  	_ =	swait.ge [sflag:s7], $0x1900  }
0x6fc: {  	[sflag:s7] =	ssyncset.done $0x0  }
0x6fd: {  	[sflag:s7] =	ssyncadd.s32 $0xFFFFE700  }
0x6fe: {  	_ =	swait.ge [sflag:s7], $0x1900  }
0x6ff: {  	[sflag:s7] =	ssyncset.done $0x0  }
0x700: {  	[sflag:s7] =	ssyncadd.s32 $0xFFFFE700  }
0x701: {  	_ =	swait.ge [sflag:s7], $0x1900  }
0x702: {  	[sflag:s7] =	ssyncset.done $0x0  }
0x703: {  	s14 =	simm.s32 $0x0;
	[sflag:s7] =	ssyncadd.s32 $0xFFFFE700  }
0x704: {  	v17 =	vld [tilespmem:s14+$0x15820]  }
0x705: {  	v19 =	vld [tilespmem:s14+$0x7800]  }
0x706: {  	v20 =	vld [tilespmem:s14+$0x7810]  }
0x707: {  	v21 =	vld [tilespmem:s14+$0x7820]  }
0x708: {  	v22 =	vld [tilespmem:s14+$0x7830]  }
0x709: {  	v23 =	vld [tilespmem:s14+$0x7840]  }
0x70a: {  	v24 =	vld [tilespmem:s14+$0x7850]  }
0x70b: {  	v25 =	vld [tilespmem:s14+$0x7860]  }
0x70c: {  	v26 =	vld [tilespmem:s14+$0x7870]  }
0x70d: {  	v27 =	vld [tilespmem:s14+$0xE800]  }
0x70e: {  	v18 =	vimm.f32 $0.0e+00;
	v36 =	vld [tilespmem:s14+$0xE810]  }
0x70f: {  	v37 =	vld [tilespmem:s14+$0xE820];
	v17 =	vadd.f32 v17, v18;
	v34 =	vadd.f32 v19, v18  }
0x710: {  	v19 =	vld [tilespmem:s14+$0xE830];
	v35 =	vadd.f32 v20, v18;
	v33 =	vadd.f32 v21, v18  }
0x711: {  	v20 =	vld [tilespmem:s14+$0xE840];
	v32 =	vadd.f32 v22, v18;
	v31 =	vadd.f32 v23, v18  }
0x712: {  	v40 =	vld [tilespmem:s14+$0xE850];
	v30 =	vadd.f32 v24, v18;
	v29 =	vadd.f32 v25, v18  }
0x713: {  	v39 =	vld [tilespmem:s14+$0xE860];
	v28 =	vadd.f32 v26, v18;
	v27 =	vadd.f32 v27, v18  }
0x714: {  	v38 =	vld [tilespmem:s14+$0xE870];
	v26 =	vadd.f32 v36, v18;
	v25 =	vadd.f32 v37, v18  }
0x715: {  	v36 =	vld [tilespmem:s14+$0x15800];
	v22 =	vimm.f32 $0.0e+00;
	v23 =	vimm.f32 $0.0e+00;
	v24 =	vadd.f32 v19, v18  }
0x716: {  	s12 =	simm.s32 $0x80;
	s13 =	simm.s32 $0x400;
	v37 =	vld [tilespmem:s14+$0x15810];
	v21 =	vadd.f32 v20, v18;
	v20 =	vimm.f32 $0.0e+00;
	v19 =	vimm.f32 $0.0e+00  }
.LBB2_11:
0x717: {  	p1 =	sne.s32 s13, $0x6200;
	v41 =	vld [tilespmem:s12+$0x15820];
	v18 =	vadd.f32 v40, v18  }
0x718: {  	v40 =	vld [tilespmem:s12+$0x7800];
	v22 =	vadd.f32 v39, v22  }
0x719: {  	v39 =	vld [tilespmem:s12+$0x7810];
	v23 =	vadd.f32 v38, v23  }
0x71a: {  	v38 =	vld [tilespmem:s12+$0x7820];
	v20 =	vadd.f32 v36, v20  }
0x71b: {  	v36 =	vld [tilespmem:s12+$0x7830];
	v19 =	vadd.f32 v37, v19  }
0x71c: {  	v37 =	vld [tilespmem:s12+$0x7840];
	v17 =	vadd.f32 v41, v17  }
0x71d: {  	v34 =	vadd.f32 v40, v34;
	v40 =	vld [tilespmem:s12+$0x7850]  }
0x71e: {  	v35 =	vadd.f32 v39, v35;
	v39 =	vld [tilespmem:s12+$0x7860]  }
0x71f: {  	v33 =	vadd.f32 v38, v33;
	v38 =	vld [tilespmem:s12+$0x7870]  }
0x720: {  	v32 =	vadd.f32 v36, v32;
	v36 =	vld [tilespmem:s12+$0xE800]  }
0x721: {  	v31 =	vadd.f32 v37, v31;
	v37 =	vld [tilespmem:s12+$0xE810]  }
0x722: {  	v30 =	vadd.f32 v40, v30;
	v41 =	vld [tilespmem:s12+$0xE820]  }
0x723: {  	v29 =	vadd.f32 v39, v29;
	v42 =	vld [tilespmem:s12+$0xE830]  }
0x724: {  	v28 =	vadd.f32 v38, v28;
	v43 =	vld [tilespmem:s12+$0xE840]  }
.Ltmp4:
0x725: {  	v27 =	vadd.f32 v36, v27;
	v40 =	vld [tilespmem:s12+$0xE850];
	(pc) =	sbr.rel @p1 .LBB2_11-.Ltmp4, $4  }
0x726: {  	v26 =	vadd.f32 v37, v26;
	v39 =	vld [tilespmem:s12+$0xE860]  }
0x727: {  	v25 =	vadd.f32 v41, v25;
	v38 =	vld [tilespmem:s12+$0xE870]  }
0x728: {  	v24 =	vadd.f32 v42, v24;
	v36 =	vld [tilespmem:s12+$0x15800]  }
0x729: {  	v21 =	vadd.f32 v43, v21;
	v37 =	vld [tilespmem:s12+$0x15810];
	s12 =	sshra.s32 s13, $0x2;
	s13 =	sadd.s32 $0x200, s13  }
0x72a: {  	v41 =	vld [tilespmem:s12+$0x15820]  }
0x72b: {  	v42 =	vld [tilespmem:s12+$0x7800]  }
0x72c: {  	v43 =	vld [tilespmem:s12+$0x7810]  }
0x72d: {  	v44 =	vld [tilespmem:s12+$0x7820]  }
0x72e: {  	v45 =	vld [tilespmem:s12+$0x7830]  }
0x72f: {  	v46 =	vld [tilespmem:s12+$0x7840]  }
0x730: {  	v47 =	vld [tilespmem:s12+$0x7850]  }
0x731: {  	v48 =	vld [tilespmem:s12+$0x7860]  }
0x732: {  	v49 =	vld [tilespmem:s12+$0x7870]  }
0x733: {  	v50 =	vld [tilespmem:s12+$0xE800]  }
0x734: {  	v51 =	vld [tilespmem:s12+$0xE810]  }
0x735: {  	v52 =	vld [tilespmem:s12+$0xE820]  }
0x736: {  	v53 =	vld [tilespmem:s12+$0xE830]  }
0x737: {  	v54 =	vld [tilespmem:s12+$0xE840]  }
0x738: {  	v55 =	vld [tilespmem:s12+$0xE850];
	v34 =	vadd.f32 v42, v34  }
0x739: {  	v59 =	vld [tilespmem:s12+$0xE860];
	v35 =	vadd.f32 v43, v35  }
0x73a: {  	v60 =	vld [tilespmem:s12+$0xE870];
	v33 =	vadd.f32 v44, v33;
	v34 =	vmul.f32 $1.999999960e-02, v34  }
0x73b: {  	v61 =	vld [tilespmem:s12+$0x15800];
	v32 =	vadd.f32 v45, v32;
	v35 =	vmul.f32 $1.999999960e-02, v35  }
0x73c: {  	v62 =	vld [tilespmem:s12+$0x15810];
	v31 =	vadd.f32 v46, v31;
	v33 =	vmul.f32 $1.999999960e-02, v33;
	[tilespmem:$0x19100] =	vst v34  }
0x73d: {  	v30 =	vadd.f32 v47, v30;
	v32 =	vmul.f32 $1.999999960e-02, v32;
	[tilespmem:$0x19110] =	vst v35  }
0x73e: {  	v29 =	vadd.f32 v48, v29;
	v31 =	vmul.f32 $1.999999960e-02, v31;
	[tilespmem:$0x19120] =	vst v33  }
0x73f: {  	v28 =	vadd.f32 v49, v28;
	v30 =	vmul.f32 $1.999999960e-02, v30;
	[tilespmem:$0x19130] =	vst v32  }
0x740: {  	v27 =	vadd.f32 v50, v27;
	v29 =	vmul.f32 $1.999999960e-02, v29;
	[tilespmem:$0x19140] =	vst v31  }
0x741: {  	v26 =	vadd.f32 v51, v26;
	v28 =	vmul.f32 $1.999999960e-02, v28;
	[tilespmem:$0x19150] =	vst v30  }
0x742: {  	v25 =	vadd.f32 v52, v25;
	v27 =	vmul.f32 $1.999999960e-02, v27;
	[tilespmem:$0x19160] =	vst v29  }
0x743: {  	v18 =	vadd.f32 v40, v18;
	v24 =	vadd.f32 v53, v24;
	v26 =	vmul.f32 $1.999999960e-02, v26;
	[tilespmem:$0x19170] =	vst v28  }
0x744: {  	v22 =	vadd.f32 v39, v22;
	v21 =	vadd.f32 v54, v21;
	v25 =	vmul.f32 $1.999999960e-02, v25;
	[tilespmem:$0x19300] =	vst v27  }
0x745: {  	v20 =	vadd.f32 v36, v20;
	v18 =	vadd.f32 v55, v18;
	v24 =	vmul.f32 $1.999999960e-02, v24;
	[tilespmem:$0x19310] =	vst v26  }
0x746: {  	v23 =	vadd.f32 v38, v23;
	v22 =	vadd.f32 v59, v22;
	v21 =	vmul.f32 $1.999999960e-02, v21;
	[tilespmem:$0x19320] =	vst v25  }
0x747: {  	v20 =	vadd.f32 v61, v20;
	v18 =	vmul.f32 $1.999999960e-02, v18;
	[tilespmem:$0x19330] =	vst v24  }
0x748: {  	v19 =	vadd.f32 v37, v19;
	v23 =	vadd.f32 v60, v23;
	v63 =	vmul.f32 $1.999999960e-02, v22;
	[tilespmem:$0x19340] =	vst v21  }
0x749: {  	v17 =	vadd.f32 v41, v17;
	v20 =	vmul.f32 $1.999999960e-02, v20;
	[tilespmem:$0x19350] =	vst v18  }
.Ltmp5:
0x74a: {  	v19 =	vadd.f32 v62, v19;
	v18 =	vmul.f32 $1.999999960e-02, v23;
	[tilespmem:$0x19360] =	vst v63;
	(pc) =	sbr.rel @p0 .LBB2_14-.Ltmp5, $4  }
0x74b: {  	v17 =	vmul.f32 $1.999999960e-02, v17;
	[tilespmem:$0x19500] =	vst v20  }
0x74c: {  	[tilespmem:$0x19370] =	vst v18;
	v18 =	vmul.f32 $1.999999960e-02, v19  }
0x74d: {  	[tilespmem:$0x19520] =	vst v17  }
0x74e: {  	[tilespmem:$0x19510] =	vst v18  }
0x74f: {  	v17 =	vld [tilespmem:s31+$0x300];
	_ =	sdelay $0x4  }
0x750: {  	v18 =	vshrl.u32 v17, $0x3  }
0x751: {  	v18 =	vmul.u32 $0x18, v18  }
0x752: {  	v17 =	vand.u32 $0x7, v17  }
0x753: {  	v17 =	vor.u32 v17, v18  }
0x754: {  	v18 =	vperm.xlane v17, v2;
	_ =	sdelay $0x1  }
0x755: {  	v19 =	vperm.xlane v17, v4;
	v18 =	vadd.s32 v3, v18;
	_ =	sdelay $0x1  }
0x756: {  	v20 =	vperm.xlane v17, v5;
	v19 =	vadd.s32 v3, v19;
	_ =	sdelay $0x1  }
0x757: {  	s12 =	simm.s32 $0x7800;
	v21 =	vperm.xlane v17, v0;
	v20 =	vadd.s32 v3, v20  }
0x758: {  	[tilespmem:s12], [sflag:$0x3] =	stream.indirect_vreg.gather [hbm4b:s4+s2], $0x80, v18, vm0, $0xb8;
	[tilespmem:$0x19600] =	vst v63  }
0x759: {  	s14 =	simm.s32 $0x7880;
	v44 =	vperm.xlane v17, v6;
	v18 =	vadd.s32 v3, v21  }
0x75a: {  	[tilespmem:s14], [sflag:$0x3] =	stream.indirect_vreg.gather [hbm4b:s4+s2], $0x80, v19, vm0, $0xb8;
	[tilespmem:$0x19600] =	vst v63  }
0x75b: {  	s13 =	simm.s32 $0x7900;
	v45 =	vperm.xlane v17, v7;
	v19 =	vadd.s32 v3, v44  }
0x75c: {  	[tilespmem:s13], [sflag:$0x3] =	stream.indirect_vreg.gather [hbm4b:s4+s2], $0x80, v20, vm0, $0xb8;
	[tilespmem:$0x19600] =	vst v63  }
0x75d: {  	v47 =	vperm.xlane v17, v8;
	v46 =	vadd.s32 v3, v45;
	s14 =	simm.s32 $0x7980  }
0x75e: {  	[tilespmem:s14], [sflag:$0x3] =	stream.indirect_vreg.gather [hbm4b:s4+s2], $0x80, v18, vm0, $0xb8;
	[tilespmem:$0x19600] =	vst v63  }
0x75f: {  	v48 =	vperm.xlane v17, v1;
	s13 =	simm.s32 $0x7A00;
	v18 =	vadd.s32 v3, v47  }
0x760: {  	[tilespmem:s13], [sflag:$0x3] =	stream.indirect_vreg.gather [hbm4b:s4+s2], $0x80, v19, vm0, $0xb8;
	[tilespmem:$0x19600] =	vst v63  }
0x761: {  	v49 =	vperm.xlane v17, v9;
	s14 =	simm.s32 $0x7A80;
	v19 =	vadd.s32 v3, v48  }
0x762: {  	[tilespmem:s14], [sflag:$0x3] =	stream.indirect_vreg.gather [hbm4b:s4+s2], $0x80, v46, vm0, $0xb8;
	[tilespmem:$0x19600] =	vst v63  }
0x763: {  	v51 =	vperm.xlane v17, v10;
	v50 =	vadd.s32 v3, v49;
	s13 =	simm.s32 $0x7B00  }
0x764: {  	[tilespmem:s13], [sflag:$0x3] =	stream.indirect_vreg.gather [hbm4b:s4+s2], $0x80, v18, vm0, $0xb8;
	[tilespmem:$0x19600] =	vst v63  }
0x765: {  	v52 =	vperm.xlane v17, v11;
	s14 =	simm.s32 $0x7B80;
	v18 =	vadd.s32 v3, v51  }
0x766: {  	[tilespmem:s14], [sflag:$0x3] =	stream.indirect_vreg.gather [hbm4b:s4+s2], $0x80, v19, vm0, $0xb8;
	[tilespmem:$0x19600] =	vst v63  }
0x767: {  	v53 =	vperm.xlane v17, v12;
	s13 =	simm.s32 $0x7C00;
	v19 =	vadd.s32 v3, v52  }
0x768: {  	[tilespmem:s13], [sflag:$0x3] =	stream.indirect_vreg.gather [hbm4b:s4+s2], $0x80, v50, vm0, $0xb8;
	[tilespmem:$0x19600] =	vst v63  }
0x769: {  	v55 =	vperm.xlane v17, v13;
	v54 =	vadd.s32 v3, v53;
	s14 =	simm.s32 $0x7C80  }
0x76a: {  	[tilespmem:s14], [sflag:$0x3] =	stream.indirect_vreg.gather [hbm4b:s4+s2], $0x80, v18, vm0, $0xb8;
	[tilespmem:$0x19600] =	vst v63  }
0x76b: {  	v56 =	vperm.xlane v17, v14;
	s13 =	simm.s32 $0x7D00;
	v18 =	vadd.s32 v3, v55  }
0x76c: {  	[tilespmem:s13], [sflag:$0x3] =	stream.indirect_vreg.gather [hbm4b:s4+s2], $0x80, v19, vm0, $0xb8;
	[tilespmem:$0x19600] =	vst v63  }
0x76d: {  	v57 =	vperm.xlane v17, v15;
	s14 =	simm.s32 $0x7D80;
	v19 =	vadd.s32 v3, v56  }
0x76e: {  	[tilespmem:s14], [sflag:$0x3] =	stream.indirect_vreg.gather [hbm4b:s4+s2], $0x80, v54, vm0, $0xb8;
	[tilespmem:$0x19600] =	vst v63  }
0x76f: {  	v17 =	vperm.xlane v17, v16;
	v58 =	vadd.s32 v3, v57;
	s13 =	simm.s32 $0x7E00  }
0x770: {  	[tilespmem:s13], [sflag:$0x3] =	stream.indirect_vreg.gather [hbm4b:s4+s2], $0x80, v18, vm0, $0xb8;
	[tilespmem:$0x19600] =	vst v63  }
0x771: {  	v17 =	vadd.s32 v3, v17;
	s14 =	simm.s32 $0x7E80  }
0x772: {  	[tilespmem:s14], [sflag:$0x3] =	stream.indirect_vreg.gather [hbm4b:s4+s2], $0x80, v19, vm0, $0xb8;
	[tilespmem:$0x19600] =	vst v63  }
0x773: {  	s13 =	simm.s32 $0x7F00  }
0x774: {  	[tilespmem:s13], [sflag:$0x3] =	stream.indirect_vreg.gather [hbm4b:s4+s2], $0x80, v58, vm0, $0xb8;
	[tilespmem:$0x19600] =	vst v63  }
0x775: {  	s14 =	simm.s32 $0x7F80  }
0x776: {  	[tilespmem:s14], [sflag:$0x3] =	stream.indirect_vreg.gather [hbm4b:s4+s2], $0x80, v17, vm0, $0xb8;
	[tilespmem:$0x19600] =	vst v63  }
0x777: {  	v17 =	vld [tilespmem:s31+$0x310];
	_ =	sdelay $0x4  }
0x778: {  	v18 =	vshrl.u32 v17, $0x3  }
0x779: {  	v18 =	vmul.u32 $0x18, v18  }
0x77a: {  	v17 =	vand.u32 $0x7, v17  }
0x77b: {  	v17 =	vor.u32 v17, v18  }
0x77c: {  	v18 =	vperm.xlane v17, v2;
	_ =	sdelay $0x1  }
0x77d: {  	v19 =	vperm.xlane v17, v4;
	v18 =	vadd.s32 v3, v18;
	_ =	sdelay $0x1  }
0x77e: {  	v59 =	vperm.xlane v17, v5;
	v19 =	vadd.s32 v3, v19;
	_ =	sdelay $0x1  }
0x77f: {  	s13 =	simm.s32 $0x8000;
	v60 =	vperm.xlane v17, v0;
	v20 =	vadd.s32 v3, v59  }
0x780: {  	[tilespmem:s13], [sflag:$0x3] =	stream.indirect_vreg.gather [hbm4b:s4+s2], $0x80, v18, vm0, $0xb8;
	[tilespmem:$0x19600] =	vst v63  }
0x781: {  	s14 =	simm.s32 $0x8080;
	v61 =	vperm.xlane v17, v6;
	v18 =	vadd.s32 v3, v60  }
0x782: {  	[tilespmem:s14], [sflag:$0x3] =	stream.indirect_vreg.gather [hbm4b:s4+s2], $0x80, v19, vm0, $0xb8;
	[tilespmem:$0x19600] =	vst v63  }
0x783: {  	v62 =	vperm.xlane v17, v7;
	s13 =	simm.s32 $0x8100;
	v19 =	vadd.s32 v3, v61  }
0x784: {  	[tilespmem:s13], [sflag:$0x3] =	stream.indirect_vreg.gather [hbm4b:s4+s2], $0x80, v20, vm0, $0xb8;
	[tilespmem:$0x19600] =	vst v63  }
0x785: {  	v24 =	vperm.xlane v17, v8;
	v63 =	vadd.s32 v3, v62;
	s14 =	simm.s32 $0x8180  }
0x786: {  	[tilespmem:s14], [sflag:$0x3] =	stream.indirect_vreg.gather [hbm4b:s4+s2], $0x80, v18, vm0, $0xb8;
	[tilespmem:$0x19600] =	vst v63  }
0x787: {  	v25 =	vperm.xlane v17, v1;
	s13 =	simm.s32 $0x8200;
	v18 =	vadd.s32 v3, v24  }
0x788: {  	[tilespmem:s13], [sflag:$0x3] =	stream.indirect_vreg.gather [hbm4b:s4+s2], $0x80, v19, vm0, $0xb8;
	[tilespmem:$0x19600] =	vst v63  }
0x789: {  	v26 =	vperm.xlane v17, v9;
	s14 =	simm.s32 $0x8280;
	v19 =	vadd.s32 v3, v25  }
0x78a: {  	[tilespmem:s14], [sflag:$0x3] =	stream.indirect_vreg.gather [hbm4b:s4+s2], $0x80, v63, vm0, $0xb8;
	[tilespmem:$0x19600] =	vst v63  }
0x78b: {  	v28 =	vperm.xlane v17, v10;
	v27 =	vadd.s32 v3, v26;
	s13 =	simm.s32 $0x8300  }
0x78c: {  	[tilespmem:s13], [sflag:$0x3] =	stream.indirect_vreg.gather [hbm4b:s4+s2], $0x80, v18, vm0, $0xb8;
	[tilespmem:$0x19600] =	vst v63  }
0x78d: {  	v29 =	vperm.xlane v17, v11;
	s14 =	simm.s32 $0x8380;
	v18 =	vadd.s32 v3, v28  }
0x78e: {  	[tilespmem:s14], [sflag:$0x3] =	stream.indirect_vreg.gather [hbm4b:s4+s2], $0x80, v19, vm0, $0xb8;
	[tilespmem:$0x19600] =	vst v63  }
0x78f: {  	v30 =	vperm.xlane v17, v12;
	s13 =	simm.s32 $0x8400;
	v19 =	vadd.s32 v3, v29  }
0x790: {  	[tilespmem:s13], [sflag:$0x3] =	stream.indirect_vreg.gather [hbm4b:s4+s2], $0x80, v27, vm0, $0xb8;
	[tilespmem:$0x19600] =	vst v63  }
0x791: {  	v32 =	vperm.xlane v17, v13;
	v31 =	vadd.s32 v3, v30;
	s14 =	simm.s32 $0x8480  }
0x792: {  	[tilespmem:s14], [sflag:$0x3] =	stream.indirect_vreg.gather [hbm4b:s4+s2], $0x80, v18, vm0, $0xb8;
	[tilespmem:$0x19600] =	vst v63  }
0x793: {  	v33 =	vperm.xlane v17, v14;
	s13 =	simm.s32 $0x8500;
	v18 =	vadd.s32 v3, v32  }
0x794: {  	[tilespmem:s13], [sflag:$0x3] =	stream.indirect_vreg.gather [hbm4b:s4+s2], $0x80, v19, vm0, $0xb8;
	[tilespmem:$0x19600] =	vst v63  }
0x795: {  	v34 =	vperm.xlane v17, v15;
	s14 =	simm.s32 $0x8580;
	v19 =	vadd.s32 v3, v33  }
0x796: {  	[tilespmem:s14], [sflag:$0x3] =	stream.indirect_vreg.gather [hbm4b:s4+s2], $0x80, v31, vm0, $0xb8;
	[tilespmem:$0x19600] =	vst v63  }
0x797: {  	v17 =	vperm.xlane v17, v16;
	v35 =	vadd.s32 v3, v34;
	s13 =	simm.s32 $0x8600  }
0x798: {  	[tilespmem:s13], [sflag:$0x3] =	stream.indirect_vreg.gather [hbm4b:s4+s2], $0x80, v18, vm0, $0xb8;
	[tilespmem:$0x19600] =	vst v63  }
0x799: {  	v17 =	vadd.s32 v3, v17;
	s14 =	simm.s32 $0x8680  }
0x79a: {  	[tilespmem:s14], [sflag:$0x3] =	stream.indirect_vreg.gather [hbm4b:s4+s2], $0x80, v19, vm0, $0xb8;
	[tilespmem:$0x19600] =	vst v63  }
0x79b: {  	s13 =	simm.s32 $0x8700  }
0x79c: {  	[tilespmem:s13], [sflag:$0x3] =	stream.indirect_vreg.gather [hbm4b:s4+s2], $0x80, v35, vm0, $0xb8;
	[tilespmem:$0x19600] =	vst v63  }
0x79d: {  	s14 =	simm.s32 $0x8780  }
0x79e: {  	[tilespmem:s14], [sflag:$0x3] =	stream.indirect_vreg.gather [hbm4b:s4+s2], $0x80, v17, vm0, $0xb8;
	[tilespmem:$0x19600] =	vst v63  }
0x79f: {  	v17 =	vld [tilespmem:s31+$0x320];
	_ =	sdelay $0x4  }
0x7a0: {  	v18 =	vshrl.u32 v17, $0x3  }
0x7a1: {  	v18 =	vmul.u32 $0x18, v18  }
0x7a2: {  	v17 =	vand.u32 $0x7, v17  }
0x7a3: {  	v17 =	vor.u32 v17, v18  }
0x7a4: {  	v18 =	vperm.xlane v17, v2;
	_ =	sdelay $0x1  }
0x7a5: {  	v19 =	vperm.xlane v17, v4;
	v18 =	vadd.s32 v3, v18;
	_ =	sdelay $0x1  }
0x7a6: {  	v36 =	vperm.xlane v17, v5;
	v19 =	vadd.s32 v3, v19;
	_ =	sdelay $0x1  }
0x7a7: {  	s13 =	simm.s32 $0x8800;
	v37 =	vperm.xlane v17, v0;
	v20 =	vadd.s32 v3, v36  }
0x7a8: {  	[tilespmem:s13], [sflag:$0x3] =	stream.indirect_vreg.gather [hbm4b:s4+s2], $0x80, v18, vm0, $0xb8;
	[tilespmem:$0x19600] =	vst v63  }
0x7a9: {  	s14 =	simm.s32 $0x8880;
	v38 =	vperm.xlane v17, v6;
	v18 =	vadd.s32 v3, v37  }
0x7aa: {  	[tilespmem:s14], [sflag:$0x3] =	stream.indirect_vreg.gather [hbm4b:s4+s2], $0x80, v19, vm0, $0xb8;
	[tilespmem:$0x19600] =	vst v63  }
0x7ab: {  	v39 =	vperm.xlane v17, v7;
	s13 =	simm.s32 $0x8900;
	v19 =	vadd.s32 v3, v38  }
0x7ac: {  	[tilespmem:s13], [sflag:$0x3] =	stream.indirect_vreg.gather [hbm4b:s4+s2], $0x80, v20, vm0, $0xb8;
	[tilespmem:$0x19600] =	vst v63  }
0x7ad: {  	v41 =	vperm.xlane v17, v8;
	v40 =	vadd.s32 v3, v39;
	s14 =	simm.s32 $0x8980  }
0x7ae: {  	[tilespmem:s14], [sflag:$0x3] =	stream.indirect_vreg.gather [hbm4b:s4+s2], $0x80, v18, vm0, $0xb8;
	[tilespmem:$0x19600] =	vst v63  }
0x7af: {  	v42 =	vperm.xlane v17, v1;
	s13 =	simm.s32 $0x8A00;
	v18 =	vadd.s32 v3, v41  }
0x7b0: {  	[tilespmem:s13], [sflag:$0x3] =	stream.indirect_vreg.gather [hbm4b:s4+s2], $0x80, v19, vm0, $0xb8;
	[tilespmem:$0x19600] =	vst v63  }
0x7b1: {  	v43 =	vperm.xlane v17, v9;
	s14 =	simm.s32 $0x8A80;
	v19 =	vadd.s32 v3, v42  }
0x7b2: {  	[tilespmem:s14], [sflag:$0x3] =	stream.indirect_vreg.gather [hbm4b:s4+s2], $0x80, v40, vm0, $0xb8;
	[tilespmem:$0x19600] =	vst v63  }
0x7b3: {  	v45 =	vperm.xlane v17, v10;
	v44 =	vadd.s32 v3, v43;
	s13 =	simm.s32 $0x8B00  }
0x7b4: {  	[tilespmem:s13], [sflag:$0x3] =	stream.indirect_vreg.gather [hbm4b:s4+s2], $0x80, v18, vm0, $0xb8;
	[tilespmem:$0x19600] =	vst v63  }
0x7b5: {  	v46 =	vperm.xlane v17, v11;
	s14 =	simm.s32 $0x8B80;
	v18 =	vadd.s32 v3, v45  }
0x7b6: {  	[tilespmem:s14], [sflag:$0x3] =	stream.indirect_vreg.gather [hbm4b:s4+s2], $0x80, v19, vm0, $0xb8;
	[tilespmem:$0x19600] =	vst v63  }
0x7b7: {  	v47 =	vperm.xlane v17, v12;
	s13 =	simm.s32 $0x8C00;
	v19 =	vadd.s32 v3, v46  }
0x7b8: {  	[tilespmem:s13], [sflag:$0x3] =	stream.indirect_vreg.gather [hbm4b:s4+s2], $0x80, v44, vm0, $0xb8;
	[tilespmem:$0x19600] =	vst v63  }
0x7b9: {  	v49 =	vperm.xlane v17, v13;
	v48 =	vadd.s32 v3, v47;
	s14 =	simm.s32 $0x8C80  }
0x7ba: {  	[tilespmem:s14], [sflag:$0x3] =	stream.indirect_vreg.gather [hbm4b:s4+s2], $0x80, v18, vm0, $0xb8;
	[tilespmem:$0x19600] =	vst v63  }
0x7bb: {  	v50 =	vperm.xlane v17, v14;
	s13 =	simm.s32 $0x8D00;
	v18 =	vadd.s32 v3, v49  }
0x7bc: {  	[tilespmem:s13], [sflag:$0x3] =	stream.indirect_vreg.gather [hbm4b:s4+s2], $0x80, v19, vm0, $0xb8;
	[tilespmem:$0x19600] =	vst v63  }
0x7bd: {  	v51 =	vperm.xlane v17, v15;
	s14 =	simm.s32 $0x8D80;
	v19 =	vadd.s32 v3, v50  }
0x7be: {  	[tilespmem:s14], [sflag:$0x3] =	stream.indirect_vreg.gather [hbm4b:s4+s2], $0x80, v48, vm0, $0xb8;
	[tilespmem:$0x19600] =	vst v63  }
0x7bf: {  	v17 =	vperm.xlane v17, v16;
	v52 =	vadd.s32 v3, v51;
	s13 =	simm.s32 $0x8E00  }
0x7c0: {  	[tilespmem:s13], [sflag:$0x3] =	stream.indirect_vreg.gather [hbm4b:s4+s2], $0x80, v18, vm0, $0xb8;
	[tilespmem:$0x19600] =	vst v63  }
0x7c1: {  	v17 =	vadd.s32 v3, v17;
	s14 =	simm.s32 $0x8E80  }
0x7c2: {  	[tilespmem:s14], [sflag:$0x3] =	stream.indirect_vreg.gather [hbm4b:s4+s2], $0x80, v19, vm0, $0xb8;
	[tilespmem:$0x19600] =	vst v63  }
0x7c3: {  	s13 =	simm.s32 $0x8F00  }
0x7c4: {  	[tilespmem:s13], [sflag:$0x3] =	stream.indirect_vreg.gather [hbm4b:s4+s2], $0x80, v52, vm0, $0xb8;
	[tilespmem:$0x19600] =	vst v63  }
0x7c5: {  	s14 =	simm.s32 $0x8F80  }
0x7c6: {  	[tilespmem:s14], [sflag:$0x3] =	stream.indirect_vreg.gather [hbm4b:s4+s2], $0x80, v17, vm0, $0xb8;
	[tilespmem:$0x19600] =	vst v63  }
0x7c7: {  	v17 =	vld.msk [tilespmem:s31+$0x330], $0x3;
	_ =	sdelay $0x4  }
0x7c8: {  	v18 =	vshrl.u32 v17, $0x3  }
0x7c9: {  	v18 =	vmul.u32 $0x18, v18  }
0x7ca: {  	v17 =	vand.u32 $0x7, v17  }
0x7cb: {  	v17 =	vor.u32 v17, v18  }
0x7cc: {  	v18 =	vperm.xlane v17, v2;
	_ =	sdelay $0x1  }
0x7cd: {  	v17 =	vperm.xlane v17, v4;
	v18 =	vadd.s32 v3, v18;
	_ =	sdelay $0x1  }
0x7ce: {  	v17 =	vadd.s32 v3, v17;
	_ =	sdelay $0x1  }
0x7cf: {  	s13 =	simm.s32 $0x9000  }
0x7d0: {  	[tilespmem:s13], [sflag:$0x3] =	stream.indirect_vreg.gather [hbm4b:s4+s2], $0x80, v18, vm0, $0xb8;
	[tilespmem:$0x19600] =	vst v63  }
0x7d1: {  	s14 =	simm.s32 $0x9080  }
0x7d2: {  	[tilespmem:s14], [sflag:$0x3] =	stream.indirect_vreg.gather [hbm4b:s4+s2], $0x80, v17, vm0, $0xb8;
	[tilespmem:$0x19600] =	vst v63  }
0x7d3: {  	v17 =	vld [tilespmem:s31+$0x300];
	_ =	sdelay $0x4  }
0x7d4: {  	v18 =	vshrl.u32 v17, $0x3  }
0x7d5: {  	v18 =	vmul.u32 $0x18, v18  }
0x7d6: {  	v17 =	vand.u32 $0x7, v17  }
0x7d7: {  	v17 =	vor.u32 v17, v18  }
0x7d8: {  	v18 =	vperm.xlane v17, v2;
	_ =	sdelay $0x1  }
0x7d9: {  	v19 =	vperm.xlane v17, v4;
	v18 =	vadd.s32 v3, v18;
	_ =	sdelay $0x1  }
0x7da: {  	v53 =	vperm.xlane v17, v5;
	v19 =	vadd.s32 v3, v19;
	_ =	sdelay $0x1  }
0x7db: {  	s13 =	simm.s32 $0xE800;
	v54 =	vperm.xlane v17, v0;
	v20 =	vadd.s32 v3, v53  }
0x7dc: {  	[tilespmem:s13], [sflag:$0x3] =	stream.indirect_vreg.gather [hbm4b:s8+s2], $0x80, v18, vm0, $0xb8;
	[tilespmem:$0x19600] =	vst v63  }
0x7dd: {  	s14 =	simm.s32 $0xE880;
	v55 =	vperm.xlane v17, v6;
	v18 =	vadd.s32 v3, v54  }
0x7de: {  	[tilespmem:s14], [sflag:$0x3] =	stream.indirect_vreg.gather [hbm4b:s8+s2], $0x80, v19, vm0, $0xb8;
	[tilespmem:$0x19600] =	vst v63  }
0x7df: {  	v56 =	vperm.xlane v17, v7;
	s13 =	simm.s32 $0xE900;
	v19 =	vadd.s32 v3, v55  }
0x7e0: {  	[tilespmem:s13], [sflag:$0x3] =	stream.indirect_vreg.gather [hbm4b:s8+s2], $0x80, v20, vm0, $0xb8;
	[tilespmem:$0x19600] =	vst v63  }
0x7e1: {  	v58 =	vperm.xlane v17, v8;
	v57 =	vadd.s32 v3, v56;
	s14 =	simm.s32 $0xE980  }
0x7e2: {  	[tilespmem:s14], [sflag:$0x3] =	stream.indirect_vreg.gather [hbm4b:s8+s2], $0x80, v18, vm0, $0xb8;
	[tilespmem:$0x19600] =	vst v63  }
0x7e3: {  	v59 =	vperm.xlane v17, v1;
	s13 =	simm.s32 $0xEA00;
	v18 =	vadd.s32 v3, v58  }
0x7e4: {  	[tilespmem:s13], [sflag:$0x3] =	stream.indirect_vreg.gather [hbm4b:s8+s2], $0x80, v19, vm0, $0xb8;
	[tilespmem:$0x19600] =	vst v63  }
0x7e5: {  	v60 =	vperm.xlane v17, v9;
	s14 =	simm.s32 $0xEA80;
	v19 =	vadd.s32 v3, v59  }
0x7e6: {  	[tilespmem:s14], [sflag:$0x3] =	stream.indirect_vreg.gather [hbm4b:s8+s2], $0x80, v57, vm0, $0xb8;
	[tilespmem:$0x19600] =	vst v63  }
0x7e7: {  	v62 =	vperm.xlane v17, v10;
	v61 =	vadd.s32 v3, v60;
	s13 =	simm.s32 $0xEB00  }
0x7e8: {  	[tilespmem:s13], [sflag:$0x3] =	stream.indirect_vreg.gather [hbm4b:s8+s2], $0x80, v18, vm0, $0xb8;
	[tilespmem:$0x19600] =	vst v63  }
0x7e9: {  	v63 =	vperm.xlane v17, v11;
	s14 =	simm.s32 $0xEB80;
	v18 =	vadd.s32 v3, v62  }
0x7ea: {  	[tilespmem:s14], [sflag:$0x3] =	stream.indirect_vreg.gather [hbm4b:s8+s2], $0x80, v19, vm0, $0xb8;
	[tilespmem:$0x19600] =	vst v63  }
0x7eb: {  	v24 =	vperm.xlane v17, v12;
	s13 =	simm.s32 $0xEC00;
	v19 =	vadd.s32 v3, v63  }
0x7ec: {  	[tilespmem:s13], [sflag:$0x3] =	stream.indirect_vreg.gather [hbm4b:s8+s2], $0x80, v61, vm0, $0xb8;
	[tilespmem:$0x19600] =	vst v63  }
0x7ed: {  	v26 =	vperm.xlane v17, v13;
	v25 =	vadd.s32 v3, v24;
	s14 =	simm.s32 $0xEC80  }
0x7ee: {  	[tilespmem:s14], [sflag:$0x3] =	stream.indirect_vreg.gather [hbm4b:s8+s2], $0x80, v18, vm0, $0xb8;
	[tilespmem:$0x19600] =	vst v63  }
0x7ef: {  	v27 =	vperm.xlane v17, v14;
	s13 =	simm.s32 $0xED00;
	v18 =	vadd.s32 v3, v26  }
0x7f0: {  	[tilespmem:s13], [sflag:$0x3] =	stream.indirect_vreg.gather [hbm4b:s8+s2], $0x80, v19, vm0, $0xb8;
	[tilespmem:$0x19600] =	vst v63  }
0x7f1: {  	v28 =	vperm.xlane v17, v15;
	s14 =	simm.s32 $0xED80;
	v19 =	vadd.s32 v3, v27  }
0x7f2: {  	[tilespmem:s14], [sflag:$0x3] =	stream.indirect_vreg.gather [hbm4b:s8+s2], $0x80, v25, vm0, $0xb8;
	[tilespmem:$0x19600] =	vst v63  }
0x7f3: {  	v17 =	vperm.xlane v17, v16;
	v29 =	vadd.s32 v3, v28;
	s13 =	simm.s32 $0xEE00  }
0x7f4: {  	[tilespmem:s13], [sflag:$0x3] =	stream.indirect_vreg.gather [hbm4b:s8+s2], $0x80, v18, vm0, $0xb8;
	[tilespmem:$0x19600] =	vst v63  }
0x7f5: {  	v17 =	vadd.s32 v3, v17;
	s14 =	simm.s32 $0xEE80  }
0x7f6: {  	[tilespmem:s14], [sflag:$0x3] =	stream.indirect_vreg.gather [hbm4b:s8+s2], $0x80, v19, vm0, $0xb8;
	[tilespmem:$0x19600] =	vst v63  }
0x7f7: {  	s13 =	simm.s32 $0xEF00  }
0x7f8: {  	[tilespmem:s13], [sflag:$0x3] =	stream.indirect_vreg.gather [hbm4b:s8+s2], $0x80, v29, vm0, $0xb8;
	[tilespmem:$0x19600] =	vst v63  }
0x7f9: {  	s14 =	simm.s32 $0xEF80  }
0x7fa: {  	[tilespmem:s14], [sflag:$0x3] =	stream.indirect_vreg.gather [hbm4b:s8+s2], $0x80, v17, vm0, $0xb8;
	[tilespmem:$0x19600] =	vst v63  }
0x7fb: {  	v17 =	vld [tilespmem:s31+$0x310];
	_ =	sdelay $0x4  }
0x7fc: {  	v18 =	vshrl.u32 v17, $0x3  }
0x7fd: {  	v18 =	vmul.u32 $0x18, v18  }
0x7fe: {  	v17 =	vand.u32 $0x7, v17  }
0x7ff: {  	v17 =	vor.u32 v17, v18  }
0x800: {  	v18 =	vperm.xlane v17, v2;
	_ =	sdelay $0x1  }
0x801: {  	v19 =	vperm.xlane v17, v4;
	v18 =	vadd.s32 v3, v18;
	_ =	sdelay $0x1  }
0x802: {  	v30 =	vperm.xlane v17, v5;
	v19 =	vadd.s32 v3, v19;
	_ =	sdelay $0x1  }
0x803: {  	s13 =	simm.s32 $0xF000;
	v31 =	vperm.xlane v17, v0;
	v20 =	vadd.s32 v3, v30  }
0x804: {  	[tilespmem:s13], [sflag:$0x3] =	stream.indirect_vreg.gather [hbm4b:s8+s2], $0x80, v18, vm0, $0xb8;
	[tilespmem:$0x19600] =	vst v63  }
0x805: {  	s14 =	simm.s32 $0xF080;
	v32 =	vperm.xlane v17, v6;
	v18 =	vadd.s32 v3, v31  }
0x806: {  	[tilespmem:s14], [sflag:$0x3] =	stream.indirect_vreg.gather [hbm4b:s8+s2], $0x80, v19, vm0, $0xb8;
	[tilespmem:$0x19600] =	vst v63  }
0x807: {  	v33 =	vperm.xlane v17, v7;
	s13 =	simm.s32 $0xF100;
	v19 =	vadd.s32 v3, v32  }
0x808: {  	[tilespmem:s13], [sflag:$0x3] =	stream.indirect_vreg.gather [hbm4b:s8+s2], $0x80, v20, vm0, $0xb8;
	[tilespmem:$0x19600] =	vst v63  }
0x809: {  	v35 =	vperm.xlane v17, v8;
	v34 =	vadd.s32 v3, v33;
	s14 =	simm.s32 $0xF180  }
0x80a: {  	[tilespmem:s14], [sflag:$0x3] =	stream.indirect_vreg.gather [hbm4b:s8+s2], $0x80, v18, vm0, $0xb8;
	[tilespmem:$0x19600] =	vst v63  }
0x80b: {  	v36 =	vperm.xlane v17, v1;
	s13 =	simm.s32 $0xF200;
	v18 =	vadd.s32 v3, v35  }
0x80c: {  	[tilespmem:s13], [sflag:$0x3] =	stream.indirect_vreg.gather [hbm4b:s8+s2], $0x80, v19, vm0, $0xb8;
	[tilespmem:$0x19600] =	vst v63  }
0x80d: {  	v37 =	vperm.xlane v17, v9;
	s14 =	simm.s32 $0xF280;
	v19 =	vadd.s32 v3, v36  }
0x80e: {  	[tilespmem:s14], [sflag:$0x3] =	stream.indirect_vreg.gather [hbm4b:s8+s2], $0x80, v34, vm0, $0xb8;
	[tilespmem:$0x19600] =	vst v63  }
0x80f: {  	v39 =	vperm.xlane v17, v10;
	v38 =	vadd.s32 v3, v37;
	s13 =	simm.s32 $0xF300  }
0x810: {  	[tilespmem:s13], [sflag:$0x3] =	stream.indirect_vreg.gather [hbm4b:s8+s2], $0x80, v18, vm0, $0xb8;
	[tilespmem:$0x19600] =	vst v63  }
0x811: {  	v40 =	vperm.xlane v17, v11;
	s14 =	simm.s32 $0xF380;
	v18 =	vadd.s32 v3, v39  }
0x812: {  	[tilespmem:s14], [sflag:$0x3] =	stream.indirect_vreg.gather [hbm4b:s8+s2], $0x80, v19, vm0, $0xb8;
	[tilespmem:$0x19600] =	vst v63  }
0x813: {  	v41 =	vperm.xlane v17, v12;
	s13 =	simm.s32 $0xF400;
	v19 =	vadd.s32 v3, v40  }
0x814: {  	[tilespmem:s13], [sflag:$0x3] =	stream.indirect_vreg.gather [hbm4b:s8+s2], $0x80, v38, vm0, $0xb8;
	[tilespmem:$0x19600] =	vst v63  }
0x815: {  	v43 =	vperm.xlane v17, v13;
	v42 =	vadd.s32 v3, v41;
	s14 =	simm.s32 $0xF480  }
0x816: {  	[tilespmem:s14], [sflag:$0x3] =	stream.indirect_vreg.gather [hbm4b:s8+s2], $0x80, v18, vm0, $0xb8;
	[tilespmem:$0x19600] =	vst v63  }
0x817: {  	v44 =	vperm.xlane v17, v14;
	s13 =	simm.s32 $0xF500;
	v18 =	vadd.s32 v3, v43  }
0x818: {  	[tilespmem:s13], [sflag:$0x3] =	stream.indirect_vreg.gather [hbm4b:s8+s2], $0x80, v19, vm0, $0xb8;
	[tilespmem:$0x19600] =	vst v63  }
0x819: {  	v45 =	vperm.xlane v17, v15;
	s14 =	simm.s32 $0xF580;
	v19 =	vadd.s32 v3, v44  }
0x81a: {  	[tilespmem:s14], [sflag:$0x3] =	stream.indirect_vreg.gather [hbm4b:s8+s2], $0x80, v42, vm0, $0xb8;
	[tilespmem:$0x19600] =	vst v63  }
0x81b: {  	v17 =	vperm.xlane v17, v16;
	v46 =	vadd.s32 v3, v45;
	s13 =	simm.s32 $0xF600  }
0x81c: {  	[tilespmem:s13], [sflag:$0x3] =	stream.indirect_vreg.gather [hbm4b:s8+s2], $0x80, v18, vm0, $0xb8;
	[tilespmem:$0x19600] =	vst v63  }
0x81d: {  	v17 =	vadd.s32 v3, v17;
	s14 =	simm.s32 $0xF680  }
0x81e: {  	[tilespmem:s14], [sflag:$0x3] =	stream.indirect_vreg.gather [hbm4b:s8+s2], $0x80, v19, vm0, $0xb8;
	[tilespmem:$0x19600] =	vst v63  }
0x81f: {  	s13 =	simm.s32 $0xF700  }
0x820: {  	[tilespmem:s13], [sflag:$0x3] =	stream.indirect_vreg.gather [hbm4b:s8+s2], $0x80, v46, vm0, $0xb8;
	[tilespmem:$0x19600] =	vst v63  }
0x821: {  	s14 =	simm.s32 $0xF780  }
0x822: {  	[tilespmem:s14], [sflag:$0x3] =	stream.indirect_vreg.gather [hbm4b:s8+s2], $0x80, v17, vm0, $0xb8;
	[tilespmem:$0x19600] =	vst v63  }
0x823: {  	v17 =	vld [tilespmem:s31+$0x320];
	_ =	sdelay $0x4  }
0x824: {  	v18 =	vshrl.u32 v17, $0x3  }
0x825: {  	v18 =	vmul.u32 $0x18, v18  }
0x826: {  	v17 =	vand.u32 $0x7, v17  }
0x827: {  	v17 =	vor.u32 v17, v18  }
0x828: {  	v18 =	vperm.xlane v17, v2;
	_ =	sdelay $0x1  }
0x829: {  	v19 =	vperm.xlane v17, v4;
	v18 =	vadd.s32 v3, v18;
	_ =	sdelay $0x1  }
0x82a: {  	v47 =	vperm.xlane v17, v5;
	v19 =	vadd.s32 v3, v19;
	_ =	sdelay $0x1  }
0x82b: {  	s13 =	simm.s32 $0xF800;
	v48 =	vperm.xlane v17, v0;
	v20 =	vadd.s32 v3, v47  }
0x82c: {  	[tilespmem:s13], [sflag:$0x3] =	stream.indirect_vreg.gather [hbm4b:s8+s2], $0x80, v18, vm0, $0xb8;
	[tilespmem:$0x19600] =	vst v63  }
0x82d: {  	s14 =	simm.s32 $0xF880;
	v49 =	vperm.xlane v17, v6;
	v18 =	vadd.s32 v3, v48  }
0x82e: {  	[tilespmem:s14], [sflag:$0x3] =	stream.indirect_vreg.gather [hbm4b:s8+s2], $0x80, v19, vm0, $0xb8;
	[tilespmem:$0x19600] =	vst v63  }
0x82f: {  	v50 =	vperm.xlane v17, v7;
	s13 =	simm.s32 $0xF900;
	v19 =	vadd.s32 v3, v49  }
0x830: {  	[tilespmem:s13], [sflag:$0x3] =	stream.indirect_vreg.gather [hbm4b:s8+s2], $0x80, v20, vm0, $0xb8;
	[tilespmem:$0x19600] =	vst v63  }
0x831: {  	v52 =	vperm.xlane v17, v8;
	v51 =	vadd.s32 v3, v50;
	s14 =	simm.s32 $0xF980  }
0x832: {  	[tilespmem:s14], [sflag:$0x3] =	stream.indirect_vreg.gather [hbm4b:s8+s2], $0x80, v18, vm0, $0xb8;
	[tilespmem:$0x19600] =	vst v63  }
0x833: {  	v53 =	vperm.xlane v17, v1;
	s13 =	simm.s32 $0xFA00;
	v18 =	vadd.s32 v3, v52  }
0x834: {  	[tilespmem:s13], [sflag:$0x3] =	stream.indirect_vreg.gather [hbm4b:s8+s2], $0x80, v19, vm0, $0xb8;
	[tilespmem:$0x19600] =	vst v63  }
0x835: {  	v54 =	vperm.xlane v17, v9;
	s14 =	simm.s32 $0xFA80;
	v19 =	vadd.s32 v3, v53  }
0x836: {  	[tilespmem:s14], [sflag:$0x3] =	stream.indirect_vreg.gather [hbm4b:s8+s2], $0x80, v51, vm0, $0xb8;
	[tilespmem:$0x19600] =	vst v63  }
0x837: {  	v56 =	vperm.xlane v17, v10;
	v55 =	vadd.s32 v3, v54;
	s13 =	simm.s32 $0xFB00  }
0x838: {  	[tilespmem:s13], [sflag:$0x3] =	stream.indirect_vreg.gather [hbm4b:s8+s2], $0x80, v18, vm0, $0xb8;
	[tilespmem:$0x19600] =	vst v63  }
0x839: {  	v57 =	vperm.xlane v17, v11;
	s14 =	simm.s32 $0xFB80;
	v18 =	vadd.s32 v3, v56  }
0x83a: {  	[tilespmem:s14], [sflag:$0x3] =	stream.indirect_vreg.gather [hbm4b:s8+s2], $0x80, v19, vm0, $0xb8;
	[tilespmem:$0x19600] =	vst v63  }
0x83b: {  	v58 =	vperm.xlane v17, v12;
	s13 =	simm.s32 $0xFC00;
	v19 =	vadd.s32 v3, v57  }
0x83c: {  	[tilespmem:s13], [sflag:$0x3] =	stream.indirect_vreg.gather [hbm4b:s8+s2], $0x80, v55, vm0, $0xb8;
	[tilespmem:$0x19600] =	vst v63  }
0x83d: {  	v60 =	vperm.xlane v17, v13;
	v59 =	vadd.s32 v3, v58;
	s14 =	simm.s32 $0xFC80  }
0x83e: {  	[tilespmem:s14], [sflag:$0x3] =	stream.indirect_vreg.gather [hbm4b:s8+s2], $0x80, v18, vm0, $0xb8;
	[tilespmem:$0x19600] =	vst v63  }
0x83f: {  	v61 =	vperm.xlane v17, v14;
	s13 =	simm.s32 $0xFD00;
	v18 =	vadd.s32 v3, v60  }
0x840: {  	[tilespmem:s13], [sflag:$0x3] =	stream.indirect_vreg.gather [hbm4b:s8+s2], $0x80, v19, vm0, $0xb8;
	[tilespmem:$0x19600] =	vst v63  }
0x841: {  	v62 =	vperm.xlane v17, v15;
	s14 =	simm.s32 $0xFD80;
	v19 =	vadd.s32 v3, v61  }
0x842: {  	[tilespmem:s14], [sflag:$0x3] =	stream.indirect_vreg.gather [hbm4b:s8+s2], $0x80, v59, vm0, $0xb8;
	[tilespmem:$0x19600] =	vst v63  }
0x843: {  	v17 =	vperm.xlane v17, v16;
	v63 =	vadd.s32 v3, v62;
	s13 =	simm.s32 $0xFE00  }
0x844: {  	[tilespmem:s13], [sflag:$0x3] =	stream.indirect_vreg.gather [hbm4b:s8+s2], $0x80, v18, vm0, $0xb8;
	[tilespmem:$0x19600] =	vst v63  }
0x845: {  	v17 =	vadd.s32 v3, v17;
	s14 =	simm.s32 $0xFE80  }
0x846: {  	[tilespmem:s14], [sflag:$0x3] =	stream.indirect_vreg.gather [hbm4b:s8+s2], $0x80, v19, vm0, $0xb8;
	[tilespmem:$0x19600] =	vst v63  }
0x847: {  	s13 =	simm.s32 $0xFF00  }
0x848: {  	[tilespmem:s13], [sflag:$0x3] =	stream.indirect_vreg.gather [hbm4b:s8+s2], $0x80, v63, vm0, $0xb8;
	[tilespmem:$0x19600] =	vst v63  }
0x849: {  	s14 =	simm.s32 $0xFF80  }
0x84a: {  	[tilespmem:s14], [sflag:$0x3] =	stream.indirect_vreg.gather [hbm4b:s8+s2], $0x80, v17, vm0, $0xb8;
	[tilespmem:$0x19600] =	vst v63  }
0x84b: {  	v17 =	vld.msk [tilespmem:s31+$0x330], $0x3;
	_ =	sdelay $0x4  }
0x84c: {  	v18 =	vshrl.u32 v17, $0x3  }
0x84d: {  	v18 =	vmul.u32 $0x18, v18  }
0x84e: {  	v17 =	vand.u32 $0x7, v17  }
0x84f: {  	v17 =	vor.u32 v17, v18  }
0x850: {  	v18 =	vperm.xlane v17, v2;
	_ =	sdelay $0x1  }
0x851: {  	v17 =	vperm.xlane v17, v4;
	v18 =	vadd.s32 v3, v18;
	_ =	sdelay $0x1  }
0x852: {  	v17 =	vadd.s32 v3, v17;
	_ =	sdelay $0x1  }
0x853: {  	s13 =	simm.s32 $0x10000  }
0x854: {  	[tilespmem:s13], [sflag:$0x3] =	stream.indirect_vreg.gather [hbm4b:s8+s2], $0x80, v18, vm0, $0xb8;
	[tilespmem:$0x19600] =	vst v63  }
0x855: {  	s14 =	simm.s32 $0x10080  }
0x856: {  	[tilespmem:s14], [sflag:$0x3] =	stream.indirect_vreg.gather [hbm4b:s8+s2], $0x80, v17, vm0, $0xb8;
	[tilespmem:$0x19600] =	vst v63  }
0x857: {  	s31 =	sadd.s32 $0x300, s31;
	s13 =	simm.s32 $0x15800  }
0x858: {  	[tilespmem:s13], [sflag:$0x3] =	stream.indirect.gather [hbm4b:s5+s15], $0x80, s31, s15, $0xb8;
	[tilespmem:$0x19600] =	vst v63  }
.LBB2_14:
0x859: {  	_ =	swait.ge [sflag:s1], $0x1900  }
0x85a: {  	[sflag:s1] =	ssyncset.done $0x0  }
0x85b: {  	[sflag:s1] =	ssyncadd.s32 $0xFFFFE700  }
0x85c: {  	_ =	swait.ge [sflag:s1], $0x1900  }
0x85d: {  	[sflag:s1] =	ssyncset.done $0x0  }
0x85e: {  	[sflag:s1] =	ssyncadd.s32 $0xFFFFE700  }
0x85f: {  	_ =	swait.ge [sflag:s1], $0x1900  }
0x860: {  	[sflag:s1] =	ssyncset.done $0x0  }
0x861: {  	s14 =	simm.s32 $0x0;
	[sflag:s1] =	ssyncadd.s32 $0xFFFFE700  }
0x862: {  	v17 =	vld [tilespmem:s14+$0x17420]  }
0x863: {  	v19 =	vld [tilespmem:s14+$0x9400]  }
0x864: {  	v20 =	vld [tilespmem:s14+$0x9410]  }
0x865: {  	v21 =	vld [tilespmem:s14+$0x9420]  }
0x866: {  	v22 =	vld [tilespmem:s14+$0x9430]  }
0x867: {  	v23 =	vld [tilespmem:s14+$0x9440]  }
0x868: {  	v24 =	vld [tilespmem:s14+$0x9450]  }
0x869: {  	v25 =	vld [tilespmem:s14+$0x9460]  }
0x86a: {  	v26 =	vld [tilespmem:s14+$0x9470]  }
0x86b: {  	v27 =	vld [tilespmem:s14+$0x10400]  }
0x86c: {  	v18 =	vimm.f32 $0.0e+00;
	v36 =	vld [tilespmem:s14+$0x10410]  }
0x86d: {  	v37 =	vld [tilespmem:s14+$0x10420];
	v17 =	vadd.f32 v17, v18;
	v34 =	vadd.f32 v19, v18  }
0x86e: {  	v19 =	vld [tilespmem:s14+$0x10430];
	v35 =	vadd.f32 v20, v18;
	v33 =	vadd.f32 v21, v18  }
0x86f: {  	v20 =	vld [tilespmem:s14+$0x10440];
	v32 =	vadd.f32 v22, v18;
	v31 =	vadd.f32 v23, v18  }
0x870: {  	v40 =	vld [tilespmem:s14+$0x10450];
	v30 =	vadd.f32 v24, v18;
	v29 =	vadd.f32 v25, v18  }
0x871: {  	v39 =	vld [tilespmem:s14+$0x10460];
	v28 =	vadd.f32 v26, v18;
	v27 =	vadd.f32 v27, v18  }
0x872: {  	v38 =	vld [tilespmem:s14+$0x10470];
	v26 =	vadd.f32 v36, v18;
	v25 =	vadd.f32 v37, v18  }
0x873: {  	v36 =	vld [tilespmem:s14+$0x17400];
	v22 =	vimm.f32 $0.0e+00;
	v23 =	vimm.f32 $0.0e+00;
	v24 =	vadd.f32 v19, v18  }
0x874: {  	s12 =	simm.s32 $0x80;
	s13 =	simm.s32 $0x400;
	v37 =	vld [tilespmem:s14+$0x17410];
	v21 =	vadd.f32 v20, v18;
	v20 =	vimm.f32 $0.0e+00;
	v19 =	vimm.f32 $0.0e+00  }
.LBB2_15:
0x875: {  	p0 =	sne.s32 s13, $0x6200;
	v41 =	vld [tilespmem:s12+$0x17420];
	v18 =	vadd.f32 v40, v18  }
0x876: {  	v40 =	vld [tilespmem:s12+$0x9400];
	v22 =	vadd.f32 v39, v22  }
0x877: {  	v39 =	vld [tilespmem:s12+$0x9410];
	v23 =	vadd.f32 v38, v23  }
0x878: {  	v38 =	vld [tilespmem:s12+$0x9420];
	v20 =	vadd.f32 v36, v20  }
0x879: {  	v36 =	vld [tilespmem:s12+$0x9430];
	v19 =	vadd.f32 v37, v19  }
0x87a: {  	v37 =	vld [tilespmem:s12+$0x9440];
	v17 =	vadd.f32 v41, v17  }
0x87b: {  	v34 =	vadd.f32 v40, v34;
	v40 =	vld [tilespmem:s12+$0x9450]  }
0x87c: {  	v35 =	vadd.f32 v39, v35;
	v39 =	vld [tilespmem:s12+$0x9460]  }
0x87d: {  	v33 =	vadd.f32 v38, v33;
	v38 =	vld [tilespmem:s12+$0x9470]  }
0x87e: {  	v32 =	vadd.f32 v36, v32;
	v36 =	vld [tilespmem:s12+$0x10400]  }
0x87f: {  	v31 =	vadd.f32 v37, v31;
	v37 =	vld [tilespmem:s12+$0x10410]  }
0x880: {  	v30 =	vadd.f32 v40, v30;
	v41 =	vld [tilespmem:s12+$0x10420]  }
0x881: {  	v29 =	vadd.f32 v39, v29;
	v42 =	vld [tilespmem:s12+$0x10430]  }
0x882: {  	v28 =	vadd.f32 v38, v28;
	v43 =	vld [tilespmem:s12+$0x10440]  }
.Ltmp6:
0x883: {  	v27 =	vadd.f32 v36, v27;
	v40 =	vld [tilespmem:s12+$0x10450];
	(pc) =	sbr.rel @p0 .LBB2_15-.Ltmp6, $4  }
0x884: {  	v26 =	vadd.f32 v37, v26;
	v39 =	vld [tilespmem:s12+$0x10460]  }
0x885: {  	v25 =	vadd.f32 v41, v25;
	v38 =	vld [tilespmem:s12+$0x10470]  }
0x886: {  	v24 =	vadd.f32 v42, v24;
	v36 =	vld [tilespmem:s12+$0x17400]  }
0x887: {  	v21 =	vadd.f32 v43, v21;
	v37 =	vld [tilespmem:s12+$0x17410];
	s12 =	sshra.s32 s13, $0x2;
	s13 =	sadd.s32 $0x200, s13  }
0x888: {  	v41 =	vld [tilespmem:s12+$0x17420]  }
0x889: {  	v42 =	vld [tilespmem:s12+$0x9400]  }
0x88a: {  	v43 =	vld [tilespmem:s12+$0x9410]  }
0x88b: {  	v44 =	vld [tilespmem:s12+$0x9420]  }
0x88c: {  	v45 =	vld [tilespmem:s12+$0x9430]  }
0x88d: {  	v46 =	vld [tilespmem:s12+$0x9440]  }
0x88e: {  	v47 =	vld [tilespmem:s12+$0x9450]  }
0x88f: {  	v48 =	vld [tilespmem:s12+$0x9460]  }
0x890: {  	v49 =	vld [tilespmem:s12+$0x9470]  }
0x891: {  	v50 =	vld [tilespmem:s12+$0x10400]  }
0x892: {  	v51 =	vld [tilespmem:s12+$0x10410]  }
0x893: {  	v52 =	vld [tilespmem:s12+$0x10420]  }
0x894: {  	v53 =	vld [tilespmem:s12+$0x10430]  }
0x895: {  	v54 =	vld [tilespmem:s12+$0x10440]  }
0x896: {  	v55 =	vld [tilespmem:s12+$0x10450];
	v34 =	vadd.f32 v42, v34  }
0x897: {  	v59 =	vld [tilespmem:s12+$0x10460];
	v35 =	vadd.f32 v43, v35  }
0x898: {  	v60 =	vld [tilespmem:s12+$0x10470];
	v33 =	vadd.f32 v44, v33;
	v34 =	vmul.f32 $1.999999960e-02, v34  }
0x899: {  	v61 =	vld [tilespmem:s12+$0x17400];
	v32 =	vadd.f32 v45, v32;
	v35 =	vmul.f32 $1.999999960e-02, v35  }
0x89a: {  	v62 =	vld [tilespmem:s12+$0x17410];
	v31 =	vadd.f32 v46, v31;
	v33 =	vmul.f32 $1.999999960e-02, v33;
	[tilespmem:$0x19180] =	vst v34  }
0x89b: {  	v30 =	vadd.f32 v47, v30;
	v32 =	vmul.f32 $1.999999960e-02, v32;
	[tilespmem:$0x19190] =	vst v35  }
0x89c: {  	v29 =	vadd.f32 v48, v29;
	v31 =	vmul.f32 $1.999999960e-02, v31;
	[tilespmem:$0x191A0] =	vst v33  }
0x89d: {  	v28 =	vadd.f32 v49, v28;
	v30 =	vmul.f32 $1.999999960e-02, v30;
	[tilespmem:$0x191B0] =	vst v32  }
0x89e: {  	v27 =	vadd.f32 v50, v27;
	v29 =	vmul.f32 $1.999999960e-02, v29;
	[tilespmem:$0x191C0] =	vst v31  }
0x89f: {  	v26 =	vadd.f32 v51, v26;
	v28 =	vmul.f32 $1.999999960e-02, v28;
	[tilespmem:$0x191D0] =	vst v30  }
0x8a0: {  	v25 =	vadd.f32 v52, v25;
	v27 =	vmul.f32 $1.999999960e-02, v27;
	[tilespmem:$0x191E0] =	vst v29  }
0x8a1: {  	v18 =	vadd.f32 v40, v18;
	v24 =	vadd.f32 v53, v24;
	v26 =	vmul.f32 $1.999999960e-02, v26;
	[tilespmem:$0x191F0] =	vst v28  }
0x8a2: {  	v22 =	vadd.f32 v39, v22;
	v21 =	vadd.f32 v54, v21;
	v25 =	vmul.f32 $1.999999960e-02, v25;
	[tilespmem:$0x19380] =	vst v27  }
0x8a3: {  	v20 =	vadd.f32 v36, v20;
	v18 =	vadd.f32 v55, v18;
	v24 =	vmul.f32 $1.999999960e-02, v24;
	[tilespmem:$0x19390] =	vst v26  }
0x8a4: {  	v23 =	vadd.f32 v38, v23;
	v22 =	vadd.f32 v59, v22;
	v21 =	vmul.f32 $1.999999960e-02, v21;
	[tilespmem:$0x193A0] =	vst v25  }
0x8a5: {  	v20 =	vadd.f32 v61, v20;
	v18 =	vmul.f32 $1.999999960e-02, v18;
	[tilespmem:$0x193B0] =	vst v24  }
0x8a6: {  	s9 =	sadd.s32 s3, s9;
	v19 =	vadd.f32 v37, v19;
	v23 =	vadd.f32 v60, v23;
	v63 =	vmul.f32 $1.999999960e-02, v22;
	[tilespmem:$0x193C0] =	vst v21  }
0x8a7: {  	s9 =	sshrl.u32 s9, $0x3;
	v17 =	vadd.f32 v41, v17;
	v20 =	vmul.f32 $1.999999960e-02, v20;
	[tilespmem:$0x193D0] =	vst v18  }
0x8a8: {  	s9 =	smul.u32 $0xC00, s9;
	v19 =	vadd.f32 v62, v19;
	v18 =	vmul.f32 $1.999999960e-02, v23;
	[tilespmem:$0x193E0] =	vst v63  }
0x8a9: {  	s30 =	sand.u32 $0x200, s30;
	v17 =	vmul.f32 $1.999999960e-02, v17;
	[tilespmem:$0x19580] =	vst v20  }
0x8aa: {  	s29 =	sadd.s32 $0x1, s29;
	s9 =	sor.u32 s30, s9;
	[tilespmem:$0x193F0] =	vst v18;
	v18 =	vmul.f32 $1.999999960e-02, v19  }
0x8ab: {  	p0 =	sne.s32 s29, $0x20;
	s9 =	sshrl.u32 s9, $0x3;
	[tilespmem:$0x195A0] =	vst v17  }
.Ltmp7:
0x8ac: {  	s31 =	simm.s32 $0x200;
	s9 =	sadd.s32 s6, s9;
	[tilespmem:$0x19590] =	vst v18;
	(pc) =	sbr.rel @p0 .LBB2_2-.Ltmp7, $4  }
0x8ad: {  	[hbm4b:s9+s31] =	stream.strided.scatter [tilespmem:s28], [sflag:$0x5], $0x600, s26, s31, $0x38;
	[tilespmem:$0x19600] =	vst v63  }
0x8ae: {  	_ =	swait.ge [sflag:s10], $0x600  }
0x8af: {  	[sflag:s10] =	ssyncset.done $0x0  }
0x8b0: {  	[sflag:s10] =	ssyncadd.s32 $0xFFFFFA00  }
0x8b1: {  	s12 =	rddreg [dreg:$0x4]  }
0x8b2: {  	s9 =	rddreg [dreg:$0x3];
	s12 =	sadd.s32 $0x1, s12  }
0x8b3: {  	p0 =	sne.s32 s12, s9  }
.Ltmp8:
0x8b4: {  	_ = 	snop;
	(pc) =	sbr.rel @p0 .LBB2_1-.Ltmp8, $1  }
0x8b5: {  	_ =	sdelay $0x3  }
0x8b6: {  	_ =	sfence.sel $0x180000  }
0x8b7: {  	[bflag:$0x0] =	sbarrier.arrive $0xFFFF  }
0x8b8: {  	_ =	strace $0x90000047  }
0x8b9: {  	s0 =	stileid.u32;
	[bflag:$0x2] =	sbarrier.arrive $0xFFFF  }
0x8ba: {  	p0 =	sne.s32 s0, $0x0;
	s0 =	rddreg [dreg:$0x1]  }
0x8bb: {  	s0 =	sadd.s32 @!p0 $0x100000, s0  }
0x8bc: {  	[sflag:s0] =	ssyncadd.tile.s32 @!p0 $0x1;
	_ =	shalt  }
.Lfunc_end2:
_tile_overlayer_lowered:
.L_overlay_start_2:
0x8bd: {  	(tag) =	ssettag $0x2  }
0x8be: {  	s0 =	rddreg [dreg:$0x0];
	s2 =	stileid.u32  }
0x8bf: {  	s1 =	rddreg [dreg:$0x1];
	p0 =	sne.s32 s2, $0x0  }
0x8c0: {  	s3 =	rddreg [dreg:$0x2];
	[bflag:$0x3] =	sbarrier.arrive $0xFFFF;
	s2 =	simm.s32 @!p0 $0x1C05  }
0x8c1: {  	[timem:s3], [sflag:s2] =	dma.local @!p0 [hbm:s0], s1  }
0x8c2: {  	s0 =	simm.s32 @!p0 $0x5  }
0x8c3: {  	_ =	swait.ge @!p0 [sflag:s0], s1  }
0x8c4: {  	s1 =	ssub.s32 @!p0 $0x0, s1;
	[sflag:s0] =	ssyncset.done @!p0 $0x0  }
0x8c5: {  	[sflag:s0] =	ssyncadd.s32 @!p0 s1  }
0x8c6: {  	[bflag:$0x3] =	sbarrier.arrive $0xFFFF  }
0x8c7: {  	_ =	shalt  }

</sc_bundles>
